<compile_context>
chip_gen: v7x
topology: tpu7x:2x2x1
jax: 0.10.2.dev20260603
libtpu: 0.0.44.dev20260713+nightly
codegen_flags: <defaults>
</compile_context>

<pallas_src>
import functools

import jax
import jax.numpy as jnp
import numpy as np
from jax import lax
from jax.experimental import pallas as pl
from jax.experimental.pallas import tpu as pltpu
from jax.experimental.pallas import tpu_sc as plsc

MAX_RADIUS = 5.0
AVG_DEG = 32.0
NUM_BASIS = 16

NC = 2
NS = 16
LANES = 16

_COS_PI = (
    9.9999999989e-01, -4.9348021859e+00, 4.0587118172e+00, -1.3352602858e+00,
    2.3532082435e-01, -2.5785806878e-02, 1.9043274683e-03, -8.8690476959e-05,
)


def _coeff_body(r_ref, w1t_ref, b1_ref, w2t_ref, b2_ref, w3_ref, b3_ref,
                out_ref):
    r = r_ref[0]
    inv_step = np.float32((NUM_BASIS - 1) / MAX_RADIUS)
    k_col = lax.broadcasted_iota(
        jnp.int32, (NUM_BASIS, 1), 0).astype(jnp.float32)
    x = r * inv_step - k_col
    u = x * x
    p = jnp.full_like(u, np.float32(_COS_PI[-1]))
    for coef in _COS_PI[-2::-1]:
        p = p * u + np.float32(coef)
    basis = jnp.where(u < 1.0, 0.5 + 0.5 * p, 0.0)
    h = jnp.dot(w1t_ref[...], basis, preferred_element_type=jnp.float32)
    h = jnp.maximum(h + b1_ref[...], 0.0)
    h = jnp.dot(w2t_ref[...], h, preferred_element_type=jnp.float32)
    h = jnp.maximum(h + b2_ref[...], 0.0)
    out = lax.dot_general(h, w3_ref[...], (((0,), (0,)), ((), ())),
                          preferred_element_type=jnp.float32)
    out_ref[...] = out + b3_ref[...]


def _coeff_call(radii2, W1t, b1, W2t, b2, W3, b3, block_e):
    grid, _, BE = radii2.shape
    H, NB = W1t.shape
    D = W3.shape[1]
    assert BE == block_e
    full = lambda shape: pl.BlockSpec(shape, lambda i: (0, 0))
    return pl.pallas_call(
        _coeff_body,
        grid=(grid,),
        in_specs=[
            pl.BlockSpec((1, 1, block_e), lambda i: (i, 0, 0)),
            full((H, NB)),
            full((H, 1)),
            full((H, H)),
            full((H, 1)),
            full((H, D)),
            full((1, D)),
        ],
        out_specs=pl.BlockSpec((block_e, D), lambda i: (i, 0)),
        out_shape=jax.ShapeDtypeStruct((grid * block_e, D), jnp.float32),
    )(radii2, W1t, b1, W2t, b2, W3, b3)


def _sc_edge_body(N_pad, D, C, n_chunks,
                  feat_hbm, coeff_hbm, e_hbm, out_hbm,
                  i0b, i1b, i2b, i3b, rows_v, coeff_v, msg_v,
                  acc_sh, g0, g1, c0, c1, i0s, i1s, i2s, i3s, s_sem):
    idx_b = (i0b, i1b, i2b, i3b)
    i_sems = (i0s, i1s, i2s, i3s)
    g_sems = (g0, g1)
    c_sems = (c0, c1)
    c = lax.axis_index("c")
    s = lax.axis_index("s")
    wid = s * NC + c
    rpt = N_pad // NS

    def zrow(j, carry):
        for k in range(D // LANES):
            msg_v[j, pl.ds(k * LANES, LANES)] = jnp.zeros((LANES,),
                                                          jnp.float32)
        return carry

    lax.fori_loop(0, C, zrow, 0)
    for t in range(rpt // C):
        pltpu.async_copy(msg_v, acc_sh.at[pl.ds(s * rpt + t * C, C), :],
                         s_sem)
    for t in range(rpt // C):
        pltpu.make_async_copy(
            msg_v, acc_sh.at[pl.ds(s * rpt + t * C, C), :], s_sem).wait()

    def idx_load(j, q):
        pltpu.async_copy(e_hbm.at[:, wid, j], idx_b[q], i_sems[q])

    def idx_wait(j, q):
        pltpu.make_async_copy(e_hbm.at[:, wid, j], idx_b[q],
                              i_sems[q]).wait()

    def load(j, q, b):
        pltpu.async_copy(feat_hbm.at[idx_b[q].at[0]], rows_v.at[b], g_sems[b])
        pltpu.async_copy(coeff_hbm.at[wid, j], coeff_v.at[b], c_sems[b])

    def load_wait(j, q, b):
        pltpu.make_async_copy(feat_hbm.at[idx_b[q].at[0]], rows_v.at[b],
                              g_sems[b]).wait()
        pltpu.make_async_copy(coeff_hbm.at[wid, j], coeff_v.at[b],
                              c_sems[b]).wait()

    idx_load(0, 0)
    idx_load(1, 1)
    idx_wait(0, 0)
    load(0, 0, 0)

    plsc.subcore_barrier()

    def quad(i0, carry):
        for b4 in range(4):
            j = 4 * i0 + b4
            b = b4 % 2
            nb = 1 - b
            q = b4
            nq = (b4 + 1) % 4
            pq = (b4 - 1) % 4

            @pl.when(j < n_chunks)
            def _process():
                @pl.when(j + 1 < n_chunks)
                def _fire_next():
                    idx_wait(j + 1, nq)
                    load(j + 1, nq, nb)

                load_wait(j, q, b)

                @pl.when(j >= 1)
                def _wait_prev_scatter():
                    pltpu.make_async_copy(
                        msg_v, acc_sh.at[idx_b[pq].at[1]], s_sem).wait()

                def mrow(jr, carry2):
                    for k in range(D // LANES):
                        sl = pl.ds(k * LANES, LANES)
                        msg_v[jr, sl] = rows_v[b, jr, sl] * coeff_v[b, jr, sl]
                    return carry2

                lax.fori_loop(0, C, mrow, 0)
                pltpu.async_copy(msg_v, acc_sh.at[idx_b[q].at[1]], s_sem,
                                 add=True)

                @pl.when(j + 2 < n_chunks)
                def _fire_idx():
                    idx_load(j + 2, (b4 + 2) % 4)

        return carry

    lax.fori_loop(0, (n_chunks + 3) // 4, quad, 0)

    pltpu.make_async_copy(msg_v, acc_sh.at[idx_b[(n_chunks - 1) % 4].at[1]],
                          s_sem).wait()

    plsc.subcore_barrier()
    pltpu.sync_copy(acc_sh.at[pl.ds(s * rpt, rpt), :],
                    out_hbm.at[c, pl.ds(s * rpt, rpt), :])


def _sc_call(features, coeff_g, e_s, n_pad, chunk_e):
    N, D = features.shape
    NW, n_chunks, C, _ = coeff_g.shape
    assert C == chunk_e and NW == NC * NS
    mesh = plsc.VectorSubcoreMesh(core_axis_name="c", subcore_axis_name="s")
    body = functools.partial(_sc_edge_body, n_pad, D, C, n_chunks)
    f = pl.kernel(
        body,
        out_type=jax.ShapeDtypeStruct((NC, n_pad, D), jnp.float32),
        mesh=mesh,
        scratch_types=[
            pltpu.VMEM((2, C), jnp.int32),
            pltpu.VMEM((2, C), jnp.int32),
            pltpu.VMEM((2, C), jnp.int32),
            pltpu.VMEM((2, C), jnp.int32),
            pltpu.VMEM((2, C, D), jnp.float32),
            pltpu.VMEM((2, C, D), jnp.float32),
            pltpu.VMEM((C, D), jnp.float32),
            pltpu.VMEM_SHARED((n_pad, D), jnp.float32),
            pltpu.SemaphoreType.DMA,
            pltpu.SemaphoreType.DMA,
            pltpu.SemaphoreType.DMA,
            pltpu.SemaphoreType.DMA,
            pltpu.SemaphoreType.DMA,
            pltpu.SemaphoreType.DMA,
            pltpu.SemaphoreType.DMA,
            pltpu.SemaphoreType.DMA,
            pltpu.SemaphoreType.DMA,
        ],
    )
    return f(features, coeff_g, e_s)


def _gate_body(p0_ref, p1_ref, o_ref):
    a = (p0_ref[0] + p0_ref[1] + p1_ref[0] + p1_ref[1]) * np.float32(
        1.0 / np.sqrt(AVG_DEG))
    o_ref[...] = a * jax.nn.sigmoid(a)


def _gate_call(partial0, partial1, N, block_n):
    _, _, D = partial0.shape
    grid = N // block_n
    spec = pl.BlockSpec((NC, block_n, D), lambda i: (0, i, 0))
    return pl.pallas_call(
        _gate_body,
        grid=(grid,),
        in_specs=[spec, spec],
        out_specs=pl.BlockSpec((block_n, D), lambda i: (i, 0)),
        out_shape=jax.ShapeDtypeStruct((N, D), jnp.float32),
    )(partial0, partial1)


def kernel(features, edge_index, radii, W1, b1, W2, b2, W3, b3):
    N, D = features.shape
    E = radii.shape[0]
    H = W1.shape[1]
    NW = NC * NS

    C = 40
    n_chunks_total = E // (NW * C)
    nc0 = 60
    nc1 = n_chunks_total - nc0
    W1t, W2t = W1.T, W2.T
    b1c, b2c = b1.reshape(H, 1), b2.reshape(H, 1)
    b3r = b3.reshape(1, D)

    n_pad = ((N + NS * C - 1) // (NS * C)) * (NS * C)

    partials = []
    ebase = 0
    prev_coeff = None
    for nc, block_e in ((nc0, 3840), (nc1, 4864)):
        Es = NW * nc * C
        radii_s = lax.dynamic_slice_in_dim(radii, ebase, Es).reshape(
            Es // block_e, 1, block_e)
        b3s = b3r
        if prev_coeff is not None:
            b3s = b3r + 0.0 * lax.slice(prev_coeff, (0, 0), (1, 1))
        coeff = _coeff_call(radii_s, W1t, b1c, W2t, b2c, W3, b3s,
                            block_e=block_e)
        prev_coeff = coeff
        coeff_g = coeff.reshape(NW, nc, C, D)
        e_s = lax.dynamic_slice_in_dim(edge_index, ebase, Es, axis=1).reshape(
            2, NW, nc, C)
        partials.append(_sc_call(features, coeff_g, e_s,
                                 n_pad=n_pad, chunk_e=C))
        ebase += Es

    return _gate_call(partials[0], partials[1], N, block_n=2000)

# --- scband reference (transcript-rebuilt; emitter-appended) ---
"""Pipeline reference for scband-eqlayer-43061342110007 (READ-ONLY COPY).

The authoritative reference and input builder live on the scoring server;
editing this copy changes nothing except your own understanding.
"""

import jax, jax.numpy as jnp
import numpy as np

N = 10000       # nodes
E = 320000      # edges
D = 128         # feature channels (R_base_offsets[n][-1] == out_dim of rbf == D)
NB = 16         # number_of_basis for CosineBasisModel
H = 32          # hidden width h of the basis MLP
MAX_RADIUS = 5.0
AVG_DEG = 32.0


def setup_inputs(seed: int = 0) -> dict:
    key = jax.random.key(seed)
    ks = jax.random.split(key, 10)
    features = jax.random.normal(ks[0], (N, D), dtype=jnp.float32)
    edge_index = jax.random.randint(ks[1], (2, E), 0, N, dtype=jnp.int32)
    radii = jax.random.uniform(ks[2], (E,), dtype=jnp.float32) * MAX_RADIUS
    # CosineBasisModel MLP params: FC(NB -> H -> H -> D), L=2 hidden layers
    W1 = jax.random.normal(ks[3], (NB, H), dtype=jnp.float32) * (1.0 / np.sqrt(NB))
    b1 = jnp.zeros((H,), dtype=jnp.float32)
    W2 = jax.random.normal(ks[4], (H, H), dtype=jnp.float32) * (1.0 / np.sqrt(H))
    b2 = jnp.zeros((H,), dtype=jnp.float32)
    W3 = jax.random.normal(ks[5], (H, D), dtype=jnp.float32) * (1.0 / np.sqrt(H))
    b3 = jnp.zeros((D,), dtype=jnp.float32)
    return {"features": features, "edge_index": edge_index, "radii": radii,
            "W1": W1, "b1": b1, "W2": W2, "b2": b2, "W3": W3, "b3": b3}


def _cosine_basis_model(radii, W1, b1, W2, b2, W3, b3):
    # e3nn-style CosineBasisModel: soft cosine bump basis followed by a small MLP
    centers = jnp.linspace(0.0, MAX_RADIUS, NB)
    step = centers[1] - centers[0]
    x = (radii[:, None] - centers[None, :]) / step            # [E, NB]
    basis = jnp.where(jnp.abs(x) < 1.0,
                      jnp.cos(jnp.pi * x / 2.0) ** 2, 0.0)     # [E, NB]
    h = jax.nn.relu(basis @ W1 + b1)
    h = jax.nn.relu(h @ W2 + b2)
    return h @ W3 + b3                                         # [E, D] rbf coefficients


def reference(features, edge_index, radii, W1, b1, W2, b2, W3, b3):
    # rbf_coefficients = self.radial_basis_trainable_function(self.data_hub.radii)
    coeff = _cosine_basis_model(radii, W1, b1, W2, b2, W3, b3)  # [E, D]
    src = edge_index[0]
    dst = edge_index[1]
    # PeriodicConvolutionWithKernel: gather neighbor features, modulate by the
    # per-edge radial kernel, scatter-add to destination nodes, degree-normalize.
    msg = jnp.take(features, src, axis=0) * coeff               # [E, D]
    agg = jax.ops.segment_sum(msg, dst, num_segments=N)         # [N, D]
    agg = agg / jnp.sqrt(AVG_DEG)
    # Gate (scalar channels): sigmoid-gated activation
    out = agg * jax.nn.sigmoid(agg)
    return out

if __name__ == "__main__":
    import jax
    _d = setup_inputs()
    print(jax.jit(kernel)(*tuple(_d.values())))

</pallas_src>

<mosaic_0001>
#map = affine_map<(d0, d1) -> (0, 0)>
#map1 = affine_map<(d0, d1) -> (0, 0, 0, 0)>
#map2 = affine_map<(d0, d1) -> (0, 0, 0)>
module attributes {stable_mosaic.version = 14 : i64} {
  func.func @_sc_edge_body(%arg0: i32, %arg1: i32, %arg2: memref<10000x128xf32, #tpu.memory_space<hbm>>, %arg3: memref<32x60x40x128xf32, #tpu.memory_space<hbm>>, %arg4: memref<2x32x60x40xi32, #tpu.memory_space<hbm>>, %arg5: memref<2x10240x128xf32, #tpu.memory_space<hbm>>, %arg6: memref<2x40xi32, #tpu.memory_space<vmem>>, %arg7: memref<2x40xi32, #tpu.memory_space<vmem>>, %arg8: memref<2x40xi32, #tpu.memory_space<vmem>>, %arg9: memref<2x40xi32, #tpu.memory_space<vmem>>, %arg10: memref<2x40x128xf32, #tpu.memory_space<vmem>>, %arg11: memref<2x40x128xf32, #tpu.memory_space<vmem>>, %arg12: memref<40x128xf32, #tpu.memory_space<vmem>>, %arg13: memref<10240x128xf32, #tpu.memory_space<vmem_shared>>, %arg14: memref<!tpu.dma_semaphore, #tpu.memory_space<semaphore_mem>>, %arg15: memref<!tpu.dma_semaphore, #tpu.memory_space<semaphore_mem>>, %arg16: memref<!tpu.dma_semaphore, #tpu.memory_space<semaphore_mem>>, %arg17: memref<!tpu.dma_semaphore, #tpu.memory_space<semaphore_mem>>, %arg18: memref<!tpu.dma_semaphore, #tpu.memory_space<semaphore_mem>>, %arg19: memref<!tpu.dma_semaphore, #tpu.memory_space<semaphore_mem>>, %arg20: memref<!tpu.dma_semaphore, #tpu.memory_space<semaphore_mem>>, %arg21: memref<!tpu.dma_semaphore, #tpu.memory_space<semaphore_mem>>, %arg22: memref<!tpu.dma_semaphore, #tpu.memory_space<semaphore_mem>>) attributes {dimension_semantics = [#tpu.dimension_semantics<core_parallel>, #tpu.dimension_semantics<subcore_parallel>], iteration_bounds = array<i64: 2, 16>, scalar_prefetch = 0 : i64, scratch_operands = 17 : i64, tpu.core_type = #tpu.core_type<sc_vector_subcore>, window_params = [{transform_indices = #map}, {transform_indices = #map1}, {transform_indices = #map1}, {transform_indices = #map2}]} {
    %mul3A = arith.constant 2 : i32
    %mul3A_0 = arith.muli %arg1, %mul3A : i32
    %add3A = arith.addi %mul3A_0, %arg0 : i32
    %scan3A = arith.constant 0 : i32
    %scan3A_1 = arith.constant 0 : i32
    %scan3A_2 = arith.constant 40 : i32
    %scan3A_3 = arith.addi %scan3A_1, %scan3A_2 : i32
    %scan3A_4 = arith.constant 1 : i32
    scf.for %scan3A_335 = %scan3A_1 to %scan3A_3 step %scan3A_4  : i32 {
      %broadcast_in_dim3A = arith.constant 0.000000e+00 : f32
      %broadcast_in_dim3A_336 = vector.broadcast %broadcast_in_dim3A : f32 to vector<16xf32>
      %swap3A = arith.index_cast %scan3A_335 : i32 to index
      %swap3A_337 = arith.constant 0 : index
      %swap3A_338 = tpu.vector_load %arg12[%swap3A, %swap3A_337] {strides = array<i32>} : memref<40x128xf32, #tpu.memory_space<vmem>>, vector<1x16xf32>,
      %swap3A_339 = vector.shape_cast %swap3A_338 : vector<1x16xf32> to vector<16xf32>
      %swap3A_340 = vector.shape_cast %broadcast_in_dim3A_336 : vector<16xf32> to vector<1x16xf32>
      tpu.vector_store %arg12[%swap3A, %swap3A_337], %swap3A_340 {strides = array<i32>} : memref<40x128xf32, #tpu.memory_space<vmem>>, vector<1x16xf32>,
      %broadcast_in_dim3A_341 = arith.constant 0.000000e+00 : f32
      %broadcast_in_dim3A_342 = vector.broadcast %broadcast_in_dim3A_341 : f32 to vector<16xf32>
      %swap3A_343 = arith.index_cast %scan3A_335 : i32 to index
      %swap3A_344 = arith.constant 16 : index
      %swap3A_345 = tpu.vector_load %arg12[%swap3A_343, %swap3A_344] {strides = array<i32>} : memref<40x128xf32, #tpu.memory_space<vmem>>, vector<1x16xf32>,
      %swap3A_346 = vector.shape_cast %swap3A_345 : vector<1x16xf32> to vector<16xf32>
      %swap3A_347 = vector.shape_cast %broadcast_in_dim3A_342 : vector<16xf32> to vector<1x16xf32>
      tpu.vector_store %arg12[%swap3A_343, %swap3A_344], %swap3A_347 {strides = array<i32>} : memref<40x128xf32, #tpu.memory_space<vmem>>, vector<1x16xf32>,
      %broadcast_in_dim3A_348 = arith.constant 0.000000e+00 : f32
      %broadcast_in_dim3A_349 = vector.broadcast %broadcast_in_dim3A_348 : f32 to vector<16xf32>
      %swap3A_350 = arith.index_cast %scan3A_335 : i32 to index
      %swap3A_351 = arith.constant 32 : index
      %swap3A_352 = tpu.vector_load %arg12[%swap3A_350, %swap3A_351] {strides = array<i32>} : memref<40x128xf32, #tpu.memory_space<vmem>>, vector<1x16xf32>,
      %swap3A_353 = vector.shape_cast %swap3A_352 : vector<1x16xf32> to vector<16xf32>
      %swap3A_354 = vector.shape_cast %broadcast_in_dim3A_349 : vector<16xf32> to vector<1x16xf32>
      tpu.vector_store %arg12[%swap3A_350, %swap3A_351], %swap3A_354 {strides = array<i32>} : memref<40x128xf32, #tpu.memory_space<vmem>>, vector<1x16xf32>,
      %broadcast_in_dim3A_355 = arith.constant 0.000000e+00 : f32
      %broadcast_in_dim3A_356 = vector.broadcast %broadcast_in_dim3A_355 : f32 to vector<16xf32>
      %swap3A_357 = arith.index_cast %scan3A_335 : i32 to index
      %swap3A_358 = arith.constant 48 : index
      %swap3A_359 = tpu.vector_load %arg12[%swap3A_357, %swap3A_358] {strides = array<i32>} : memref<40x128xf32, #tpu.memory_space<vmem>>, vector<1x16xf32>,
      %swap3A_360 = vector.shape_cast %swap3A_359 : vector<1x16xf32> to vector<16xf32>
      %swap3A_361 = vector.shape_cast %broadcast_in_dim3A_356 : vector<16xf32> to vector<1x16xf32>
      tpu.vector_store %arg12[%swap3A_357, %swap3A_358], %swap3A_361 {strides = array<i32>} : memref<40x128xf32, #tpu.memory_space<vmem>>, vector<1x16xf32>,
      %broadcast_in_dim3A_362 = arith.constant 0.000000e+00 : f32
      %broadcast_in_dim3A_363 = vector.broadcast %broadcast_in_dim3A_362 : f32 to vector<16xf32>
      %swap3A_364 = arith.index_cast %scan3A_335 : i32 to index
      %swap3A_365 = arith.constant 64 : index
      %swap3A_366 = tpu.vector_load %arg12[%swap3A_364, %swap3A_365] {strides = array<i32>} : memref<40x128xf32, #tpu.memory_space<vmem>>, vector<1x16xf32>,
      %swap3A_367 = vector.shape_cast %swap3A_366 : vector<1x16xf32> to vector<16xf32>
      %swap3A_368 = vector.shape_cast %broadcast_in_dim3A_363 : vector<16xf32> to vector<1x16xf32>
      tpu.vector_store %arg12[%swap3A_364, %swap3A_365], %swap3A_368 {strides = array<i32>} : memref<40x128xf32, #tpu.memory_space<vmem>>, vector<1x16xf32>,
      %broadcast_in_dim3A_369 = arith.constant 0.000000e+00 : f32
      %broadcast_in_dim3A_370 = vector.broadcast %broadcast_in_dim3A_369 : f32 to vector<16xf32>
      %swap3A_371 = arith.index_cast %scan3A_335 : i32 to index
      %swap3A_372 = arith.constant 80 : index
      %swap3A_373 = tpu.vector_load %arg12[%swap3A_371, %swap3A_372] {strides = array<i32>} : memref<40x128xf32, #tpu.memory_space<vmem>>, vector<1x16xf32>,
      %swap3A_374 = vector.shape_cast %swap3A_373 : vector<1x16xf32> to vector<16xf32>
      %swap3A_375 = vector.shape_cast %broadcast_in_dim3A_370 : vector<16xf32> to vector<1x16xf32>
      tpu.vector_store %arg12[%swap3A_371, %swap3A_372], %swap3A_375 {strides = array<i32>} : memref<40x128xf32, #tpu.memory_space<vmem>>, vector<1x16xf32>,
      %broadcast_in_dim3A_376 = arith.constant 0.000000e+00 : f32
      %broadcast_in_dim3A_377 = vector.broadcast %broadcast_in_dim3A_376 : f32 to vector<16xf32>
      %swap3A_378 = arith.index_cast %scan3A_335 : i32 to index
      %swap3A_379 = arith.constant 96 : index
      %swap3A_380 = tpu.vector_load %arg12[%swap3A_378, %swap3A_379] {strides = array<i32>} : memref<40x128xf32, #tpu.memory_space<vmem>>, vector<1x16xf32>,
      %swap3A_381 = vector.shape_cast %swap3A_380 : vector<1x16xf32> to vector<16xf32>
      %swap3A_382 = vector.shape_cast %broadcast_in_dim3A_377 : vector<16xf32> to vector<1x16xf32>
      tpu.vector_store %arg12[%swap3A_378, %swap3A_379], %swap3A_382 {strides = array<i32>} : memref<40x128xf32, #tpu.memory_space<vmem>>, vector<1x16xf32>,
      %broadcast_in_dim3A_383 = arith.constant 0.000000e+00 : f32
      %broadcast_in_dim3A_384 = vector.broadcast %broadcast_in_dim3A_383 : f32 to vector<16xf32>
      %swap3A_385 = arith.index_cast %scan3A_335 : i32 to index
      %swap3A_386 = arith.constant 112 : index
      %swap3A_387 = tpu.vector_load %arg12[%swap3A_385, %swap3A_386] {strides = array<i32>} : memref<40x128xf32, #tpu.memory_space<vmem>>, vector<1x16xf32>,
      %swap3A_388 = vector.shape_cast %swap3A_387 : vector<1x16xf32> to vector<16xf32>
      %swap3A_389 = vector.shape_cast %broadcast_in_dim3A_384 : vector<16xf32> to vector<1x16xf32>
      tpu.vector_store %arg12[%swap3A_385, %swap3A_386], %swap3A_389 {strides = array<i32>} : memref<40x128xf32, #tpu.memory_space<vmem>>, vector<1x16xf32>,
    }
    %scan3A_5 = arith.constant 40 : i32
    %mul3A_6 = arith.constant 640 : i32
    %mul3A_7 = arith.muli %arg1, %mul3A_6 : i32
    %add3A_8 = arith.constant 0 : i32
    %add3A_9 = arith.addi %mul3A_7, %add3A_8 : i32
    %dma_start3A = arith.constant 0 : i32
    %dma_start3A_10 = tpu.memref_slice %arg13[%add3A_9, %dma_start3A] : memref<10240x128xf32, #tpu.memory_space<vmem_shared>> -> memref<40x128xf32, #tpu.memory_space<vmem_shared>>
    %dma_start3A_11 = arith.constant 0 : i32
    %dma_start3A_12 = tpu.memref_slice %arg13[%add3A_9, %dma_start3A_11] : memref<10240x128xf32, #tpu.memory_space<vmem_shared>> -> memref<40x128xf32, #tpu.memory_space<vmem_shared>>
    tpu.enqueue_dma source(%arg12 : memref<40x128xf32, #tpu.memory_space<vmem>>) target(%dma_start3A_12 : memref<40x128xf32, #tpu.memory_space<vmem_shared>>) target_semaphore(%arg22 : memref<!tpu.dma_semaphore, #tpu.memory_space<semaphore_mem>>)
    %mul3A_13 = arith.constant 640 : i32
    %mul3A_14 = arith.muli %arg1, %mul3A_13 : i32
    %add3A_15 = arith.constant 40 : i32
    %add3A_16 = arith.addi %mul3A_14, %add3A_15 : i32
    %dma_start3A_17 = arith.constant 0 : i32
    %dma_start3A_18 = tpu.memref_slice %arg13[%add3A_16, %dma_start3A_17] : memref<10240x128xf32, #tpu.memory_space<vmem_shared>> -> memref<40x128xf32, #tpu.memory_space<vmem_shared>>
    %dma_start3A_19 = arith.constant 0 : i32
    %dma_start3A_20 = tpu.memref_slice %arg13[%add3A_16, %dma_start3A_19] : memref<10240x128xf32, #tpu.memory_space<vmem_shared>> -> memref<40x128xf32, #tpu.memory_space<vmem_shared>>
    tpu.enqueue_dma source(%arg12 : memref<40x128xf32, #tpu.memory_space<vmem>>) target(%dma_start3A_20 : memref<40x128xf32, #tpu.memory_space<vmem_shared>>) target_semaphore(%arg22 : memref<!tpu.dma_semaphore, #tpu.memory_space<semaphore_mem>>)
    %mul3A_21 = arith.constant 640 : i32
    %mul3A_22 = arith.muli %arg1, %mul3A_21 : i32
    %add3A_23 = arith.constant 80 : i32
    %add3A_24 = arith.addi %mul3A_22, %add3A_23 : i32
    %dma_start3A_25 = arith.constant 0 : i32
    %dma_start3A_26 = tpu.memref_slice %arg13[%add3A_24, %dma_start3A_25] : memref<10240x128xf32, #tpu.memory_space<vmem_shared>> -> memref<40x128xf32, #tpu.memory_space<vmem_shared>>
    %dma_start3A_27 = arith.constant 0 : i32
    %dma_start3A_28 = tpu.memref_slice %arg13[%add3A_24, %dma_start3A_27] : memref<10240x128xf32, #tpu.memory_space<vmem_shared>> -> memref<40x128xf32, #tpu.memory_space<vmem_shared>>
    tpu.enqueue_dma source(%arg12 : memref<40x128xf32, #tpu.memory_space<vmem>>) target(%dma_start3A_28 : memref<40x128xf32, #tpu.memory_space<vmem_shared>>) target_semaphore(%arg22 : memref<!tpu.dma_semaphore, #tpu.memory_space<semaphore_mem>>)
    %mul3A_29 = arith.constant 640 : i32
    %mul3A_30 = arith.muli %arg1, %mul3A_29 : i32
    %add3A_31 = arith.constant 120 : i32
    %add3A_32 = arith.addi %mul3A_30, %add3A_31 : i32
    %dma_start3A_33 = arith.constant 0 : i32
    %dma_start3A_34 = tpu.memref_slice %arg13[%add3A_32, %dma_start3A_33] : memref<10240x128xf32, #tpu.memory_space<vmem_shared>> -> memref<40x128xf32, #tpu.memory_space<vmem_shared>>
    %dma_start3A_35 = arith.constant 0 : i32
    %dma_start3A_36 = tpu.memref_slice %arg13[%add3A_32, %dma_start3A_35] : memref<10240x128xf32, #tpu.memory_space<vmem_shared>> -> memref<40x128xf32, #tpu.memory_space<vmem_shared>>
    tpu.enqueue_dma source(%arg12 : memref<40x128xf32, #tpu.memory_space<vmem>>) target(%dma_start3A_36 : memref<40x128xf32, #tpu.memory_space<vmem_shared>>) target_semaphore(%arg22 : memref<!tpu.dma_semaphore, #tpu.memory_space<semaphore_mem>>)
    %mul3A_37 = arith.constant 640 : i32
    %mul3A_38 = arith.muli %arg1, %mul3A_37 : i32
    %add3A_39 = arith.constant 160 : i32
    %add3A_40 = arith.addi %mul3A_38, %add3A_39 : i32
    %dma_start3A_41 = arith.constant 0 : i32
    %dma_start3A_42 = tpu.memref_slice %arg13[%add3A_40, %dma_start3A_41] : memref<10240x128xf32, #tpu.memory_space<vmem_shared>> -> memref<40x128xf32, #tpu.memory_space<vmem_shared>>
    %dma_start3A_43 = arith.constant 0 : i32
    %dma_start3A_44 = tpu.memref_slice %arg13[%add3A_40, %dma_start3A_43] : memref<10240x128xf32, #tpu.memory_space<vmem_shared>> -> memref<40x128xf32, #tpu.memory_space<vmem_shared>>
    tpu.enqueue_dma source(%arg12 : memref<40x128xf32, #tpu.memory_space<vmem>>) target(%dma_start3A_44 : memref<40x128xf32, #tpu.memory_space<vmem_shared>>) target_semaphore(%arg22 : memref<!tpu.dma_semaphore, #tpu.memory_space<semaphore_mem>>)
    %mul3A_45 = arith.constant 640 : i32
    %mul3A_46 = arith.muli %arg1, %mul3A_45 : i32
    %add3A_47 = arith.constant 200 : i32
    %add3A_48 = arith.addi %mul3A_46, %add3A_47 : i32
    %dma_start3A_49 = arith.constant 0 : i32
    %dma_start3A_50 = tpu.memref_slice %arg13[%add3A_48, %dma_start3A_49] : memref<10240x128xf32, #tpu.memory_space<vmem_shared>> -> memref<40x128xf32, #tpu.memory_space<vmem_shared>>
    %dma_start3A_51 = arith.constant 0 : i32
    %dma_start3A_52 = tpu.memref_slice %arg13[%add3A_48, %dma_start3A_51] : memref<10240x128xf32, #tpu.memory_space<vmem_shared>> -> memref<40x128xf32, #tpu.memory_space<vmem_shared>>
    tpu.enqueue_dma source(%arg12 : memref<40x128xf32, #tpu.memory_space<vmem>>) target(%dma_start3A_52 : memref<40x128xf32, #tpu.memory_space<vmem_shared>>) target_semaphore(%arg22 : memref<!tpu.dma_semaphore, #tpu.memory_space<semaphore_mem>>)
    %mul3A_53 = arith.constant 640 : i32
    %mul3A_54 = arith.muli %arg1, %mul3A_53 : i32
    %add3A_55 = arith.constant 240 : i32
    %add3A_56 = arith.addi %mul3A_54, %add3A_55 : i32
    %dma_start3A_57 = arith.constant 0 : i32
    %dma_start3A_58 = tpu.memref_slice %arg13[%add3A_56, %dma_start3A_57] : memref<10240x128xf32, #tpu.memory_space<vmem_shared>> -> memref<40x128xf32, #tpu.memory_space<vmem_shared>>
    %dma_start3A_59 = arith.constant 0 : i32
    %dma_start3A_60 = tpu.memref_slice %arg13[%add3A_56, %dma_start3A_59] : memref<10240x128xf32, #tpu.memory_space<vmem_shared>> -> memref<40x128xf32, #tpu.memory_space<vmem_shared>>
    tpu.enqueue_dma source(%arg12 : memref<40x128xf32, #tpu.memory_space<vmem>>) target(%dma_start3A_60 : memref<40x128xf32, #tpu.memory_space<vmem_shared>>) target_semaphore(%arg22 : memref<!tpu.dma_semaphore, #tpu.memory_space<semaphore_mem>>)
    %mul3A_61 = arith.constant 640 : i32
    %mul3A_62 = arith.muli %arg1, %mul3A_61 : i32
    %add3A_63 = arith.constant 280 : i32
    %add3A_64 = arith.addi %mul3A_62, %add3A_63 : i32
    %dma_start3A_65 = arith.constant 0 : i32
    %dma_start3A_66 = tpu.memref_slice %arg13[%add3A_64, %dma_start3A_65] : memref<10240x128xf32, #tpu.memory_space<vmem_shared>> -> memref<40x128xf32, #tpu.memory_space<vmem_shared>>
    %dma_start3A_67 = arith.constant 0 : i32
    %dma_start3A_68 = tpu.memref_slice %arg13[%add3A_64, %dma_start3A_67] : memref<10240x128xf32, #tpu.memory_space<vmem_shared>> -> memref<40x128xf32, #tpu.memory_space<vmem_shared>>
    tpu.enqueue_dma source(%arg12 : memref<40x128xf32, #tpu.memory_space<vmem>>) target(%dma_start3A_68 : memref<40x128xf32, #tpu.memory_space<vmem_shared>>) target_semaphore(%arg22 : memref<!tpu.dma_semaphore, #tpu.memory_space<semaphore_mem>>)
    %mul3A_69 = arith.constant 640 : i32
    %mul3A_70 = arith.muli %arg1, %mul3A_69 : i32
    %add3A_71 = arith.constant 320 : i32
    %add3A_72 = arith.addi %mul3A_70, %add3A_71 : i32
    %dma_start3A_73 = arith.constant 0 : i32
    %dma_start3A_74 = tpu.memref_slice %arg13[%add3A_72, %dma_start3A_73] : memref<10240x128xf32, #tpu.memory_space<vmem_shared>> -> memref<40x128xf32, #tpu.memory_space<vmem_shared>>
    %dma_start3A_75 = arith.constant 0 : i32
    %dma_start3A_76 = tpu.memref_slice %arg13[%add3A_72, %dma_start3A_75] : memref<10240x128xf32, #tpu.memory_space<vmem_shared>> -> memref<40x128xf32, #tpu.memory_space<vmem_shared>>
    tpu.enqueue_dma source(%arg12 : memref<40x128xf32, #tpu.memory_space<vmem>>) target(%dma_start3A_76 : memref<40x128xf32, #tpu.memory_space<vmem_shared>>) target_semaphore(%arg22 : memref<!tpu.dma_semaphore, #tpu.memory_space<semaphore_mem>>)
    %mul3A_77 = arith.constant 640 : i32
    %mul3A_78 = arith.muli %arg1, %mul3A_77 : i32
    %add3A_79 = arith.constant 360 : i32
    %add3A_80 = arith.addi %mul3A_78, %add3A_79 : i32
    %dma_start3A_81 = arith.constant 0 : i32
    %dma_start3A_82 = tpu.memref_slice %arg13[%add3A_80, %dma_start3A_81] : memref<10240x128xf32, #tpu.memory_space<vmem_shared>> -> memref<40x128xf32, #tpu.memory_space<vmem_shared>>
    %dma_start3A_83 = arith.constant 0 : i32
    %dma_start3A_84 = tpu.memref_slice %arg13[%add3A_80, %dma_start3A_83] : memref<10240x128xf32, #tpu.memory_space<vmem_shared>> -> memref<40x128xf32, #tpu.memory_space<vmem_shared>>
    tpu.enqueue_dma source(%arg12 : memref<40x128xf32, #tpu.memory_space<vmem>>) target(%dma_start3A_84 : memref<40x128xf32, #tpu.memory_space<vmem_shared>>) target_semaphore(%arg22 : memref<!tpu.dma_semaphore, #tpu.memory_space<semaphore_mem>>)
    %mul3A_85 = arith.constant 640 : i32
    %mul3A_86 = arith.muli %arg1, %mul3A_85 : i32
    %add3A_87 = arith.constant 400 : i32
    %add3A_88 = arith.addi %mul3A_86, %add3A_87 : i32
    %dma_start3A_89 = arith.constant 0 : i32
    %dma_start3A_90 = tpu.memref_slice %arg13[%add3A_88, %dma_start3A_89] : memref<10240x128xf32, #tpu.memory_space<vmem_shared>> -> memref<40x128xf32, #tpu.memory_space<vmem_shared>>
    %dma_start3A_91 = arith.constant 0 : i32
    %dma_start3A_92 = tpu.memref_slice %arg13[%add3A_88, %dma_start3A_91] : memref<10240x128xf32, #tpu.memory_space<vmem_shared>> -> memref<40x128xf32, #tpu.memory_space<vmem_shared>>
    tpu.enqueue_dma source(%arg12 : memref<40x128xf32, #tpu.memory_space<vmem>>) target(%dma_start3A_92 : memref<40x128xf32, #tpu.memory_space<vmem_shared>>) target_semaphore(%arg22 : memref<!tpu.dma_semaphore, #tpu.memory_space<semaphore_mem>>)
    %mul3A_93 = arith.constant 640 : i32
    %mul3A_94 = arith.muli %arg1, %mul3A_93 : i32
    %add3A_95 = arith.constant 440 : i32
    %add3A_96 = arith.addi %mul3A_94, %add3A_95 : i32
    %dma_start3A_97 = arith.constant 0 : i32
    %dma_start3A_98 = tpu.memref_slice %arg13[%add3A_96, %dma_start3A_97] : memref<10240x128xf32, #tpu.memory_space<vmem_shared>> -> memref<40x128xf32, #tpu.memory_space<vmem_shared>>
    %dma_start3A_99 = arith.constant 0 : i32
    %dma_start3A_100 = tpu.memref_slice %arg13[%add3A_96, %dma_start3A_99] : memref<10240x128xf32, #tpu.memory_space<vmem_shared>> -> memref<40x128xf32, #tpu.memory_space<vmem_shared>>
    tpu.enqueue_dma source(%arg12 : memref<40x128xf32, #tpu.memory_space<vmem>>) target(%dma_start3A_100 : memref<40x128xf32, #tpu.memory_space<vmem_shared>>) target_semaphore(%arg22 : memref<!tpu.dma_semaphore, #tpu.memory_space<semaphore_mem>>)
    %mul3A_101 = arith.constant 640 : i32
    %mul3A_102 = arith.muli %arg1, %mul3A_101 : i32
    %add3A_103 = arith.constant 480 : i32
    %add3A_104 = arith.addi %mul3A_102, %add3A_103 : i32
    %dma_start3A_105 = arith.constant 0 : i32
    %dma_start3A_106 = tpu.memref_slice %arg13[%add3A_104, %dma_start3A_105] : memref<10240x128xf32, #tpu.memory_space<vmem_shared>> -> memref<40x128xf32, #tpu.memory_space<vmem_shared>>
    %dma_start3A_107 = arith.constant 0 : i32
    %dma_start3A_108 = tpu.memref_slice %arg13[%add3A_104, %dma_start3A_107] : memref<10240x128xf32, #tpu.memory_space<vmem_shared>> -> memref<40x128xf32, #tpu.memory_space<vmem_shared>>
    tpu.enqueue_dma source(%arg12 : memref<40x128xf32, #tpu.memory_space<vmem>>) target(%dma_start3A_108 : memref<40x128xf32, #tpu.memory_space<vmem_shared>>) target_semaphore(%arg22 : memref<!tpu.dma_semaphore, #tpu.memory_space<semaphore_mem>>)
    %mul3A_109 = arith.constant 640 : i32
    %mul3A_110 = arith.muli %arg1, %mul3A_109 : i32
    %add3A_111 = arith.constant 520 : i32
    %add3A_112 = arith.addi %mul3A_110, %add3A_111 : i32
    %dma_start3A_113 = arith.constant 0 : i32
    %dma_start3A_114 = tpu.memref_slice %arg13[%add3A_112, %dma_start3A_113] : memref<10240x128xf32, #tpu.memory_space<vmem_shared>> -> memref<40x128xf32, #tpu.memory_space<vmem_shared>>
    %dma_start3A_115 = arith.constant 0 : i32
    %dma_start3A_116 = tpu.memref_slice %arg13[%add3A_112, %dma_start3A_115] : memref<10240x128xf32, #tpu.memory_space<vmem_shared>> -> memref<40x128xf32, #tpu.memory_space<vmem_shared>>
    tpu.enqueue_dma source(%arg12 : memref<40x128xf32, #tpu.memory_space<vmem>>) target(%dma_start3A_116 : memref<40x128xf32, #tpu.memory_space<vmem_shared>>) target_semaphore(%arg22 : memref<!tpu.dma_semaphore, #tpu.memory_space<semaphore_mem>>)
    %mul3A_117 = arith.constant 640 : i32
    %mul3A_118 = arith.muli %arg1, %mul3A_117 : i32
    %add3A_119 = arith.constant 560 : i32
    %add3A_120 = arith.addi %mul3A_118, %add3A_119 : i32
    %dma_start3A_121 = arith.constant 0 : i32
    %dma_start3A_122 = tpu.memref_slice %arg13[%add3A_120, %dma_start3A_121] : memref<10240x128xf32, #tpu.memory_space<vmem_shared>> -> memref<40x128xf32, #tpu.memory_space<vmem_shared>>
    %dma_start3A_123 = arith.constant 0 : i32
    %dma_start3A_124 = tpu.memref_slice %arg13[%add3A_120, %dma_start3A_123] : memref<10240x128xf32, #tpu.memory_space<vmem_shared>> -> memref<40x128xf32, #tpu.memory_space<vmem_shared>>
    tpu.enqueue_dma source(%arg12 : memref<40x128xf32, #tpu.memory_space<vmem>>) target(%dma_start3A_124 : memref<40x128xf32, #tpu.memory_space<vmem_shared>>) target_semaphore(%arg22 : memref<!tpu.dma_semaphore, #tpu.memory_space<semaphore_mem>>)
    %mul3A_125 = arith.constant 640 : i32
    %mul3A_126 = arith.muli %arg1, %mul3A_125 : i32
    %add3A_127 = arith.constant 600 : i32
    %add3A_128 = arith.addi %mul3A_126, %add3A_127 : i32
    %dma_start3A_129 = arith.constant 0 : i32
    %dma_start3A_130 = tpu.memref_slice %arg13[%add3A_128, %dma_start3A_129] : memref<10240x128xf32, #tpu.memory_space<vmem_shared>> -> memref<40x128xf32, #tpu.memory_space<vmem_shared>>
    %dma_start3A_131 = arith.constant 0 : i32
    %dma_start3A_132 = tpu.memref_slice %arg13[%add3A_128, %dma_start3A_131] : memref<10240x128xf32, #tpu.memory_space<vmem_shared>> -> memref<40x128xf32, #tpu.memory_space<vmem_shared>>
    tpu.enqueue_dma source(%arg12 : memref<40x128xf32, #tpu.memory_space<vmem>>) target(%dma_start3A_132 : memref<40x128xf32, #tpu.memory_space<vmem_shared>>) target_semaphore(%arg22 : memref<!tpu.dma_semaphore, #tpu.memory_space<semaphore_mem>>)
    %mul3A_133 = arith.constant 640 : i32
    %mul3A_134 = arith.muli %arg1, %mul3A_133 : i32
    %add3A_135 = arith.constant 0 : i32
    %add3A_136 = arith.addi %mul3A_134, %add3A_135 : i32
    %dma_wait3A = arith.constant 0 : i32
    %dma_wait3A_137 = tpu.memref_slice %arg13[%add3A_136, %dma_wait3A] : memref<10240x128xf32, #tpu.memory_space<vmem_shared>> -> memref<40x128xf32, #tpu.memory_space<vmem_shared>>
    %dma_wait3A_138 = arith.constant 0 : i32
    %dma_wait3A_139 = tpu.memref_slice %arg13[%add3A_136, %dma_wait3A_138] : memref<10240x128xf32, #tpu.memory_space<vmem_shared>> -> memref<40x128xf32, #tpu.memory_space<vmem_shared>>
    tpu.wait_dma2 semaphore(%arg22 : memref<!tpu.dma_semaphore, #tpu.memory_space<semaphore_mem>>) src(%arg12 : memref<40x128xf32, #tpu.memory_space<vmem>>) dst(%dma_wait3A_139 : memref<40x128xf32, #tpu.memory_space<vmem_shared>>)
    %mul3A_140 = arith.constant 640 : i32
    %mul3A_141 = arith.muli %arg1, %mul3A_140 : i32
    %add3A_142 = arith.constant 40 : i32
    %add3A_143 = arith.addi %mul3A_141, %add3A_142 : i32
    %dma_wait3A_144 = arith.constant 0 : i32
    %dma_wait3A_145 = tpu.memref_slice %arg13[%add3A_143, %dma_wait3A_144] : memref<10240x128xf32, #tpu.memory_space<vmem_shared>> -> memref<40x128xf32, #tpu.memory_space<vmem_shared>>
    %dma_wait3A_146 = arith.constant 0 : i32
    %dma_wait3A_147 = tpu.memref_slice %arg13[%add3A_143, %dma_wait3A_146] : memref<10240x128xf32, #tpu.memory_space<vmem_shared>> -> memref<40x128xf32, #tpu.memory_space<vmem_shared>>
    tpu.wait_dma2 semaphore(%arg22 : memref<!tpu.dma_semaphore, #tpu.memory_space<semaphore_mem>>) src(%arg12 : memref<40x128xf32, #tpu.memory_space<vmem>>) dst(%dma_wait3A_147 : memref<40x128xf32, #tpu.memory_space<vmem_shared>>)
    %mul3A_148 = arith.constant 640 : i32
    %mul3A_149 = arith.muli %arg1, %mul3A_148 : i32
    %add3A_150 = arith.constant 80 : i32
    %add3A_151 = arith.addi %mul3A_149, %add3A_150 : i32
    %dma_wait3A_152 = arith.constant 0 : i32
    %dma_wait3A_153 = tpu.memref_slice %arg13[%add3A_151, %dma_wait3A_152] : memref<10240x128xf32, #tpu.memory_space<vmem_shared>> -> memref<40x128xf32, #tpu.memory_space<vmem_shared>>
    %dma_wait3A_154 = arith.constant 0 : i32
    %dma_wait3A_155 = tpu.memref_slice %arg13[%add3A_151, %dma_wait3A_154] : memref<10240x128xf32, #tpu.memory_space<vmem_shared>> -> memref<40x128xf32, #tpu.memory_space<vmem_shared>>
    tpu.wait_dma2 semaphore(%arg22 : memref<!tpu.dma_semaphore, #tpu.memory_space<semaphore_mem>>) src(%arg12 : memref<40x128xf32, #tpu.memory_space<vmem>>) dst(%dma_wait3A_155 : memref<40x128xf32, #tpu.memory_space<vmem_shared>>)
    %mul3A_156 = arith.constant 640 : i32
    %mul3A_157 = arith.muli %arg1, %mul3A_156 : i32
    %add3A_158 = arith.constant 120 : i32
    %add3A_159 = arith.addi %mul3A_157, %add3A_158 : i32
    %dma_wait3A_160 = arith.constant 0 : i32
    %dma_wait3A_161 = tpu.memref_slice %arg13[%add3A_159, %dma_wait3A_160] : memref<10240x128xf32, #tpu.memory_space<vmem_shared>> -> memref<40x128xf32, #tpu.memory_space<vmem_shared>>
    %dma_wait3A_162 = arith.constant 0 : i32
    %dma_wait3A_163 = tpu.memref_slice %arg13[%add3A_159, %dma_wait3A_162] : memref<10240x128xf32, #tpu.memory_space<vmem_shared>> -> memref<40x128xf32, #tpu.memory_space<vmem_shared>>
    tpu.wait_dma2 semaphore(%arg22 : memref<!tpu.dma_semaphore, #tpu.memory_space<semaphore_mem>>) src(%arg12 : memref<40x128xf32, #tpu.memory_space<vmem>>) dst(%dma_wait3A_163 : memref<40x128xf32, #tpu.memory_space<vmem_shared>>)
    %mul3A_164 = arith.constant 640 : i32
    %mul3A_165 = arith.muli %arg1, %mul3A_164 : i32
    %add3A_166 = arith.constant 160 : i32
    %add3A_167 = arith.addi %mul3A_165, %add3A_166 : i32
    %dma_wait3A_168 = arith.constant 0 : i32
    %dma_wait3A_169 = tpu.memref_slice %arg13[%add3A_167, %dma_wait3A_168] : memref<10240x128xf32, #tpu.memory_space<vmem_shared>> -> memref<40x128xf32, #tpu.memory_space<vmem_shared>>
    %dma_wait3A_170 = arith.constant 0 : i32
    %dma_wait3A_171 = tpu.memref_slice %arg13[%add3A_167, %dma_wait3A_170] : memref<10240x128xf32, #tpu.memory_space<vmem_shared>> -> memref<40x128xf32, #tpu.memory_space<vmem_shared>>
    tpu.wait_dma2 semaphore(%arg22 : memref<!tpu.dma_semaphore, #tpu.memory_space<semaphore_mem>>) src(%arg12 : memref<40x128xf32, #tpu.memory_space<vmem>>) dst(%dma_wait3A_171 : memref<40x128xf32, #tpu.memory_space<vmem_shared>>)
    %mul3A_172 = arith.constant 640 : i32
    %mul3A_173 = arith.muli %arg1, %mul3A_172 : i32
    %add3A_174 = arith.constant 200 : i32
    %add3A_175 = arith.addi %mul3A_173, %add3A_174 : i32
    %dma_wait3A_176 = arith.constant 0 : i32
    %dma_wait3A_177 = tpu.memref_slice %arg13[%add3A_175, %dma_wait3A_176] : memref<10240x128xf32, #tpu.memory_space<vmem_shared>> -> memref<40x128xf32, #tpu.memory_space<vmem_shared>>
    %dma_wait3A_178 = arith.constant 0 : i32
    %dma_wait3A_179 = tpu.memref_slice %arg13[%add3A_175, %dma_wait3A_178] : memref<10240x128xf32, #tpu.memory_space<vmem_shared>> -> memref<40x128xf32, #tpu.memory_space<vmem_shared>>
    tpu.wait_dma2 semaphore(%arg22 : memref<!tpu.dma_semaphore, #tpu.memory_space<semaphore_mem>>) src(%arg12 : memref<40x128xf32, #tpu.memory_space<vmem>>) dst(%dma_wait3A_179 : memref<40x128xf32, #tpu.memory_space<vmem_shared>>)
    %mul3A_180 = arith.constant 640 : i32
    %mul3A_181 = arith.muli %arg1, %mul3A_180 : i32
    %add3A_182 = arith.constant 240 : i32
    %add3A_183 = arith.addi %mul3A_181, %add3A_182 : i32
    %dma_wait3A_184 = arith.constant 0 : i32
    %dma_wait3A_185 = tpu.memref_slice %arg13[%add3A_183, %dma_wait3A_184] : memref<10240x128xf32, #tpu.memory_space<vmem_shared>> -> memref<40x128xf32, #tpu.memory_space<vmem_shared>>
    %dma_wait3A_186 = arith.constant 0 : i32
    %dma_wait3A_187 = tpu.memref_slice %arg13[%add3A_183, %dma_wait3A_186] : memref<10240x128xf32, #tpu.memory_space<vmem_shared>> -> memref<40x128xf32, #tpu.memory_space<vmem_shared>>
    tpu.wait_dma2 semaphore(%arg22 : memref<!tpu.dma_semaphore, #tpu.memory_space<semaphore_mem>>) src(%arg12 : memref<40x128xf32, #tpu.memory_space<vmem>>) dst(%dma_wait3A_187 : memref<40x128xf32, #tpu.memory_space<vmem_shared>>)
    %mul3A_188 = arith.constant 640 : i32
    %mul3A_189 = arith.muli %arg1, %mul3A_188 : i32
    %add3A_190 = arith.constant 280 : i32
    %add3A_191 = arith.addi %mul3A_189, %add3A_190 : i32
    %dma_wait3A_192 = arith.constant 0 : i32
    %dma_wait3A_193 = tpu.memref_slice %arg13[%add3A_191, %dma_wait3A_192] : memref<10240x128xf32, #tpu.memory_space<vmem_shared>> -> memref<40x128xf32, #tpu.memory_space<vmem_shared>>
    %dma_wait3A_194 = arith.constant 0 : i32
    %dma_wait3A_195 = tpu.memref_slice %arg13[%add3A_191, %dma_wait3A_194] : memref<10240x128xf32, #tpu.memory_space<vmem_shared>> -> memref<40x128xf32, #tpu.memory_space<vmem_shared>>
    tpu.wait_dma2 semaphore(%arg22 : memref<!tpu.dma_semaphore, #tpu.memory_space<semaphore_mem>>) src(%arg12 : memref<40x128xf32, #tpu.memory_space<vmem>>) dst(%dma_wait3A_195 : memref<40x128xf32, #tpu.memory_space<vmem_shared>>)
    %mul3A_196 = arith.constant 640 : i32
    %mul3A_197 = arith.muli %arg1, %mul3A_196 : i32
    %add3A_198 = arith.constant 320 : i32
    %add3A_199 = arith.addi %mul3A_197, %add3A_198 : i32
    %dma_wait3A_200 = arith.constant 0 : i32
    %dma_wait3A_201 = tpu.memref_slice %arg13[%add3A_199, %dma_wait3A_200] : memref<10240x128xf32, #tpu.memory_space<vmem_shared>> -> memref<40x128xf32, #tpu.memory_space<vmem_shared>>
    %dma_wait3A_202 = arith.constant 0 : i32
    %dma_wait3A_203 = tpu.memref_slice %arg13[%add3A_199, %dma_wait3A_202] : memref<10240x128xf32, #tpu.memory_space<vmem_shared>> -> memref<40x128xf32, #tpu.memory_space<vmem_shared>>
    tpu.wait_dma2 semaphore(%arg22 : memref<!tpu.dma_semaphore, #tpu.memory_space<semaphore_mem>>) src(%arg12 : memref<40x128xf32, #tpu.memory_space<vmem>>) dst(%dma_wait3A_203 : memref<40x128xf32, #tpu.memory_space<vmem_shared>>)
    %mul3A_204 = arith.constant 640 : i32
    %mul3A_205 = arith.muli %arg1, %mul3A_204 : i32
    %add3A_206 = arith.constant 360 : i32
    %add3A_207 = arith.addi %mul3A_205, %add3A_206 : i32
    %dma_wait3A_208 = arith.constant 0 : i32
    %dma_wait3A_209 = tpu.memref_slice %arg13[%add3A_207, %dma_wait3A_208] : memref<10240x128xf32, #tpu.memory_space<vmem_shared>> -> memref<40x128xf32, #tpu.memory_space<vmem_shared>>
    %dma_wait3A_210 = arith.constant 0 : i32
    %dma_wait3A_211 = tpu.memref_slice %arg13[%add3A_207, %dma_wait3A_210] : memref<10240x128xf32, #tpu.memory_space<vmem_shared>> -> memref<40x128xf32, #tpu.memory_space<vmem_shared>>
    tpu.wait_dma2 semaphore(%arg22 : memref<!tpu.dma_semaphore, #tpu.memory_space<semaphore_mem>>) src(%arg12 : memref<40x128xf32, #tpu.memory_space<vmem>>) dst(%dma_wait3A_211 : memref<40x128xf32, #tpu.memory_space<vmem_shared>>)
    %mul3A_212 = arith.constant 640 : i32
    %mul3A_213 = arith.muli %arg1, %mul3A_212 : i32
    %add3A_214 = arith.constant 400 : i32
    %add3A_215 = arith.addi %mul3A_213, %add3A_214 : i32
    %dma_wait3A_216 = arith.constant 0 : i32
    %dma_wait3A_217 = tpu.memref_slice %arg13[%add3A_215, %dma_wait3A_216] : memref<10240x128xf32, #tpu.memory_space<vmem_shared>> -> memref<40x128xf32, #tpu.memory_space<vmem_shared>>
    %dma_wait3A_218 = arith.constant 0 : i32
    %dma_wait3A_219 = tpu.memref_slice %arg13[%add3A_215, %dma_wait3A_218] : memref<10240x128xf32, #tpu.memory_space<vmem_shared>> -> memref<40x128xf32, #tpu.memory_space<vmem_shared>>
    tpu.wait_dma2 semaphore(%arg22 : memref<!tpu.dma_semaphore, #tpu.memory_space<semaphore_mem>>) src(%arg12 : memref<40x128xf32, #tpu.memory_space<vmem>>) dst(%dma_wait3A_219 : memref<40x128xf32, #tpu.memory_space<vmem_shared>>)
    %mul3A_220 = arith.constant 640 : i32
    %mul3A_221 = arith.muli %arg1, %mul3A_220 : i32
    %add3A_222 = arith.constant 440 : i32
    %add3A_223 = arith.addi %mul3A_221, %add3A_222 : i32
    %dma_wait3A_224 = arith.constant 0 : i32
    %dma_wait3A_225 = tpu.memref_slice %arg13[%add3A_223, %dma_wait3A_224] : memref<10240x128xf32, #tpu.memory_space<vmem_shared>> -> memref<40x128xf32, #tpu.memory_space<vmem_shared>>
    %dma_wait3A_226 = arith.constant 0 : i32
    %dma_wait3A_227 = tpu.memref_slice %arg13[%add3A_223, %dma_wait3A_226] : memref<10240x128xf32, #tpu.memory_space<vmem_shared>> -> memref<40x128xf32, #tpu.memory_space<vmem_shared>>
    tpu.wait_dma2 semaphore(%arg22 : memref<!tpu.dma_semaphore, #tpu.memory_space<semaphore_mem>>) src(%arg12 : memref<40x128xf32, #tpu.memory_space<vmem>>) dst(%dma_wait3A_227 : memref<40x128xf32, #tpu.memory_space<vmem_shared>>)
    %mul3A_228 = arith.constant 640 : i32
    %mul3A_229 = arith.muli %arg1, %mul3A_228 : i32
    %add3A_230 = arith.constant 480 : i32
    %add3A_231 = arith.addi %mul3A_229, %add3A_230 : i32
    %dma_wait3A_232 = arith.constant 0 : i32
    %dma_wait3A_233 = tpu.memref_slice %arg13[%add3A_231, %dma_wait3A_232] : memref<10240x128xf32, #tpu.memory_space<vmem_shared>> -> memref<40x128xf32, #tpu.memory_space<vmem_shared>>
    %dma_wait3A_234 = arith.constant 0 : i32
    %dma_wait3A_235 = tpu.memref_slice %arg13[%add3A_231, %dma_wait3A_234] : memref<10240x128xf32, #tpu.memory_space<vmem_shared>> -> memref<40x128xf32, #tpu.memory_space<vmem_shared>>
    tpu.wait_dma2 semaphore(%arg22 : memref<!tpu.dma_semaphore, #tpu.memory_space<semaphore_mem>>) src(%arg12 : memref<40x128xf32, #tpu.memory_space<vmem>>) dst(%dma_wait3A_235 : memref<40x128xf32, #tpu.memory_space<vmem_shared>>)
    %mul3A_236 = arith.constant 640 : i32
    %mul3A_237 = arith.muli %arg1, %mul3A_236 : i32
    %add3A_238 = arith.constant 520 : i32
    %add3A_239 = arith.addi %mul3A_237, %add3A_238 : i32
    %dma_wait3A_240 = arith.constant 0 : i32
    %dma_wait3A_241 = tpu.memref_slice %arg13[%add3A_239, %dma_wait3A_240] : memref<10240x128xf32, #tpu.memory_space<vmem_shared>> -> memref<40x128xf32, #tpu.memory_space<vmem_shared>>
    %dma_wait3A_242 = arith.constant 0 : i32
    %dma_wait3A_243 = tpu.memref_slice %arg13[%add3A_239, %dma_wait3A_242] : memref<10240x128xf32, #tpu.memory_space<vmem_shared>> -> memref<40x128xf32, #tpu.memory_space<vmem_shared>>
    tpu.wait_dma2 semaphore(%arg22 : memref<!tpu.dma_semaphore, #tpu.memory_space<semaphore_mem>>) src(%arg12 : memref<40x128xf32, #tpu.memory_space<vmem>>) dst(%dma_wait3A_243 : memref<40x128xf32, #tpu.memory_space<vmem_shared>>)
    %mul3A_244 = arith.constant 640 : i32
    %mul3A_245 = arith.muli %arg1, %mul3A_244 : i32
    %add3A_246 = arith.constant 560 : i32
    %add3A_247 = arith.addi %mul3A_245, %add3A_246 : i32
    %dma_wait3A_248 = arith.constant 0 : i32
    %dma_wait3A_249 = tpu.memref_slice %arg13[%add3A_247, %dma_wait3A_248] : memref<10240x128xf32, #tpu.memory_space<vmem_shared>> -> memref<40x128xf32, #tpu.memory_space<vmem_shared>>
    %dma_wait3A_250 = arith.constant 0 : i32
    %dma_wait3A_251 = tpu.memref_slice %arg13[%add3A_247, %dma_wait3A_250] : memref<10240x128xf32, #tpu.memory_space<vmem_shared>> -> memref<40x128xf32, #tpu.memory_space<vmem_shared>>
    tpu.wait_dma2 semaphore(%arg22 : memref<!tpu.dma_semaphore, #tpu.memory_space<semaphore_mem>>) src(%arg12 : memref<40x128xf32, #tpu.memory_space<vmem>>) dst(%dma_wait3A_251 : memref<40x128xf32, #tpu.memory_space<vmem_shared>>)
    %mul3A_252 = arith.constant 640 : i32
    %mul3A_253 = arith.muli %arg1, %mul3A_252 : i32
    %add3A_254 = arith.constant 600 : i32
    %add3A_255 = arith.addi %mul3A_253, %add3A_254 : i32
    %dma_wait3A_256 = arith.constant 0 : i32
    %dma_wait3A_257 = tpu.memref_slice %arg13[%add3A_255, %dma_wait3A_256] : memref<10240x128xf32, #tpu.memory_space<vmem_shared>> -> memref<40x128xf32, #tpu.memory_space<vmem_shared>>
    %dma_wait3A_258 = arith.constant 0 : i32
    %dma_wait3A_259 = tpu.memref_slice %arg13[%add3A_255, %dma_wait3A_258] : memref<10240x128xf32, #tpu.memory_space<vmem_shared>> -> memref<40x128xf32, #tpu.memory_space<vmem_shared>>
    tpu.wait_dma2 semaphore(%arg22 : memref<!tpu.dma_semaphore, #tpu.memory_space<semaphore_mem>>) src(%arg12 : memref<40x128xf32, #tpu.memory_space<vmem>>) dst(%dma_wait3A_259 : memref<40x128xf32, #tpu.memory_space<vmem_shared>>)
    %dma_start3A_260 = arith.constant 0 : i32
    %dma_start3A_261 = arith.constant 0 : i32
    %dma_start3A_262 = arith.constant 0 : i32
    %dma_start3A_263 = tpu.memref_slice %arg4[%dma_start3A_261, %add3A, %dma_start3A_260, %dma_start3A_262] : memref<2x32x60x40xi32, #tpu.memory_space<hbm>> -> memref<2x1x1x40xi32, #tpu.memory_space<hbm>>
    %dma_start3A_264 = tpu.memref_squeeze %dma_start3A_263 : memref<2x1x1x40xi32, #tpu.memory_space<hbm>> -> memref<2x40xi32, #tpu.memory_space<hbm>>
    %dma_start3A_265 = arith.constant 0 : i32
    %dma_start3A_266 = arith.constant 0 : i32
    %dma_start3A_267 = tpu.memref_slice %arg4[%dma_start3A_265, %add3A, %dma_start3A_260, %dma_start3A_266] : memref<2x32x60x40xi32, #tpu.memory_space<hbm>> -> memref<2x1x1x40xi32, #tpu.memory_space<hbm>>
    %dma_start3A_268 = tpu.memref_squeeze %dma_start3A_267 : memref<2x1x1x40xi32, #tpu.memory_space<hbm>> -> memref<2x40xi32, #tpu.memory_space<hbm>>
    tpu.enqueue_dma source(%dma_start3A_268 : memref<2x40xi32, #tpu.memory_space<hbm>>) target(%arg6 : memref<2x40xi32, #tpu.memory_space<vmem>>) target_semaphore(%arg18 : memref<!tpu.dma_semaphore, #tpu.memory_space<semaphore_mem>>)
    %dma_start3A_269 = arith.constant 1 : i32
    %dma_start3A_270 = arith.constant 0 : i32
    %dma_start3A_271 = arith.constant 0 : i32
    %dma_start3A_272 = tpu.memref_slice %arg4[%dma_start3A_270, %add3A, %dma_start3A_269, %dma_start3A_271] : memref<2x32x60x40xi32, #tpu.memory_space<hbm>> -> memref<2x1x1x40xi32, #tpu.memory_space<hbm>>
    %dma_start3A_273 = tpu.memref_squeeze %dma_start3A_272 : memref<2x1x1x40xi32, #tpu.memory_space<hbm>> -> memref<2x40xi32, #tpu.memory_space<hbm>>
    %dma_start3A_274 = arith.constant 0 : i32
    %dma_start3A_275 = arith.constant 0 : i32
    %dma_start3A_276 = tpu.memref_slice %arg4[%dma_start3A_274, %add3A, %dma_start3A_269, %dma_start3A_275] : memref<2x32x60x40xi32, #tpu.memory_space<hbm>> -> memref<2x1x1x40xi32, #tpu.memory_space<hbm>>
    %dma_start3A_277 = tpu.memref_squeeze %dma_start3A_276 : memref<2x1x1x40xi32, #tpu.memory_space<hbm>> -> memref<2x40xi32, #tpu.memory_space<hbm>>
    tpu.enqueue_dma source(%dma_start3A_277 : memref<2x40xi32, #tpu.memory_space<hbm>>) target(%arg7 : memref<2x40xi32, #tpu.memory_space<vmem>>) target_semaphore(%arg19 : memref<!tpu.dma_semaphore, #tpu.memory_space<semaphore_mem>>)
    %dma_wait3A_278 = arith.constant 0 : i32
    %dma_wait3A_279 = arith.constant 0 : i32
    %dma_wait3A_280 = arith.constant 0 : i32
    %dma_wait3A_281 = tpu.memref_slice %arg4[%dma_wait3A_279, %add3A, %dma_wait3A_278, %dma_wait3A_280] : memref<2x32x60x40xi32, #tpu.memory_space<hbm>> -> memref<2x1x1x40xi32, #tpu.memory_space<hbm>>
    %dma_wait3A_282 = tpu.memref_squeeze %dma_wait3A_281 : memref<2x1x1x40xi32, #tpu.memory_space<hbm>> -> memref<2x40xi32, #tpu.memory_space<hbm>>
    %dma_wait3A_283 = arith.constant 0 : i32
    %dma_wait3A_284 = arith.constant 0 : i32
    %dma_wait3A_285 = tpu.memref_slice %arg4[%dma_wait3A_283, %add3A, %dma_wait3A_278, %dma_wait3A_284] : memref<2x32x60x40xi32, #tpu.memory_space<hbm>> -> memref<2x1x1x40xi32, #tpu.memory_space<hbm>>
    %dma_wait3A_286 = tpu.memref_squeeze %dma_wait3A_285 : memref<2x1x1x40xi32, #tpu.memory_space<hbm>> -> memref<2x40xi32, #tpu.memory_space<hbm>>
    tpu.wait_dma2 semaphore(%arg18 : memref<!tpu.dma_semaphore, #tpu.memory_space<semaphore_mem>>) src(%dma_wait3A_286 : memref<2x40xi32, #tpu.memory_space<hbm>>) dst(%arg6 : memref<2x40xi32, #tpu.memory_space<vmem>>)
    %dma_start3A_287 = arith.constant 0 : i32
    %dma_start3A_288 = arith.constant 0 : i32
    %dma_start3A_289 = arith.constant 0 : i32
    %dma_start3A_290 = arith.constant 0 : i32
    %dma_start3A_291 = tpu.memref_slice %arg10[%dma_start3A_288, %dma_start3A_289, %dma_start3A_290] : memref<2x40x128xf32, #tpu.memory_space<vmem>> -> memref<1x40x128xf32, #tpu.memory_space<vmem>>
    %dma_start3A_292 = tpu.memref_squeeze %dma_start3A_291 : memref<1x40x128xf32, #tpu.memory_space<vmem>> -> memref<40x128xf32, #tpu.memory_space<vmem>>
    %dma_start3A_293 = arith.constant 0 : i32
    %dma_start3A_294 = tpu.memref_slice %arg6[%dma_start3A_287, %dma_start3A_293] : memref<2x40xi32, #tpu.memory_space<vmem>> -> memref<1x40xi32, #tpu.memory_space<vmem>>
    %dma_start3A_295 = tpu.memref_squeeze %dma_start3A_294 : memref<1x40xi32, #tpu.memory_space<vmem>> -> memref<40xi32, #tpu.memory_space<vmem>>
    %dma_start3A_296 = arith.constant 0 : i32
    %dma_start3A_297 = arith.constant 0 : i32
    %dma_start3A_298 = tpu.memref_slice %arg2[%dma_start3A_296, %dma_start3A_297] : memref<10000x128xf32, #tpu.memory_space<hbm>> -> memref<10000x128xf32, #tpu.memory_space<hbm>>
    tpu.enqueue_indirect_dma source(%dma_start3A_298 : memref<10000x128xf32, #tpu.memory_space<hbm>>) target(%dma_start3A_292 : memref<40x128xf32, #tpu.memory_space<vmem>>) offsets(%dma_start3A_295 : memref<40xi32, #tpu.memory_space<vmem>>) semaphore(%arg14 : memref<!tpu.dma_semaphore, #tpu.memory_space<semaphore_mem>>)
    %dma_start3A_299 = arith.constant 0 : i32
    %dma_start3A_300 = arith.constant 0 : i32
    %dma_start3A_301 = arith.constant 0 : i32
    %dma_start3A_302 = arith.constant 0 : i32
    %dma_start3A_303 = tpu.memref_slice %arg11[%dma_start3A_300, %dma_start3A_301, %dma_start3A_302] : memref<2x40x128xf32, #tpu.memory_space<vmem>> -> memref<1x40x128xf32, #tpu.memory_space<vmem>>
    %dma_start3A_304 = tpu.memref_squeeze %dma_start3A_303 : memref<1x40x128xf32, #tpu.memory_space<vmem>> -> memref<40x128xf32, #tpu.memory_space<vmem>>
    %dma_start3A_305 = arith.constant 0 : i32
    %dma_start3A_306 = arith.constant 0 : i32
    %dma_start3A_307 = tpu.memref_slice %arg3[%add3A, %dma_start3A_299, %dma_start3A_305, %dma_start3A_306] : memref<32x60x40x128xf32, #tpu.memory_space<hbm>> -> memref<1x1x40x128xf32, #tpu.memory_space<hbm>>
    %dma_start3A_308 = tpu.memref_squeeze %dma_start3A_307 : memref<1x1x40x128xf32, #tpu.memory_space<hbm>> -> memref<40x128xf32, #tpu.memory_space<hbm>>
    %dma_start3A_309 = arith.constant 0 : i32
    %dma_start3A_310 = arith.constant 0 : i32
    %dma_start3A_311 = tpu.memref_slice %arg11[%dma_start3A_300, %dma_start3A_309, %dma_start3A_310] : memref<2x40x128xf32, #tpu.memory_space<vmem>> -> memref<1x40x128xf32, #tpu.memory_space<vmem>>
    %dma_start3A_312 = tpu.memref_squeeze %dma_start3A_311 : memref<1x40x128xf32, #tpu.memory_space<vmem>> -> memref<40x128xf32, #tpu.memory_space<vmem>>
    %dma_start3A_313 = arith.constant 0 : i32
    %dma_start3A_314 = arith.constant 0 : i32
    %dma_start3A_315 = tpu.memref_slice %arg3[%add3A, %dma_start3A_299, %dma_start3A_313, %dma_start3A_314] : memref<32x60x40x128xf32, #tpu.memory_space<hbm>> -> memref<1x1x40x128xf32, #tpu.memory_space<hbm>>
    %dma_start3A_316 = tpu.memref_squeeze %dma_start3A_315 : memref<1x1x40x128xf32, #tpu.memory_space<hbm>> -> memref<40x128xf32, #tpu.memory_space<hbm>>
    tpu.enqueue_dma source(%dma_start3A_316 : memref<40x128xf32, #tpu.memory_space<hbm>>) target(%dma_start3A_312 : memref<40x128xf32, #tpu.memory_space<vmem>>) target_semaphore(%arg16 : memref<!tpu.dma_semaphore, #tpu.memory_space<semaphore_mem>>)
    %barrier3A = arith.constant 0 : index
    tpu.barrier barrier_id(%barrier3A)
    %scan3A_317 = arith.constant 0 : i32
    %scan3A_318 = arith.constant 0 : i32
    %scan3A_319 = arith.constant 15 : i32
    %scan3A_320 = arith.addi %scan3A_318, %scan3A_319 : i32
    %scan3A_321 = arith.constant 1 : i32
    scf.for %scan3A_335 = %scan3A_318 to %scan3A_320 step %scan3A_321  : i32 {
      %mul3A_336 = arith.constant 4 : i32
      %mul3A_337 = arith.muli %mul3A_336, %scan3A_335 : i32
      %add3A_338 = arith.constant 0 : i32
      %add3A_339 = arith.addi %mul3A_337, %add3A_338 : i32
      %lt3A = arith.constant 60 : i32
      %lt3A_340 = arith.cmpi slt, %add3A_339, %lt3A : i32
      %convert_element_type3A = arith.extui %lt3A_340 : i1 to i32
      %cond3A = arith.constant 0 : i32
      %cond3A_341 = arith.cmpi ne, %convert_element_type3A, %cond3A : i32
      scf.if %cond3A_341 {
        %add3A_369 = arith.constant 1 : i32
        %add3A_370 = arith.addi %add3A_339, %add3A_369 : i32
        %lt3A_371 = arith.constant 60 : i32
        %lt3A_372 = arith.cmpi slt, %add3A_370, %lt3A_371 : i32
        %convert_element_type3A_373 = arith.extui %lt3A_372 : i1 to i32
        %cond3A_374 = arith.constant 0 : i32
        %cond3A_375 = arith.cmpi ne, %convert_element_type3A_373, %cond3A_374 : i32
        scf.if %cond3A_375 {
          %add3A_429 = arith.constant 1 : i32
          %add3A_430 = arith.addi %add3A_339, %add3A_429 : i32
          %dma_wait3A_431 = arith.constant 0 : i32
          %dma_wait3A_432 = arith.constant 0 : i32
          %dma_wait3A_433 = tpu.memref_slice %arg4[%dma_wait3A_431, %add3A, %add3A_430, %dma_wait3A_432] : memref<2x32x60x40xi32, #tpu.memory_space<hbm>> -> memref<2x1x1x40xi32, #tpu.memory_space<hbm>>
          %dma_wait3A_434 = tpu.memref_squeeze %dma_wait3A_433 : memref<2x1x1x40xi32, #tpu.memory_space<hbm>> -> memref<2x40xi32, #tpu.memory_space<hbm>>
          %dma_wait3A_435 = arith.constant 0 : i32
          %dma_wait3A_436 = arith.constant 0 : i32
          %dma_wait3A_437 = tpu.memref_slice %arg4[%dma_wait3A_435, %add3A, %add3A_430, %dma_wait3A_436] : memref<2x32x60x40xi32, #tpu.memory_space<hbm>> -> memref<2x1x1x40xi32, #tpu.memory_space<hbm>>
          %dma_wait3A_438 = tpu.memref_squeeze %dma_wait3A_437 : memref<2x1x1x40xi32, #tpu.memory_space<hbm>> -> memref<2x40xi32, #tpu.memory_space<hbm>>
          tpu.wait_dma2 semaphore(%arg19 : memref<!tpu.dma_semaphore, #tpu.memory_space<semaphore_mem>>) src(%dma_wait3A_438 : memref<2x40xi32, #tpu.memory_space<hbm>>) dst(%arg7 : memref<2x40xi32, #tpu.memory_space<vmem>>)
          %add3A_439 = arith.constant 1 : i32
          %add3A_440 = arith.addi %add3A_339, %add3A_439 : i32
          %dma_start3A_441 = arith.constant 0 : i32
          %dma_start3A_442 = arith.constant 1 : i32
          %dma_start3A_443 = arith.constant 0 : i32
          %dma_start3A_444 = arith.constant 0 : i32
          %dma_start3A_445 = tpu.memref_slice %arg10[%dma_start3A_442, %dma_start3A_443, %dma_start3A_444] : memref<2x40x128xf32, #tpu.memory_space<vmem>> -> memref<1x40x128xf32, #tpu.memory_space<vmem>>
          %dma_start3A_446 = tpu.memref_squeeze %dma_start3A_445 : memref<1x40x128xf32, #tpu.memory_space<vmem>> -> memref<40x128xf32, #tpu.memory_space<vmem>>
          %dma_start3A_447 = arith.constant 0 : i32
          %dma_start3A_448 = tpu.memref_slice %arg7[%dma_start3A_441, %dma_start3A_447] : memref<2x40xi32, #tpu.memory_space<vmem>> -> memref<1x40xi32, #tpu.memory_space<vmem>>
          %dma_start3A_449 = tpu.memref_squeeze %dma_start3A_448 : memref<1x40xi32, #tpu.memory_space<vmem>> -> memref<40xi32, #tpu.memory_space<vmem>>
          %dma_start3A_450 = arith.constant 0 : i32
          %dma_start3A_451 = arith.constant 0 : i32
          %dma_start3A_452 = tpu.memref_slice %arg2[%dma_start3A_450, %dma_start3A_451] : memref<10000x128xf32, #tpu.memory_space<hbm>> -> memref<10000x128xf32, #tpu.memory_space<hbm>>
          tpu.enqueue_indirect_dma source(%dma_start3A_452 : memref<10000x128xf32, #tpu.memory_space<hbm>>) target(%dma_start3A_446 : memref<40x128xf32, #tpu.memory_space<vmem>>) offsets(%dma_start3A_449 : memref<40xi32, #tpu.memory_space<vmem>>) semaphore(%arg15 : memref<!tpu.dma_semaphore, #tpu.memory_space<semaphore_mem>>)
          %dma_start3A_453 = arith.constant 1 : i32
          %dma_start3A_454 = arith.constant 0 : i32
          %dma_start3A_455 = arith.constant 0 : i32
          %dma_start3A_456 = tpu.memref_slice %arg11[%dma_start3A_453, %dma_start3A_454, %dma_start3A_455] : memref<2x40x128xf32, #tpu.memory_space<vmem>> -> memref<1x40x128xf32, #tpu.memory_space<vmem>>
          %dma_start3A_457 = tpu.memref_squeeze %dma_start3A_456 : memref<1x40x128xf32, #tpu.memory_space<vmem>> -> memref<40x128xf32, #tpu.memory_space<vmem>>
          %dma_start3A_458 = arith.constant 0 : i32
          %dma_start3A_459 = arith.constant 0 : i32
          %dma_start3A_460 = tpu.memref_slice %arg3[%add3A, %add3A_440, %dma_start3A_458, %dma_start3A_459] : memref<32x60x40x128xf32, #tpu.memory_space<hbm>> -> memref<1x1x40x128xf32, #tpu.memory_space<hbm>>
          %dma_start3A_461 = tpu.memref_squeeze %dma_start3A_460 : memref<1x1x40x128xf32, #tpu.memory_space<hbm>> -> memref<40x128xf32, #tpu.memory_space<hbm>>
          %dma_start3A_462 = arith.constant 0 : i32
          %dma_start3A_463 = arith.constant 0 : i32
          %dma_start3A_464 = tpu.memref_slice %arg11[%dma_start3A_453, %dma_start3A_462, %dma_start3A_463] : memref<2x40x128xf32, #tpu.memory_space<vmem>> -> memref<1x40x128xf32, #tpu.memory_space<vmem>>
          %dma_start3A_465 = tpu.memref_squeeze %dma_start3A_464 : memref<1x40x128xf32, #tpu.memory_space<vmem>> -> memref<40x128xf32, #tpu.memory_space<vmem>>
          %dma_start3A_466 = arith.constant 0 : i32
          %dma_start3A_467 = arith.constant 0 : i32
          %dma_start3A_468 = tpu.memref_slice %arg3[%add3A, %add3A_440, %dma_start3A_466, %dma_start3A_467] : memref<32x60x40x128xf32, #tpu.memory_space<hbm>> -> memref<1x1x40x128xf32, #tpu.memory_space<hbm>>
          %dma_start3A_469 = tpu.memref_squeeze %dma_start3A_468 : memref<1x1x40x128xf32, #tpu.memory_space<hbm>> -> memref<40x128xf32, #tpu.memory_space<hbm>>
          tpu.enqueue_dma source(%dma_start3A_469 : memref<40x128xf32, #tpu.memory_space<hbm>>) target(%dma_start3A_465 : memref<40x128xf32, #tpu.memory_space<vmem>>) target_semaphore(%arg17 : memref<!tpu.dma_semaphore, #tpu.memory_space<semaphore_mem>>)
        } else {
        }
        %dma_wait3A_376 = arith.constant 0 : i32
        %dma_wait3A_377 = arith.constant 0 : i32
        %dma_wait3A_378 = arith.constant 0 : i32
        %dma_wait3A_379 = arith.constant 0 : i32
        %dma_wait3A_380 = tpu.memref_slice %arg10[%dma_wait3A_377, %dma_wait3A_378, %dma_wait3A_379] : memref<2x40x128xf32, #tpu.memory_space<vmem>> -> memref<1x40x128xf32, #tpu.memory_space<vmem>>
        %dma_wait3A_381 = tpu.memref_squeeze %dma_wait3A_380 : memref<1x40x128xf32, #tpu.memory_space<vmem>> -> memref<40x128xf32, #tpu.memory_space<vmem>>
        %dma_wait3A_382 = arith.constant 0 : i32
        %dma_wait3A_383 = tpu.memref_slice %arg6[%dma_wait3A_376, %dma_wait3A_382] : memref<2x40xi32, #tpu.memory_space<vmem>> -> memref<1x40xi32, #tpu.memory_space<vmem>>
        %dma_wait3A_384 = tpu.memref_squeeze %dma_wait3A_383 : memref<1x40xi32, #tpu.memory_space<vmem>> -> memref<40xi32, #tpu.memory_space<vmem>>
        %dma_wait3A_385 = arith.constant 0 : i32
        %dma_wait3A_386 = arith.constant 0 : i32
        %dma_wait3A_387 = tpu.memref_slice %arg2[%dma_wait3A_385, %dma_wait3A_386] : memref<10000x128xf32, #tpu.memory_space<hbm>> -> memref<10000x128xf32, #tpu.memory_space<hbm>>
        tpu.wait_indirect_dma semaphore(%arg14 : memref<!tpu.dma_semaphore, #tpu.memory_space<semaphore_mem>>) src(%dma_wait3A_387 : memref<10000x128xf32, #tpu.memory_space<hbm>>) dst(%dma_wait3A_381 : memref<40x128xf32, #tpu.memory_space<vmem>>)
        %dma_wait3A_388 = arith.constant 0 : i32
        %dma_wait3A_389 = arith.constant 0 : i32
        %dma_wait3A_390 = arith.constant 0 : i32
        %dma_wait3A_391 = tpu.memref_slice %arg11[%dma_wait3A_388, %dma_wait3A_389, %dma_wait3A_390] : memref<2x40x128xf32, #tpu.memory_space<vmem>> -> memref<1x40x128xf32, #tpu.memory_space<vmem>>
        %dma_wait3A_392 = tpu.memref_squeeze %dma_wait3A_391 : memref<1x40x128xf32, #tpu.memory_space<vmem>> -> memref<40x128xf32, #tpu.memory_space<vmem>>
        %dma_wait3A_393 = arith.constant 0 : i32
        %dma_wait3A_394 = arith.constant 0 : i32
        %dma_wait3A_395 = tpu.memref_slice %arg3[%add3A, %add3A_339, %dma_wait3A_393, %dma_wait3A_394] : memref<32x60x40x128xf32, #tpu.memory_space<hbm>> -> memref<1x1x40x128xf32, #tpu.memory_space<hbm>>
        %dma_wait3A_396 = tpu.memref_squeeze %dma_wait3A_395 : memref<1x1x40x128xf32, #tpu.memory_space<hbm>> -> memref<40x128xf32, #tpu.memory_space<hbm>>
        %dma_wait3A_397 = arith.constant 0 : i32
        %dma_wait3A_398 = arith.constant 0 : i32
        %dma_wait3A_399 = tpu.memref_slice %arg11[%dma_wait3A_388, %dma_wait3A_397, %dma_wait3A_398] : memref<2x40x128xf32, #tpu.memory_space<vmem>> -> memref<1x40x128xf32, #tpu.memory_space<vmem>>
        %dma_wait3A_400 = tpu.memref_squeeze %dma_wait3A_399 : memref<1x40x128xf32, #tpu.memory_space<vmem>> -> memref<40x128xf32, #tpu.memory_space<vmem>>
        %dma_wait3A_401 = arith.constant 0 : i32
        %dma_wait3A_402 = arith.constant 0 : i32
        %dma_wait3A_403 = tpu.memref_slice %arg3[%add3A, %add3A_339, %dma_wait3A_401, %dma_wait3A_402] : memref<32x60x40x128xf32, #tpu.memory_space<hbm>> -> memref<1x1x40x128xf32, #tpu.memory_space<hbm>>
        %dma_wait3A_404 = tpu.memref_squeeze %dma_wait3A_403 : memref<1x1x40x128xf32, #tpu.memory_space<hbm>> -> memref<40x128xf32, #tpu.memory_space<hbm>>
        tpu.wait_dma2 semaphore(%arg16 : memref<!tpu.dma_semaphore, #tpu.memory_space<semaphore_mem>>) src(%dma_wait3A_404 : memref<40x128xf32, #tpu.memory_space<hbm>>) dst(%dma_wait3A_400 : memref<40x128xf32, #tpu.memory_space<vmem>>)
        %ge3A = arith.constant 1 : i32
        %ge3A_405 = arith.cmpi sge, %add3A_339, %ge3A : i32
        %convert_element_type3A_406 = arith.extui %ge3A_405 : i1 to i32
        %cond3A_407 = arith.constant 0 : i32
        %cond3A_408 = arith.cmpi ne, %convert_element_type3A_406, %cond3A_407 : i32
        scf.if %cond3A_408 {
          %dma_wait3A_429 = arith.constant 1 : i32
          %dma_wait3A_430 = arith.constant 0 : i32
          %dma_wait3A_431 = tpu.memref_slice %arg9[%dma_wait3A_429, %dma_wait3A_430] : memref<2x40xi32, #tpu.memory_space<vmem>> -> memref<1x40xi32, #tpu.memory_space<vmem>>
          %dma_wait3A_432 = tpu.memref_squeeze %dma_wait3A_431 : memref<1x40xi32, #tpu.memory_space<vmem>> -> memref<40xi32, #tpu.memory_space<vmem>>
          %dma_wait3A_433 = arith.constant 0 : i32
          %dma_wait3A_434 = arith.constant 0 : i32
          %dma_wait3A_435 = tpu.memref_slice %arg13[%dma_wait3A_433, %dma_wait3A_434] : memref<10240x128xf32, #tpu.memory_space<vmem_shared>> -> memref<10240x128xf32, #tpu.memory_space<vmem_shared>>
          tpu.wait_indirect_dma semaphore(%arg22 : memref<!tpu.dma_semaphore, #tpu.memory_space<semaphore_mem>>) src(%arg12 : memref<40x128xf32, #tpu.memory_space<vmem>>) dst(%dma_wait3A_435 : memref<10240x128xf32, #tpu.memory_space<vmem_shared>>)
        } else {
        }
        %scan3A_409 = arith.constant 0 : i32
        %scan3A_410 = arith.constant 0 : i32
        %scan3A_411 = arith.constant 40 : i32
        %scan3A_412 = arith.addi %scan3A_410, %scan3A_411 : i32
        %scan3A_413 = arith.constant 1 : i32
        scf.for %scan3A_429 = %scan3A_410 to %scan3A_412 step %scan3A_413  : i32 {
          %get3A = arith.constant 0 : i32
          %get3A_430 = arith.index_cast %get3A : i32 to index
          %get3A_431 = arith.index_cast %scan3A_429 : i32 to index
          %get3A_432 = arith.constant 0 : index
          %get3A_433 = tpu.vector_load %arg10[%get3A_430, %get3A_431, %get3A_432] {strides = array<i32>} : memref<2x40x128xf32, #tpu.memory_space<vmem>>, vector<1x1x16xf32>,
          %get3A_434 = vector.shape_cast %get3A_433 : vector<1x1x16xf32> to vector<16xf32>
          %get3A_435 = arith.constant 0 : i32
          %get3A_436 = arith.index_cast %get3A_435 : i32 to index
          %get3A_437 = arith.index_cast %scan3A_429 : i32 to index
          %get3A_438 = arith.constant 0 : index
          %get3A_439 = tpu.vector_load %arg11[%get3A_436, %get3A_437, %get3A_438] {strides = array<i32>} : memref<2x40x128xf32, #tpu.memory_space<vmem>>, vector<1x1x16xf32>,
          %get3A_440 = vector.shape_cast %get3A_439 : vector<1x1x16xf32> to vector<16xf32>
          %mul3A_441 = arith.mulf %get3A_434, %get3A_440 : vector<16xf32>
          %swap3A = arith.index_cast %scan3A_429 : i32 to index
          %swap3A_442 = arith.constant 0 : index
          %swap3A_443 = tpu.vector_load %arg12[%swap3A, %swap3A_442] {strides = array<i32>} : memref<40x128xf32, #tpu.memory_space<vmem>>, vector<1x16xf32>,
          %swap3A_444 = vector.shape_cast %swap3A_443 : vector<1x16xf32> to vector<16xf32>
          %swap3A_445 = vector.shape_cast %mul3A_441 : vector<16xf32> to vector<1x16xf32>
          tpu.vector_store %arg12[%swap3A, %swap3A_442], %swap3A_445 {strides = array<i32>} : memref<40x128xf32, #tpu.memory_space<vmem>>, vector<1x16xf32>,
          %get3A_446 = arith.constant 0 : i32
          %get3A_447 = arith.index_cast %get3A_446 : i32 to index
          %get3A_448 = arith.index_cast %scan3A_429 : i32 to index
          %get3A_449 = arith.constant 16 : index
          %get3A_450 = tpu.vector_load %arg10[%get3A_447, %get3A_448, %get3A_449] {strides = array<i32>} : memref<2x40x128xf32, #tpu.memory_space<vmem>>, vector<1x1x16xf32>,
          %get3A_451 = vector.shape_cast %get3A_450 : vector<1x1x16xf32> to vector<16xf32>
          %get3A_452 = arith.constant 0 : i32
          %get3A_453 = arith.index_cast %get3A_452 : i32 to index
          %get3A_454 = arith.index_cast %scan3A_429 : i32 to index
          %get3A_455 = arith.constant 16 : index
          %get3A_456 = tpu.vector_load %arg11[%get3A_453, %get3A_454, %get3A_455] {strides = array<i32>} : memref<2x40x128xf32, #tpu.memory_space<vmem>>, vector<1x1x16xf32>,
          %get3A_457 = vector.shape_cast %get3A_456 : vector<1x1x16xf32> to vector<16xf32>
          %mul3A_458 = arith.mulf %get3A_451, %get3A_457 : vector<16xf32>
          %swap3A_459 = arith.index_cast %scan3A_429 : i32 to index
          %swap3A_460 = arith.constant 16 : index
          %swap3A_461 = tpu.vector_load %arg12[%swap3A_459, %swap3A_460] {strides = array<i32>} : memref<40x128xf32, #tpu.memory_space<vmem>>, vector<1x16xf32>,
          %swap3A_462 = vector.shape_cast %swap3A_461 : vector<1x16xf32> to vector<16xf32>
          %swap3A_463 = vector.shape_cast %mul3A_458 : vector<16xf32> to vector<1x16xf32>
          tpu.vector_store %arg12[%swap3A_459, %swap3A_460], %swap3A_463 {strides = array<i32>} : memref<40x128xf32, #tpu.memory_space<vmem>>, vector<1x16xf32>,
          %get3A_464 = arith.constant 0 : i32
          %get3A_465 = arith.index_cast %get3A_464 : i32 to index
          %get3A_466 = arith.index_cast %scan3A_429 : i32 to index
          %get3A_467 = arith.constant 32 : index
          %get3A_468 = tpu.vector_load %arg10[%get3A_465, %get3A_466, %get3A_467] {strides = array<i32>} : memref<2x40x128xf32, #tpu.memory_space<vmem>>, vector<1x1x16xf32>,
          %get3A_469 = vector.shape_cast %get3A_468 : vector<1x1x16xf32> to vector<16xf32>
          %get3A_470 = arith.constant 0 : i32
          %get3A_471 = arith.index_cast %get3A_470 : i32 to index
          %get3A_472 = arith.index_cast %scan3A_429 : i32 to index
          %get3A_473 = arith.constant 32 : index
          %get3A_474 = tpu.vector_load %arg11[%get3A_471, %get3A_472, %get3A_473] {strides = array<i32>} : memref<2x40x128xf32, #tpu.memory_space<vmem>>, vector<1x1x16xf32>,
          %get3A_475 = vector.shape_cast %get3A_474 : vector<1x1x16xf32> to vector<16xf32>
          %mul3A_476 = arith.mulf %get3A_469, %get3A_475 : vector<16xf32>
          %swap3A_477 = arith.index_cast %scan3A_429 : i32 to index
          %swap3A_478 = arith.constant 32 : index
          %swap3A_479 = tpu.vector_load %arg12[%swap3A_477, %swap3A_478] {strides = array<i32>} : memref<40x128xf32, #tpu.memory_space<vmem>>, vector<1x16xf32>,
          %swap3A_480 = vector.shape_cast %swap3A_479 : vector<1x16xf32> to vector<16xf32>
          %swap3A_481 = vector.shape_cast %mul3A_476 : vector<16xf32> to vector<1x16xf32>
          tpu.vector_store %arg12[%swap3A_477, %swap3A_478], %swap3A_481 {strides = array<i32>} : memref<40x128xf32, #tpu.memory_space<vmem>>, vector<1x16xf32>,
          %get3A_482 = arith.constant 0 : i32
          %get3A_483 = arith.index_cast %get3A_482 : i32 to index
          %get3A_484 = arith.index_cast %scan3A_429 : i32 to index
          %get3A_485 = arith.constant 48 : index
          %get3A_486 = tpu.vector_load %arg10[%get3A_483, %get3A_484, %get3A_485] {strides = array<i32>} : memref<2x40x128xf32, #tpu.memory_space<vmem>>, vector<1x1x16xf32>,
          %get3A_487 = vector.shape_cast %get3A_486 : vector<1x1x16xf32> to vector<16xf32>
          %get3A_488 = arith.constant 0 : i32
          %get3A_489 = arith.index_cast %get3A_488 : i32 to index
          %get3A_490 = arith.index_cast %scan3A_429 : i32 to index
          %get3A_491 = arith.constant 48 : index
          %get3A_492 = tpu.vector_load %arg11[%get3A_489, %get3A_490, %get3A_491] {strides = array<i32>} : memref<2x40x128xf32, #tpu.memory_space<vmem>>, vector<1x1x16xf32>,
          %get3A_493 = vector.shape_cast %get3A_492 : vector<1x1x16xf32> to vector<16xf32>
          %mul3A_494 = arith.mulf %get3A_487, %get3A_493 : vector<16xf32>
          %swap3A_495 = arith.index_cast %scan3A_429 : i32 to index
          %swap3A_496 = arith.constant 48 : index
          %swap3A_497 = tpu.vector_load %arg12[%swap3A_495, %swap3A_496] {strides = array<i32>} : memref<40x128xf32, #tpu.memory_space<vmem>>, vector<1x16xf32>,
          %swap3A_498 = vector.shape_cast %swap3A_497 : vector<1x16xf32> to vector<16xf32>
          %swap3A_499 = vector.shape_cast %mul3A_494 : vector<16xf32> to vector<1x16xf32>
          tpu.vector_store %arg12[%swap3A_495, %swap3A_496], %swap3A_499 {strides = array<i32>} : memref<40x128xf32, #tpu.memory_space<vmem>>, vector<1x16xf32>,
          %get3A_500 = arith.constant 0 : i32
          %get3A_501 = arith.index_cast %get3A_500 : i32 to index
          %get3A_502 = arith.index_cast %scan3A_429 : i32 to index
          %get3A_503 = arith.constant 64 : index
          %get3A_504 = tpu.vector_load %arg10[%get3A_501, %get3A_502, %get3A_503] {strides = array<i32>} : memref<2x40x128xf32, #tpu.memory_space<vmem>>, vector<1x1x16xf32>,
          %get3A_505 = vector.shape_cast %get3A_504 : vector<1x1x16xf32> to vector<16xf32>
          %get3A_506 = arith.constant 0 : i32
          %get3A_507 = arith.index_cast %get3A_506 : i32 to index
          %get3A_508 = arith.index_cast %scan3A_429 : i32 to index
          %get3A_509 = arith.constant 64 : index
          %get3A_510 = tpu.vector_load %arg11[%get3A_507, %get3A_508, %get3A_509] {strides = array<i32>} : memref<2x40x128xf32, #tpu.memory_space<vmem>>, vector<1x1x16xf32>,
          %get3A_511 = vector.shape_cast %get3A_510 : vector<1x1x16xf32> to vector<16xf32>
          %mul3A_512 = arith.mulf %get3A_505, %get3A_511 : vector<16xf32>
          %swap3A_513 = arith.index_cast %scan3A_429 : i32 to index
          %swap3A_514 = arith.constant 64 : index
          %swap3A_515 = tpu.vector_load %arg12[%swap3A_513, %swap3A_514] {strides = array<i32>} : memref<40x128xf32, #tpu.memory_space<vmem>>, vector<1x16xf32>,
          %swap3A_516 = vector.shape_cast %swap3A_515 : vector<1x16xf32> to vector<16xf32>
          %swap3A_517 = vector.shape_cast %mul3A_512 : vector<16xf32> to vector<1x16xf32>
          tpu.vector_store %arg12[%swap3A_513, %swap3A_514], %swap3A_517 {strides = array<i32>} : memref<40x128xf32, #tpu.memory_space<vmem>>, vector<1x16xf32>,
          %get3A_518 = arith.constant 0 : i32
          %get3A_519 = arith.index_cast %get3A_518 : i32 to index
          %get3A_520 = arith.index_cast %scan3A_429 : i32 to index
          %get3A_521 = arith.constant 80 : index
          %get3A_522 = tpu.vector_load %arg10[%get3A_519, %get3A_520, %get3A_521] {strides = array<i32>} : memref<2x40x128xf32, #tpu.memory_space<vmem>>, vector<1x1x16xf32>,
          %get3A_523 = vector.shape_cast %get3A_522 : vector<1x1x16xf32> to vector<16xf32>
          %get3A_524 = arith.constant 0 : i32
          %get3A_525 = arith.index_cast %get3A_524 : i32 to index
          %get3A_526 = arith.index_cast %scan3A_429 : i32 to index
          %get3A_527 = arith.constant 80 : index
          %get3A_528 = tpu.vector_load %arg11[%get3A_525, %get3A_526, %get3A_527] {strides = array<i32>} : memref<2x40x128xf32, #tpu.memory_space<vmem>>, vector<1x1x16xf32>,
          %get3A_529 = vector.shape_cast %get3A_528 : vector<1x1x16xf32> to vector<16xf32>
          %mul3A_530 = arith.mulf %get3A_523, %get3A_529 : vector<16xf32>
          %swap3A_531 = arith.index_cast %scan3A_429 : i32 to index
          %swap3A_532 = arith.constant 80 : index
          %swap3A_533 = tpu.vector_load %arg12[%swap3A_531, %swap3A_532] {strides = array<i32>} : memref<40x128xf32, #tpu.memory_space<vmem>>, vector<1x16xf32>,
          %swap3A_534 = vector.shape_cast %swap3A_533 : vector<1x16xf32> to vector<16xf32>
          %swap3A_535 = vector.shape_cast %mul3A_530 : vector<16xf32> to vector<1x16xf32>
          tpu.vector_store %arg12[%swap3A_531, %swap3A_532], %swap3A_535 {strides = array<i32>} : memref<40x128xf32, #tpu.memory_space<vmem>>, vector<1x16xf32>,
          %get3A_536 = arith.constant 0 : i32
          %get3A_537 = arith.index_cast %get3A_536 : i32 to index
          %get3A_538 = arith.index_cast %scan3A_429 : i32 to index
          %get3A_539 = arith.constant 96 : index
          %get3A_540 = tpu.vector_load %arg10[%get3A_537, %get3A_538, %get3A_539] {strides = array<i32>} : memref<2x40x128xf32, #tpu.memory_space<vmem>>, vector<1x1x16xf32>,
          %get3A_541 = vector.shape_cast %get3A_540 : vector<1x1x16xf32> to vector<16xf32>
          %get3A_542 = arith.constant 0 : i32
          %get3A_543 = arith.index_cast %get3A_542 : i32 to index
          %get3A_544 = arith.index_cast %scan3A_429 : i32 to index
          %get3A_545 = arith.constant 96 : index
          %get3A_546 = tpu.vector_load %arg11[%get3A_543, %get3A_544, %get3A_545] {strides = array<i32>} : memref<2x40x128xf32, #tpu.memory_space<vmem>>, vector<1x1x16xf32>,
          %get3A_547 = vector.shape_cast %get3A_546 : vector<1x1x16xf32> to vector<16xf32>
          %mul3A_548 = arith.mulf %get3A_541, %get3A_547 : vector<16xf32>
          %swap3A_549 = arith.index_cast %scan3A_429 : i32 to index
          %swap3A_550 = arith.constant 96 : index
          %swap3A_551 = tpu.vector_load %arg12[%swap3A_549, %swap3A_550] {strides = array<i32>} : memref<40x128xf32, #tpu.memory_space<vmem>>, vector<1x16xf32>,
          %swap3A_552 = vector.shape_cast %swap3A_551 : vector<1x16xf32> to vector<16xf32>
          %swap3A_553 = vector.shape_cast %mul3A_548 : vector<16xf32> to vector<1x16xf32>
          tpu.vector_store %arg12[%swap3A_549, %swap3A_550], %swap3A_553 {strides = array<i32>} : memref<40x128xf32, #tpu.memory_space<vmem>>, vector<1x16xf32>,
          %get3A_554 = arith.constant 0 : i32
          %get3A_555 = arith.index_cast %get3A_554 : i32 to index
          %get3A_556 = arith.index_cast %scan3A_429 : i32 to index
          %get3A_557 = arith.constant 112 : index
          %get3A_558 = tpu.vector_load %arg10[%get3A_555, %get3A_556, %get3A_557] {strides = array<i32>} : memref<2x40x128xf32, #tpu.memory_space<vmem>>, vector<1x1x16xf32>,
          %get3A_559 = vector.shape_cast %get3A_558 : vector<1x1x16xf32> to vector<16xf32>
          %get3A_560 = arith.constant 0 : i32
          %get3A_561 = arith.index_cast %get3A_560 : i32 to index
          %get3A_562 = arith.index_cast %scan3A_429 : i32 to index
          %get3A_563 = arith.constant 112 : index
          %get3A_564 = tpu.vector_load %arg11[%get3A_561, %get3A_562, %get3A_563] {strides = array<i32>} : memref<2x40x128xf32, #tpu.memory_space<vmem>>, vector<1x1x16xf32>,
          %get3A_565 = vector.shape_cast %get3A_564 : vector<1x1x16xf32> to vector<16xf32>
          %mul3A_566 = arith.mulf %get3A_559, %get3A_565 : vector<16xf32>
          %swap3A_567 = arith.index_cast %scan3A_429 : i32 to index
          %swap3A_568 = arith.constant 112 : index
          %swap3A_569 = tpu.vector_load %arg12[%swap3A_567, %swap3A_568] {strides = array<i32>} : memref<40x128xf32, #tpu.memory_space<vmem>>, vector<1x16xf32>,
          %swap3A_570 = vector.shape_cast %swap3A_569 : vector<1x16xf32> to vector<16xf32>
          %swap3A_571 = vector.shape_cast %mul3A_566 : vector<16xf32> to vector<1x16xf32>
          tpu.vector_store %arg12[%swap3A_567, %swap3A_568], %swap3A_571 {strides = array<i32>} : memref<40x128xf32, #tpu.memory_space<vmem>>, vector<1x16xf32>,
        }
        %scan3A_414 = arith.constant 40 : i32
        %dma_start3A_415 = arith.constant 1 : i32
        %dma_start3A_416 = arith.constant 0 : i32
        %dma_start3A_417 = tpu.memref_slice %arg6[%dma_start3A_415, %dma_start3A_416] : memref<2x40xi32, #tpu.memory_space<vmem>> -> memref<1x40xi32, #tpu.memory_space<vmem>>
        %dma_start3A_418 = tpu.memref_squeeze %dma_start3A_417 : memref<1x40xi32, #tpu.memory_space<vmem>> -> memref<40xi32, #tpu.memory_space<vmem>>
        %dma_start3A_419 = arith.constant 0 : i32
        %dma_start3A_420 = arith.constant 0 : i32
        %dma_start3A_421 = tpu.memref_slice %arg13[%dma_start3A_419, %dma_start3A_420] : memref<10240x128xf32, #tpu.memory_space<vmem_shared>> -> memref<10240x128xf32, #tpu.memory_space<vmem_shared>>
        tpu.enqueue_indirect_dma source(%arg12 : memref<40x128xf32, #tpu.memory_space<vmem>>) target(%dma_start3A_421 : memref<10240x128xf32, #tpu.memory_space<vmem_shared>>) offsets(%dma_start3A_418 : memref<40xi32, #tpu.memory_space<vmem>>) semaphore(%arg22 : memref<!tpu.dma_semaphore, #tpu.memory_space<semaphore_mem>>) {add = true}
        %add3A_422 = arith.constant 2 : i32
        %add3A_423 = arith.addi %add3A_339, %add3A_422 : i32
        %lt3A_424 = arith.constant 60 : i32
        %lt3A_425 = arith.cmpi slt, %add3A_423, %lt3A_424 : i32
        %convert_element_type3A_426 = arith.extui %lt3A_425 : i1 to i32
        %cond3A_427 = arith.constant 0 : i32
        %cond3A_428 = arith.cmpi ne, %convert_element_type3A_426, %cond3A_427 : i32
        scf.if %cond3A_428 {
          %add3A_429 = arith.constant 2 : i32
          %add3A_430 = arith.addi %add3A_339, %add3A_429 : i32
          %dma_start3A_431 = arith.constant 0 : i32
          %dma_start3A_432 = arith.constant 0 : i32
          %dma_start3A_433 = tpu.memref_slice %arg4[%dma_start3A_431, %add3A, %add3A_430, %dma_start3A_432] : memref<2x32x60x40xi32, #tpu.memory_space<hbm>> -> memref<2x1x1x40xi32, #tpu.memory_space<hbm>>
          %dma_start3A_434 = tpu.memref_squeeze %dma_start3A_433 : memref<2x1x1x40xi32, #tpu.memory_space<hbm>> -> memref<2x40xi32, #tpu.memory_space<hbm>>
          %dma_start3A_435 = arith.constant 0 : i32
          %dma_start3A_436 = arith.constant 0 : i32
          %dma_start3A_437 = tpu.memref_slice %arg4[%dma_start3A_435, %add3A, %add3A_430, %dma_start3A_436] : memref<2x32x60x40xi32, #tpu.memory_space<hbm>> -> memref<2x1x1x40xi32, #tpu.memory_space<hbm>>
          %dma_start3A_438 = tpu.memref_squeeze %dma_start3A_437 : memref<2x1x1x40xi32, #tpu.memory_space<hbm>> -> memref<2x40xi32, #tpu.memory_space<hbm>>
          tpu.enqueue_dma source(%dma_start3A_438 : memref<2x40xi32, #tpu.memory_space<hbm>>) target(%arg8 : memref<2x40xi32, #tpu.memory_space<vmem>>) target_semaphore(%arg20 : memref<!tpu.dma_semaphore, #tpu.memory_space<semaphore_mem>>)
        } else {
        }
      } else {
      }
      %mul3A_342 = arith.constant 4 : i32
      %mul3A_343 = arith.muli %mul3A_342, %scan3A_335 : i32
      %add3A_344 = arith.constant 1 : i32
      %add3A_345 = arith.addi %mul3A_343, %add3A_344 : i32
      %lt3A_346 = arith.constant 60 : i32
      %lt3A_347 = arith.cmpi slt, %add3A_345, %lt3A_346 : i32
      %convert_element_type3A_348 = arith.extui %lt3A_347 : i1 to i32
      %cond3A_349 = arith.constant 0 : i32
      %cond3A_350 = arith.cmpi ne, %convert_element_type3A_348, %cond3A_349 : i32
      scf.if %cond3A_350 {
        %add3A_369 = arith.constant 1 : i32
        %add3A_370 = arith.addi %add3A_345, %add3A_369 : i32
        %lt3A_371 = arith.constant 60 : i32
        %lt3A_372 = arith.cmpi slt, %add3A_370, %lt3A_371 : i32
        %convert_element_type3A_373 = arith.extui %lt3A_372 : i1 to i32
        %cond3A_374 = arith.constant 0 : i32
        %cond3A_375 = arith.cmpi ne, %convert_element_type3A_373, %cond3A_374 : i32
        scf.if %cond3A_375 {
          %add3A_429 = arith.constant 1 : i32
          %add3A_430 = arith.addi %add3A_345, %add3A_429 : i32
          %dma_wait3A_431 = arith.constant 0 : i32
          %dma_wait3A_432 = arith.constant 0 : i32
          %dma_wait3A_433 = tpu.memref_slice %arg4[%dma_wait3A_431, %add3A, %add3A_430, %dma_wait3A_432] : memref<2x32x60x40xi32, #tpu.memory_space<hbm>> -> memref<2x1x1x40xi32, #tpu.memory_space<hbm>>
          %dma_wait3A_434 = tpu.memref_squeeze %dma_wait3A_433 : memref<2x1x1x40xi32, #tpu.memory_space<hbm>> -> memref<2x40xi32, #tpu.memory_space<hbm>>
          %dma_wait3A_435 = arith.constant 0 : i32
          %dma_wait3A_436 = arith.constant 0 : i32
          %dma_wait3A_437 = tpu.memref_slice %arg4[%dma_wait3A_435, %add3A, %add3A_430, %dma_wait3A_436] : memref<2x32x60x40xi32, #tpu.memory_space<hbm>> -> memref<2x1x1x40xi32, #tpu.memory_space<hbm>>
          %dma_wait3A_438 = tpu.memref_squeeze %dma_wait3A_437 : memref<2x1x1x40xi32, #tpu.memory_space<hbm>> -> memref<2x40xi32, #tpu.memory_space<hbm>>
          tpu.wait_dma2 semaphore(%arg20 : memref<!tpu.dma_semaphore, #tpu.memory_space<semaphore_mem>>) src(%dma_wait3A_438 : memref<2x40xi32, #tpu.memory_space<hbm>>) dst(%arg8 : memref<2x40xi32, #tpu.memory_space<vmem>>)
          %add3A_439 = arith.constant 1 : i32
          %add3A_440 = arith.addi %add3A_345, %add3A_439 : i32
          %dma_start3A_441 = arith.constant 0 : i32
          %dma_start3A_442 = arith.constant 0 : i32
          %dma_start3A_443 = arith.constant 0 : i32
          %dma_start3A_444 = arith.constant 0 : i32
          %dma_start3A_445 = tpu.memref_slice %arg10[%dma_start3A_442, %dma_start3A_443, %dma_start3A_444] : memref<2x40x128xf32, #tpu.memory_space<vmem>> -> memref<1x40x128xf32, #tpu.memory_space<vmem>>
          %dma_start3A_446 = tpu.memref_squeeze %dma_start3A_445 : memref<1x40x128xf32, #tpu.memory_space<vmem>> -> memref<40x128xf32, #tpu.memory_space<vmem>>
          %dma_start3A_447 = arith.constant 0 : i32
          %dma_start3A_448 = tpu.memref_slice %arg8[%dma_start3A_441, %dma_start3A_447] : memref<2x40xi32, #tpu.memory_space<vmem>> -> memref<1x40xi32, #tpu.memory_space<vmem>>
          %dma_start3A_449 = tpu.memref_squeeze %dma_start3A_448 : memref<1x40xi32, #tpu.memory_space<vmem>> -> memref<40xi32, #tpu.memory_space<vmem>>
          %dma_start3A_450 = arith.constant 0 : i32
          %dma_start3A_451 = arith.constant 0 : i32
          %dma_start3A_452 = tpu.memref_slice %arg2[%dma_start3A_450, %dma_start3A_451] : memref<10000x128xf32, #tpu.memory_space<hbm>> -> memref<10000x128xf32, #tpu.memory_space<hbm>>
          tpu.enqueue_indirect_dma source(%dma_start3A_452 : memref<10000x128xf32, #tpu.memory_space<hbm>>) target(%dma_start3A_446 : memref<40x128xf32, #tpu.memory_space<vmem>>) offsets(%dma_start3A_449 : memref<40xi32, #tpu.memory_space<vmem>>) semaphore(%arg14 : memref<!tpu.dma_semaphore, #tpu.memory_space<semaphore_mem>>)
          %dma_start3A_453 = arith.constant 0 : i32
          %dma_start3A_454 = arith.constant 0 : i32
          %dma_start3A_455 = arith.constant 0 : i32
          %dma_start3A_456 = tpu.memref_slice %arg11[%dma_start3A_453, %dma_start3A_454, %dma_start3A_455] : memref<2x40x128xf32, #tpu.memory_space<vmem>> -> memref<1x40x128xf32, #tpu.memory_space<vmem>>
          %dma_start3A_457 = tpu.memref_squeeze %dma_start3A_456 : memref<1x40x128xf32, #tpu.memory_space<vmem>> -> memref<40x128xf32, #tpu.memory_space<vmem>>
          %dma_start3A_458 = arith.constant 0 : i32
          %dma_start3A_459 = arith.constant 0 : i32
          %dma_start3A_460 = tpu.memref_slice %arg3[%add3A, %add3A_440, %dma_start3A_458, %dma_start3A_459] : memref<32x60x40x128xf32, #tpu.memory_space<hbm>> -> memref<1x1x40x128xf32, #tpu.memory_space<hbm>>
          %dma_start3A_461 = tpu.memref_squeeze %dma_start3A_460 : memref<1x1x40x128xf32, #tpu.memory_space<hbm>> -> memref<40x128xf32, #tpu.memory_space<hbm>>
          %dma_start3A_462 = arith.constant 0 : i32
          %dma_start3A_463 = arith.constant 0 : i32
          %dma_start3A_464 = tpu.memref_slice %arg11[%dma_start3A_453, %dma_start3A_462, %dma_start3A_463] : memref<2x40x128xf32, #tpu.memory_space<vmem>> -> memref<1x40x128xf32, #tpu.memory_space<vmem>>
          %dma_start3A_465 = tpu.memref_squeeze %dma_start3A_464 : memref<1x40x128xf32, #tpu.memory_space<vmem>> -> memref<40x128xf32, #tpu.memory_space<vmem>>
          %dma_start3A_466 = arith.constant 0 : i32
          %dma_start3A_467 = arith.constant 0 : i32
          %dma_start3A_468 = tpu.memref_slice %arg3[%add3A, %add3A_440, %dma_start3A_466, %dma_start3A_467] : memref<32x60x40x128xf32, #tpu.memory_space<hbm>> -> memref<1x1x40x128xf32, #tpu.memory_space<hbm>>
          %dma_start3A_469 = tpu.memref_squeeze %dma_start3A_468 : memref<1x1x40x128xf32, #tpu.memory_space<hbm>> -> memref<40x128xf32, #tpu.memory_space<hbm>>
          tpu.enqueue_dma source(%dma_start3A_469 : memref<40x128xf32, #tpu.memory_space<hbm>>) target(%dma_start3A_465 : memref<40x128xf32, #tpu.memory_space<vmem>>) target_semaphore(%arg16 : memref<!tpu.dma_semaphore, #tpu.memory_space<semaphore_mem>>)
        } else {
        }
        %dma_wait3A_376 = arith.constant 0 : i32
        %dma_wait3A_377 = arith.constant 1 : i32
        %dma_wait3A_378 = arith.constant 0 : i32
        %dma_wait3A_379 = arith.constant 0 : i32
        %dma_wait3A_380 = tpu.memref_slice %arg10[%dma_wait3A_377, %dma_wait3A_378, %dma_wait3A_379] : memref<2x40x128xf32, #tpu.memory_space<vmem>> -> memref<1x40x128xf32, #tpu.memory_space<vmem>>
        %dma_wait3A_381 = tpu.memref_squeeze %dma_wait3A_380 : memref<1x40x128xf32, #tpu.memory_space<vmem>> -> memref<40x128xf32, #tpu.memory_space<vmem>>
        %dma_wait3A_382 = arith.constant 0 : i32
        %dma_wait3A_383 = tpu.memref_slice %arg7[%dma_wait3A_376, %dma_wait3A_382] : memref<2x40xi32, #tpu.memory_space<vmem>> -> memref<1x40xi32, #tpu.memory_space<vmem>>
        %dma_wait3A_384 = tpu.memref_squeeze %dma_wait3A_383 : memref<1x40xi32, #tpu.memory_space<vmem>> -> memref<40xi32, #tpu.memory_space<vmem>>
        %dma_wait3A_385 = arith.constant 0 : i32
        %dma_wait3A_386 = arith.constant 0 : i32
        %dma_wait3A_387 = tpu.memref_slice %arg2[%dma_wait3A_385, %dma_wait3A_386] : memref<10000x128xf32, #tpu.memory_space<hbm>> -> memref<10000x128xf32, #tpu.memory_space<hbm>>
        tpu.wait_indirect_dma semaphore(%arg15 : memref<!tpu.dma_semaphore, #tpu.memory_space<semaphore_mem>>) src(%dma_wait3A_387 : memref<10000x128xf32, #tpu.memory_space<hbm>>) dst(%dma_wait3A_381 : memref<40x128xf32, #tpu.memory_space<vmem>>)
        %dma_wait3A_388 = arith.constant 1 : i32
        %dma_wait3A_389 = arith.constant 0 : i32
        %dma_wait3A_390 = arith.constant 0 : i32
        %dma_wait3A_391 = tpu.memref_slice %arg11[%dma_wait3A_388, %dma_wait3A_389, %dma_wait3A_390] : memref<2x40x128xf32, #tpu.memory_space<vmem>> -> memref<1x40x128xf32, #tpu.memory_space<vmem>>
        %dma_wait3A_392 = tpu.memref_squeeze %dma_wait3A_391 : memref<1x40x128xf32, #tpu.memory_space<vmem>> -> memref<40x128xf32, #tpu.memory_space<vmem>>
        %dma_wait3A_393 = arith.constant 0 : i32
        %dma_wait3A_394 = arith.constant 0 : i32
        %dma_wait3A_395 = tpu.memref_slice %arg3[%add3A, %add3A_345, %dma_wait3A_393, %dma_wait3A_394] : memref<32x60x40x128xf32, #tpu.memory_space<hbm>> -> memref<1x1x40x128xf32, #tpu.memory_space<hbm>>
        %dma_wait3A_396 = tpu.memref_squeeze %dma_wait3A_395 : memref<1x1x40x128xf32, #tpu.memory_space<hbm>> -> memref<40x128xf32, #tpu.memory_space<hbm>>
        %dma_wait3A_397 = arith.constant 0 : i32
        %dma_wait3A_398 = arith.constant 0 : i32
        %dma_wait3A_399 = tpu.memref_slice %arg11[%dma_wait3A_388, %dma_wait3A_397, %dma_wait3A_398] : memref<2x40x128xf32, #tpu.memory_space<vmem>> -> memref<1x40x128xf32, #tpu.memory_space<vmem>>
        %dma_wait3A_400 = tpu.memref_squeeze %dma_wait3A_399 : memref<1x40x128xf32, #tpu.memory_space<vmem>> -> memref<40x128xf32, #tpu.memory_space<vmem>>
        %dma_wait3A_401 = arith.constant 0 : i32
        %dma_wait3A_402 = arith.constant 0 : i32
        %dma_wait3A_403 = tpu.memref_slice %arg3[%add3A, %add3A_345, %dma_wait3A_401, %dma_wait3A_402] : memref<32x60x40x128xf32, #tpu.memory_space<hbm>> -> memref<1x1x40x128xf32, #tpu.memory_space<hbm>>
        %dma_wait3A_404 = tpu.memref_squeeze %dma_wait3A_403 : memref<1x1x40x128xf32, #tpu.memory_space<hbm>> -> memref<40x128xf32, #tpu.memory_space<hbm>>
        tpu.wait_dma2 semaphore(%arg17 : memref<!tpu.dma_semaphore, #tpu.memory_space<semaphore_mem>>) src(%dma_wait3A_404 : memref<40x128xf32, #tpu.memory_space<hbm>>) dst(%dma_wait3A_400 : memref<40x128xf32, #tpu.memory_space<vmem>>)
        %ge3A = arith.constant 1 : i32
        %ge3A_405 = arith.cmpi sge, %add3A_345, %ge3A : i32
        %convert_element_type3A_406 = arith.extui %ge3A_405 : i1 to i32
        %cond3A_407 = arith.constant 0 : i32
        %cond3A_408 = arith.cmpi ne, %convert_element_type3A_406, %cond3A_407 : i32
        scf.if %cond3A_408 {
          %dma_wait3A_429 = arith.constant 1 : i32
          %dma_wait3A_430 = arith.constant 0 : i32
          %dma_wait3A_431 = tpu.memref_slice %arg6[%dma_wait3A_429, %dma_wait3A_430] : memref<2x40xi32, #tpu.memory_space<vmem>> -> memref<1x40xi32, #tpu.memory_space<vmem>>
          %dma_wait3A_432 = tpu.memref_squeeze %dma_wait3A_431 : memref<1x40xi32, #tpu.memory_space<vmem>> -> memref<40xi32, #tpu.memory_space<vmem>>
          %dma_wait3A_433 = arith.constant 0 : i32
          %dma_wait3A_434 = arith.constant 0 : i32
          %dma_wait3A_435 = tpu.memref_slice %arg13[%dma_wait3A_433, %dma_wait3A_434] : memref<10240x128xf32, #tpu.memory_space<vmem_shared>> -> memref<10240x128xf32, #tpu.memory_space<vmem_shared>>
          tpu.wait_indirect_dma semaphore(%arg22 : memref<!tpu.dma_semaphore, #tpu.memory_space<semaphore_mem>>) src(%arg12 : memref<40x128xf32, #tpu.memory_space<vmem>>) dst(%dma_wait3A_435 : memref<10240x128xf32, #tpu.memory_space<vmem_shared>>)
        } else {
        }
        %scan3A_409 = arith.constant 0 : i32
        %scan3A_410 = arith.constant 0 : i32
        %scan3A_411 = arith.constant 40 : i32
        %scan3A_412 = arith.addi %scan3A_410, %scan3A_411 : i32
        %scan3A_413 = arith.constant 1 : i32
        scf.for %scan3A_429 = %scan3A_410 to %scan3A_412 step %scan3A_413  : i32 {
          %get3A = arith.constant 1 : i32
          %get3A_430 = arith.index_cast %get3A : i32 to index
          %get3A_431 = arith.index_cast %scan3A_429 : i32 to index
          %get3A_432 = arith.constant 0 : index
          %get3A_433 = tpu.vector_load %arg10[%get3A_430, %get3A_431, %get3A_432] {strides = array<i32>} : memref<2x40x128xf32, #tpu.memory_space<vmem>>, vector<1x1x16xf32>,
          %get3A_434 = vector.shape_cast %get3A_433 : vector<1x1x16xf32> to vector<16xf32>
          %get3A_435 = arith.constant 1 : i32
          %get3A_436 = arith.index_cast %get3A_435 : i32 to index
          %get3A_437 = arith.index_cast %scan3A_429 : i32 to index
          %get3A_438 = arith.constant 0 : index
          %get3A_439 = tpu.vector_load %arg11[%get3A_436, %get3A_437, %get3A_438] {strides = array<i32>} : memref<2x40x128xf32, #tpu.memory_space<vmem>>, vector<1x1x16xf32>,
          %get3A_440 = vector.shape_cast %get3A_439 : vector<1x1x16xf32> to vector<16xf32>
          %mul3A_441 = arith.mulf %get3A_434, %get3A_440 : vector<16xf32>
          %swap3A = arith.index_cast %scan3A_429 : i32 to index
          %swap3A_442 = arith.constant 0 : index
          %swap3A_443 = tpu.vector_load %arg12[%swap3A, %swap3A_442] {strides = array<i32>} : memref<40x128xf32, #tpu.memory_space<vmem>>, vector<1x16xf32>,
          %swap3A_444 = vector.shape_cast %swap3A_443 : vector<1x16xf32> to vector<16xf32>
          %swap3A_445 = vector.shape_cast %mul3A_441 : vector<16xf32> to vector<1x16xf32>
          tpu.vector_store %arg12[%swap3A, %swap3A_442], %swap3A_445 {strides = array<i32>} : memref<40x128xf32, #tpu.memory_space<vmem>>, vector<1x16xf32>,
          %get3A_446 = arith.constant 1 : i32
          %get3A_447 = arith.index_cast %get3A_446 : i32 to index
          %get3A_448 = arith.index_cast %scan3A_429 : i32 to index
          %get3A_449 = arith.constant 16 : index
          %get3A_450 = tpu.vector_load %arg10[%get3A_447, %get3A_448, %get3A_449] {strides = array<i32>} : memref<2x40x128xf32, #tpu.memory_space<vmem>>, vector<1x1x16xf32>,
          %get3A_451 = vector.shape_cast %get3A_450 : vector<1x1x16xf32> to vector<16xf32>
          %get3A_452 = arith.constant 1 : i32
          %get3A_453 = arith.index_cast %get3A_452 : i32 to index
          %get3A_454 = arith.index_cast %scan3A_429 : i32 to index
          %get3A_455 = arith.constant 16 : index
          %get3A_456 = tpu.vector_load %arg11[%get3A_453, %get3A_454, %get3A_455] {strides = array<i32>} : memref<2x40x128xf32, #tpu.memory_space<vmem>>, vector<1x1x16xf32>,
          %get3A_457 = vector.shape_cast %get3A_456 : vector<1x1x16xf32> to vector<16xf32>
          %mul3A_458 = arith.mulf %get3A_451, %get3A_457 : vector<16xf32>
          %swap3A_459 = arith.index_cast %scan3A_429 : i32 to index
          %swap3A_460 = arith.constant 16 : index
          %swap3A_461 = tpu.vector_load %arg12[%swap3A_459, %swap3A_460] {strides = array<i32>} : memref<40x128xf32, #tpu.memory_space<vmem>>, vector<1x16xf32>,
          %swap3A_462 = vector.shape_cast %swap3A_461 : vector<1x16xf32> to vector<16xf32>
          %swap3A_463 = vector.shape_cast %mul3A_458 : vector<16xf32> to vector<1x16xf32>
          tpu.vector_store %arg12[%swap3A_459, %swap3A_460], %swap3A_463 {strides = array<i32>} : memref<40x128xf32, #tpu.memory_space<vmem>>, vector<1x16xf32>,
          %get3A_464 = arith.constant 1 : i32
          %get3A_465 = arith.index_cast %get3A_464 : i32 to index
          %get3A_466 = arith.index_cast %scan3A_429 : i32 to index
          %get3A_467 = arith.constant 32 : index
          %get3A_468 = tpu.vector_load %arg10[%get3A_465, %get3A_466, %get3A_467] {strides = array<i32>} : memref<2x40x128xf32, #tpu.memory_space<vmem>>, vector<1x1x16xf32>,
          %get3A_469 = vector.shape_cast %get3A_468 : vector<1x1x16xf32> to vector<16xf32>
          %get3A_470 = arith.constant 1 : i32
          %get3A_471 = arith.index_cast %get3A_470 : i32 to index
          %get3A_472 = arith.index_cast %scan3A_429 : i32 to index
          %get3A_473 = arith.constant 32 : index
          %get3A_474 = tpu.vector_load %arg11[%get3A_471, %get3A_472, %get3A_473] {strides = array<i32>} : memref<2x40x128xf32, #tpu.memory_space<vmem>>, vector<1x1x16xf32>,
          %get3A_475 = vector.shape_cast %get3A_474 : vector<1x1x16xf32> to vector<16xf32>
          %mul3A_476 = arith.mulf %get3A_469, %get3A_475 : vector<16xf32>
          %swap3A_477 = arith.index_cast %scan3A_429 : i32 to index
          %swap3A_478 = arith.constant 32 : index
          %swap3A_479 = tpu.vector_load %arg12[%swap3A_477, %swap3A_478] {strides = array<i32>} : memref<40x128xf32, #tpu.memory_space<vmem>>, vector<1x16xf32>,
          %swap3A_480 = vector.shape_cast %swap3A_479 : vector<1x16xf32> to vector<16xf32>
          %swap3A_481 = vector.shape_cast %mul3A_476 : vector<16xf32> to vector<1x16xf32>
          tpu.vector_store %arg12[%swap3A_477, %swap3A_478], %swap3A_481 {strides = array<i32>} : memref<40x128xf32, #tpu.memory_space<vmem>>, vector<1x16xf32>,
          %get3A_482 = arith.constant 1 : i32
          %get3A_483 = arith.index_cast %get3A_482 : i32 to index
          %get3A_484 = arith.index_cast %scan3A_429 : i32 to index
          %get3A_485 = arith.constant 48 : index
          %get3A_486 = tpu.vector_load %arg10[%get3A_483, %get3A_484, %get3A_485] {strides = array<i32>} : memref<2x40x128xf32, #tpu.memory_space<vmem>>, vector<1x1x16xf32>,
          %get3A_487 = vector.shape_cast %get3A_486 : vector<1x1x16xf32> to vector<16xf32>
          %get3A_488 = arith.constant 1 : i32
          %get3A_489 = arith.index_cast %get3A_488 : i32 to index
          %get3A_490 = arith.index_cast %scan3A_429 : i32 to index
          %get3A_491 = arith.constant 48 : index
          %get3A_492 = tpu.vector_load %arg11[%get3A_489, %get3A_490, %get3A_491] {strides = array<i32>} : memref<2x40x128xf32, #tpu.memory_space<vmem>>, vector<1x1x16xf32>,
          %get3A_493 = vector.shape_cast %get3A_492 : vector<1x1x16xf32> to vector<16xf32>
          %mul3A_494 = arith.mulf %get3A_487, %get3A_493 : vector<16xf32>
          %swap3A_495 = arith.index_cast %scan3A_429 : i32 to index
          %swap3A_496 = arith.constant 48 : index
          %swap3A_497 = tpu.vector_load %arg12[%swap3A_495, %swap3A_496] {strides = array<i32>} : memref<40x128xf32, #tpu.memory_space<vmem>>, vector<1x16xf32>,
          %swap3A_498 = vector.shape_cast %swap3A_497 : vector<1x16xf32> to vector<16xf32>
          %swap3A_499 = vector.shape_cast %mul3A_494 : vector<16xf32> to vector<1x16xf32>
          tpu.vector_store %arg12[%swap3A_495, %swap3A_496], %swap3A_499 {strides = array<i32>} : memref<40x128xf32, #tpu.memory_space<vmem>>, vector<1x16xf32>,
          %get3A_500 = arith.constant 1 : i32
          %get3A_501 = arith.index_cast %get3A_500 : i32 to index
          %get3A_502 = arith.index_cast %scan3A_429 : i32 to index
          %get3A_503 = arith.constant 64 : index
          %get3A_504 = tpu.vector_load %arg10[%get3A_501, %get3A_502, %get3A_503] {strides = array<i32>} : memref<2x40x128xf32, #tpu.memory_space<vmem>>, vector<1x1x16xf32>,
          %get3A_505 = vector.shape_cast %get3A_504 : vector<1x1x16xf32> to vector<16xf32>
          %get3A_506 = arith.constant 1 : i32
          %get3A_507 = arith.index_cast %get3A_506 : i32 to index
          %get3A_508 = arith.index_cast %scan3A_429 : i32 to index
          %get3A_509 = arith.constant 64 : index
          %get3A_510 = tpu.vector_load %arg11[%get3A_507, %get3A_508, %get3A_509] {strides = array<i32>} : memref<2x40x128xf32, #tpu.memory_space<vmem>>, vector<1x1x16xf32>,
          %get3A_511 = vector.shape_cast %get3A_510 : vector<1x1x16xf32> to vector<16xf32>
          %mul3A_512 = arith.mulf %get3A_505, %get3A_511 : vector<16xf32>
          %swap3A_513 = arith.index_cast %scan3A_429 : i32 to index
          %swap3A_514 = arith.constant 64 : index
          %swap3A_515 = tpu.vector_load %arg12[%swap3A_513, %swap3A_514] {strides = array<i32>} : memref<40x128xf32, #tpu.memory_space<vmem>>, vector<1x16xf32>,
          %swap3A_516 = vector.shape_cast %swap3A_515 : vector<1x16xf32> to vector<16xf32>
          %swap3A_517 = vector.shape_cast %mul3A_512 : vector<16xf32> to vector<1x16xf32>
          tpu.vector_store %arg12[%swap3A_513, %swap3A_514], %swap3A_517 {strides = array<i32>} : memref<40x128xf32, #tpu.memory_space<vmem>>, vector<1x16xf32>,
          %get3A_518 = arith.constant 1 : i32
          %get3A_519 = arith.index_cast %get3A_518 : i32 to index
          %get3A_520 = arith.index_cast %scan3A_429 : i32 to index
          %get3A_521 = arith.constant 80 : index
          %get3A_522 = tpu.vector_load %arg10[%get3A_519, %get3A_520, %get3A_521] {strides = array<i32>} : memref<2x40x128xf32, #tpu.memory_space<vmem>>, vector<1x1x16xf32>,
          %get3A_523 = vector.shape_cast %get3A_522 : vector<1x1x16xf32> to vector<16xf32>
          %get3A_524 = arith.constant 1 : i32
          %get3A_525 = arith.index_cast %get3A_524 : i32 to index
          %get3A_526 = arith.index_cast %scan3A_429 : i32 to index
          %get3A_527 = arith.constant 80 : index
          %get3A_528 = tpu.vector_load %arg11[%get3A_525, %get3A_526, %get3A_527] {strides = array<i32>} : memref<2x40x128xf32, #tpu.memory_space<vmem>>, vector<1x1x16xf32>,
          %get3A_529 = vector.shape_cast %get3A_528 : vector<1x1x16xf32> to vector<16xf32>
          %mul3A_530 = arith.mulf %get3A_523, %get3A_529 : vector<16xf32>
          %swap3A_531 = arith.index_cast %scan3A_429 : i32 to index
          %swap3A_532 = arith.constant 80 : index
          %swap3A_533 = tpu.vector_load %arg12[%swap3A_531, %swap3A_532] {strides = array<i32>} : memref<40x128xf32, #tpu.memory_space<vmem>>, vector<1x16xf32>,
          %swap3A_534 = vector.shape_cast %swap3A_533 : vector<1x16xf32> to vector<16xf32>
          %swap3A_535 = vector.shape_cast %mul3A_530 : vector<16xf32> to vector<1x16xf32>
          tpu.vector_store %arg12[%swap3A_531, %swap3A_532], %swap3A_535 {strides = array<i32>} : memref<40x128xf32, #tpu.memory_space<vmem>>, vector<1x16xf32>,
          %get3A_536 = arith.constant 1 : i32
          %get3A_537 = arith.index_cast %get3A_536 : i32 to index
          %get3A_538 = arith.index_cast %scan3A_429 : i32 to index
          %get3A_539 = arith.constant 96 : index
          %get3A_540 = tpu.vector_load %arg10[%get3A_537, %get3A_538, %get3A_539] {strides = array<i32>} : memref<2x40x128xf32, #tpu.memory_space<vmem>>, vector<1x1x16xf32>,
          %get3A_541 = vector.shape_cast %get3A_540 : vector<1x1x16xf32> to vector<16xf32>
          %get3A_542 = arith.constant 1 : i32
          %get3A_543 = arith.index_cast %get3A_542 : i32 to index
          %get3A_544 = arith.index_cast %scan3A_429 : i32 to index
          %get3A_545 = arith.constant 96 : index
          %get3A_546 = tpu.vector_load %arg11[%get3A_543, %get3A_544, %get3A_545] {strides = array<i32>} : memref<2x40x128xf32, #tpu.memory_space<vmem>>, vector<1x1x16xf32>,
          %get3A_547 = vector.shape_cast %get3A_546 : vector<1x1x16xf32> to vector<16xf32>
          %mul3A_548 = arith.mulf %get3A_541, %get3A_547 : vector<16xf32>
          %swap3A_549 = arith.index_cast %scan3A_429 : i32 to index
          %swap3A_550 = arith.constant 96 : index
          %swap3A_551 = tpu.vector_load %arg12[%swap3A_549, %swap3A_550] {strides = array<i32>} : memref<40x128xf32, #tpu.memory_space<vmem>>, vector<1x16xf32>,
          %swap3A_552 = vector.shape_cast %swap3A_551 : vector<1x16xf32> to vector<16xf32>
          %swap3A_553 = vector.shape_cast %mul3A_548 : vector<16xf32> to vector<1x16xf32>
          tpu.vector_store %arg12[%swap3A_549, %swap3A_550], %swap3A_553 {strides = array<i32>} : memref<40x128xf32, #tpu.memory_space<vmem>>, vector<1x16xf32>,
          %get3A_554 = arith.constant 1 : i32
          %get3A_555 = arith.index_cast %get3A_554 : i32 to index
          %get3A_556 = arith.index_cast %scan3A_429 : i32 to index
          %get3A_557 = arith.constant 112 : index
          %get3A_558 = tpu.vector_load %arg10[%get3A_555, %get3A_556, %get3A_557] {strides = array<i32>} : memref<2x40x128xf32, #tpu.memory_space<vmem>>, vector<1x1x16xf32>,
          %get3A_559 = vector.shape_cast %get3A_558 : vector<1x1x16xf32> to vector<16xf32>
          %get3A_560 = arith.constant 1 : i32
          %get3A_561 = arith.index_cast %get3A_560 : i32 to index
          %get3A_562 = arith.index_cast %scan3A_429 : i32 to index
          %get3A_563 = arith.constant 112 : index
          %get3A_564 = tpu.vector_load %arg11[%get3A_561, %get3A_562, %get3A_563] {strides = array<i32>} : memref<2x40x128xf32, #tpu.memory_space<vmem>>, vector<1x1x16xf32>,
          %get3A_565 = vector.shape_cast %get3A_564 : vector<1x1x16xf32> to vector<16xf32>
          %mul3A_566 = arith.mulf %get3A_559, %get3A_565 : vector<16xf32>
          %swap3A_567 = arith.index_cast %scan3A_429 : i32 to index
          %swap3A_568 = arith.constant 112 : index
          %swap3A_569 = tpu.vector_load %arg12[%swap3A_567, %swap3A_568] {strides = array<i32>} : memref<40x128xf32, #tpu.memory_space<vmem>>, vector<1x16xf32>,
          %swap3A_570 = vector.shape_cast %swap3A_569 : vector<1x16xf32> to vector<16xf32>
          %swap3A_571 = vector.shape_cast %mul3A_566 : vector<16xf32> to vector<1x16xf32>
          tpu.vector_store %arg12[%swap3A_567, %swap3A_568], %swap3A_571 {strides = array<i32>} : memref<40x128xf32, #tpu.memory_space<vmem>>, vector<1x16xf32>,
        }
        %scan3A_414 = arith.constant 40 : i32
        %dma_start3A_415 = arith.constant 1 : i32
        %dma_start3A_416 = arith.constant 0 : i32
        %dma_start3A_417 = tpu.memref_slice %arg7[%dma_start3A_415, %dma_start3A_416] : memref<2x40xi32, #tpu.memory_space<vmem>> -> memref<1x40xi32, #tpu.memory_space<vmem>>
        %dma_start3A_418 = tpu.memref_squeeze %dma_start3A_417 : memref<1x40xi32, #tpu.memory_space<vmem>> -> memref<40xi32, #tpu.memory_space<vmem>>
        %dma_start3A_419 = arith.constant 0 : i32
        %dma_start3A_420 = arith.constant 0 : i32
        %dma_start3A_421 = tpu.memref_slice %arg13[%dma_start3A_419, %dma_start3A_420] : memref<10240x128xf32, #tpu.memory_space<vmem_shared>> -> memref<10240x128xf32, #tpu.memory_space<vmem_shared>>
        tpu.enqueue_indirect_dma source(%arg12 : memref<40x128xf32, #tpu.memory_space<vmem>>) target(%dma_start3A_421 : memref<10240x128xf32, #tpu.memory_space<vmem_shared>>) offsets(%dma_start3A_418 : memref<40xi32, #tpu.memory_space<vmem>>) semaphore(%arg22 : memref<!tpu.dma_semaphore, #tpu.memory_space<semaphore_mem>>) {add = true}
        %add3A_422 = arith.constant 2 : i32
        %add3A_423 = arith.addi %add3A_345, %add3A_422 : i32
        %lt3A_424 = arith.constant 60 : i32
        %lt3A_425 = arith.cmpi slt, %add3A_423, %lt3A_424 : i32
        %convert_element_type3A_426 = arith.extui %lt3A_425 : i1 to i32
        %cond3A_427 = arith.constant 0 : i32
        %cond3A_428 = arith.cmpi ne, %convert_element_type3A_426, %cond3A_427 : i32
        scf.if %cond3A_428 {
          %add3A_429 = arith.constant 2 : i32
          %add3A_430 = arith.addi %add3A_345, %add3A_429 : i32
          %dma_start3A_431 = arith.constant 0 : i32
          %dma_start3A_432 = arith.constant 0 : i32
          %dma_start3A_433 = tpu.memref_slice %arg4[%dma_start3A_431, %add3A, %add3A_430, %dma_start3A_432] : memref<2x32x60x40xi32, #tpu.memory_space<hbm>> -> memref<2x1x1x40xi32, #tpu.memory_space<hbm>>
          %dma_start3A_434 = tpu.memref_squeeze %dma_start3A_433 : memref<2x1x1x40xi32, #tpu.memory_space<hbm>> -> memref<2x40xi32, #tpu.memory_space<hbm>>
          %dma_start3A_435 = arith.constant 0 : i32
          %dma_start3A_436 = arith.constant 0 : i32
          %dma_start3A_437 = tpu.memref_slice %arg4[%dma_start3A_435, %add3A, %add3A_430, %dma_start3A_436] : memref<2x32x60x40xi32, #tpu.memory_space<hbm>> -> memref<2x1x1x40xi32, #tpu.memory_space<hbm>>
          %dma_start3A_438 = tpu.memref_squeeze %dma_start3A_437 : memref<2x1x1x40xi32, #tpu.memory_space<hbm>> -> memref<2x40xi32, #tpu.memory_space<hbm>>
          tpu.enqueue_dma source(%dma_start3A_438 : memref<2x40xi32, #tpu.memory_space<hbm>>) target(%arg9 : memref<2x40xi32, #tpu.memory_space<vmem>>) target_semaphore(%arg21 : memref<!tpu.dma_semaphore, #tpu.memory_space<semaphore_mem>>)
        } else {
        }
      } else {
      }
      %mul3A_351 = arith.constant 4 : i32
      %mul3A_352 = arith.muli %mul3A_351, %scan3A_335 : i32
      %add3A_353 = arith.constant 2 : i32
      %add3A_354 = arith.addi %mul3A_352, %add3A_353 : i32
      %lt3A_355 = arith.constant 60 : i32
      %lt3A_356 = arith.cmpi slt, %add3A_354, %lt3A_355 : i32
      %convert_element_type3A_357 = arith.extui %lt3A_356 : i1 to i32
      %cond3A_358 = arith.constant 0 : i32
      %cond3A_359 = arith.cmpi ne, %convert_element_type3A_357, %cond3A_358 : i32
      scf.if %cond3A_359 {
        %add3A_369 = arith.constant 1 : i32
        %add3A_370 = arith.addi %add3A_354, %add3A_369 : i32
        %lt3A_371 = arith.constant 60 : i32
        %lt3A_372 = arith.cmpi slt, %add3A_370, %lt3A_371 : i32
        %convert_element_type3A_373 = arith.extui %lt3A_372 : i1 to i32
        %cond3A_374 = arith.constant 0 : i32
        %cond3A_375 = arith.cmpi ne, %convert_element_type3A_373, %cond3A_374 : i32
        scf.if %cond3A_375 {
          %add3A_429 = arith.constant 1 : i32
          %add3A_430 = arith.addi %add3A_354, %add3A_429 : i32
          %dma_wait3A_431 = arith.constant 0 : i32
          %dma_wait3A_432 = arith.constant 0 : i32
          %dma_wait3A_433 = tpu.memref_slice %arg4[%dma_wait3A_431, %add3A, %add3A_430, %dma_wait3A_432] : memref<2x32x60x40xi32, #tpu.memory_space<hbm>> -> memref<2x1x1x40xi32, #tpu.memory_space<hbm>>
          %dma_wait3A_434 = tpu.memref_squeeze %dma_wait3A_433 : memref<2x1x1x40xi32, #tpu.memory_space<hbm>> -> memref<2x40xi32, #tpu.memory_space<hbm>>
          %dma_wait3A_435 = arith.constant 0 : i32
          %dma_wait3A_436 = arith.constant 0 : i32
          %dma_wait3A_437 = tpu.memref_slice %arg4[%dma_wait3A_435, %add3A, %add3A_430, %dma_wait3A_436] : memref<2x32x60x40xi32, #tpu.memory_space<hbm>> -> memref<2x1x1x40xi32, #tpu.memory_space<hbm>>
          %dma_wait3A_438 = tpu.memref_squeeze %dma_wait3A_437 : memref<2x1x1x40xi32, #tpu.memory_space<hbm>> -> memref<2x40xi32, #tpu.memory_space<hbm>>
          tpu.wait_dma2 semaphore(%arg21 : memref<!tpu.dma_semaphore, #tpu.memory_space<semaphore_mem>>) src(%dma_wait3A_438 : memref<2x40xi32, #tpu.memory_space<hbm>>) dst(%arg9 : memref<2x40xi32, #tpu.memory_space<vmem>>)
          %add3A_439 = arith.constant 1 : i32
          %add3A_440 = arith.addi %add3A_354, %add3A_439 : i32
          %dma_start3A_441 = arith.constant 0 : i32
          %dma_start3A_442 = arith.constant 1 : i32
          %dma_start3A_443 = arith.constant 0 : i32
          %dma_start3A_444 = arith.constant 0 : i32
          %dma_start3A_445 = tpu.memref_slice %arg10[%dma_start3A_442, %dma_start3A_443, %dma_start3A_444] : memref<2x40x128xf32, #tpu.memory_space<vmem>> -> memref<1x40x128xf32, #tpu.memory_space<vmem>>
          %dma_start3A_446 = tpu.memref_squeeze %dma_start3A_445 : memref<1x40x128xf32, #tpu.memory_space<vmem>> -> memref<40x128xf32, #tpu.memory_space<vmem>>
          %dma_start3A_447 = arith.constant 0 : i32
          %dma_start3A_448 = tpu.memref_slice %arg9[%dma_start3A_441, %dma_start3A_447] : memref<2x40xi32, #tpu.memory_space<vmem>> -> memref<1x40xi32, #tpu.memory_space<vmem>>
          %dma_start3A_449 = tpu.memref_squeeze %dma_start3A_448 : memref<1x40xi32, #tpu.memory_space<vmem>> -> memref<40xi32, #tpu.memory_space<vmem>>
          %dma_start3A_450 = arith.constant 0 : i32
          %dma_start3A_451 = arith.constant 0 : i32
          %dma_start3A_452 = tpu.memref_slice %arg2[%dma_start3A_450, %dma_start3A_451] : memref<10000x128xf32, #tpu.memory_space<hbm>> -> memref<10000x128xf32, #tpu.memory_space<hbm>>
          tpu.enqueue_indirect_dma source(%dma_start3A_452 : memref<10000x128xf32, #tpu.memory_space<hbm>>) target(%dma_start3A_446 : memref<40x128xf32, #tpu.memory_space<vmem>>) offsets(%dma_start3A_449 : memref<40xi32, #tpu.memory_space<vmem>>) semaphore(%arg15 : memref<!tpu.dma_semaphore, #tpu.memory_space<semaphore_mem>>)
          %dma_start3A_453 = arith.constant 1 : i32
          %dma_start3A_454 = arith.constant 0 : i32
          %dma_start3A_455 = arith.constant 0 : i32
          %dma_start3A_456 = tpu.memref_slice %arg11[%dma_start3A_453, %dma_start3A_454, %dma_start3A_455] : memref<2x40x128xf32, #tpu.memory_space<vmem>> -> memref<1x40x128xf32, #tpu.memory_space<vmem>>
          %dma_start3A_457 = tpu.memref_squeeze %dma_start3A_456 : memref<1x40x128xf32, #tpu.memory_space<vmem>> -> memref<40x128xf32, #tpu.memory_space<vmem>>
          %dma_start3A_458 = arith.constant 0 : i32
          %dma_start3A_459 = arith.constant 0 : i32
          %dma_start3A_460 = tpu.memref_slice %arg3[%add3A, %add3A_440, %dma_start3A_458, %dma_start3A_459] : memref<32x60x40x128xf32, #tpu.memory_space<hbm>> -> memref<1x1x40x128xf32, #tpu.memory_space<hbm>>
          %dma_start3A_461 = tpu.memref_squeeze %dma_start3A_460 : memref<1x1x40x128xf32, #tpu.memory_space<hbm>> -> memref<40x128xf32, #tpu.memory_space<hbm>>
          %dma_start3A_462 = arith.constant 0 : i32
          %dma_start3A_463 = arith.constant 0 : i32
          %dma_start3A_464 = tpu.memref_slice %arg11[%dma_start3A_453, %dma_start3A_462, %dma_start3A_463] : memref<2x40x128xf32, #tpu.memory_space<vmem>> -> memref<1x40x128xf32, #tpu.memory_space<vmem>>
          %dma_start3A_465 = tpu.memref_squeeze %dma_start3A_464 : memref<1x40x128xf32, #tpu.memory_space<vmem>> -> memref<40x128xf32, #tpu.memory_space<vmem>>
          %dma_start3A_466 = arith.constant 0 : i32
          %dma_start3A_467 = arith.constant 0 : i32
          %dma_start3A_468 = tpu.memref_slice %arg3[%add3A, %add3A_440, %dma_start3A_466, %dma_start3A_467] : memref<32x60x40x128xf32, #tpu.memory_space<hbm>> -> memref<1x1x40x128xf32, #tpu.memory_space<hbm>>
          %dma_start3A_469 = tpu.memref_squeeze %dma_start3A_468 : memref<1x1x40x128xf32, #tpu.memory_space<hbm>> -> memref<40x128xf32, #tpu.memory_space<hbm>>
          tpu.enqueue_dma source(%dma_start3A_469 : memref<40x128xf32, #tpu.memory_space<hbm>>) target(%dma_start3A_465 : memref<40x128xf32, #tpu.memory_space<vmem>>) target_semaphore(%arg17 : memref<!tpu.dma_semaphore, #tpu.memory_space<semaphore_mem>>)
        } else {
        }
        %dma_wait3A_376 = arith.constant 0 : i32
        %dma_wait3A_377 = arith.constant 0 : i32
        %dma_wait3A_378 = arith.constant 0 : i32
        %dma_wait3A_379 = arith.constant 0 : i32
        %dma_wait3A_380 = tpu.memref_slice %arg10[%dma_wait3A_377, %dma_wait3A_378, %dma_wait3A_379] : memref<2x40x128xf32, #tpu.memory_space<vmem>> -> memref<1x40x128xf32, #tpu.memory_space<vmem>>
        %dma_wait3A_381 = tpu.memref_squeeze %dma_wait3A_380 : memref<1x40x128xf32, #tpu.memory_space<vmem>> -> memref<40x128xf32, #tpu.memory_space<vmem>>
        %dma_wait3A_382 = arith.constant 0 : i32
        %dma_wait3A_383 = tpu.memref_slice %arg8[%dma_wait3A_376, %dma_wait3A_382] : memref<2x40xi32, #tpu.memory_space<vmem>> -> memref<1x40xi32, #tpu.memory_space<vmem>>
        %dma_wait3A_384 = tpu.memref_squeeze %dma_wait3A_383 : memref<1x40xi32, #tpu.memory_space<vmem>> -> memref<40xi32, #tpu.memory_space<vmem>>
        %dma_wait3A_385 = arith.constant 0 : i32
        %dma_wait3A_386 = arith.constant 0 : i32
        %dma_wait3A_387 = tpu.memref_slice %arg2[%dma_wait3A_385, %dma_wait3A_386] : memref<10000x128xf32, #tpu.memory_space<hbm>> -> memref<10000x128xf32, #tpu.memory_space<hbm>>
        tpu.wait_indirect_dma semaphore(%arg14 : memref<!tpu.dma_semaphore, #tpu.memory_space<semaphore_mem>>) src(%dma_wait3A_387 : memref<10000x128xf32, #tpu.memory_space<hbm>>) dst(%dma_wait3A_381 : memref<40x128xf32, #tpu.memory_space<vmem>>)
        %dma_wait3A_388 = arith.constant 0 : i32
        %dma_wait3A_389 = arith.constant 0 : i32
        %dma_wait3A_390 = arith.constant 0 : i32
        %dma_wait3A_391 = tpu.memref_slice %arg11[%dma_wait3A_388, %dma_wait3A_389, %dma_wait3A_390] : memref<2x40x128xf32, #tpu.memory_space<vmem>> -> memref<1x40x128xf32, #tpu.memory_space<vmem>>
        %dma_wait3A_392 = tpu.memref_squeeze %dma_wait3A_391 : memref<1x40x128xf32, #tpu.memory_space<vmem>> -> memref<40x128xf32, #tpu.memory_space<vmem>>
        %dma_wait3A_393 = arith.constant 0 : i32
        %dma_wait3A_394 = arith.constant 0 : i32
        %dma_wait3A_395 = tpu.memref_slice %arg3[%add3A, %add3A_354, %dma_wait3A_393, %dma_wait3A_394] : memref<32x60x40x128xf32, #tpu.memory_space<hbm>> -> memref<1x1x40x128xf32, #tpu.memory_space<hbm>>
        %dma_wait3A_396 = tpu.memref_squeeze %dma_wait3A_395 : memref<1x1x40x128xf32, #tpu.memory_space<hbm>> -> memref<40x128xf32, #tpu.memory_space<hbm>>
        %dma_wait3A_397 = arith.constant 0 : i32
        %dma_wait3A_398 = arith.constant 0 : i32
        %dma_wait3A_399 = tpu.memref_slice %arg11[%dma_wait3A_388, %dma_wait3A_397, %dma_wait3A_398] : memref<2x40x128xf32, #tpu.memory_space<vmem>> -> memref<1x40x128xf32, #tpu.memory_space<vmem>>
        %dma_wait3A_400 = tpu.memref_squeeze %dma_wait3A_399 : memref<1x40x128xf32, #tpu.memory_space<vmem>> -> memref<40x128xf32, #tpu.memory_space<vmem>>
        %dma_wait3A_401 = arith.constant 0 : i32
        %dma_wait3A_402 = arith.constant 0 : i32
        %dma_wait3A_403 = tpu.memref_slice %arg3[%add3A, %add3A_354, %dma_wait3A_401, %dma_wait3A_402] : memref<32x60x40x128xf32, #tpu.memory_space<hbm>> -> memref<1x1x40x128xf32, #tpu.memory_space<hbm>>
        %dma_wait3A_404 = tpu.memref_squeeze %dma_wait3A_403 : memref<1x1x40x128xf32, #tpu.memory_space<hbm>> -> memref<40x128xf32, #tpu.memory_space<hbm>>
        tpu.wait_dma2 semaphore(%arg16 : memref<!tpu.dma_semaphore, #tpu.memory_space<semaphore_mem>>) src(%dma_wait3A_404 : memref<40x128xf32, #tpu.memory_space<hbm>>) dst(%dma_wait3A_400 : memref<40x128xf32, #tpu.memory_space<vmem>>)
        %ge3A = arith.constant 1 : i32
        %ge3A_405 = arith.cmpi sge, %add3A_354, %ge3A : i32
        %convert_element_type3A_406 = arith.extui %ge3A_405 : i1 to i32
        %cond3A_407 = arith.constant 0 : i32
        %cond3A_408 = arith.cmpi ne, %convert_element_type3A_406, %cond3A_407 : i32
        scf.if %cond3A_408 {
          %dma_wait3A_429 = arith.constant 1 : i32
          %dma_wait3A_430 = arith.constant 0 : i32
          %dma_wait3A_431 = tpu.memref_slice %arg7[%dma_wait3A_429, %dma_wait3A_430] : memref<2x40xi32, #tpu.memory_space<vmem>> -> memref<1x40xi32, #tpu.memory_space<vmem>>
          %dma_wait3A_432 = tpu.memref_squeeze %dma_wait3A_431 : memref<1x40xi32, #tpu.memory_space<vmem>> -> memref<40xi32, #tpu.memory_space<vmem>>
          %dma_wait3A_433 = arith.constant 0 : i32
          %dma_wait3A_434 = arith.constant 0 : i32
          %dma_wait3A_435 = tpu.memref_slice %arg13[%dma_wait3A_433, %dma_wait3A_434] : memref<10240x128xf32, #tpu.memory_space<vmem_shared>> -> memref<10240x128xf32, #tpu.memory_space<vmem_shared>>
          tpu.wait_indirect_dma semaphore(%arg22 : memref<!tpu.dma_semaphore, #tpu.memory_space<semaphore_mem>>) src(%arg12 : memref<40x128xf32, #tpu.memory_space<vmem>>) dst(%dma_wait3A_435 : memref<10240x128xf32, #tpu.memory_space<vmem_shared>>)
        } else {
        }
        %scan3A_409 = arith.constant 0 : i32
        %scan3A_410 = arith.constant 0 : i32
        %scan3A_411 = arith.constant 40 : i32
        %scan3A_412 = arith.addi %scan3A_410, %scan3A_411 : i32
        %scan3A_413 = arith.constant 1 : i32
        scf.for %scan3A_429 = %scan3A_410 to %scan3A_412 step %scan3A_413  : i32 {
          %get3A = arith.constant 0 : i32
          %get3A_430 = arith.index_cast %get3A : i32 to index
          %get3A_431 = arith.index_cast %scan3A_429 : i32 to index
          %get3A_432 = arith.constant 0 : index
          %get3A_433 = tpu.vector_load %arg10[%get3A_430, %get3A_431, %get3A_432] {strides = array<i32>} : memref<2x40x128xf32, #tpu.memory_space<vmem>>, vector<1x1x16xf32>,
          %get3A_434 = vector.shape_cast %get3A_433 : vector<1x1x16xf32> to vector<16xf32>
          %get3A_435 = arith.constant 0 : i32
          %get3A_436 = arith.index_cast %get3A_435 : i32 to index
          %get3A_437 = arith.index_cast %scan3A_429 : i32 to index
          %get3A_438 = arith.constant 0 : index
          %get3A_439 = tpu.vector_load %arg11[%get3A_436, %get3A_437, %get3A_438] {strides = array<i32>} : memref<2x40x128xf32, #tpu.memory_space<vmem>>, vector<1x1x16xf32>,
          %get3A_440 = vector.shape_cast %get3A_439 : vector<1x1x16xf32> to vector<16xf32>
          %mul3A_441 = arith.mulf %get3A_434, %get3A_440 : vector<16xf32>
          %swap3A = arith.index_cast %scan3A_429 : i32 to index
          %swap3A_442 = arith.constant 0 : index
          %swap3A_443 = tpu.vector_load %arg12[%swap3A, %swap3A_442] {strides = array<i32>} : memref<40x128xf32, #tpu.memory_space<vmem>>, vector<1x16xf32>,
          %swap3A_444 = vector.shape_cast %swap3A_443 : vector<1x16xf32> to vector<16xf32>
          %swap3A_445 = vector.shape_cast %mul3A_441 : vector<16xf32> to vector<1x16xf32>
          tpu.vector_store %arg12[%swap3A, %swap3A_442], %swap3A_445 {strides = array<i32>} : memref<40x128xf32, #tpu.memory_space<vmem>>, vector<1x16xf32>,
          %get3A_446 = arith.constant 0 : i32
          %get3A_447 = arith.index_cast %get3A_446 : i32 to index
          %get3A_448 = arith.index_cast %scan3A_429 : i32 to index
          %get3A_449 = arith.constant 16 : index
          %get3A_450 = tpu.vector_load %arg10[%get3A_447, %get3A_448, %get3A_449] {strides = array<i32>} : memref<2x40x128xf32, #tpu.memory_space<vmem>>, vector<1x1x16xf32>,
          %get3A_451 = vector.shape_cast %get3A_450 : vector<1x1x16xf32> to vector<16xf32>
          %get3A_452 = arith.constant 0 : i32
          %get3A_453 = arith.index_cast %get3A_452 : i32 to index
          %get3A_454 = arith.index_cast %scan3A_429 : i32 to index
          %get3A_455 = arith.constant 16 : index
          %get3A_456 = tpu.vector_load %arg11[%get3A_453, %get3A_454, %get3A_455] {strides = array<i32>} : memref<2x40x128xf32, #tpu.memory_space<vmem>>, vector<1x1x16xf32>,
          %get3A_457 = vector.shape_cast %get3A_456 : vector<1x1x16xf32> to vector<16xf32>
          %mul3A_458 = arith.mulf %get3A_451, %get3A_457 : vector<16xf32>
          %swap3A_459 = arith.index_cast %scan3A_429 : i32 to index
          %swap3A_460 = arith.constant 16 : index
          %swap3A_461 = tpu.vector_load %arg12[%swap3A_459, %swap3A_460] {strides = array<i32>} : memref<40x128xf32, #tpu.memory_space<vmem>>, vector<1x16xf32>,
          %swap3A_462 = vector.shape_cast %swap3A_461 : vector<1x16xf32> to vector<16xf32>
          %swap3A_463 = vector.shape_cast %mul3A_458 : vector<16xf32> to vector<1x16xf32>
          tpu.vector_store %arg12[%swap3A_459, %swap3A_460], %swap3A_463 {strides = array<i32>} : memref<40x128xf32, #tpu.memory_space<vmem>>, vector<1x16xf32>,
          %get3A_464 = arith.constant 0 : i32
          %get3A_465 = arith.index_cast %get3A_464 : i32 to index
          %get3A_466 = arith.index_cast %scan3A_429 : i32 to index
          %get3A_467 = arith.constant 32 : index
          %get3A_468 = tpu.vector_load %arg10[%get3A_465, %get3A_466, %get3A_467] {strides = array<i32>} : memref<2x40x128xf32, #tpu.memory_space<vmem>>, vector<1x1x16xf32>,
          %get3A_469 = vector.shape_cast %get3A_468 : vector<1x1x16xf32> to vector<16xf32>
          %get3A_470 = arith.constant 0 : i32
          %get3A_471 = arith.index_cast %get3A_470 : i32 to index
          %get3A_472 = arith.index_cast %scan3A_429 : i32 to index
          %get3A_473 = arith.constant 32 : index
          %get3A_474 = tpu.vector_load %arg11[%get3A_471, %get3A_472, %get3A_473] {strides = array<i32>} : memref<2x40x128xf32, #tpu.memory_space<vmem>>, vector<1x1x16xf32>,
          %get3A_475 = vector.shape_cast %get3A_474 : vector<1x1x16xf32> to vector<16xf32>
          %mul3A_476 = arith.mulf %get3A_469, %get3A_475 : vector<16xf32>
          %swap3A_477 = arith.index_cast %scan3A_429 : i32 to index
          %swap3A_478 = arith.constant 32 : index
          %swap3A_479 = tpu.vector_load %arg12[%swap3A_477, %swap3A_478] {strides = array<i32>} : memref<40x128xf32, #tpu.memory_space<vmem>>, vector<1x16xf32>,
          %swap3A_480 = vector.shape_cast %swap3A_479 : vector<1x16xf32> to vector<16xf32>
          %swap3A_481 = vector.shape_cast %mul3A_476 : vector<16xf32> to vector<1x16xf32>
          tpu.vector_store %arg12[%swap3A_477, %swap3A_478], %swap3A_481 {strides = array<i32>} : memref<40x128xf32, #tpu.memory_space<vmem>>, vector<1x16xf32>,
          %get3A_482 = arith.constant 0 : i32
          %get3A_483 = arith.index_cast %get3A_482 : i32 to index
          %get3A_484 = arith.index_cast %scan3A_429 : i32 to index
          %get3A_485 = arith.constant 48 : index
          %get3A_486 = tpu.vector_load %arg10[%get3A_483, %get3A_484, %get3A_485] {strides = array<i32>} : memref<2x40x128xf32, #tpu.memory_space<vmem>>, vector<1x1x16xf32>,
          %get3A_487 = vector.shape_cast %get3A_486 : vector<1x1x16xf32> to vector<16xf32>
          %get3A_488 = arith.constant 0 : i32
          %get3A_489 = arith.index_cast %get3A_488 : i32 to index
          %get3A_490 = arith.index_cast %scan3A_429 : i32 to index
          %get3A_491 = arith.constant 48 : index
          %get3A_492 = tpu.vector_load %arg11[%get3A_489, %get3A_490, %get3A_491] {strides = array<i32>} : memref<2x40x128xf32, #tpu.memory_space<vmem>>, vector<1x1x16xf32>,
          %get3A_493 = vector.shape_cast %get3A_492 : vector<1x1x16xf32> to vector<16xf32>
          %mul3A_494 = arith.mulf %get3A_487, %get3A_493 : vector<16xf32>
          %swap3A_495 = arith.index_cast %scan3A_429 : i32 to index
          %swap3A_496 = arith.constant 48 : index
          %swap3A_497 = tpu.vector_load %arg12[%swap3A_495, %swap3A_496] {strides = array<i32>} : memref<40x128xf32, #tpu.memory_space<vmem>>, vector<1x16xf32>,
          %swap3A_498 = vector.shape_cast %swap3A_497 : vector<1x16xf32> to vector<16xf32>
          %swap3A_499 = vector.shape_cast %mul3A_494 : vector<16xf32> to vector<1x16xf32>
          tpu.vector_store %arg12[%swap3A_495, %swap3A_496], %swap3A_499 {strides = array<i32>} : memref<40x128xf32, #tpu.memory_space<vmem>>, vector<1x16xf32>,
          %get3A_500 = arith.constant 0 : i32
          %get3A_501 = arith.index_cast %get3A_500 : i32 to index
          %get3A_502 = arith.index_cast %scan3A_429 : i32 to index
          %get3A_503 = arith.constant 64 : index
          %get3A_504 = tpu.vector_load %arg10[%get3A_501, %get3A_502, %get3A_503] {strides = array<i32>} : memref<2x40x128xf32, #tpu.memory_space<vmem>>, vector<1x1x16xf32>,
          %get3A_505 = vector.shape_cast %get3A_504 : vector<1x1x16xf32> to vector<16xf32>
          %get3A_506 = arith.constant 0 : i32
          %get3A_507 = arith.index_cast %get3A_506 : i32 to index
          %get3A_508 = arith.index_cast %scan3A_429 : i32 to index
          %get3A_509 = arith.constant 64 : index
          %get3A_510 = tpu.vector_load %arg11[%get3A_507, %get3A_508, %get3A_509] {strides = array<i32>} : memref<2x40x128xf32, #tpu.memory_space<vmem>>, vector<1x1x16xf32>,
          %get3A_511 = vector.shape_cast %get3A_510 : vector<1x1x16xf32> to vector<16xf32>
          %mul3A_512 = arith.mulf %get3A_505, %get3A_511 : vector<16xf32>
          %swap3A_513 = arith.index_cast %scan3A_429 : i32 to index
          %swap3A_514 = arith.constant 64 : index
          %swap3A_515 = tpu.vector_load %arg12[%swap3A_513, %swap3A_514] {strides = array<i32>} : memref<40x128xf32, #tpu.memory_space<vmem>>, vector<1x16xf32>,
          %swap3A_516 = vector.shape_cast %swap3A_515 : vector<1x16xf32> to vector<16xf32>
          %swap3A_517 = vector.shape_cast %mul3A_512 : vector<16xf32> to vector<1x16xf32>
          tpu.vector_store %arg12[%swap3A_513, %swap3A_514], %swap3A_517 {strides = array<i32>} : memref<40x128xf32, #tpu.memory_space<vmem>>, vector<1x16xf32>,
          %get3A_518 = arith.constant 0 : i32
          %get3A_519 = arith.index_cast %get3A_518 : i32 to index
          %get3A_520 = arith.index_cast %scan3A_429 : i32 to index
          %get3A_521 = arith.constant 80 : index
          %get3A_522 = tpu.vector_load %arg10[%get3A_519, %get3A_520, %get3A_521] {strides = array<i32>} : memref<2x40x128xf32, #tpu.memory_space<vmem>>, vector<1x1x16xf32>,
          %get3A_523 = vector.shape_cast %get3A_522 : vector<1x1x16xf32> to vector<16xf32>
          %get3A_524 = arith.constant 0 : i32
          %get3A_525 = arith.index_cast %get3A_524 : i32 to index
          %get3A_526 = arith.index_cast %scan3A_429 : i32 to index
          %get3A_527 = arith.constant 80 : index
          %get3A_528 = tpu.vector_load %arg11[%get3A_525, %get3A_526, %get3A_527] {strides = array<i32>} : memref<2x40x128xf32, #tpu.memory_space<vmem>>, vector<1x1x16xf32>,
          %get3A_529 = vector.shape_cast %get3A_528 : vector<1x1x16xf32> to vector<16xf32>
          %mul3A_530 = arith.mulf %get3A_523, %get3A_529 : vector<16xf32>
          %swap3A_531 = arith.index_cast %scan3A_429 : i32 to index
          %swap3A_532 = arith.constant 80 : index
          %swap3A_533 = tpu.vector_load %arg12[%swap3A_531, %swap3A_532] {strides = array<i32>} : memref<40x128xf32, #tpu.memory_space<vmem>>, vector<1x16xf32>,
          %swap3A_534 = vector.shape_cast %swap3A_533 : vector<1x16xf32> to vector<16xf32>
          %swap3A_535 = vector.shape_cast %mul3A_530 : vector<16xf32> to vector<1x16xf32>
          tpu.vector_store %arg12[%swap3A_531, %swap3A_532], %swap3A_535 {strides = array<i32>} : memref<40x128xf32, #tpu.memory_space<vmem>>, vector<1x16xf32>,
          %get3A_536 = arith.constant 0 : i32
          %get3A_537 = arith.index_cast %get3A_536 : i32 to index
          %get3A_538 = arith.index_cast %scan3A_429 : i32 to index
          %get3A_539 = arith.constant 96 : index
          %get3A_540 = tpu.vector_load %arg10[%get3A_537, %get3A_538, %get3A_539] {strides = array<i32>} : memref<2x40x128xf32, #tpu.memory_space<vmem>>, vector<1x1x16xf32>,
          %get3A_541 = vector.shape_cast %get3A_540 : vector<1x1x16xf32> to vector<16xf32>
          %get3A_542 = arith.constant 0 : i32
          %get3A_543 = arith.index_cast %get3A_542 : i32 to index
          %get3A_544 = arith.index_cast %scan3A_429 : i32 to index
          %get3A_545 = arith.constant 96 : index
          %get3A_546 = tpu.vector_load %arg11[%get3A_543, %get3A_544, %get3A_545] {strides = array<i32>} : memref<2x40x128xf32, #tpu.memory_space<vmem>>, vector<1x1x16xf32>,
          %get3A_547 = vector.shape_cast %get3A_546 : vector<1x1x16xf32> to vector<16xf32>
          %mul3A_548 = arith.mulf %get3A_541, %get3A_547 : vector<16xf32>
          %swap3A_549 = arith.index_cast %scan3A_429 : i32 to index
          %swap3A_550 = arith.constant 96 : index
          %swap3A_551 = tpu.vector_load %arg12[%swap3A_549, %swap3A_550] {strides = array<i32>} : memref<40x128xf32, #tpu.memory_space<vmem>>, vector<1x16xf32>,
          %swap3A_552 = vector.shape_cast %swap3A_551 : vector<1x16xf32> to vector<16xf32>
          %swap3A_553 = vector.shape_cast %mul3A_548 : vector<16xf32> to vector<1x16xf32>
          tpu.vector_store %arg12[%swap3A_549, %swap3A_550], %swap3A_553 {strides = array<i32>} : memref<40x128xf32, #tpu.memory_space<vmem>>, vector<1x16xf32>,
          %get3A_554 = arith.constant 0 : i32
          %get3A_555 = arith.index_cast %get3A_554 : i32 to index
          %get3A_556 = arith.index_cast %scan3A_429 : i32 to index
          %get3A_557 = arith.constant 112 : index
          %get3A_558 = tpu.vector_load %arg10[%get3A_555, %get3A_556, %get3A_557] {strides = array<i32>} : memref<2x40x128xf32, #tpu.memory_space<vmem>>, vector<1x1x16xf32>,
          %get3A_559 = vector.shape_cast %get3A_558 : vector<1x1x16xf32> to vector<16xf32>
          %get3A_560 = arith.constant 0 : i32
          %get3A_561 = arith.index_cast %get3A_560 : i32 to index
          %get3A_562 = arith.index_cast %scan3A_429 : i32 to index
          %get3A_563 = arith.constant 112 : index
          %get3A_564 = tpu.vector_load %arg11[%get3A_561, %get3A_562, %get3A_563] {strides = array<i32>} : memref<2x40x128xf32, #tpu.memory_space<vmem>>, vector<1x1x16xf32>,
          %get3A_565 = vector.shape_cast %get3A_564 : vector<1x1x16xf32> to vector<16xf32>
          %mul3A_566 = arith.mulf %get3A_559, %get3A_565 : vector<16xf32>
          %swap3A_567 = arith.index_cast %scan3A_429 : i32 to index
          %swap3A_568 = arith.constant 112 : index
          %swap3A_569 = tpu.vector_load %arg12[%swap3A_567, %swap3A_568] {strides = array<i32>} : memref<40x128xf32, #tpu.memory_space<vmem>>, vector<1x16xf32>,
          %swap3A_570 = vector.shape_cast %swap3A_569 : vector<1x16xf32> to vector<16xf32>
          %swap3A_571 = vector.shape_cast %mul3A_566 : vector<16xf32> to vector<1x16xf32>
          tpu.vector_store %arg12[%swap3A_567, %swap3A_568], %swap3A_571 {strides = array<i32>} : memref<40x128xf32, #tpu.memory_space<vmem>>, vector<1x16xf32>,
        }
        %scan3A_414 = arith.constant 40 : i32
        %dma_start3A_415 = arith.constant 1 : i32
        %dma_start3A_416 = arith.constant 0 : i32
        %dma_start3A_417 = tpu.memref_slice %arg8[%dma_start3A_415, %dma_start3A_416] : memref<2x40xi32, #tpu.memory_space<vmem>> -> memref<1x40xi32, #tpu.memory_space<vmem>>
        %dma_start3A_418 = tpu.memref_squeeze %dma_start3A_417 : memref<1x40xi32, #tpu.memory_space<vmem>> -> memref<40xi32, #tpu.memory_space<vmem>>
        %dma_start3A_419 = arith.constant 0 : i32
        %dma_start3A_420 = arith.constant 0 : i32
        %dma_start3A_421 = tpu.memref_slice %arg13[%dma_start3A_419, %dma_start3A_420] : memref<10240x128xf32, #tpu.memory_space<vmem_shared>> -> memref<10240x128xf32, #tpu.memory_space<vmem_shared>>
        tpu.enqueue_indirect_dma source(%arg12 : memref<40x128xf32, #tpu.memory_space<vmem>>) target(%dma_start3A_421 : memref<10240x128xf32, #tpu.memory_space<vmem_shared>>) offsets(%dma_start3A_418 : memref<40xi32, #tpu.memory_space<vmem>>) semaphore(%arg22 : memref<!tpu.dma_semaphore, #tpu.memory_space<semaphore_mem>>) {add = true}
        %add3A_422 = arith.constant 2 : i32
        %add3A_423 = arith.addi %add3A_354, %add3A_422 : i32
        %lt3A_424 = arith.constant 60 : i32
        %lt3A_425 = arith.cmpi slt, %add3A_423, %lt3A_424 : i32
        %convert_element_type3A_426 = arith.extui %lt3A_425 : i1 to i32
        %cond3A_427 = arith.constant 0 : i32
        %cond3A_428 = arith.cmpi ne, %convert_element_type3A_426, %cond3A_427 : i32
        scf.if %cond3A_428 {
          %add3A_429 = arith.constant 2 : i32
          %add3A_430 = arith.addi %add3A_354, %add3A_429 : i32
          %dma_start3A_431 = arith.constant 0 : i32
          %dma_start3A_432 = arith.constant 0 : i32
          %dma_start3A_433 = tpu.memref_slice %arg4[%dma_start3A_431, %add3A, %add3A_430, %dma_start3A_432] : memref<2x32x60x40xi32, #tpu.memory_space<hbm>> -> memref<2x1x1x40xi32, #tpu.memory_space<hbm>>
          %dma_start3A_434 = tpu.memref_squeeze %dma_start3A_433 : memref<2x1x1x40xi32, #tpu.memory_space<hbm>> -> memref<2x40xi32, #tpu.memory_space<hbm>>
          %dma_start3A_435 = arith.constant 0 : i32
          %dma_start3A_436 = arith.constant 0 : i32
          %dma_start3A_437 = tpu.memref_slice %arg4[%dma_start3A_435, %add3A, %add3A_430, %dma_start3A_436] : memref<2x32x60x40xi32, #tpu.memory_space<hbm>> -> memref<2x1x1x40xi32, #tpu.memory_space<hbm>>
          %dma_start3A_438 = tpu.memref_squeeze %dma_start3A_437 : memref<2x1x1x40xi32, #tpu.memory_space<hbm>> -> memref<2x40xi32, #tpu.memory_space<hbm>>
          tpu.enqueue_dma source(%dma_start3A_438 : memref<2x40xi32, #tpu.memory_space<hbm>>) target(%arg6 : memref<2x40xi32, #tpu.memory_space<vmem>>) target_semaphore(%arg18 : memref<!tpu.dma_semaphore, #tpu.memory_space<semaphore_mem>>)
        } else {
        }
      } else {
      }
      %mul3A_360 = arith.constant 4 : i32
      %mul3A_361 = arith.muli %mul3A_360, %scan3A_335 : i32
      %add3A_362 = arith.constant 3 : i32
      %add3A_363 = arith.addi %mul3A_361, %add3A_362 : i32
      %lt3A_364 = arith.constant 60 : i32
      %lt3A_365 = arith.cmpi slt, %add3A_363, %lt3A_364 : i32
      %convert_element_type3A_366 = arith.extui %lt3A_365 : i1 to i32
      %cond3A_367 = arith.constant 0 : i32
      %cond3A_368 = arith.cmpi ne, %convert_element_type3A_366, %cond3A_367 : i32
      scf.if %cond3A_368 {
        %add3A_369 = arith.constant 1 : i32
        %add3A_370 = arith.addi %add3A_363, %add3A_369 : i32
        %lt3A_371 = arith.constant 60 : i32
        %lt3A_372 = arith.cmpi slt, %add3A_370, %lt3A_371 : i32
        %convert_element_type3A_373 = arith.extui %lt3A_372 : i1 to i32
        %cond3A_374 = arith.constant 0 : i32
        %cond3A_375 = arith.cmpi ne, %convert_element_type3A_373, %cond3A_374 : i32
        scf.if %cond3A_375 {
          %add3A_429 = arith.constant 1 : i32
          %add3A_430 = arith.addi %add3A_363, %add3A_429 : i32
          %dma_wait3A_431 = arith.constant 0 : i32
          %dma_wait3A_432 = arith.constant 0 : i32
          %dma_wait3A_433 = tpu.memref_slice %arg4[%dma_wait3A_431, %add3A, %add3A_430, %dma_wait3A_432] : memref<2x32x60x40xi32, #tpu.memory_space<hbm>> -> memref<2x1x1x40xi32, #tpu.memory_space<hbm>>
          %dma_wait3A_434 = tpu.memref_squeeze %dma_wait3A_433 : memref<2x1x1x40xi32, #tpu.memory_space<hbm>> -> memref<2x40xi32, #tpu.memory_space<hbm>>
          %dma_wait3A_435 = arith.constant 0 : i32
          %dma_wait3A_436 = arith.constant 0 : i32
          %dma_wait3A_437 = tpu.memref_slice %arg4[%dma_wait3A_435, %add3A, %add3A_430, %dma_wait3A_436] : memref<2x32x60x40xi32, #tpu.memory_space<hbm>> -> memref<2x1x1x40xi32, #tpu.memory_space<hbm>>
          %dma_wait3A_438 = tpu.memref_squeeze %dma_wait3A_437 : memref<2x1x1x40xi32, #tpu.memory_space<hbm>> -> memref<2x40xi32, #tpu.memory_space<hbm>>
          tpu.wait_dma2 semaphore(%arg18 : memref<!tpu.dma_semaphore, #tpu.memory_space<semaphore_mem>>) src(%dma_wait3A_438 : memref<2x40xi32, #tpu.memory_space<hbm>>) dst(%arg6 : memref<2x40xi32, #tpu.memory_space<vmem>>)
          %add3A_439 = arith.constant 1 : i32
          %add3A_440 = arith.addi %add3A_363, %add3A_439 : i32
          %dma_start3A_441 = arith.constant 0 : i32
          %dma_start3A_442 = arith.constant 0 : i32
          %dma_start3A_443 = arith.constant 0 : i32
          %dma_start3A_444 = arith.constant 0 : i32
          %dma_start3A_445 = tpu.memref_slice %arg10[%dma_start3A_442, %dma_start3A_443, %dma_start3A_444] : memref<2x40x128xf32, #tpu.memory_space<vmem>> -> memref<1x40x128xf32, #tpu.memory_space<vmem>>
          %dma_start3A_446 = tpu.memref_squeeze %dma_start3A_445 : memref<1x40x128xf32, #tpu.memory_space<vmem>> -> memref<40x128xf32, #tpu.memory_space<vmem>>
          %dma_start3A_447 = arith.constant 0 : i32
          %dma_start3A_448 = tpu.memref_slice %arg6[%dma_start3A_441, %dma_start3A_447] : memref<2x40xi32, #tpu.memory_space<vmem>> -> memref<1x40xi32, #tpu.memory_space<vmem>>
          %dma_start3A_449 = tpu.memref_squeeze %dma_start3A_448 : memref<1x40xi32, #tpu.memory_space<vmem>> -> memref<40xi32, #tpu.memory_space<vmem>>
          %dma_start3A_450 = arith.constant 0 : i32
          %dma_start3A_451 = arith.constant 0 : i32
          %dma_start3A_452 = tpu.memref_slice %arg2[%dma_start3A_450, %dma_start3A_451] : memref<10000x128xf32, #tpu.memory_space<hbm>> -> memref<10000x128xf32, #tpu.memory_space<hbm>>
          tpu.enqueue_indirect_dma source(%dma_start3A_452 : memref<10000x128xf32, #tpu.memory_space<hbm>>) target(%dma_start3A_446 : memref<40x128xf32, #tpu.memory_space<vmem>>) offsets(%dma_start3A_449 : memref<40xi32, #tpu.memory_space<vmem>>) semaphore(%arg14 : memref<!tpu.dma_semaphore, #tpu.memory_space<semaphore_mem>>)
          %dma_start3A_453 = arith.constant 0 : i32
          %dma_start3A_454 = arith.constant 0 : i32
          %dma_start3A_455 = arith.constant 0 : i32
          %dma_start3A_456 = tpu.memref_slice %arg11[%dma_start3A_453, %dma_start3A_454, %dma_start3A_455] : memref<2x40x128xf32, #tpu.memory_space<vmem>> -> memref<1x40x128xf32, #tpu.memory_space<vmem>>
          %dma_start3A_457 = tpu.memref_squeeze %dma_start3A_456 : memref<1x40x128xf32, #tpu.memory_space<vmem>> -> memref<40x128xf32, #tpu.memory_space<vmem>>
          %dma_start3A_458 = arith.constant 0 : i32
          %dma_start3A_459 = arith.constant 0 : i32
          %dma_start3A_460 = tpu.memref_slice %arg3[%add3A, %add3A_440, %dma_start3A_458, %dma_start3A_459] : memref<32x60x40x128xf32, #tpu.memory_space<hbm>> -> memref<1x1x40x128xf32, #tpu.memory_space<hbm>>
          %dma_start3A_461 = tpu.memref_squeeze %dma_start3A_460 : memref<1x1x40x128xf32, #tpu.memory_space<hbm>> -> memref<40x128xf32, #tpu.memory_space<hbm>>
          %dma_start3A_462 = arith.constant 0 : i32
          %dma_start3A_463 = arith.constant 0 : i32
          %dma_start3A_464 = tpu.memref_slice %arg11[%dma_start3A_453, %dma_start3A_462, %dma_start3A_463] : memref<2x40x128xf32, #tpu.memory_space<vmem>> -> memref<1x40x128xf32, #tpu.memory_space<vmem>>
          %dma_start3A_465 = tpu.memref_squeeze %dma_start3A_464 : memref<1x40x128xf32, #tpu.memory_space<vmem>> -> memref<40x128xf32, #tpu.memory_space<vmem>>
          %dma_start3A_466 = arith.constant 0 : i32
          %dma_start3A_467 = arith.constant 0 : i32
          %dma_start3A_468 = tpu.memref_slice %arg3[%add3A, %add3A_440, %dma_start3A_466, %dma_start3A_467] : memref<32x60x40x128xf32, #tpu.memory_space<hbm>> -> memref<1x1x40x128xf32, #tpu.memory_space<hbm>>
          %dma_start3A_469 = tpu.memref_squeeze %dma_start3A_468 : memref<1x1x40x128xf32, #tpu.memory_space<hbm>> -> memref<40x128xf32, #tpu.memory_space<hbm>>
          tpu.enqueue_dma source(%dma_start3A_469 : memref<40x128xf32, #tpu.memory_space<hbm>>) target(%dma_start3A_465 : memref<40x128xf32, #tpu.memory_space<vmem>>) target_semaphore(%arg16 : memref<!tpu.dma_semaphore, #tpu.memory_space<semaphore_mem>>)
        } else {
        }
        %dma_wait3A_376 = arith.constant 0 : i32
        %dma_wait3A_377 = arith.constant 1 : i32
        %dma_wait3A_378 = arith.constant 0 : i32
        %dma_wait3A_379 = arith.constant 0 : i32
        %dma_wait3A_380 = tpu.memref_slice %arg10[%dma_wait3A_377, %dma_wait3A_378, %dma_wait3A_379] : memref<2x40x128xf32, #tpu.memory_space<vmem>> -> memref<1x40x128xf32, #tpu.memory_space<vmem>>
        %dma_wait3A_381 = tpu.memref_squeeze %dma_wait3A_380 : memref<1x40x128xf32, #tpu.memory_space<vmem>> -> memref<40x128xf32, #tpu.memory_space<vmem>>
        %dma_wait3A_382 = arith.constant 0 : i32
        %dma_wait3A_383 = tpu.memref_slice %arg9[%dma_wait3A_376, %dma_wait3A_382] : memref<2x40xi32, #tpu.memory_space<vmem>> -> memref<1x40xi32, #tpu.memory_space<vmem>>
        %dma_wait3A_384 = tpu.memref_squeeze %dma_wait3A_383 : memref<1x40xi32, #tpu.memory_space<vmem>> -> memref<40xi32, #tpu.memory_space<vmem>>
        %dma_wait3A_385 = arith.constant 0 : i32
        %dma_wait3A_386 = arith.constant 0 : i32
        %dma_wait3A_387 = tpu.memref_slice %arg2[%dma_wait3A_385, %dma_wait3A_386] : memref<10000x128xf32, #tpu.memory_space<hbm>> -> memref<10000x128xf32, #tpu.memory_space<hbm>>
        tpu.wait_indirect_dma semaphore(%arg15 : memref<!tpu.dma_semaphore, #tpu.memory_space<semaphore_mem>>) src(%dma_wait3A_387 : memref<10000x128xf32, #tpu.memory_space<hbm>>) dst(%dma_wait3A_381 : memref<40x128xf32, #tpu.memory_space<vmem>>)
        %dma_wait3A_388 = arith.constant 1 : i32
        %dma_wait3A_389 = arith.constant 0 : i32
        %dma_wait3A_390 = arith.constant 0 : i32
        %dma_wait3A_391 = tpu.memref_slice %arg11[%dma_wait3A_388, %dma_wait3A_389, %dma_wait3A_390] : memref<2x40x128xf32, #tpu.memory_space<vmem>> -> memref<1x40x128xf32, #tpu.memory_space<vmem>>
        %dma_wait3A_392 = tpu.memref_squeeze %dma_wait3A_391 : memref<1x40x128xf32, #tpu.memory_space<vmem>> -> memref<40x128xf32, #tpu.memory_space<vmem>>
        %dma_wait3A_393 = arith.constant 0 : i32
        %dma_wait3A_394 = arith.constant 0 : i32
        %dma_wait3A_395 = tpu.memref_slice %arg3[%add3A, %add3A_363, %dma_wait3A_393, %dma_wait3A_394] : memref<32x60x40x128xf32, #tpu.memory_space<hbm>> -> memref<1x1x40x128xf32, #tpu.memory_space<hbm>>
        %dma_wait3A_396 = tpu.memref_squeeze %dma_wait3A_395 : memref<1x1x40x128xf32, #tpu.memory_space<hbm>> -> memref<40x128xf32, #tpu.memory_space<hbm>>
        %dma_wait3A_397 = arith.constant 0 : i32
        %dma_wait3A_398 = arith.constant 0 : i32
        %dma_wait3A_399 = tpu.memref_slice %arg11[%dma_wait3A_388, %dma_wait3A_397, %dma_wait3A_398] : memref<2x40x128xf32, #tpu.memory_space<vmem>> -> memref<1x40x128xf32, #tpu.memory_space<vmem>>
        %dma_wait3A_400 = tpu.memref_squeeze %dma_wait3A_399 : memref<1x40x128xf32, #tpu.memory_space<vmem>> -> memref<40x128xf32, #tpu.memory_space<vmem>>
        %dma_wait3A_401 = arith.constant 0 : i32
        %dma_wait3A_402 = arith.constant 0 : i32
        %dma_wait3A_403 = tpu.memref_slice %arg3[%add3A, %add3A_363, %dma_wait3A_401, %dma_wait3A_402] : memref<32x60x40x128xf32, #tpu.memory_space<hbm>> -> memref<1x1x40x128xf32, #tpu.memory_space<hbm>>
        %dma_wait3A_404 = tpu.memref_squeeze %dma_wait3A_403 : memref<1x1x40x128xf32, #tpu.memory_space<hbm>> -> memref<40x128xf32, #tpu.memory_space<hbm>>
        tpu.wait_dma2 semaphore(%arg17 : memref<!tpu.dma_semaphore, #tpu.memory_space<semaphore_mem>>) src(%dma_wait3A_404 : memref<40x128xf32, #tpu.memory_space<hbm>>) dst(%dma_wait3A_400 : memref<40x128xf32, #tpu.memory_space<vmem>>)
        %ge3A = arith.constant 1 : i32
        %ge3A_405 = arith.cmpi sge, %add3A_363, %ge3A : i32
        %convert_element_type3A_406 = arith.extui %ge3A_405 : i1 to i32
        %cond3A_407 = arith.constant 0 : i32
        %cond3A_408 = arith.cmpi ne, %convert_element_type3A_406, %cond3A_407 : i32
        scf.if %cond3A_408 {
          %dma_wait3A_429 = arith.constant 1 : i32
          %dma_wait3A_430 = arith.constant 0 : i32
          %dma_wait3A_431 = tpu.memref_slice %arg8[%dma_wait3A_429, %dma_wait3A_430] : memref<2x40xi32, #tpu.memory_space<vmem>> -> memref<1x40xi32, #tpu.memory_space<vmem>>
          %dma_wait3A_432 = tpu.memref_squeeze %dma_wait3A_431 : memref<1x40xi32, #tpu.memory_space<vmem>> -> memref<40xi32, #tpu.memory_space<vmem>>
          %dma_wait3A_433 = arith.constant 0 : i32
          %dma_wait3A_434 = arith.constant 0 : i32
          %dma_wait3A_435 = tpu.memref_slice %arg13[%dma_wait3A_433, %dma_wait3A_434] : memref<10240x128xf32, #tpu.memory_space<vmem_shared>> -> memref<10240x128xf32, #tpu.memory_space<vmem_shared>>
          tpu.wait_indirect_dma semaphore(%arg22 : memref<!tpu.dma_semaphore, #tpu.memory_space<semaphore_mem>>) src(%arg12 : memref<40x128xf32, #tpu.memory_space<vmem>>) dst(%dma_wait3A_435 : memref<10240x128xf32, #tpu.memory_space<vmem_shared>>)
        } else {
        }
        %scan3A_409 = arith.constant 0 : i32
        %scan3A_410 = arith.constant 0 : i32
        %scan3A_411 = arith.constant 40 : i32
        %scan3A_412 = arith.addi %scan3A_410, %scan3A_411 : i32
        %scan3A_413 = arith.constant 1 : i32
        scf.for %scan3A_429 = %scan3A_410 to %scan3A_412 step %scan3A_413  : i32 {
          %get3A = arith.constant 1 : i32
          %get3A_430 = arith.index_cast %get3A : i32 to index
          %get3A_431 = arith.index_cast %scan3A_429 : i32 to index
          %get3A_432 = arith.constant 0 : index
          %get3A_433 = tpu.vector_load %arg10[%get3A_430, %get3A_431, %get3A_432] {strides = array<i32>} : memref<2x40x128xf32, #tpu.memory_space<vmem>>, vector<1x1x16xf32>,
          %get3A_434 = vector.shape_cast %get3A_433 : vector<1x1x16xf32> to vector<16xf32>
          %get3A_435 = arith.constant 1 : i32
          %get3A_436 = arith.index_cast %get3A_435 : i32 to index
          %get3A_437 = arith.index_cast %scan3A_429 : i32 to index
          %get3A_438 = arith.constant 0 : index
          %get3A_439 = tpu.vector_load %arg11[%get3A_436, %get3A_437, %get3A_438] {strides = array<i32>} : memref<2x40x128xf32, #tpu.memory_space<vmem>>, vector<1x1x16xf32>,
          %get3A_440 = vector.shape_cast %get3A_439 : vector<1x1x16xf32> to vector<16xf32>
          %mul3A_441 = arith.mulf %get3A_434, %get3A_440 : vector<16xf32>
          %swap3A = arith.index_cast %scan3A_429 : i32 to index
          %swap3A_442 = arith.constant 0 : index
          %swap3A_443 = tpu.vector_load %arg12[%swap3A, %swap3A_442] {strides = array<i32>} : memref<40x128xf32, #tpu.memory_space<vmem>>, vector<1x16xf32>,
          %swap3A_444 = vector.shape_cast %swap3A_443 : vector<1x16xf32> to vector<16xf32>
          %swap3A_445 = vector.shape_cast %mul3A_441 : vector<16xf32> to vector<1x16xf32>
          tpu.vector_store %arg12[%swap3A, %swap3A_442], %swap3A_445 {strides = array<i32>} : memref<40x128xf32, #tpu.memory_space<vmem>>, vector<1x16xf32>,
          %get3A_446 = arith.constant 1 : i32
          %get3A_447 = arith.index_cast %get3A_446 : i32 to index
          %get3A_448 = arith.index_cast %scan3A_429 : i32 to index
          %get3A_449 = arith.constant 16 : index
          %get3A_450 = tpu.vector_load %arg10[%get3A_447, %get3A_448, %get3A_449] {strides = array<i32>} : memref<2x40x128xf32, #tpu.memory_space<vmem>>, vector<1x1x16xf32>,
          %get3A_451 = vector.shape_cast %get3A_450 : vector<1x1x16xf32> to vector<16xf32>
          %get3A_452 = arith.constant 1 : i32
          %get3A_453 = arith.index_cast %get3A_452 : i32 to index
          %get3A_454 = arith.index_cast %scan3A_429 : i32 to index
          %get3A_455 = arith.constant 16 : index
          %get3A_456 = tpu.vector_load %arg11[%get3A_453, %get3A_454, %get3A_455] {strides = array<i32>} : memref<2x40x128xf32, #tpu.memory_space<vmem>>, vector<1x1x16xf32>,
          %get3A_457 = vector.shape_cast %get3A_456 : vector<1x1x16xf32> to vector<16xf32>
          %mul3A_458 = arith.mulf %get3A_451, %get3A_457 : vector<16xf32>
          %swap3A_459 = arith.index_cast %scan3A_429 : i32 to index
          %swap3A_460 = arith.constant 16 : index
          %swap3A_461 = tpu.vector_load %arg12[%swap3A_459, %swap3A_460] {strides = array<i32>} : memref<40x128xf32, #tpu.memory_space<vmem>>, vector<1x16xf32>,
          %swap3A_462 = vector.shape_cast %swap3A_461 : vector<1x16xf32> to vector<16xf32>
          %swap3A_463 = vector.shape_cast %mul3A_458 : vector<16xf32> to vector<1x16xf32>
          tpu.vector_store %arg12[%swap3A_459, %swap3A_460], %swap3A_463 {strides = array<i32>} : memref<40x128xf32, #tpu.memory_space<vmem>>, vector<1x16xf32>,
          %get3A_464 = arith.constant 1 : i32
          %get3A_465 = arith.index_cast %get3A_464 : i32 to index
          %get3A_466 = arith.index_cast %scan3A_429 : i32 to index
          %get3A_467 = arith.constant 32 : index
          %get3A_468 = tpu.vector_load %arg10[%get3A_465, %get3A_466, %get3A_467] {strides = array<i32>} : memref<2x40x128xf32, #tpu.memory_space<vmem>>, vector<1x1x16xf32>,
          %get3A_469 = vector.shape_cast %get3A_468 : vector<1x1x16xf32> to vector<16xf32>
          %get3A_470 = arith.constant 1 : i32
          %get3A_471 = arith.index_cast %get3A_470 : i32 to index
          %get3A_472 = arith.index_cast %scan3A_429 : i32 to index
          %get3A_473 = arith.constant 32 : index
          %get3A_474 = tpu.vector_load %arg11[%get3A_471, %get3A_472, %get3A_473] {strides = array<i32>} : memref<2x40x128xf32, #tpu.memory_space<vmem>>, vector<1x1x16xf32>,
          %get3A_475 = vector.shape_cast %get3A_474 : vector<1x1x16xf32> to vector<16xf32>
          %mul3A_476 = arith.mulf %get3A_469, %get3A_475 : vector<16xf32>
          %swap3A_477 = arith.index_cast %scan3A_429 : i32 to index
          %swap3A_478 = arith.constant 32 : index
          %swap3A_479 = tpu.vector_load %arg12[%swap3A_477, %swap3A_478] {strides = array<i32>} : memref<40x128xf32, #tpu.memory_space<vmem>>, vector<1x16xf32>,
          %swap3A_480 = vector.shape_cast %swap3A_479 : vector<1x16xf32> to vector<16xf32>
          %swap3A_481 = vector.shape_cast %mul3A_476 : vector<16xf32> to vector<1x16xf32>
          tpu.vector_store %arg12[%swap3A_477, %swap3A_478], %swap3A_481 {strides = array<i32>} : memref<40x128xf32, #tpu.memory_space<vmem>>, vector<1x16xf32>,
          %get3A_482 = arith.constant 1 : i32
          %get3A_483 = arith.index_cast %get3A_482 : i32 to index
          %get3A_484 = arith.index_cast %scan3A_429 : i32 to index
          %get3A_485 = arith.constant 48 : index
          %get3A_486 = tpu.vector_load %arg10[%get3A_483, %get3A_484, %get3A_485] {strides = array<i32>} : memref<2x40x128xf32, #tpu.memory_space<vmem>>, vector<1x1x16xf32>,
          %get3A_487 = vector.shape_cast %get3A_486 : vector<1x1x16xf32> to vector<16xf32>
          %get3A_488 = arith.constant 1 : i32
          %get3A_489 = arith.index_cast %get3A_488 : i32 to index
          %get3A_490 = arith.index_cast %scan3A_429 : i32 to index
          %get3A_491 = arith.constant 48 : index
          %get3A_492 = tpu.vector_load %arg11[%get3A_489, %get3A_490, %get3A_491] {strides = array<i32>} : memref<2x40x128xf32, #tpu.memory_space<vmem>>, vector<1x1x16xf32>,
          %get3A_493 = vector.shape_cast %get3A_492 : vector<1x1x16xf32> to vector<16xf32>
          %mul3A_494 = arith.mulf %get3A_487, %get3A_493 : vector<16xf32>
          %swap3A_495 = arith.index_cast %scan3A_429 : i32 to index
          %swap3A_496 = arith.constant 48 : index
          %swap3A_497 = tpu.vector_load %arg12[%swap3A_495, %swap3A_496] {strides = array<i32>} : memref<40x128xf32, #tpu.memory_space<vmem>>, vector<1x16xf32>,
          %swap3A_498 = vector.shape_cast %swap3A_497 : vector<1x16xf32> to vector<16xf32>
          %swap3A_499 = vector.shape_cast %mul3A_494 : vector<16xf32> to vector<1x16xf32>
          tpu.vector_store %arg12[%swap3A_495, %swap3A_496], %swap3A_499 {strides = array<i32>} : memref<40x128xf32, #tpu.memory_space<vmem>>, vector<1x16xf32>,
          %get3A_500 = arith.constant 1 : i32
          %get3A_501 = arith.index_cast %get3A_500 : i32 to index
          %get3A_502 = arith.index_cast %scan3A_429 : i32 to index
          %get3A_503 = arith.constant 64 : index
          %get3A_504 = tpu.vector_load %arg10[%get3A_501, %get3A_502, %get3A_503] {strides = array<i32>} : memref<2x40x128xf32, #tpu.memory_space<vmem>>, vector<1x1x16xf32>,
          %get3A_505 = vector.shape_cast %get3A_504 : vector<1x1x16xf32> to vector<16xf32>
          %get3A_506 = arith.constant 1 : i32
          %get3A_507 = arith.index_cast %get3A_506 : i32 to index
          %get3A_508 = arith.index_cast %scan3A_429 : i32 to index
          %get3A_509 = arith.constant 64 : index
          %get3A_510 = tpu.vector_load %arg11[%get3A_507, %get3A_508, %get3A_509] {strides = array<i32>} : memref<2x40x128xf32, #tpu.memory_space<vmem>>, vector<1x1x16xf32>,
          %get3A_511 = vector.shape_cast %get3A_510 : vector<1x1x16xf32> to vector<16xf32>
          %mul3A_512 = arith.mulf %get3A_505, %get3A_511 : vector<16xf32>
          %swap3A_513 = arith.index_cast %scan3A_429 : i32 to index
          %swap3A_514 = arith.constant 64 : index
          %swap3A_515 = tpu.vector_load %arg12[%swap3A_513, %swap3A_514] {strides = array<i32>} : memref<40x128xf32, #tpu.memory_space<vmem>>, vector<1x16xf32>,
          %swap3A_516 = vector.shape_cast %swap3A_515 : vector<1x16xf32> to vector<16xf32>
          %swap3A_517 = vector.shape_cast %mul3A_512 : vector<16xf32> to vector<1x16xf32>
          tpu.vector_store %arg12[%swap3A_513, %swap3A_514], %swap3A_517 {strides = array<i32>} : memref<40x128xf32, #tpu.memory_space<vmem>>, vector<1x16xf32>,
          %get3A_518 = arith.constant 1 : i32
          %get3A_519 = arith.index_cast %get3A_518 : i32 to index
          %get3A_520 = arith.index_cast %scan3A_429 : i32 to index
          %get3A_521 = arith.constant 80 : index
          %get3A_522 = tpu.vector_load %arg10[%get3A_519, %get3A_520, %get3A_521] {strides = array<i32>} : memref<2x40x128xf32, #tpu.memory_space<vmem>>, vector<1x1x16xf32>,
          %get3A_523 = vector.shape_cast %get3A_522 : vector<1x1x16xf32> to vector<16xf32>
          %get3A_524 = arith.constant 1 : i32
          %get3A_525 = arith.index_cast %get3A_524 : i32 to index
          %get3A_526 = arith.index_cast %scan3A_429 : i32 to index
          %get3A_527 = arith.constant 80 : index
          %get3A_528 = tpu.vector_load %arg11[%get3A_525, %get3A_526, %get3A_527] {strides = array<i32>} : memref<2x40x128xf32, #tpu.memory_space<vmem>>, vector<1x1x16xf32>,
          %get3A_529 = vector.shape_cast %get3A_528 : vector<1x1x16xf32> to vector<16xf32>
          %mul3A_530 = arith.mulf %get3A_523, %get3A_529 : vector<16xf32>
          %swap3A_531 = arith.index_cast %scan3A_429 : i32 to index
          %swap3A_532 = arith.constant 80 : index
          %swap3A_533 = tpu.vector_load %arg12[%swap3A_531, %swap3A_532] {strides = array<i32>} : memref<40x128xf32, #tpu.memory_space<vmem>>, vector<1x16xf32>,
          %swap3A_534 = vector.shape_cast %swap3A_533 : vector<1x16xf32> to vector<16xf32>
          %swap3A_535 = vector.shape_cast %mul3A_530 : vector<16xf32> to vector<1x16xf32>
          tpu.vector_store %arg12[%swap3A_531, %swap3A_532], %swap3A_535 {strides = array<i32>} : memref<40x128xf32, #tpu.memory_space<vmem>>, vector<1x16xf32>,
          %get3A_536 = arith.constant 1 : i32
          %get3A_537 = arith.index_cast %get3A_536 : i32 to index
          %get3A_538 = arith.index_cast %scan3A_429 : i32 to index
          %get3A_539 = arith.constant 96 : index
          %get3A_540 = tpu.vector_load %arg10[%get3A_537, %get3A_538, %get3A_539] {strides = array<i32>} : memref<2x40x128xf32, #tpu.memory_space<vmem>>, vector<1x1x16xf32>,
          %get3A_541 = vector.shape_cast %get3A_540 : vector<1x1x16xf32> to vector<16xf32>
          %get3A_542 = arith.constant 1 : i32
          %get3A_543 = arith.index_cast %get3A_542 : i32 to index
          %get3A_544 = arith.index_cast %scan3A_429 : i32 to index
          %get3A_545 = arith.constant 96 : index
          %get3A_546 = tpu.vector_load %arg11[%get3A_543, %get3A_544, %get3A_545] {strides = array<i32>} : memref<2x40x128xf32, #tpu.memory_space<vmem>>, vector<1x1x16xf32>,
          %get3A_547 = vector.shape_cast %get3A_546 : vector<1x1x16xf32> to vector<16xf32>
          %mul3A_548 = arith.mulf %get3A_541, %get3A_547 : vector<16xf32>
          %swap3A_549 = arith.index_cast %scan3A_429 : i32 to index
          %swap3A_550 = arith.constant 96 : index
          %swap3A_551 = tpu.vector_load %arg12[%swap3A_549, %swap3A_550] {strides = array<i32>} : memref<40x128xf32, #tpu.memory_space<vmem>>, vector<1x16xf32>,
          %swap3A_552 = vector.shape_cast %swap3A_551 : vector<1x16xf32> to vector<16xf32>
          %swap3A_553 = vector.shape_cast %mul3A_548 : vector<16xf32> to vector<1x16xf32>
          tpu.vector_store %arg12[%swap3A_549, %swap3A_550], %swap3A_553 {strides = array<i32>} : memref<40x128xf32, #tpu.memory_space<vmem>>, vector<1x16xf32>,
          %get3A_554 = arith.constant 1 : i32
          %get3A_555 = arith.index_cast %get3A_554 : i32 to index
          %get3A_556 = arith.index_cast %scan3A_429 : i32 to index
          %get3A_557 = arith.constant 112 : index
          %get3A_558 = tpu.vector_load %arg10[%get3A_555, %get3A_556, %get3A_557] {strides = array<i32>} : memref<2x40x128xf32, #tpu.memory_space<vmem>>, vector<1x1x16xf32>,
          %get3A_559 = vector.shape_cast %get3A_558 : vector<1x1x16xf32> to vector<16xf32>
          %get3A_560 = arith.constant 1 : i32
          %get3A_561 = arith.index_cast %get3A_560 : i32 to index
          %get3A_562 = arith.index_cast %scan3A_429 : i32 to index
          %get3A_563 = arith.constant 112 : index
          %get3A_564 = tpu.vector_load %arg11[%get3A_561, %get3A_562, %get3A_563] {strides = array<i32>} : memref<2x40x128xf32, #tpu.memory_space<vmem>>, vector<1x1x16xf32>,
          %get3A_565 = vector.shape_cast %get3A_564 : vector<1x1x16xf32> to vector<16xf32>
          %mul3A_566 = arith.mulf %get3A_559, %get3A_565 : vector<16xf32>
          %swap3A_567 = arith.index_cast %scan3A_429 : i32 to index
          %swap3A_568 = arith.constant 112 : index
          %swap3A_569 = tpu.vector_load %arg12[%swap3A_567, %swap3A_568] {strides = array<i32>} : memref<40x128xf32, #tpu.memory_space<vmem>>, vector<1x16xf32>,
          %swap3A_570 = vector.shape_cast %swap3A_569 : vector<1x16xf32> to vector<16xf32>
          %swap3A_571 = vector.shape_cast %mul3A_566 : vector<16xf32> to vector<1x16xf32>
          tpu.vector_store %arg12[%swap3A_567, %swap3A_568], %swap3A_571 {strides = array<i32>} : memref<40x128xf32, #tpu.memory_space<vmem>>, vector<1x16xf32>,
        }
        %scan3A_414 = arith.constant 40 : i32
        %dma_start3A_415 = arith.constant 1 : i32
        %dma_start3A_416 = arith.constant 0 : i32
        %dma_start3A_417 = tpu.memref_slice %arg9[%dma_start3A_415, %dma_start3A_416] : memref<2x40xi32, #tpu.memory_space<vmem>> -> memref<1x40xi32, #tpu.memory_space<vmem>>
        %dma_start3A_418 = tpu.memref_squeeze %dma_start3A_417 : memref<1x40xi32, #tpu.memory_space<vmem>> -> memref<40xi32, #tpu.memory_space<vmem>>
        %dma_start3A_419 = arith.constant 0 : i32
        %dma_start3A_420 = arith.constant 0 : i32
        %dma_start3A_421 = tpu.memref_slice %arg13[%dma_start3A_419, %dma_start3A_420] : memref<10240x128xf32, #tpu.memory_space<vmem_shared>> -> memref<10240x128xf32, #tpu.memory_space<vmem_shared>>
        tpu.enqueue_indirect_dma source(%arg12 : memref<40x128xf32, #tpu.memory_space<vmem>>) target(%dma_start3A_421 : memref<10240x128xf32, #tpu.memory_space<vmem_shared>>) offsets(%dma_start3A_418 : memref<40xi32, #tpu.memory_space<vmem>>) semaphore(%arg22 : memref<!tpu.dma_semaphore, #tpu.memory_space<semaphore_mem>>) {add = true}
        %add3A_422 = arith.constant 2 : i32
        %add3A_423 = arith.addi %add3A_363, %add3A_422 : i32
        %lt3A_424 = arith.constant 60 : i32
        %lt3A_425 = arith.cmpi slt, %add3A_423, %lt3A_424 : i32
        %convert_element_type3A_426 = arith.extui %lt3A_425 : i1 to i32
        %cond3A_427 = arith.constant 0 : i32
        %cond3A_428 = arith.cmpi ne, %convert_element_type3A_426, %cond3A_427 : i32
        scf.if %cond3A_428 {
          %add3A_429 = arith.constant 2 : i32
          %add3A_430 = arith.addi %add3A_363, %add3A_429 : i32
          %dma_start3A_431 = arith.constant 0 : i32
          %dma_start3A_432 = arith.constant 0 : i32
          %dma_start3A_433 = tpu.memref_slice %arg4[%dma_start3A_431, %add3A, %add3A_430, %dma_start3A_432] : memref<2x32x60x40xi32, #tpu.memory_space<hbm>> -> memref<2x1x1x40xi32, #tpu.memory_space<hbm>>
          %dma_start3A_434 = tpu.memref_squeeze %dma_start3A_433 : memref<2x1x1x40xi32, #tpu.memory_space<hbm>> -> memref<2x40xi32, #tpu.memory_space<hbm>>
          %dma_start3A_435 = arith.constant 0 : i32
          %dma_start3A_436 = arith.constant 0 : i32
          %dma_start3A_437 = tpu.memref_slice %arg4[%dma_start3A_435, %add3A, %add3A_430, %dma_start3A_436] : memref<2x32x60x40xi32, #tpu.memory_space<hbm>> -> memref<2x1x1x40xi32, #tpu.memory_space<hbm>>
          %dma_start3A_438 = tpu.memref_squeeze %dma_start3A_437 : memref<2x1x1x40xi32, #tpu.memory_space<hbm>> -> memref<2x40xi32, #tpu.memory_space<hbm>>
          tpu.enqueue_dma source(%dma_start3A_438 : memref<2x40xi32, #tpu.memory_space<hbm>>) target(%arg7 : memref<2x40xi32, #tpu.memory_space<vmem>>) target_semaphore(%arg19 : memref<!tpu.dma_semaphore, #tpu.memory_space<semaphore_mem>>)
        } else {
        }
      } else {
      }
    }
    %scan3A_322 = arith.constant 15 : i32
    %dma_wait3A_323 = arith.constant 1 : i32
    %dma_wait3A_324 = arith.constant 0 : i32
    %dma_wait3A_325 = tpu.memref_slice %arg9[%dma_wait3A_323, %dma_wait3A_324] : memref<2x40xi32, #tpu.memory_space<vmem>> -> memref<1x40xi32, #tpu.memory_space<vmem>>
    %dma_wait3A_326 = tpu.memref_squeeze %dma_wait3A_325 : memref<1x40xi32, #tpu.memory_space<vmem>> -> memref<40xi32, #tpu.memory_space<vmem>>
    %dma_wait3A_327 = arith.constant 0 : i32
    %dma_wait3A_328 = arith.constant 0 : i32
    %dma_wait3A_329 = tpu.memref_slice %arg13[%dma_wait3A_327, %dma_wait3A_328] : memref<10240x128xf32, #tpu.memory_space<vmem_shared>> -> memref<10240x128xf32, #tpu.memory_space<vmem_shared>>
    tpu.wait_indirect_dma semaphore(%arg22 : memref<!tpu.dma_semaphore, #tpu.memory_space<semaphore_mem>>) src(%arg12 : memref<40x128xf32, #tpu.memory_space<vmem>>) dst(%dma_wait3A_329 : memref<10240x128xf32, #tpu.memory_space<vmem_shared>>)
    %barrier3A_330 = arith.constant 0 : index
    tpu.barrier barrier_id(%barrier3A_330)
    %mul3A_331 = arith.constant 640 : i32
    %mul3A_332 = arith.muli %arg1, %mul3A_331 : i32
    %mul3A_333 = arith.constant 640 : i32
    %mul3A_334 = arith.muli %arg1, %mul3A_333 : i32
    "tpu.region"() ({
      %run_scoped3A = tpu.sem_alloc : memref<!tpu.dma_semaphore, #tpu.memory_space<semaphore_mem>>
      %dma_start3A_335 = arith.constant 0 : i32
      %dma_start3A_336 = tpu.memref_slice %arg5[%arg0, %mul3A_334, %dma_start3A_335] : memref<2x10240x128xf32, #tpu.memory_space<hbm>> -> memref<1x640x128xf32, #tpu.memory_space<hbm>>
      %dma_start3A_337 = tpu.memref_squeeze %dma_start3A_336 : memref<1x640x128xf32, #tpu.memory_space<hbm>> -> memref<640x128xf32, #tpu.memory_space<hbm>>
      %dma_start3A_338 = arith.constant 0 : i32
      %dma_start3A_339 = tpu.memref_slice %arg13[%mul3A_332, %dma_start3A_338] : memref<10240x128xf32, #tpu.memory_space<vmem_shared>> -> memref<640x128xf32, #tpu.memory_space<vmem_shared>>
      tpu.enqueue_dma source(%dma_start3A_339 : memref<640x128xf32, #tpu.memory_space<vmem_shared>>) target(%dma_start3A_337 : memref<640x128xf32, #tpu.memory_space<hbm>>) target_semaphore(%run_scoped3A : memref<!tpu.dma_semaphore, #tpu.memory_space<semaphore_mem>>)
      %dma_wait3A_340 = arith.constant 0 : i32
      %dma_wait3A_341 = tpu.memref_slice %arg5[%arg0, %mul3A_334, %dma_wait3A_340] : memref<2x10240x128xf32, #tpu.memory_space<hbm>> -> memref<1x640x128xf32, #tpu.memory_space<hbm>>
      %dma_wait3A_342 = tpu.memref_squeeze %dma_wait3A_341 : memref<1x640x128xf32, #tpu.memory_space<hbm>> -> memref<640x128xf32, #tpu.memory_space<hbm>>
      %dma_wait3A_343 = arith.constant 0 : i32
      %dma_wait3A_344 = tpu.memref_slice %arg13[%mul3A_332, %dma_wait3A_343] : memref<10240x128xf32, #tpu.memory_space<vmem_shared>> -> memref<640x128xf32, #tpu.memory_space<vmem_shared>>
      tpu.wait_dma2 semaphore(%run_scoped3A : memref<!tpu.dma_semaphore, #tpu.memory_space<semaphore_mem>>) src(%dma_wait3A_344 : memref<640x128xf32, #tpu.memory_space<vmem_shared>>) dst(%dma_wait3A_342 : memref<640x128xf32, #tpu.memory_space<hbm>>)
      tpu.yield
    }) : () -> ()
    return
  }
}

#map = affine_map<(d0, d1) -> (0, 0)>
#map1 = affine_map<(d0, d1) -> (0, 0, 0, 0)>
#map2 = affine_map<(d0, d1) -> (0, 0, 0)>
module attributes {stable_mosaic.version = 14 : i64} {
  func.func @_sc_edge_body(%arg0: i32, %arg1: i32, %arg2: memref<10000x128xf32, #tpu.memory_space<hbm>>, %arg3: memref<32x190x40x128xf32, #tpu.memory_space<hbm>>, %arg4: memref<2x32x190x40xi32, #tpu.memory_space<hbm>>, %arg5: memref<2x10240x128xf32, #tpu.memory_space<hbm>>, %arg6: memref<2x40xi32, #tpu.memory_space<vmem>>, %arg7: memref<2x40xi32, #tpu.memory_space<vmem>>, %arg8: memref<2x40xi32, #tpu.memory_space<vmem>>, %arg9: memref<2x40xi32, #tpu.memory_space<vmem>>, %arg10: memref<2x40x128xf32, #tpu.memory_space<vmem>>, %arg11: memref<2x40x128xf32, #tpu.memory_space<vmem>>, %arg12: memref<40x128xf32, #tpu.memory_space<vmem>>, %arg13: memref<10240x128xf32, #tpu.memory_space<vmem_shared>>, %arg14: memref<!tpu.dma_semaphore, #tpu.memory_space<semaphore_mem>>, %arg15: memref<!tpu.dma_semaphore, #tpu.memory_space<semaphore_mem>>, %arg16: memref<!tpu.dma_semaphore, #tpu.memory_space<semaphore_mem>>, %arg17: memref<!tpu.dma_semaphore, #tpu.memory_space<semaphore_mem>>, %arg18: memref<!tpu.dma_semaphore, #tpu.memory_space<semaphore_mem>>, %arg19: memref<!tpu.dma_semaphore, #tpu.memory_space<semaphore_mem>>, %arg20: memref<!tpu.dma_semaphore, #tpu.memory_space<semaphore_mem>>, %arg21: memref<!tpu.dma_semaphore, #tpu.memory_space<semaphore_mem>>, %arg22: memref<!tpu.dma_semaphore, #tpu.memory_space<semaphore_mem>>) attributes {dimension_semantics = [#tpu.dimension_semantics<core_parallel>, #tpu.dimension_semantics<subcore_parallel>], iteration_bounds = array<i64: 2, 16>, scalar_prefetch = 0 : i64, scratch_operands = 17 : i64, tpu.core_type = #tpu.core_type<sc_vector_subcore>, window_params = [{transform_indices = #map}, {transform_indices = #map1}, {transform_indices = #map1}, {transform_indices = #map2}]} {
    %mul3A = arith.constant 2 : i32
    %mul3A_0 = arith.muli %arg1, %mul3A : i32
    %add3A = arith.addi %mul3A_0, %arg0 : i32
    %scan3A = arith.constant 0 : i32
    %scan3A_1 = arith.constant 0 : i32
    %scan3A_2 = arith.constant 40 : i32
    %scan3A_3 = arith.addi %scan3A_1, %scan3A_2 : i32
    %scan3A_4 = arith.constant 1 : i32
    scf.for %scan3A_335 = %scan3A_1 to %scan3A_3 step %scan3A_4  : i32 {
      %broadcast_in_dim3A = arith.constant 0.000000e+00 : f32
      %broadcast_in_dim3A_336 = vector.broadcast %broadcast_in_dim3A : f32 to vector<16xf32>
      %swap3A = arith.index_cast %scan3A_335 : i32 to index
      %swap3A_337 = arith.constant 0 : index
      %swap3A_338 = tpu.vector_load %arg12[%swap3A, %swap3A_337] {strides = array<i32>} : memref<40x128xf32, #tpu.memory_space<vmem>>, vector<1x16xf32>,
      %swap3A_339 = vector.shape_cast %swap3A_338 : vector<1x16xf32> to vector<16xf32>
      %swap3A_340 = vector.shape_cast %broadcast_in_dim3A_336 : vector<16xf32> to vector<1x16xf32>
      tpu.vector_store %arg12[%swap3A, %swap3A_337], %swap3A_340 {strides = array<i32>} : memref<40x128xf32, #tpu.memory_space<vmem>>, vector<1x16xf32>,
      %broadcast_in_dim3A_341 = arith.constant 0.000000e+00 : f32
      %broadcast_in_dim3A_342 = vector.broadcast %broadcast_in_dim3A_341 : f32 to vector<16xf32>
      %swap3A_343 = arith.index_cast %scan3A_335 : i32 to index
      %swap3A_344 = arith.constant 16 : index
      %swap3A_345 = tpu.vector_load %arg12[%swap3A_343, %swap3A_344] {strides = array<i32>} : memref<40x128xf32, #tpu.memory_space<vmem>>, vector<1x16xf32>,
      %swap3A_346 = vector.shape_cast %swap3A_345 : vector<1x16xf32> to vector<16xf32>
      %swap3A_347 = vector.shape_cast %broadcast_in_dim3A_342 : vector<16xf32> to vector<1x16xf32>
      tpu.vector_store %arg12[%swap3A_343, %swap3A_344], %swap3A_347 {strides = array<i32>} : memref<40x128xf32, #tpu.memory_space<vmem>>, vector<1x16xf32>,
      %broadcast_in_dim3A_348 = arith.constant 0.000000e+00 : f32
      %broadcast_in_dim3A_349 = vector.broadcast %broadcast_in_dim3A_348 : f32 to vector<16xf32>
      %swap3A_350 = arith.index_cast %scan3A_335 : i32 to index
      %swap3A_351 = arith.constant 32 : index
      %swap3A_352 = tpu.vector_load %arg12[%swap3A_350, %swap3A_351] {strides = array<i32>} : memref<40x128xf32, #tpu.memory_space<vmem>>, vector<1x16xf32>,
      %swap3A_353 = vector.shape_cast %swap3A_352 : vector<1x16xf32> to vector<16xf32>
      %swap3A_354 = vector.shape_cast %broadcast_in_dim3A_349 : vector<16xf32> to vector<1x16xf32>
      tpu.vector_store %arg12[%swap3A_350, %swap3A_351], %swap3A_354 {strides = array<i32>} : memref<40x128xf32, #tpu.memory_space<vmem>>, vector<1x16xf32>,
      %broadcast_in_dim3A_355 = arith.constant 0.000000e+00 : f32
      %broadcast_in_dim3A_356 = vector.broadcast %broadcast_in_dim3A_355 : f32 to vector<16xf32>
      %swap3A_357 = arith.index_cast %scan3A_335 : i32 to index
      %swap3A_358 = arith.constant 48 : index
      %swap3A_359 = tpu.vector_load %arg12[%swap3A_357, %swap3A_358] {strides = array<i32>} : memref<40x128xf32, #tpu.memory_space<vmem>>, vector<1x16xf32>,
      %swap3A_360 = vector.shape_cast %swap3A_359 : vector<1x16xf32> to vector<16xf32>
      %swap3A_361 = vector.shape_cast %broadcast_in_dim3A_356 : vector<16xf32> to vector<1x16xf32>
      tpu.vector_store %arg12[%swap3A_357, %swap3A_358], %swap3A_361 {strides = array<i32>} : memref<40x128xf32, #tpu.memory_space<vmem>>, vector<1x16xf32>,
      %broadcast_in_dim3A_362 = arith.constant 0.000000e+00 : f32
      %broadcast_in_dim3A_363 = vector.broadcast %broadcast_in_dim3A_362 : f32 to vector<16xf32>
      %swap3A_364 = arith.index_cast %scan3A_335 : i32 to index
      %swap3A_365 = arith.constant 64 : index
      %swap3A_366 = tpu.vector_load %arg12[%swap3A_364, %swap3A_365] {strides = array<i32>} : memref<40x128xf32, #tpu.memory_space<vmem>>, vector<1x16xf32>,
      %swap3A_367 = vector.shape_cast %swap3A_366 : vector<1x16xf32> to vector<16xf32>
      %swap3A_368 = vector.shape_cast %broadcast_in_dim3A_363 : vector<16xf32> to vector<1x16xf32>
      tpu.vector_store %arg12[%swap3A_364, %swap3A_365], %swap3A_368 {strides = array<i32>} : memref<40x128xf32, #tpu.memory_space<vmem>>, vector<1x16xf32>,
      %broadcast_in_dim3A_369 = arith.constant 0.000000e+00 : f32
      %broadcast_in_dim3A_370 = vector.broadcast %broadcast_in_dim3A_369 : f32 to vector<16xf32>
      %swap3A_371 = arith.index_cast %scan3A_335 : i32 to index
      %swap3A_372 = arith.constant 80 : index
      %swap3A_373 = tpu.vector_load %arg12[%swap3A_371, %swap3A_372] {strides = array<i32>} : memref<40x128xf32, #tpu.memory_space<vmem>>, vector<1x16xf32>,
      %swap3A_374 = vector.shape_cast %swap3A_373 : vector<1x16xf32> to vector<16xf32>
      %swap3A_375 = vector.shape_cast %broadcast_in_dim3A_370 : vector<16xf32> to vector<1x16xf32>
      tpu.vector_store %arg12[%swap3A_371, %swap3A_372], %swap3A_375 {strides = array<i32>} : memref<40x128xf32, #tpu.memory_space<vmem>>, vector<1x16xf32>,
      %broadcast_in_dim3A_376 = arith.constant 0.000000e+00 : f32
      %broadcast_in_dim3A_377 = vector.broadcast %broadcast_in_dim3A_376 : f32 to vector<16xf32>
      %swap3A_378 = arith.index_cast %scan3A_335 : i32 to index
      %swap3A_379 = arith.constant 96 : index
      %swap3A_380 = tpu.vector_load %arg12[%swap3A_378, %swap3A_379] {strides = array<i32>} : memref<40x128xf32, #tpu.memory_space<vmem>>, vector<1x16xf32>,
      %swap3A_381 = vector.shape_cast %swap3A_380 : vector<1x16xf32> to vector<16xf32>
      %swap3A_382 = vector.shape_cast %broadcast_in_dim3A_377 : vector<16xf32> to vector<1x16xf32>
      tpu.vector_store %arg12[%swap3A_378, %swap3A_379], %swap3A_382 {strides = array<i32>} : memref<40x128xf32, #tpu.memory_space<vmem>>, vector<1x16xf32>,
      %broadcast_in_dim3A_383 = arith.constant 0.000000e+00 : f32
      %broadcast_in_dim3A_384 = vector.broadcast %broadcast_in_dim3A_383 : f32 to vector<16xf32>
      %swap3A_385 = arith.index_cast %scan3A_335 : i32 to index
      %swap3A_386 = arith.constant 112 : index
      %swap3A_387 = tpu.vector_load %arg12[%swap3A_385, %swap3A_386] {strides = array<i32>} : memref<40x128xf32, #tpu.memory_space<vmem>>, vector<1x16xf32>,
      %swap3A_388 = vector.shape_cast %swap3A_387 : vector<1x16xf32> to vector<16xf32>
      %swap3A_389 = vector.shape_cast %broadcast_in_dim3A_384 : vector<16xf32> to vector<1x16xf32>
      tpu.vector_store %arg12[%swap3A_385, %swap3A_386], %swap3A_389 {strides = array<i32>} : memref<40x128xf32, #tpu.memory_space<vmem>>, vector<1x16xf32>,
    }
    %scan3A_5 = arith.constant 40 : i32
    %mul3A_6 = arith.constant 640 : i32
    %mul3A_7 = arith.muli %arg1, %mul3A_6 : i32
    %add3A_8 = arith.constant 0 : i32
    %add3A_9 = arith.addi %mul3A_7, %add3A_8 : i32
    %dma_start3A = arith.constant 0 : i32
    %dma_start3A_10 = tpu.memref_slice %arg13[%add3A_9, %dma_start3A] : memref<10240x128xf32, #tpu.memory_space<vmem_shared>> -> memref<40x128xf32, #tpu.memory_space<vmem_shared>>
    %dma_start3A_11 = arith.constant 0 : i32
    %dma_start3A_12 = tpu.memref_slice %arg13[%add3A_9, %dma_start3A_11] : memref<10240x128xf32, #tpu.memory_space<vmem_shared>> -> memref<40x128xf32, #tpu.memory_space<vmem_shared>>
    tpu.enqueue_dma source(%arg12 : memref<40x128xf32, #tpu.memory_space<vmem>>) target(%dma_start3A_12 : memref<40x128xf32, #tpu.memory_space<vmem_shared>>) target_semaphore(%arg22 : memref<!tpu.dma_semaphore, #tpu.memory_space<semaphore_mem>>)
    %mul3A_13 = arith.constant 640 : i32
    %mul3A_14 = arith.muli %arg1, %mul3A_13 : i32
    %add3A_15 = arith.constant 40 : i32
    %add3A_16 = arith.addi %mul3A_14, %add3A_15 : i32
    %dma_start3A_17 = arith.constant 0 : i32
    %dma_start3A_18 = tpu.memref_slice %arg13[%add3A_16, %dma_start3A_17] : memref<10240x128xf32, #tpu.memory_space<vmem_shared>> -> memref<40x128xf32, #tpu.memory_space<vmem_shared>>
    %dma_start3A_19 = arith.constant 0 : i32
    %dma_start3A_20 = tpu.memref_slice %arg13[%add3A_16, %dma_start3A_19] : memref<10240x128xf32, #tpu.memory_space<vmem_shared>> -> memref<40x128xf32, #tpu.memory_space<vmem_shared>>
    tpu.enqueue_dma source(%arg12 : memref<40x128xf32, #tpu.memory_space<vmem>>) target(%dma_start3A_20 : memref<40x128xf32, #tpu.memory_space<vmem_shared>>) target_semaphore(%arg22 : memref<!tpu.dma_semaphore, #tpu.memory_space<semaphore_mem>>)
    %mul3A_21 = arith.constant 640 : i32
    %mul3A_22 = arith.muli %arg1, %mul3A_21 : i32
    %add3A_23 = arith.constant 80 : i32
    %add3A_24 = arith.addi %mul3A_22, %add3A_23 : i32
    %dma_start3A_25 = arith.constant 0 : i32
    %dma_start3A_26 = tpu.memref_slice %arg13[%add3A_24, %dma_start3A_25] : memref<10240x128xf32, #tpu.memory_space<vmem_shared>> -> memref<40x128xf32, #tpu.memory_space<vmem_shared>>
    %dma_start3A_27 = arith.constant 0 : i32
    %dma_start3A_28 = tpu.memref_slice %arg13[%add3A_24, %dma_start3A_27] : memref<10240x128xf32, #tpu.memory_space<vmem_shared>> -> memref<40x128xf32, #tpu.memory_space<vmem_shared>>
    tpu.enqueue_dma source(%arg12 : memref<40x128xf32, #tpu.memory_space<vmem>>) target(%dma_start3A_28 : memref<40x128xf32, #tpu.memory_space<vmem_shared>>) target_semaphore(%arg22 : memref<!tpu.dma_semaphore, #tpu.memory_space<semaphore_mem>>)
    %mul3A_29 = arith.constant 640 : i32
    %mul3A_30 = arith.muli %arg1, %mul3A_29 : i32
    %add3A_31 = arith.constant 120 : i32
    %add3A_32 = arith.addi %mul3A_30, %add3A_31 : i32
    %dma_start3A_33 = arith.constant 0 : i32
    %dma_start3A_34 = tpu.memref_slice %arg13[%add3A_32, %dma_start3A_33] : memref<10240x128xf32, #tpu.memory_space<vmem_shared>> -> memref<40x128xf32, #tpu.memory_space<vmem_shared>>
    %dma_start3A_35 = arith.constant 0 : i32
    %dma_start3A_36 = tpu.memref_slice %arg13[%add3A_32, %dma_start3A_35] : memref<10240x128xf32, #tpu.memory_space<vmem_shared>> -> memref<40x128xf32, #tpu.memory_space<vmem_shared>>
    tpu.enqueue_dma source(%arg12 : memref<40x128xf32, #tpu.memory_space<vmem>>) target(%dma_start3A_36 : memref<40x128xf32, #tpu.memory_space<vmem_shared>>) target_semaphore(%arg22 : memref<!tpu.dma_semaphore, #tpu.memory_space<semaphore_mem>>)
    %mul3A_37 = arith.constant 640 : i32
    %mul3A_38 = arith.muli %arg1, %mul3A_37 : i32
    %add3A_39 = arith.constant 160 : i32
    %add3A_40 = arith.addi %mul3A_38, %add3A_39 : i32
    %dma_start3A_41 = arith.constant 0 : i32
    %dma_start3A_42 = tpu.memref_slice %arg13[%add3A_40, %dma_start3A_41] : memref<10240x128xf32, #tpu.memory_space<vmem_shared>> -> memref<40x128xf32, #tpu.memory_space<vmem_shared>>
    %dma_start3A_43 = arith.constant 0 : i32
    %dma_start3A_44 = tpu.memref_slice %arg13[%add3A_40, %dma_start3A_43] : memref<10240x128xf32, #tpu.memory_space<vmem_shared>> -> memref<40x128xf32, #tpu.memory_space<vmem_shared>>
    tpu.enqueue_dma source(%arg12 : memref<40x128xf32, #tpu.memory_space<vmem>>) target(%dma_start3A_44 : memref<40x128xf32, #tpu.memory_space<vmem_shared>>) target_semaphore(%arg22 : memref<!tpu.dma_semaphore, #tpu.memory_space<semaphore_mem>>)
    %mul3A_45 = arith.constant 640 : i32
    %mul3A_46 = arith.muli %arg1, %mul3A_45 : i32
    %add3A_47 = arith.constant 200 : i32
    %add3A_48 = arith.addi %mul3A_46, %add3A_47 : i32
    %dma_start3A_49 = arith.constant 0 : i32
    %dma_start3A_50 = tpu.memref_slice %arg13[%add3A_48, %dma_start3A_49] : memref<10240x128xf32, #tpu.memory_space<vmem_shared>> -> memref<40x128xf32, #tpu.memory_space<vmem_shared>>
    %dma_start3A_51 = arith.constant 0 : i32
    %dma_start3A_52 = tpu.memref_slice %arg13[%add3A_48, %dma_start3A_51] : memref<10240x128xf32, #tpu.memory_space<vmem_shared>> -> memref<40x128xf32, #tpu.memory_space<vmem_shared>>
    tpu.enqueue_dma source(%arg12 : memref<40x128xf32, #tpu.memory_space<vmem>>) target(%dma_start3A_52 : memref<40x128xf32, #tpu.memory_space<vmem_shared>>) target_semaphore(%arg22 : memref<!tpu.dma_semaphore, #tpu.memory_space<semaphore_mem>>)
    %mul3A_53 = arith.constant 640 : i32
    %mul3A_54 = arith.muli %arg1, %mul3A_53 : i32
    %add3A_55 = arith.constant 240 : i32
    %add3A_56 = arith.addi %mul3A_54, %add3A_55 : i32
    %dma_start3A_57 = arith.constant 0 : i32
    %dma_start3A_58 = tpu.memref_slice %arg13[%add3A_56, %dma_start3A_57] : memref<10240x128xf32, #tpu.memory_space<vmem_shared>> -> memref<40x128xf32, #tpu.memory_space<vmem_shared>>
    %dma_start3A_59 = arith.constant 0 : i32
    %dma_start3A_60 = tpu.memref_slice %arg13[%add3A_56, %dma_start3A_59] : memref<10240x128xf32, #tpu.memory_space<vmem_shared>> -> memref<40x128xf32, #tpu.memory_space<vmem_shared>>
    tpu.enqueue_dma source(%arg12 : memref<40x128xf32, #tpu.memory_space<vmem>>) target(%dma_start3A_60 : memref<40x128xf32, #tpu.memory_space<vmem_shared>>) target_semaphore(%arg22 : memref<!tpu.dma_semaphore, #tpu.memory_space<semaphore_mem>>)
    %mul3A_61 = arith.constant 640 : i32
    %mul3A_62 = arith.muli %arg1, %mul3A_61 : i32
    %add3A_63 = arith.constant 280 : i32
    %add3A_64 = arith.addi %mul3A_62, %add3A_63 : i32
    %dma_start3A_65 = arith.constant 0 : i32
    %dma_start3A_66 = tpu.memref_slice %arg13[%add3A_64, %dma_start3A_65] : memref<10240x128xf32, #tpu.memory_space<vmem_shared>> -> memref<40x128xf32, #tpu.memory_space<vmem_shared>>
    %dma_start3A_67 = arith.constant 0 : i32
    %dma_start3A_68 = tpu.memref_slice %arg13[%add3A_64, %dma_start3A_67] : memref<10240x128xf32, #tpu.memory_space<vmem_shared>> -> memref<40x128xf32, #tpu.memory_space<vmem_shared>>
    tpu.enqueue_dma source(%arg12 : memref<40x128xf32, #tpu.memory_space<vmem>>) target(%dma_start3A_68 : memref<40x128xf32, #tpu.memory_space<vmem_shared>>) target_semaphore(%arg22 : memref<!tpu.dma_semaphore, #tpu.memory_space<semaphore_mem>>)
    %mul3A_69 = arith.constant 640 : i32
    %mul3A_70 = arith.muli %arg1, %mul3A_69 : i32
    %add3A_71 = arith.constant 320 : i32
    %add3A_72 = arith.addi %mul3A_70, %add3A_71 : i32
    %dma_start3A_73 = arith.constant 0 : i32
    %dma_start3A_74 = tpu.memref_slice %arg13[%add3A_72, %dma_start3A_73] : memref<10240x128xf32, #tpu.memory_space<vmem_shared>> -> memref<40x128xf32, #tpu.memory_space<vmem_shared>>
    %dma_start3A_75 = arith.constant 0 : i32
    %dma_start3A_76 = tpu.memref_slice %arg13[%add3A_72, %dma_start3A_75] : memref<10240x128xf32, #tpu.memory_space<vmem_shared>> -> memref<40x128xf32, #tpu.memory_space<vmem_shared>>
    tpu.enqueue_dma source(%arg12 : memref<40x128xf32, #tpu.memory_space<vmem>>) target(%dma_start3A_76 : memref<40x128xf32, #tpu.memory_space<vmem_shared>>) target_semaphore(%arg22 : memref<!tpu.dma_semaphore, #tpu.memory_space<semaphore_mem>>)
    %mul3A_77 = arith.constant 640 : i32
    %mul3A_78 = arith.muli %arg1, %mul3A_77 : i32
    %add3A_79 = arith.constant 360 : i32
    %add3A_80 = arith.addi %mul3A_78, %add3A_79 : i32
    %dma_start3A_81 = arith.constant 0 : i32
    %dma_start3A_82 = tpu.memref_slice %arg13[%add3A_80, %dma_start3A_81] : memref<10240x128xf32, #tpu.memory_space<vmem_shared>> -> memref<40x128xf32, #tpu.memory_space<vmem_shared>>
    %dma_start3A_83 = arith.constant 0 : i32
    %dma_start3A_84 = tpu.memref_slice %arg13[%add3A_80, %dma_start3A_83] : memref<10240x128xf32, #tpu.memory_space<vmem_shared>> -> memref<40x128xf32, #tpu.memory_space<vmem_shared>>
    tpu.enqueue_dma source(%arg12 : memref<40x128xf32, #tpu.memory_space<vmem>>) target(%dma_start3A_84 : memref<40x128xf32, #tpu.memory_space<vmem_shared>>) target_semaphore(%arg22 : memref<!tpu.dma_semaphore, #tpu.memory_space<semaphore_mem>>)
    %mul3A_85 = arith.constant 640 : i32
    %mul3A_86 = arith.muli %arg1, %mul3A_85 : i32
    %add3A_87 = arith.constant 400 : i32
    %add3A_88 = arith.addi %mul3A_86, %add3A_87 : i32
    %dma_start3A_89 = arith.constant 0 : i32
    %dma_start3A_90 = tpu.memref_slice %arg13[%add3A_88, %dma_start3A_89] : memref<10240x128xf32, #tpu.memory_space<vmem_shared>> -> memref<40x128xf32, #tpu.memory_space<vmem_shared>>
    %dma_start3A_91 = arith.constant 0 : i32
    %dma_start3A_92 = tpu.memref_slice %arg13[%add3A_88, %dma_start3A_91] : memref<10240x128xf32, #tpu.memory_space<vmem_shared>> -> memref<40x128xf32, #tpu.memory_space<vmem_shared>>
    tpu.enqueue_dma source(%arg12 : memref<40x128xf32, #tpu.memory_space<vmem>>) target(%dma_start3A_92 : memref<40x128xf32, #tpu.memory_space<vmem_shared>>) target_semaphore(%arg22 : memref<!tpu.dma_semaphore, #tpu.memory_space<semaphore_mem>>)
    %mul3A_93 = arith.constant 640 : i32
    %mul3A_94 = arith.muli %arg1, %mul3A_93 : i32
    %add3A_95 = arith.constant 440 : i32
    %add3A_96 = arith.addi %mul3A_94, %add3A_95 : i32
    %dma_start3A_97 = arith.constant 0 : i32
    %dma_start3A_98 = tpu.memref_slice %arg13[%add3A_96, %dma_start3A_97] : memref<10240x128xf32, #tpu.memory_space<vmem_shared>> -> memref<40x128xf32, #tpu.memory_space<vmem_shared>>
    %dma_start3A_99 = arith.constant 0 : i32
    %dma_start3A_100 = tpu.memref_slice %arg13[%add3A_96, %dma_start3A_99] : memref<10240x128xf32, #tpu.memory_space<vmem_shared>> -> memref<40x128xf32, #tpu.memory_space<vmem_shared>>
    tpu.enqueue_dma source(%arg12 : memref<40x128xf32, #tpu.memory_space<vmem>>) target(%dma_start3A_100 : memref<40x128xf32, #tpu.memory_space<vmem_shared>>) target_semaphore(%arg22 : memref<!tpu.dma_semaphore, #tpu.memory_space<semaphore_mem>>)
    %mul3A_101 = arith.constant 640 : i32
    %mul3A_102 = arith.muli %arg1, %mul3A_101 : i32
    %add3A_103 = arith.constant 480 : i32
    %add3A_104 = arith.addi %mul3A_102, %add3A_103 : i32
    %dma_start3A_105 = arith.constant 0 : i32
    %dma_start3A_106 = tpu.memref_slice %arg13[%add3A_104, %dma_start3A_105] : memref<10240x128xf32, #tpu.memory_space<vmem_shared>> -> memref<40x128xf32, #tpu.memory_space<vmem_shared>>
    %dma_start3A_107 = arith.constant 0 : i32
    %dma_start3A_108 = tpu.memref_slice %arg13[%add3A_104, %dma_start3A_107] : memref<10240x128xf32, #tpu.memory_space<vmem_shared>> -> memref<40x128xf32, #tpu.memory_space<vmem_shared>>
    tpu.enqueue_dma source(%arg12 : memref<40x128xf32, #tpu.memory_space<vmem>>) target(%dma_start3A_108 : memref<40x128xf32, #tpu.memory_space<vmem_shared>>) target_semaphore(%arg22 : memref<!tpu.dma_semaphore, #tpu.memory_space<semaphore_mem>>)
    %mul3A_109 = arith.constant 640 : i32
    %mul3A_110 = arith.muli %arg1, %mul3A_109 : i32
    %add3A_111 = arith.constant 520 : i32
    %add3A_112 = arith.addi %mul3A_110, %add3A_111 : i32
    %dma_start3A_113 = arith.constant 0 : i32
    %dma_start3A_114 = tpu.memref_slice %arg13[%add3A_112, %dma_start3A_113] : memref<10240x128xf32, #tpu.memory_space<vmem_shared>> -> memref<40x128xf32, #tpu.memory_space<vmem_shared>>
    %dma_start3A_115 = arith.constant 0 : i32
    %dma_start3A_116 = tpu.memref_slice %arg13[%add3A_112, %dma_start3A_115] : memref<10240x128xf32, #tpu.memory_space<vmem_shared>> -> memref<40x128xf32, #tpu.memory_space<vmem_shared>>
    tpu.enqueue_dma source(%arg12 : memref<40x128xf32, #tpu.memory_space<vmem>>) target(%dma_start3A_116 : memref<40x128xf32, #tpu.memory_space<vmem_shared>>) target_semaphore(%arg22 : memref<!tpu.dma_semaphore, #tpu.memory_space<semaphore_mem>>)
    %mul3A_117 = arith.constant 640 : i32
    %mul3A_118 = arith.muli %arg1, %mul3A_117 : i32
    %add3A_119 = arith.constant 560 : i32
    %add3A_120 = arith.addi %mul3A_118, %add3A_119 : i32
    %dma_start3A_121 = arith.constant 0 : i32
    %dma_start3A_122 = tpu.memref_slice %arg13[%add3A_120, %dma_start3A_121] : memref<10240x128xf32, #tpu.memory_space<vmem_shared>> -> memref<40x128xf32, #tpu.memory_space<vmem_shared>>
    %dma_start3A_123 = arith.constant 0 : i32
    %dma_start3A_124 = tpu.memref_slice %arg13[%add3A_120, %dma_start3A_123] : memref<10240x128xf32, #tpu.memory_space<vmem_shared>> -> memref<40x128xf32, #tpu.memory_space<vmem_shared>>
    tpu.enqueue_dma source(%arg12 : memref<40x128xf32, #tpu.memory_space<vmem>>) target(%dma_start3A_124 : memref<40x128xf32, #tpu.memory_space<vmem_shared>>) target_semaphore(%arg22 : memref<!tpu.dma_semaphore, #tpu.memory_space<semaphore_mem>>)
    %mul3A_125 = arith.constant 640 : i32
    %mul3A_126 = arith.muli %arg1, %mul3A_125 : i32
    %add3A_127 = arith.constant 600 : i32
    %add3A_128 = arith.addi %mul3A_126, %add3A_127 : i32
    %dma_start3A_129 = arith.constant 0 : i32
    %dma_start3A_130 = tpu.memref_slice %arg13[%add3A_128, %dma_start3A_129] : memref<10240x128xf32, #tpu.memory_space<vmem_shared>> -> memref<40x128xf32, #tpu.memory_space<vmem_shared>>
    %dma_start3A_131 = arith.constant 0 : i32
    %dma_start3A_132 = tpu.memref_slice %arg13[%add3A_128, %dma_start3A_131] : memref<10240x128xf32, #tpu.memory_space<vmem_shared>> -> memref<40x128xf32, #tpu.memory_space<vmem_shared>>
    tpu.enqueue_dma source(%arg12 : memref<40x128xf32, #tpu.memory_space<vmem>>) target(%dma_start3A_132 : memref<40x128xf32, #tpu.memory_space<vmem_shared>>) target_semaphore(%arg22 : memref<!tpu.dma_semaphore, #tpu.memory_space<semaphore_mem>>)
    %mul3A_133 = arith.constant 640 : i32
    %mul3A_134 = arith.muli %arg1, %mul3A_133 : i32
    %add3A_135 = arith.constant 0 : i32
    %add3A_136 = arith.addi %mul3A_134, %add3A_135 : i32
    %dma_wait3A = arith.constant 0 : i32
    %dma_wait3A_137 = tpu.memref_slice %arg13[%add3A_136, %dma_wait3A] : memref<10240x128xf32, #tpu.memory_space<vmem_shared>> -> memref<40x128xf32, #tpu.memory_space<vmem_shared>>
    %dma_wait3A_138 = arith.constant 0 : i32
    %dma_wait3A_139 = tpu.memref_slice %arg13[%add3A_136, %dma_wait3A_138] : memref<10240x128xf32, #tpu.memory_space<vmem_shared>> -> memref<40x128xf32, #tpu.memory_space<vmem_shared>>
    tpu.wait_dma2 semaphore(%arg22 : memref<!tpu.dma_semaphore, #tpu.memory_space<semaphore_mem>>) src(%arg12 : memref<40x128xf32, #tpu.memory_space<vmem>>) dst(%dma_wait3A_139 : memref<40x128xf32, #tpu.memory_space<vmem_shared>>)
    %mul3A_140 = arith.constant 640 : i32
    %mul3A_141 = arith.muli %arg1, %mul3A_140 : i32
    %add3A_142 = arith.constant 40 : i32
    %add3A_143 = arith.addi %mul3A_141, %add3A_142 : i32
    %dma_wait3A_144 = arith.constant 0 : i32
    %dma_wait3A_145 = tpu.memref_slice %arg13[%add3A_143, %dma_wait3A_144] : memref<10240x128xf32, #tpu.memory_space<vmem_shared>> -> memref<40x128xf32, #tpu.memory_space<vmem_shared>>
    %dma_wait3A_146 = arith.constant 0 : i32
    %dma_wait3A_147 = tpu.memref_slice %arg13[%add3A_143, %dma_wait3A_146] : memref<10240x128xf32, #tpu.memory_space<vmem_shared>> -> memref<40x128xf32, #tpu.memory_space<vmem_shared>>
    tpu.wait_dma2 semaphore(%arg22 : memref<!tpu.dma_semaphore, #tpu.memory_space<semaphore_mem>>) src(%arg12 : memref<40x128xf32, #tpu.memory_space<vmem>>) dst(%dma_wait3A_147 : memref<40x128xf32, #tpu.memory_space<vmem_shared>>)
    %mul3A_148 = arith.constant 640 : i32
    %mul3A_149 = arith.muli %arg1, %mul3A_148 : i32
    %add3A_150 = arith.constant 80 : i32
    %add3A_151 = arith.addi %mul3A_149, %add3A_150 : i32
    %dma_wait3A_152 = arith.constant 0 : i32
    %dma_wait3A_153 = tpu.memref_slice %arg13[%add3A_151, %dma_wait3A_152] : memref<10240x128xf32, #tpu.memory_space<vmem_shared>> -> memref<40x128xf32, #tpu.memory_space<vmem_shared>>
    %dma_wait3A_154 = arith.constant 0 : i32
    %dma_wait3A_155 = tpu.memref_slice %arg13[%add3A_151, %dma_wait3A_154] : memref<10240x128xf32, #tpu.memory_space<vmem_shared>> -> memref<40x128xf32, #tpu.memory_space<vmem_shared>>
    tpu.wait_dma2 semaphore(%arg22 : memref<!tpu.dma_semaphore, #tpu.memory_space<semaphore_mem>>) src(%arg12 : memref<40x128xf32, #tpu.memory_space<vmem>>) dst(%dma_wait3A_155 : memref<40x128xf32, #tpu.memory_space<vmem_shared>>)
    %mul3A_156 = arith.constant 640 : i32
    %mul3A_157 = arith.muli %arg1, %mul3A_156 : i32
    %add3A_158 = arith.constant 120 : i32
    %add3A_159 = arith.addi %mul3A_157, %add3A_158 : i32
    %dma_wait3A_160 = arith.constant 0 : i32
    %dma_wait3A_161 = tpu.memref_slice %arg13[%add3A_159, %dma_wait3A_160] : memref<10240x128xf32, #tpu.memory_space<vmem_shared>> -> memref<40x128xf32, #tpu.memory_space<vmem_shared>>
    %dma_wait3A_162 = arith.constant 0 : i32
    %dma_wait3A_163 = tpu.memref_slice %arg13[%add3A_159, %dma_wait3A_162] : memref<10240x128xf32, #tpu.memory_space<vmem_shared>> -> memref<40x128xf32, #tpu.memory_space<vmem_shared>>
    tpu.wait_dma2 semaphore(%arg22 : memref<!tpu.dma_semaphore, #tpu.memory_space<semaphore_mem>>) src(%arg12 : memref<40x128xf32, #tpu.memory_space<vmem>>) dst(%dma_wait3A_163 : memref<40x128xf32, #tpu.memory_space<vmem_shared>>)
    %mul3A_164 = arith.constant 640 : i32
    %mul3A_165 = arith.muli %arg1, %mul3A_164 : i32
    %add3A_166 = arith.constant 160 : i32
    %add3A_167 = arith.addi %mul3A_165, %add3A_166 : i32
    %dma_wait3A_168 = arith.constant 0 : i32
    %dma_wait3A_169 = tpu.memref_slice %arg13[%add3A_167, %dma_wait3A_168] : memref<10240x128xf32, #tpu.memory_space<vmem_shared>> -> memref<40x128xf32, #tpu.memory_space<vmem_shared>>
    %dma_wait3A_170 = arith.constant 0 : i32
    %dma_wait3A_171 = tpu.memref_slice %arg13[%add3A_167, %dma_wait3A_170] : memref<10240x128xf32, #tpu.memory_space<vmem_shared>> -> memref<40x128xf32, #tpu.memory_space<vmem_shared>>
    tpu.wait_dma2 semaphore(%arg22 : memref<!tpu.dma_semaphore, #tpu.memory_space<semaphore_mem>>) src(%arg12 : memref<40x128xf32, #tpu.memory_space<vmem>>) dst(%dma_wait3A_171 : memref<40x128xf32, #tpu.memory_space<vmem_shared>>)
    %mul3A_172 = arith.constant 640 : i32
    %mul3A_173 = arith.muli %arg1, %mul3A_172 : i32
    %add3A_174 = arith.constant 200 : i32
    %add3A_175 = arith.addi %mul3A_173, %add3A_174 : i32
    %dma_wait3A_176 = arith.constant 0 : i32
    %dma_wait3A_177 = tpu.memref_slice %arg13[%add3A_175, %dma_wait3A_176] : memref<10240x128xf32, #tpu.memory_space<vmem_shared>> -> memref<40x128xf32, #tpu.memory_space<vmem_shared>>
    %dma_wait3A_178 = arith.constant 0 : i32
    %dma_wait3A_179 = tpu.memref_slice %arg13[%add3A_175, %dma_wait3A_178] : memref<10240x128xf32, #tpu.memory_space<vmem_shared>> -> memref<40x128xf32, #tpu.memory_space<vmem_shared>>
    tpu.wait_dma2 semaphore(%arg22 : memref<!tpu.dma_semaphore, #tpu.memory_space<semaphore_mem>>) src(%arg12 : memref<40x128xf32, #tpu.memory_space<vmem>>) dst(%dma_wait3A_179 : memref<40x128xf32, #tpu.memory_space<vmem_shared>>)
    %mul3A_180 = arith.constant 640 : i32
    %mul3A_181 = arith.muli %arg1, %mul3A_180 : i32
    %add3A_182 = arith.constant 240 : i32
    %add3A_183 = arith.addi %mul3A_181, %add3A_182 : i32
    %dma_wait3A_184 = arith.constant 0 : i32
    %dma_wait3A_185 = tpu.memref_slice %arg13[%add3A_183, %dma_wait3A_184] : memref<10240x128xf32, #tpu.memory_space<vmem_shared>> -> memref<40x128xf32, #tpu.memory_space<vmem_shared>>
    %dma_wait3A_186 = arith.constant 0 : i32
    %dma_wait3A_187 = tpu.memref_slice %arg13[%add3A_183, %dma_wait3A_186] : memref<10240x128xf32, #tpu.memory_space<vmem_shared>> -> memref<40x128xf32, #tpu.memory_space<vmem_shared>>
    tpu.wait_dma2 semaphore(%arg22 : memref<!tpu.dma_semaphore, #tpu.memory_space<semaphore_mem>>) src(%arg12 : memref<40x128xf32, #tpu.memory_space<vmem>>) dst(%dma_wait3A_187 : memref<40x128xf32, #tpu.memory_space<vmem_shared>>)
    %mul3A_188 = arith.constant 640 : i32
    %mul3A_189 = arith.muli %arg1, %mul3A_188 : i32
    %add3A_190 = arith.constant 280 : i32
    %add3A_191 = arith.addi %mul3A_189, %add3A_190 : i32
    %dma_wait3A_192 = arith.constant 0 : i32
    %dma_wait3A_193 = tpu.memref_slice %arg13[%add3A_191, %dma_wait3A_192] : memref<10240x128xf32, #tpu.memory_space<vmem_shared>> -> memref<40x128xf32, #tpu.memory_space<vmem_shared>>
    %dma_wait3A_194 = arith.constant 0 : i32
    %dma_wait3A_195 = tpu.memref_slice %arg13[%add3A_191, %dma_wait3A_194] : memref<10240x128xf32, #tpu.memory_space<vmem_shared>> -> memref<40x128xf32, #tpu.memory_space<vmem_shared>>
    tpu.wait_dma2 semaphore(%arg22 : memref<!tpu.dma_semaphore, #tpu.memory_space<semaphore_mem>>) src(%arg12 : memref<40x128xf32, #tpu.memory_space<vmem>>) dst(%dma_wait3A_195 : memref<40x128xf32, #tpu.memory_space<vmem_shared>>)
    %mul3A_196 = arith.constant 640 : i32
    %mul3A_197 = arith.muli %arg1, %mul3A_196 : i32
    %add3A_198 = arith.constant 320 : i32
    %add3A_199 = arith.addi %mul3A_197, %add3A_198 : i32
    %dma_wait3A_200 = arith.constant 0 : i32
    %dma_wait3A_201 = tpu.memref_slice %arg13[%add3A_199, %dma_wait3A_200] : memref<10240x128xf32, #tpu.memory_space<vmem_shared>> -> memref<40x128xf32, #tpu.memory_space<vmem_shared>>
    %dma_wait3A_202 = arith.constant 0 : i32
    %dma_wait3A_203 = tpu.memref_slice %arg13[%add3A_199, %dma_wait3A_202] : memref<10240x128xf32, #tpu.memory_space<vmem_shared>> -> memref<40x128xf32, #tpu.memory_space<vmem_shared>>
    tpu.wait_dma2 semaphore(%arg22 : memref<!tpu.dma_semaphore, #tpu.memory_space<semaphore_mem>>) src(%arg12 : memref<40x128xf32, #tpu.memory_space<vmem>>) dst(%dma_wait3A_203 : memref<40x128xf32, #tpu.memory_space<vmem_shared>>)
    %mul3A_204 = arith.constant 640 : i32
    %mul3A_205 = arith.muli %arg1, %mul3A_204 : i32
    %add3A_206 = arith.constant 360 : i32
    %add3A_207 = arith.addi %mul3A_205, %add3A_206 : i32
    %dma_wait3A_208 = arith.constant 0 : i32
    %dma_wait3A_209 = tpu.memref_slice %arg13[%add3A_207, %dma_wait3A_208] : memref<10240x128xf32, #tpu.memory_space<vmem_shared>> -> memref<40x128xf32, #tpu.memory_space<vmem_shared>>
    %dma_wait3A_210 = arith.constant 0 : i32
    %dma_wait3A_211 = tpu.memref_slice %arg13[%add3A_207, %dma_wait3A_210] : memref<10240x128xf32, #tpu.memory_space<vmem_shared>> -> memref<40x128xf32, #tpu.memory_space<vmem_shared>>
    tpu.wait_dma2 semaphore(%arg22 : memref<!tpu.dma_semaphore, #tpu.memory_space<semaphore_mem>>) src(%arg12 : memref<40x128xf32, #tpu.memory_space<vmem>>) dst(%dma_wait3A_211 : memref<40x128xf32, #tpu.memory_space<vmem_shared>>)
    %mul3A_212 = arith.constant 640 : i32
    %mul3A_213 = arith.muli %arg1, %mul3A_212 : i32
    %add3A_214 = arith.constant 400 : i32
    %add3A_215 = arith.addi %mul3A_213, %add3A_214 : i32
    %dma_wait3A_216 = arith.constant 0 : i32
    %dma_wait3A_217 = tpu.memref_slice %arg13[%add3A_215, %dma_wait3A_216] : memref<10240x128xf32, #tpu.memory_space<vmem_shared>> -> memref<40x128xf32, #tpu.memory_space<vmem_shared>>
    %dma_wait3A_218 = arith.constant 0 : i32
    %dma_wait3A_219 = tpu.memref_slice %arg13[%add3A_215, %dma_wait3A_218] : memref<10240x128xf32, #tpu.memory_space<vmem_shared>> -> memref<40x128xf32, #tpu.memory_space<vmem_shared>>
    tpu.wait_dma2 semaphore(%arg22 : memref<!tpu.dma_semaphore, #tpu.memory_space<semaphore_mem>>) src(%arg12 : memref<40x128xf32, #tpu.memory_space<vmem>>) dst(%dma_wait3A_219 : memref<40x128xf32, #tpu.memory_space<vmem_shared>>)
    %mul3A_220 = arith.constant 640 : i32
    %mul3A_221 = arith.muli %arg1, %mul3A_220 : i32
    %add3A_222 = arith.constant 440 : i32
    %add3A_223 = arith.addi %mul3A_221, %add3A_222 : i32
    %dma_wait3A_224 = arith.constant 0 : i32
    %dma_wait3A_225 = tpu.memref_slice %arg13[%add3A_223, %dma_wait3A_224] : memref<10240x128xf32, #tpu.memory_space<vmem_shared>> -> memref<40x128xf32, #tpu.memory_space<vmem_shared>>
    %dma_wait3A_226 = arith.constant 0 : i32
    %dma_wait3A_227 = tpu.memref_slice %arg13[%add3A_223, %dma_wait3A_226] : memref<10240x128xf32, #tpu.memory_space<vmem_shared>> -> memref<40x128xf32, #tpu.memory_space<vmem_shared>>
    tpu.wait_dma2 semaphore(%arg22 : memref<!tpu.dma_semaphore, #tpu.memory_space<semaphore_mem>>) src(%arg12 : memref<40x128xf32, #tpu.memory_space<vmem>>) dst(%dma_wait3A_227 : memref<40x128xf32, #tpu.memory_space<vmem_shared>>)
    %mul3A_228 = arith.constant 640 : i32
    %mul3A_229 = arith.muli %arg1, %mul3A_228 : i32
    %add3A_230 = arith.constant 480 : i32
    %add3A_231 = arith.addi %mul3A_229, %add3A_230 : i32
    %dma_wait3A_232 = arith.constant 0 : i32
    %dma_wait3A_233 = tpu.memref_slice %arg13[%add3A_231, %dma_wait3A_232] : memref<10240x128xf32, #tpu.memory_space<vmem_shared>> -> memref<40x128xf32, #tpu.memory_space<vmem_shared>>
    %dma_wait3A_234 = arith.constant 0 : i32
    %dma_wait3A_235 = tpu.memref_slice %arg13[%add3A_231, %dma_wait3A_234] : memref<10240x128xf32, #tpu.memory_space<vmem_shared>> -> memref<40x128xf32, #tpu.memory_space<vmem_shared>>
    tpu.wait_dma2 semaphore(%arg22 : memref<!tpu.dma_semaphore, #tpu.memory_space<semaphore_mem>>) src(%arg12 : memref<40x128xf32, #tpu.memory_space<vmem>>) dst(%dma_wait3A_235 : memref<40x128xf32, #tpu.memory_space<vmem_shared>>)
    %mul3A_236 = arith.constant 640 : i32
    %mul3A_237 = arith.muli %arg1, %mul3A_236 : i32
    %add3A_238 = arith.constant 520 : i32
    %add3A_239 = arith.addi %mul3A_237, %add3A_238 : i32
    %dma_wait3A_240 = arith.constant 0 : i32
    %dma_wait3A_241 = tpu.memref_slice %arg13[%add3A_239, %dma_wait3A_240] : memref<10240x128xf32, #tpu.memory_space<vmem_shared>> -> memref<40x128xf32, #tpu.memory_space<vmem_shared>>
    %dma_wait3A_242 = arith.constant 0 : i32
    %dma_wait3A_243 = tpu.memref_slice %arg13[%add3A_239, %dma_wait3A_242] : memref<10240x128xf32, #tpu.memory_space<vmem_shared>> -> memref<40x128xf32, #tpu.memory_space<vmem_shared>>
    tpu.wait_dma2 semaphore(%arg22 : memref<!tpu.dma_semaphore, #tpu.memory_space<semaphore_mem>>) src(%arg12 : memref<40x128xf32, #tpu.memory_space<vmem>>) dst(%dma_wait3A_243 : memref<40x128xf32, #tpu.memory_space<vmem_shared>>)
    %mul3A_244 = arith.constant 640 : i32
    %mul3A_245 = arith.muli %arg1, %mul3A_244 : i32
    %add3A_246 = arith.constant 560 : i32
    %add3A_247 = arith.addi %mul3A_245, %add3A_246 : i32
    %dma_wait3A_248 = arith.constant 0 : i32
    %dma_wait3A_249 = tpu.memref_slice %arg13[%add3A_247, %dma_wait3A_248] : memref<10240x128xf32, #tpu.memory_space<vmem_shared>> -> memref<40x128xf32, #tpu.memory_space<vmem_shared>>
    %dma_wait3A_250 = arith.constant 0 : i32
    %dma_wait3A_251 = tpu.memref_slice %arg13[%add3A_247, %dma_wait3A_250] : memref<10240x128xf32, #tpu.memory_space<vmem_shared>> -> memref<40x128xf32, #tpu.memory_space<vmem_shared>>
    tpu.wait_dma2 semaphore(%arg22 : memref<!tpu.dma_semaphore, #tpu.memory_space<semaphore_mem>>) src(%arg12 : memref<40x128xf32, #tpu.memory_space<vmem>>) dst(%dma_wait3A_251 : memref<40x128xf32, #tpu.memory_space<vmem_shared>>)
    %mul3A_252 = arith.constant 640 : i32
    %mul3A_253 = arith.muli %arg1, %mul3A_252 : i32
    %add3A_254 = arith.constant 600 : i32
    %add3A_255 = arith.addi %mul3A_253, %add3A_254 : i32
    %dma_wait3A_256 = arith.constant 0 : i32
    %dma_wait3A_257 = tpu.memref_slice %arg13[%add3A_255, %dma_wait3A_256] : memref<10240x128xf32, #tpu.memory_space<vmem_shared>> -> memref<40x128xf32, #tpu.memory_space<vmem_shared>>
    %dma_wait3A_258 = arith.constant 0 : i32
    %dma_wait3A_259 = tpu.memref_slice %arg13[%add3A_255, %dma_wait3A_258] : memref<10240x128xf32, #tpu.memory_space<vmem_shared>> -> memref<40x128xf32, #tpu.memory_space<vmem_shared>>
    tpu.wait_dma2 semaphore(%arg22 : memref<!tpu.dma_semaphore, #tpu.memory_space<semaphore_mem>>) src(%arg12 : memref<40x128xf32, #tpu.memory_space<vmem>>) dst(%dma_wait3A_259 : memref<40x128xf32, #tpu.memory_space<vmem_shared>>)
    %dma_start3A_260 = arith.constant 0 : i32
    %dma_start3A_261 = arith.constant 0 : i32
    %dma_start3A_262 = arith.constant 0 : i32
    %dma_start3A_263 = tpu.memref_slice %arg4[%dma_start3A_261, %add3A, %dma_start3A_260, %dma_start3A_262] : memref<2x32x190x40xi32, #tpu.memory_space<hbm>> -> memref<2x1x1x40xi32, #tpu.memory_space<hbm>>
    %dma_start3A_264 = tpu.memref_squeeze %dma_start3A_263 : memref<2x1x1x40xi32, #tpu.memory_space<hbm>> -> memref<2x40xi32, #tpu.memory_space<hbm>>
    %dma_start3A_265 = arith.constant 0 : i32
    %dma_start3A_266 = arith.constant 0 : i32
    %dma_start3A_267 = tpu.memref_slice %arg4[%dma_start3A_265, %add3A, %dma_start3A_260, %dma_start3A_266] : memref<2x32x190x40xi32, #tpu.memory_space<hbm>> -> memref<2x1x1x40xi32, #tpu.memory_space<hbm>>
    %dma_start3A_268 = tpu.memref_squeeze %dma_start3A_267 : memref<2x1x1x40xi32, #tpu.memory_space<hbm>> -> memref<2x40xi32, #tpu.memory_space<hbm>>
    tpu.enqueue_dma source(%dma_start3A_268 : memref<2x40xi32, #tpu.memory_space<hbm>>) target(%arg6 : memref<2x40xi32, #tpu.memory_space<vmem>>) target_semaphore(%arg18 : memref<!tpu.dma_semaphore, #tpu.memory_space<semaphore_mem>>)
    %dma_start3A_269 = arith.constant 1 : i32
    %dma_start3A_270 = arith.constant 0 : i32
    %dma_start3A_271 = arith.constant 0 : i32
    %dma_start3A_272 = tpu.memref_slice %arg4[%dma_start3A_270, %add3A, %dma_start3A_269, %dma_start3A_271] : memref<2x32x190x40xi32, #tpu.memory_space<hbm>> -> memref<2x1x1x40xi32, #tpu.memory_space<hbm>>
    %dma_start3A_273 = tpu.memref_squeeze %dma_start3A_272 : memref<2x1x1x40xi32, #tpu.memory_space<hbm>> -> memref<2x40xi32, #tpu.memory_space<hbm>>
    %dma_start3A_274 = arith.constant 0 : i32
    %dma_start3A_275 = arith.constant 0 : i32
    %dma_start3A_276 = tpu.memref_slice %arg4[%dma_start3A_274, %add3A, %dma_start3A_269, %dma_start3A_275] : memref<2x32x190x40xi32, #tpu.memory_space<hbm>> -> memref<2x1x1x40xi32, #tpu.memory_space<hbm>>
    %dma_start3A_277 = tpu.memref_squeeze %dma_start3A_276 : memref<2x1x1x40xi32, #tpu.memory_space<hbm>> -> memref<2x40xi32, #tpu.memory_space<hbm>>
    tpu.enqueue_dma source(%dma_start3A_277 : memref<2x40xi32, #tpu.memory_space<hbm>>) target(%arg7 : memref<2x40xi32, #tpu.memory_space<vmem>>) target_semaphore(%arg19 : memref<!tpu.dma_semaphore, #tpu.memory_space<semaphore_mem>>)
    %dma_wait3A_278 = arith.constant 0 : i32
    %dma_wait3A_279 = arith.constant 0 : i32
    %dma_wait3A_280 = arith.constant 0 : i32
    %dma_wait3A_281 = tpu.memref_slice %arg4[%dma_wait3A_279, %add3A, %dma_wait3A_278, %dma_wait3A_280] : memref<2x32x190x40xi32, #tpu.memory_space<hbm>> -> memref<2x1x1x40xi32, #tpu.memory_space<hbm>>
    %dma_wait3A_282 = tpu.memref_squeeze %dma_wait3A_281 : memref<2x1x1x40xi32, #tpu.memory_space<hbm>> -> memref<2x40xi32, #tpu.memory_space<hbm>>
    %dma_wait3A_283 = arith.constant 0 : i32
    %dma_wait3A_284 = arith.constant 0 : i32
    %dma_wait3A_285 = tpu.memref_slice %arg4[%dma_wait3A_283, %add3A, %dma_wait3A_278, %dma_wait3A_284] : memref<2x32x190x40xi32, #tpu.memory_space<hbm>> -> memref<2x1x1x40xi32, #tpu.memory_space<hbm>>
    %dma_wait3A_286 = tpu.memref_squeeze %dma_wait3A_285 : memref<2x1x1x40xi32, #tpu.memory_space<hbm>> -> memref<2x40xi32, #tpu.memory_space<hbm>>
    tpu.wait_dma2 semaphore(%arg18 : memref<!tpu.dma_semaphore, #tpu.memory_space<semaphore_mem>>) src(%dma_wait3A_286 : memref<2x40xi32, #tpu.memory_space<hbm>>) dst(%arg6 : memref<2x40xi32, #tpu.memory_space<vmem>>)
    %dma_start3A_287 = arith.constant 0 : i32
    %dma_start3A_288 = arith.constant 0 : i32
    %dma_start3A_289 = arith.constant 0 : i32
    %dma_start3A_290 = arith.constant 0 : i32
    %dma_start3A_291 = tpu.memref_slice %arg10[%dma_start3A_288, %dma_start3A_289, %dma_start3A_290] : memref<2x40x128xf32, #tpu.memory_space<vmem>> -> memref<1x40x128xf32, #tpu.memory_space<vmem>>
    %dma_start3A_292 = tpu.memref_squeeze %dma_start3A_291 : memref<1x40x128xf32, #tpu.memory_space<vmem>> -> memref<40x128xf32, #tpu.memory_space<vmem>>
    %dma_start3A_293 = arith.constant 0 : i32
    %dma_start3A_294 = tpu.memref_slice %arg6[%dma_start3A_287, %dma_start3A_293] : memref<2x40xi32, #tpu.memory_space<vmem>> -> memref<1x40xi32, #tpu.memory_space<vmem>>
    %dma_start3A_295 = tpu.memref_squeeze %dma_start3A_294 : memref<1x40xi32, #tpu.memory_space<vmem>> -> memref<40xi32, #tpu.memory_space<vmem>>
    %dma_start3A_296 = arith.constant 0 : i32
    %dma_start3A_297 = arith.constant 0 : i32
    %dma_start3A_298 = tpu.memref_slice %arg2[%dma_start3A_296, %dma_start3A_297] : memref<10000x128xf32, #tpu.memory_space<hbm>> -> memref<10000x128xf32, #tpu.memory_space<hbm>>
    tpu.enqueue_indirect_dma source(%dma_start3A_298 : memref<10000x128xf32, #tpu.memory_space<hbm>>) target(%dma_start3A_292 : memref<40x128xf32, #tpu.memory_space<vmem>>) offsets(%dma_start3A_295 : memref<40xi32, #tpu.memory_space<vmem>>) semaphore(%arg14 : memref<!tpu.dma_semaphore, #tpu.memory_space<semaphore_mem>>)
    %dma_start3A_299 = arith.constant 0 : i32
    %dma_start3A_300 = arith.constant 0 : i32
    %dma_start3A_301 = arith.constant 0 : i32
    %dma_start3A_302 = arith.constant 0 : i32
    %dma_start3A_303 = tpu.memref_slice %arg11[%dma_start3A_300, %dma_start3A_301, %dma_start3A_302] : memref<2x40x128xf32, #tpu.memory_space<vmem>> -> memref<1x40x128xf32, #tpu.memory_space<vmem>>
    %dma_start3A_304 = tpu.memref_squeeze %dma_start3A_303 : memref<1x40x128xf32, #tpu.memory_space<vmem>> -> memref<40x128xf32, #tpu.memory_space<vmem>>
    %dma_start3A_305 = arith.constant 0 : i32
    %dma_start3A_306 = arith.constant 0 : i32
    %dma_start3A_307 = tpu.memref_slice %arg3[%add3A, %dma_start3A_299, %dma_start3A_305, %dma_start3A_306] : memref<32x190x40x128xf32, #tpu.memory_space<hbm>> -> memref<1x1x40x128xf32, #tpu.memory_space<hbm>>
    %dma_start3A_308 = tpu.memref_squeeze %dma_start3A_307 : memref<1x1x40x128xf32, #tpu.memory_space<hbm>> -> memref<40x128xf32, #tpu.memory_space<hbm>>
    %dma_start3A_309 = arith.constant 0 : i32
    %dma_start3A_310 = arith.constant 0 : i32
    %dma_start3A_311 = tpu.memref_slice %arg11[%dma_start3A_300, %dma_start3A_309, %dma_start3A_310] : memref<2x40x128xf32, #tpu.memory_space<vmem>> -> memref<1x40x128xf32, #tpu.memory_space<vmem>>
    %dma_start3A_312 = tpu.memref_squeeze %dma_start3A_311 : memref<1x40x128xf32, #tpu.memory_space<vmem>> -> memref<40x128xf32, #tpu.memory_space<vmem>>
    %dma_start3A_313 = arith.constant 0 : i32
    %dma_start3A_314 = arith.constant 0 : i32
    %dma_start3A_315 = tpu.memref_slice %arg3[%add3A, %dma_start3A_299, %dma_start3A_313, %dma_start3A_314] : memref<32x190x40x128xf32, #tpu.memory_space<hbm>> -> memref<1x1x40x128xf32, #tpu.memory_space<hbm>>
    %dma_start3A_316 = tpu.memref_squeeze %dma_start3A_315 : memref<1x1x40x128xf32, #tpu.memory_space<hbm>> -> memref<40x128xf32, #tpu.memory_space<hbm>>
    tpu.enqueue_dma source(%dma_start3A_316 : memref<40x128xf32, #tpu.memory_space<hbm>>) target(%dma_start3A_312 : memref<40x128xf32, #tpu.memory_space<vmem>>) target_semaphore(%arg16 : memref<!tpu.dma_semaphore, #tpu.memory_space<semaphore_mem>>)
    %barrier3A = arith.constant 0 : index
    tpu.barrier barrier_id(%barrier3A)
    %scan3A_317 = arith.constant 0 : i32
    %scan3A_318 = arith.constant 0 : i32
    %scan3A_319 = arith.constant 48 : i32
    %scan3A_320 = arith.addi %scan3A_318, %scan3A_319 : i32
    %scan3A_321 = arith.constant 1 : i32
    scf.for %scan3A_335 = %scan3A_318 to %scan3A_320 step %scan3A_321  : i32 {
      %mul3A_336 = arith.constant 4 : i32
      %mul3A_337 = arith.muli %mul3A_336, %scan3A_335 : i32
      %add3A_338 = arith.constant 0 : i32
      %add3A_339 = arith.addi %mul3A_337, %add3A_338 : i32
      %lt3A = arith.constant 190 : i32
      %lt3A_340 = arith.cmpi slt, %add3A_339, %lt3A : i32
      %convert_element_type3A = arith.extui %lt3A_340 : i1 to i32
      %cond3A = arith.constant 0 : i32
      %cond3A_341 = arith.cmpi ne, %convert_element_type3A, %cond3A : i32
      scf.if %cond3A_341 {
        %add3A_369 = arith.constant 1 : i32
        %add3A_370 = arith.addi %add3A_339, %add3A_369 : i32
        %lt3A_371 = arith.constant 190 : i32
        %lt3A_372 = arith.cmpi slt, %add3A_370, %lt3A_371 : i32
        %convert_element_type3A_373 = arith.extui %lt3A_372 : i1 to i32
        %cond3A_374 = arith.constant 0 : i32
        %cond3A_375 = arith.cmpi ne, %convert_element_type3A_373, %cond3A_374 : i32
        scf.if %cond3A_375 {
          %add3A_429 = arith.constant 1 : i32
          %add3A_430 = arith.addi %add3A_339, %add3A_429 : i32
          %dma_wait3A_431 = arith.constant 0 : i32
          %dma_wait3A_432 = arith.constant 0 : i32
          %dma_wait3A_433 = tpu.memref_slice %arg4[%dma_wait3A_431, %add3A, %add3A_430, %dma_wait3A_432] : memref<2x32x190x40xi32, #tpu.memory_space<hbm>> -> memref<2x1x1x40xi32, #tpu.memory_space<hbm>>
          %dma_wait3A_434 = tpu.memref_squeeze %dma_wait3A_433 : memref<2x1x1x40xi32, #tpu.memory_space<hbm>> -> memref<2x40xi32, #tpu.memory_space<hbm>>
          %dma_wait3A_435 = arith.constant 0 : i32
          %dma_wait3A_436 = arith.constant 0 : i32
          %dma_wait3A_437 = tpu.memref_slice %arg4[%dma_wait3A_435, %add3A, %add3A_430, %dma_wait3A_436] : memref<2x32x190x40xi32, #tpu.memory_space<hbm>> -> memref<2x1x1x40xi32, #tpu.memory_space<hbm>>
          %dma_wait3A_438 = tpu.memref_squeeze %dma_wait3A_437 : memref<2x1x1x40xi32, #tpu.memory_space<hbm>> -> memref<2x40xi32, #tpu.memory_space<hbm>>
          tpu.wait_dma2 semaphore(%arg19 : memref<!tpu.dma_semaphore, #tpu.memory_space<semaphore_mem>>) src(%dma_wait3A_438 : memref<2x40xi32, #tpu.memory_space<hbm>>) dst(%arg7 : memref<2x40xi32, #tpu.memory_space<vmem>>)
          %add3A_439 = arith.constant 1 : i32
          %add3A_440 = arith.addi %add3A_339, %add3A_439 : i32
          %dma_start3A_441 = arith.constant 0 : i32
          %dma_start3A_442 = arith.constant 1 : i32
          %dma_start3A_443 = arith.constant 0 : i32
          %dma_start3A_444 = arith.constant 0 : i32
          %dma_start3A_445 = tpu.memref_slice %arg10[%dma_start3A_442, %dma_start3A_443, %dma_start3A_444] : memref<2x40x128xf32, #tpu.memory_space<vmem>> -> memref<1x40x128xf32, #tpu.memory_space<vmem>>
          %dma_start3A_446 = tpu.memref_squeeze %dma_start3A_445 : memref<1x40x128xf32, #tpu.memory_space<vmem>> -> memref<40x128xf32, #tpu.memory_space<vmem>>
          %dma_start3A_447 = arith.constant 0 : i32
          %dma_start3A_448 = tpu.memref_slice %arg7[%dma_start3A_441, %dma_start3A_447] : memref<2x40xi32, #tpu.memory_space<vmem>> -> memref<1x40xi32, #tpu.memory_space<vmem>>
          %dma_start3A_449 = tpu.memref_squeeze %dma_start3A_448 : memref<1x40xi32, #tpu.memory_space<vmem>> -> memref<40xi32, #tpu.memory_space<vmem>>
          %dma_start3A_450 = arith.constant 0 : i32
          %dma_start3A_451 = arith.constant 0 : i32
          %dma_start3A_452 = tpu.memref_slice %arg2[%dma_start3A_450, %dma_start3A_451] : memref<10000x128xf32, #tpu.memory_space<hbm>> -> memref<10000x128xf32, #tpu.memory_space<hbm>>
          tpu.enqueue_indirect_dma source(%dma_start3A_452 : memref<10000x128xf32, #tpu.memory_space<hbm>>) target(%dma_start3A_446 : memref<40x128xf32, #tpu.memory_space<vmem>>) offsets(%dma_start3A_449 : memref<40xi32, #tpu.memory_space<vmem>>) semaphore(%arg15 : memref<!tpu.dma_semaphore, #tpu.memory_space<semaphore_mem>>)
          %dma_start3A_453 = arith.constant 1 : i32
          %dma_start3A_454 = arith.constant 0 : i32
          %dma_start3A_455 = arith.constant 0 : i32
          %dma_start3A_456 = tpu.memref_slice %arg11[%dma_start3A_453, %dma_start3A_454, %dma_start3A_455] : memref<2x40x128xf32, #tpu.memory_space<vmem>> -> memref<1x40x128xf32, #tpu.memory_space<vmem>>
          %dma_start3A_457 = tpu.memref_squeeze %dma_start3A_456 : memref<1x40x128xf32, #tpu.memory_space<vmem>> -> memref<40x128xf32, #tpu.memory_space<vmem>>
          %dma_start3A_458 = arith.constant 0 : i32
          %dma_start3A_459 = arith.constant 0 : i32
          %dma_start3A_460 = tpu.memref_slice %arg3[%add3A, %add3A_440, %dma_start3A_458, %dma_start3A_459] : memref<32x190x40x128xf32, #tpu.memory_space<hbm>> -> memref<1x1x40x128xf32, #tpu.memory_space<hbm>>
          %dma_start3A_461 = tpu.memref_squeeze %dma_start3A_460 : memref<1x1x40x128xf32, #tpu.memory_space<hbm>> -> memref<40x128xf32, #tpu.memory_space<hbm>>
          %dma_start3A_462 = arith.constant 0 : i32
          %dma_start3A_463 = arith.constant 0 : i32
          %dma_start3A_464 = tpu.memref_slice %arg11[%dma_start3A_453, %dma_start3A_462, %dma_start3A_463] : memref<2x40x128xf32, #tpu.memory_space<vmem>> -> memref<1x40x128xf32, #tpu.memory_space<vmem>>
          %dma_start3A_465 = tpu.memref_squeeze %dma_start3A_464 : memref<1x40x128xf32, #tpu.memory_space<vmem>> -> memref<40x128xf32, #tpu.memory_space<vmem>>
          %dma_start3A_466 = arith.constant 0 : i32
          %dma_start3A_467 = arith.constant 0 : i32
          %dma_start3A_468 = tpu.memref_slice %arg3[%add3A, %add3A_440, %dma_start3A_466, %dma_start3A_467] : memref<32x190x40x128xf32, #tpu.memory_space<hbm>> -> memref<1x1x40x128xf32, #tpu.memory_space<hbm>>
          %dma_start3A_469 = tpu.memref_squeeze %dma_start3A_468 : memref<1x1x40x128xf32, #tpu.memory_space<hbm>> -> memref<40x128xf32, #tpu.memory_space<hbm>>
          tpu.enqueue_dma source(%dma_start3A_469 : memref<40x128xf32, #tpu.memory_space<hbm>>) target(%dma_start3A_465 : memref<40x128xf32, #tpu.memory_space<vmem>>) target_semaphore(%arg17 : memref<!tpu.dma_semaphore, #tpu.memory_space<semaphore_mem>>)
        } else {
        }
        %dma_wait3A_376 = arith.constant 0 : i32
        %dma_wait3A_377 = arith.constant 0 : i32
        %dma_wait3A_378 = arith.constant 0 : i32
        %dma_wait3A_379 = arith.constant 0 : i32
        %dma_wait3A_380 = tpu.memref_slice %arg10[%dma_wait3A_377, %dma_wait3A_378, %dma_wait3A_379] : memref<2x40x128xf32, #tpu.memory_space<vmem>> -> memref<1x40x128xf32, #tpu.memory_space<vmem>>
        %dma_wait3A_381 = tpu.memref_squeeze %dma_wait3A_380 : memref<1x40x128xf32, #tpu.memory_space<vmem>> -> memref<40x128xf32, #tpu.memory_space<vmem>>
        %dma_wait3A_382 = arith.constant 0 : i32
        %dma_wait3A_383 = tpu.memref_slice %arg6[%dma_wait3A_376, %dma_wait3A_382] : memref<2x40xi32, #tpu.memory_space<vmem>> -> memref<1x40xi32, #tpu.memory_space<vmem>>
        %dma_wait3A_384 = tpu.memref_squeeze %dma_wait3A_383 : memref<1x40xi32, #tpu.memory_space<vmem>> -> memref<40xi32, #tpu.memory_space<vmem>>
        %dma_wait3A_385 = arith.constant 0 : i32
        %dma_wait3A_386 = arith.constant 0 : i32
        %dma_wait3A_387 = tpu.memref_slice %arg2[%dma_wait3A_385, %dma_wait3A_386] : memref<10000x128xf32, #tpu.memory_space<hbm>> -> memref<10000x128xf32, #tpu.memory_space<hbm>>
        tpu.wait_indirect_dma semaphore(%arg14 : memref<!tpu.dma_semaphore, #tpu.memory_space<semaphore_mem>>) src(%dma_wait3A_387 : memref<10000x128xf32, #tpu.memory_space<hbm>>) dst(%dma_wait3A_381 : memref<40x128xf32, #tpu.memory_space<vmem>>)
        %dma_wait3A_388 = arith.constant 0 : i32
        %dma_wait3A_389 = arith.constant 0 : i32
        %dma_wait3A_390 = arith.constant 0 : i32
        %dma_wait3A_391 = tpu.memref_slice %arg11[%dma_wait3A_388, %dma_wait3A_389, %dma_wait3A_390] : memref<2x40x128xf32, #tpu.memory_space<vmem>> -> memref<1x40x128xf32, #tpu.memory_space<vmem>>
        %dma_wait3A_392 = tpu.memref_squeeze %dma_wait3A_391 : memref<1x40x128xf32, #tpu.memory_space<vmem>> -> memref<40x128xf32, #tpu.memory_space<vmem>>
        %dma_wait3A_393 = arith.constant 0 : i32
        %dma_wait3A_394 = arith.constant 0 : i32
        %dma_wait3A_395 = tpu.memref_slice %arg3[%add3A, %add3A_339, %dma_wait3A_393, %dma_wait3A_394] : memref<32x190x40x128xf32, #tpu.memory_space<hbm>> -> memref<1x1x40x128xf32, #tpu.memory_space<hbm>>
        %dma_wait3A_396 = tpu.memref_squeeze %dma_wait3A_395 : memref<1x1x40x128xf32, #tpu.memory_space<hbm>> -> memref<40x128xf32, #tpu.memory_space<hbm>>
        %dma_wait3A_397 = arith.constant 0 : i32
        %dma_wait3A_398 = arith.constant 0 : i32
        %dma_wait3A_399 = tpu.memref_slice %arg11[%dma_wait3A_388, %dma_wait3A_397, %dma_wait3A_398] : memref<2x40x128xf32, #tpu.memory_space<vmem>> -> memref<1x40x128xf32, #tpu.memory_space<vmem>>
        %dma_wait3A_400 = tpu.memref_squeeze %dma_wait3A_399 : memref<1x40x128xf32, #tpu.memory_space<vmem>> -> memref<40x128xf32, #tpu.memory_space<vmem>>
        %dma_wait3A_401 = arith.constant 0 : i32
        %dma_wait3A_402 = arith.constant 0 : i32
        %dma_wait3A_403 = tpu.memref_slice %arg3[%add3A, %add3A_339, %dma_wait3A_401, %dma_wait3A_402] : memref<32x190x40x128xf32, #tpu.memory_space<hbm>> -> memref<1x1x40x128xf32, #tpu.memory_space<hbm>>
        %dma_wait3A_404 = tpu.memref_squeeze %dma_wait3A_403 : memref<1x1x40x128xf32, #tpu.memory_space<hbm>> -> memref<40x128xf32, #tpu.memory_space<hbm>>
        tpu.wait_dma2 semaphore(%arg16 : memref<!tpu.dma_semaphore, #tpu.memory_space<semaphore_mem>>) src(%dma_wait3A_404 : memref<40x128xf32, #tpu.memory_space<hbm>>) dst(%dma_wait3A_400 : memref<40x128xf32, #tpu.memory_space<vmem>>)
        %ge3A = arith.constant 1 : i32
        %ge3A_405 = arith.cmpi sge, %add3A_339, %ge3A : i32
        %convert_element_type3A_406 = arith.extui %ge3A_405 : i1 to i32
        %cond3A_407 = arith.constant 0 : i32
        %cond3A_408 = arith.cmpi ne, %convert_element_type3A_406, %cond3A_407 : i32
        scf.if %cond3A_408 {
          %dma_wait3A_429 = arith.constant 1 : i32
          %dma_wait3A_430 = arith.constant 0 : i32
          %dma_wait3A_431 = tpu.memref_slice %arg9[%dma_wait3A_429, %dma_wait3A_430] : memref<2x40xi32, #tpu.memory_space<vmem>> -> memref<1x40xi32, #tpu.memory_space<vmem>>
          %dma_wait3A_432 = tpu.memref_squeeze %dma_wait3A_431 : memref<1x40xi32, #tpu.memory_space<vmem>> -> memref<40xi32, #tpu.memory_space<vmem>>
          %dma_wait3A_433 = arith.constant 0 : i32
          %dma_wait3A_434 = arith.constant 0 : i32
          %dma_wait3A_435 = tpu.memref_slice %arg13[%dma_wait3A_433, %dma_wait3A_434] : memref<10240x128xf32, #tpu.memory_space<vmem_shared>> -> memref<10240x128xf32, #tpu.memory_space<vmem_shared>>
          tpu.wait_indirect_dma semaphore(%arg22 : memref<!tpu.dma_semaphore, #tpu.memory_space<semaphore_mem>>) src(%arg12 : memref<40x128xf32, #tpu.memory_space<vmem>>) dst(%dma_wait3A_435 : memref<10240x128xf32, #tpu.memory_space<vmem_shared>>)
        } else {
        }
        %scan3A_409 = arith.constant 0 : i32
        %scan3A_410 = arith.constant 0 : i32
        %scan3A_411 = arith.constant 40 : i32
        %scan3A_412 = arith.addi %scan3A_410, %scan3A_411 : i32
        %scan3A_413 = arith.constant 1 : i32
        scf.for %scan3A_429 = %scan3A_410 to %scan3A_412 step %scan3A_413  : i32 {
          %get3A = arith.constant 0 : i32
          %get3A_430 = arith.index_cast %get3A : i32 to index
          %get3A_431 = arith.index_cast %scan3A_429 : i32 to index
          %get3A_432 = arith.constant 0 : index
          %get3A_433 = tpu.vector_load %arg10[%get3A_430, %get3A_431, %get3A_432] {strides = array<i32>} : memref<2x40x128xf32, #tpu.memory_space<vmem>>, vector<1x1x16xf32>,
          %get3A_434 = vector.shape_cast %get3A_433 : vector<1x1x16xf32> to vector<16xf32>
          %get3A_435 = arith.constant 0 : i32
          %get3A_436 = arith.index_cast %get3A_435 : i32 to index
          %get3A_437 = arith.index_cast %scan3A_429 : i32 to index
          %get3A_438 = arith.constant 0 : index
          %get3A_439 = tpu.vector_load %arg11[%get3A_436, %get3A_437, %get3A_438] {strides = array<i32>} : memref<2x40x128xf32, #tpu.memory_space<vmem>>, vector<1x1x16xf32>,
          %get3A_440 = vector.shape_cast %get3A_439 : vector<1x1x16xf32> to vector<16xf32>
          %mul3A_441 = arith.mulf %get3A_434, %get3A_440 : vector<16xf32>
          %swap3A = arith.index_cast %scan3A_429 : i32 to index
          %swap3A_442 = arith.constant 0 : index
          %swap3A_443 = tpu.vector_load %arg12[%swap3A, %swap3A_442] {strides = array<i32>} : memref<40x128xf32, #tpu.memory_space<vmem>>, vector<1x16xf32>,
          %swap3A_444 = vector.shape_cast %swap3A_443 : vector<1x16xf32> to vector<16xf32>
          %swap3A_445 = vector.shape_cast %mul3A_441 : vector<16xf32> to vector<1x16xf32>
          tpu.vector_store %arg12[%swap3A, %swap3A_442], %swap3A_445 {strides = array<i32>} : memref<40x128xf32, #tpu.memory_space<vmem>>, vector<1x16xf32>,
          %get3A_446 = arith.constant 0 : i32
          %get3A_447 = arith.index_cast %get3A_446 : i32 to index
          %get3A_448 = arith.index_cast %scan3A_429 : i32 to index
          %get3A_449 = arith.constant 16 : index
          %get3A_450 = tpu.vector_load %arg10[%get3A_447, %get3A_448, %get3A_449] {strides = array<i32>} : memref<2x40x128xf32, #tpu.memory_space<vmem>>, vector<1x1x16xf32>,
          %get3A_451 = vector.shape_cast %get3A_450 : vector<1x1x16xf32> to vector<16xf32>
          %get3A_452 = arith.constant 0 : i32
          %get3A_453 = arith.index_cast %get3A_452 : i32 to index
          %get3A_454 = arith.index_cast %scan3A_429 : i32 to index
          %get3A_455 = arith.constant 16 : index
          %get3A_456 = tpu.vector_load %arg11[%get3A_453, %get3A_454, %get3A_455] {strides = array<i32>} : memref<2x40x128xf32, #tpu.memory_space<vmem>>, vector<1x1x16xf32>,
          %get3A_457 = vector.shape_cast %get3A_456 : vector<1x1x16xf32> to vector<16xf32>
          %mul3A_458 = arith.mulf %get3A_451, %get3A_457 : vector<16xf32>
          %swap3A_459 = arith.index_cast %scan3A_429 : i32 to index
          %swap3A_460 = arith.constant 16 : index
          %swap3A_461 = tpu.vector_load %arg12[%swap3A_459, %swap3A_460] {strides = array<i32>} : memref<40x128xf32, #tpu.memory_space<vmem>>, vector<1x16xf32>,
          %swap3A_462 = vector.shape_cast %swap3A_461 : vector<1x16xf32> to vector<16xf32>
          %swap3A_463 = vector.shape_cast %mul3A_458 : vector<16xf32> to vector<1x16xf32>
          tpu.vector_store %arg12[%swap3A_459, %swap3A_460], %swap3A_463 {strides = array<i32>} : memref<40x128xf32, #tpu.memory_space<vmem>>, vector<1x16xf32>,
          %get3A_464 = arith.constant 0 : i32
          %get3A_465 = arith.index_cast %get3A_464 : i32 to index
          %get3A_466 = arith.index_cast %scan3A_429 : i32 to index
          %get3A_467 = arith.constant 32 : index
          %get3A_468 = tpu.vector_load %arg10[%get3A_465, %get3A_466, %get3A_467] {strides = array<i32>} : memref<2x40x128xf32, #tpu.memory_space<vmem>>, vector<1x1x16xf32>,
          %get3A_469 = vector.shape_cast %get3A_468 : vector<1x1x16xf32> to vector<16xf32>
          %get3A_470 = arith.constant 0 : i32
          %get3A_471 = arith.index_cast %get3A_470 : i32 to index
          %get3A_472 = arith.index_cast %scan3A_429 : i32 to index
          %get3A_473 = arith.constant 32 : index
          %get3A_474 = tpu.vector_load %arg11[%get3A_471, %get3A_472, %get3A_473] {strides = array<i32>} : memref<2x40x128xf32, #tpu.memory_space<vmem>>, vector<1x1x16xf32>,
          %get3A_475 = vector.shape_cast %get3A_474 : vector<1x1x16xf32> to vector<16xf32>
          %mul3A_476 = arith.mulf %get3A_469, %get3A_475 : vector<16xf32>
          %swap3A_477 = arith.index_cast %scan3A_429 : i32 to index
          %swap3A_478 = arith.constant 32 : index
          %swap3A_479 = tpu.vector_load %arg12[%swap3A_477, %swap3A_478] {strides = array<i32>} : memref<40x128xf32, #tpu.memory_space<vmem>>, vector<1x16xf32>,
          %swap3A_480 = vector.shape_cast %swap3A_479 : vector<1x16xf32> to vector<16xf32>
          %swap3A_481 = vector.shape_cast %mul3A_476 : vector<16xf32> to vector<1x16xf32>
          tpu.vector_store %arg12[%swap3A_477, %swap3A_478], %swap3A_481 {strides = array<i32>} : memref<40x128xf32, #tpu.memory_space<vmem>>, vector<1x16xf32>,
          %get3A_482 = arith.constant 0 : i32
          %get3A_483 = arith.index_cast %get3A_482 : i32 to index
          %get3A_484 = arith.index_cast %scan3A_429 : i32 to index
          %get3A_485 = arith.constant 48 : index
          %get3A_486 = tpu.vector_load %arg10[%get3A_483, %get3A_484, %get3A_485] {strides = array<i32>} : memref<2x40x128xf32, #tpu.memory_space<vmem>>, vector<1x1x16xf32>,
          %get3A_487 = vector.shape_cast %get3A_486 : vector<1x1x16xf32> to vector<16xf32>
          %get3A_488 = arith.constant 0 : i32
          %get3A_489 = arith.index_cast %get3A_488 : i32 to index
          %get3A_490 = arith.index_cast %scan3A_429 : i32 to index
          %get3A_491 = arith.constant 48 : index
          %get3A_492 = tpu.vector_load %arg11[%get3A_489, %get3A_490, %get3A_491] {strides = array<i32>} : memref<2x40x128xf32, #tpu.memory_space<vmem>>, vector<1x1x16xf32>,
          %get3A_493 = vector.shape_cast %get3A_492 : vector<1x1x16xf32> to vector<16xf32>
          %mul3A_494 = arith.mulf %get3A_487, %get3A_493 : vector<16xf32>
          %swap3A_495 = arith.index_cast %scan3A_429 : i32 to index
          %swap3A_496 = arith.constant 48 : index
          %swap3A_497 = tpu.vector_load %arg12[%swap3A_495, %swap3A_496] {strides = array<i32>} : memref<40x128xf32, #tpu.memory_space<vmem>>, vector<1x16xf32>,
          %swap3A_498 = vector.shape_cast %swap3A_497 : vector<1x16xf32> to vector<16xf32>
          %swap3A_499 = vector.shape_cast %mul3A_494 : vector<16xf32> to vector<1x16xf32>
          tpu.vector_store %arg12[%swap3A_495, %swap3A_496], %swap3A_499 {strides = array<i32>} : memref<40x128xf32, #tpu.memory_space<vmem>>, vector<1x16xf32>,
          %get3A_500 = arith.constant 0 : i32
          %get3A_501 = arith.index_cast %get3A_500 : i32 to index
          %get3A_502 = arith.index_cast %scan3A_429 : i32 to index
          %get3A_503 = arith.constant 64 : index
          %get3A_504 = tpu.vector_load %arg10[%get3A_501, %get3A_502, %get3A_503] {strides = array<i32>} : memref<2x40x128xf32, #tpu.memory_space<vmem>>, vector<1x1x16xf32>,
          %get3A_505 = vector.shape_cast %get3A_504 : vector<1x1x16xf32> to vector<16xf32>
          %get3A_506 = arith.constant 0 : i32
          %get3A_507 = arith.index_cast %get3A_506 : i32 to index
          %get3A_508 = arith.index_cast %scan3A_429 : i32 to index
          %get3A_509 = arith.constant 64 : index
          %get3A_510 = tpu.vector_load %arg11[%get3A_507, %get3A_508, %get3A_509] {strides = array<i32>} : memref<2x40x128xf32, #tpu.memory_space<vmem>>, vector<1x1x16xf32>,
          %get3A_511 = vector.shape_cast %get3A_510 : vector<1x1x16xf32> to vector<16xf32>
          %mul3A_512 = arith.mulf %get3A_505, %get3A_511 : vector<16xf32>
          %swap3A_513 = arith.index_cast %scan3A_429 : i32 to index
          %swap3A_514 = arith.constant 64 : index
          %swap3A_515 = tpu.vector_load %arg12[%swap3A_513, %swap3A_514] {strides = array<i32>} : memref<40x128xf32, #tpu.memory_space<vmem>>, vector<1x16xf32>,
          %swap3A_516 = vector.shape_cast %swap3A_515 : vector<1x16xf32> to vector<16xf32>
          %swap3A_517 = vector.shape_cast %mul3A_512 : vector<16xf32> to vector<1x16xf32>
          tpu.vector_store %arg12[%swap3A_513, %swap3A_514], %swap3A_517 {strides = array<i32>} : memref<40x128xf32, #tpu.memory_space<vmem>>, vector<1x16xf32>,
          %get3A_518 = arith.constant 0 : i32
          %get3A_519 = arith.index_cast %get3A_518 : i32 to index
          %get3A_520 = arith.index_cast %scan3A_429 : i32 to index
          %get3A_521 = arith.constant 80 : index
          %get3A_522 = tpu.vector_load %arg10[%get3A_519, %get3A_520, %get3A_521] {strides = array<i32>} : memref<2x40x128xf32, #tpu.memory_space<vmem>>, vector<1x1x16xf32>,
          %get3A_523 = vector.shape_cast %get3A_522 : vector<1x1x16xf32> to vector<16xf32>
          %get3A_524 = arith.constant 0 : i32
          %get3A_525 = arith.index_cast %get3A_524 : i32 to index
          %get3A_526 = arith.index_cast %scan3A_429 : i32 to index
          %get3A_527 = arith.constant 80 : index
          %get3A_528 = tpu.vector_load %arg11[%get3A_525, %get3A_526, %get3A_527] {strides = array<i32>} : memref<2x40x128xf32, #tpu.memory_space<vmem>>, vector<1x1x16xf32>,
          %get3A_529 = vector.shape_cast %get3A_528 : vector<1x1x16xf32> to vector<16xf32>
          %mul3A_530 = arith.mulf %get3A_523, %get3A_529 : vector<16xf32>
          %swap3A_531 = arith.index_cast %scan3A_429 : i32 to index
          %swap3A_532 = arith.constant 80 : index
          %swap3A_533 = tpu.vector_load %arg12[%swap3A_531, %swap3A_532] {strides = array<i32>} : memref<40x128xf32, #tpu.memory_space<vmem>>, vector<1x16xf32>,
          %swap3A_534 = vector.shape_cast %swap3A_533 : vector<1x16xf32> to vector<16xf32>
          %swap3A_535 = vector.shape_cast %mul3A_530 : vector<16xf32> to vector<1x16xf32>
          tpu.vector_store %arg12[%swap3A_531, %swap3A_532], %swap3A_535 {strides = array<i32>} : memref<40x128xf32, #tpu.memory_space<vmem>>, vector<1x16xf32>,
          %get3A_536 = arith.constant 0 : i32
          %get3A_537 = arith.index_cast %get3A_536 : i32 to index
          %get3A_538 = arith.index_cast %scan3A_429 : i32 to index
          %get3A_539 = arith.constant 96 : index
          %get3A_540 = tpu.vector_load %arg10[%get3A_537, %get3A_538, %get3A_539] {strides = array<i32>} : memref<2x40x128xf32, #tpu.memory_space<vmem>>, vector<1x1x16xf32>,
          %get3A_541 = vector.shape_cast %get3A_540 : vector<1x1x16xf32> to vector<16xf32>
          %get3A_542 = arith.constant 0 : i32
          %get3A_543 = arith.index_cast %get3A_542 : i32 to index
          %get3A_544 = arith.index_cast %scan3A_429 : i32 to index
          %get3A_545 = arith.constant 96 : index
          %get3A_546 = tpu.vector_load %arg11[%get3A_543, %get3A_544, %get3A_545] {strides = array<i32>} : memref<2x40x128xf32, #tpu.memory_space<vmem>>, vector<1x1x16xf32>,
          %get3A_547 = vector.shape_cast %get3A_546 : vector<1x1x16xf32> to vector<16xf32>
          %mul3A_548 = arith.mulf %get3A_541, %get3A_547 : vector<16xf32>
          %swap3A_549 = arith.index_cast %scan3A_429 : i32 to index
          %swap3A_550 = arith.constant 96 : index
          %swap3A_551 = tpu.vector_load %arg12[%swap3A_549, %swap3A_550] {strides = array<i32>} : memref<40x128xf32, #tpu.memory_space<vmem>>, vector<1x16xf32>,
          %swap3A_552 = vector.shape_cast %swap3A_551 : vector<1x16xf32> to vector<16xf32>
          %swap3A_553 = vector.shape_cast %mul3A_548 : vector<16xf32> to vector<1x16xf32>
          tpu.vector_store %arg12[%swap3A_549, %swap3A_550], %swap3A_553 {strides = array<i32>} : memref<40x128xf32, #tpu.memory_space<vmem>>, vector<1x16xf32>,
          %get3A_554 = arith.constant 0 : i32
          %get3A_555 = arith.index_cast %get3A_554 : i32 to index
          %get3A_556 = arith.index_cast %scan3A_429 : i32 to index
          %get3A_557 = arith.constant 112 : index
          %get3A_558 = tpu.vector_load %arg10[%get3A_555, %get3A_556, %get3A_557] {strides = array<i32>} : memref<2x40x128xf32, #tpu.memory_space<vmem>>, vector<1x1x16xf32>,
          %get3A_559 = vector.shape_cast %get3A_558 : vector<1x1x16xf32> to vector<16xf32>
          %get3A_560 = arith.constant 0 : i32
          %get3A_561 = arith.index_cast %get3A_560 : i32 to index
          %get3A_562 = arith.index_cast %scan3A_429 : i32 to index
          %get3A_563 = arith.constant 112 : index
          %get3A_564 = tpu.vector_load %arg11[%get3A_561, %get3A_562, %get3A_563] {strides = array<i32>} : memref<2x40x128xf32, #tpu.memory_space<vmem>>, vector<1x1x16xf32>,
          %get3A_565 = vector.shape_cast %get3A_564 : vector<1x1x16xf32> to vector<16xf32>
          %mul3A_566 = arith.mulf %get3A_559, %get3A_565 : vector<16xf32>
          %swap3A_567 = arith.index_cast %scan3A_429 : i32 to index
          %swap3A_568 = arith.constant 112 : index
          %swap3A_569 = tpu.vector_load %arg12[%swap3A_567, %swap3A_568] {strides = array<i32>} : memref<40x128xf32, #tpu.memory_space<vmem>>, vector<1x16xf32>,
          %swap3A_570 = vector.shape_cast %swap3A_569 : vector<1x16xf32> to vector<16xf32>
          %swap3A_571 = vector.shape_cast %mul3A_566 : vector<16xf32> to vector<1x16xf32>
          tpu.vector_store %arg12[%swap3A_567, %swap3A_568], %swap3A_571 {strides = array<i32>} : memref<40x128xf32, #tpu.memory_space<vmem>>, vector<1x16xf32>,
        }
        %scan3A_414 = arith.constant 40 : i32
        %dma_start3A_415 = arith.constant 1 : i32
        %dma_start3A_416 = arith.constant 0 : i32
        %dma_start3A_417 = tpu.memref_slice %arg6[%dma_start3A_415, %dma_start3A_416] : memref<2x40xi32, #tpu.memory_space<vmem>> -> memref<1x40xi32, #tpu.memory_space<vmem>>
        %dma_start3A_418 = tpu.memref_squeeze %dma_start3A_417 : memref<1x40xi32, #tpu.memory_space<vmem>> -> memref<40xi32, #tpu.memory_space<vmem>>
        %dma_start3A_419 = arith.constant 0 : i32
        %dma_start3A_420 = arith.constant 0 : i32
        %dma_start3A_421 = tpu.memref_slice %arg13[%dma_start3A_419, %dma_start3A_420] : memref<10240x128xf32, #tpu.memory_space<vmem_shared>> -> memref<10240x128xf32, #tpu.memory_space<vmem_shared>>
        tpu.enqueue_indirect_dma source(%arg12 : memref<40x128xf32, #tpu.memory_space<vmem>>) target(%dma_start3A_421 : memref<10240x128xf32, #tpu.memory_space<vmem_shared>>) offsets(%dma_start3A_418 : memref<40xi32, #tpu.memory_space<vmem>>) semaphore(%arg22 : memref<!tpu.dma_semaphore, #tpu.memory_space<semaphore_mem>>) {add = true}
        %add3A_422 = arith.constant 2 : i32
        %add3A_423 = arith.addi %add3A_339, %add3A_422 : i32
        %lt3A_424 = arith.constant 190 : i32
        %lt3A_425 = arith.cmpi slt, %add3A_423, %lt3A_424 : i32
        %convert_element_type3A_426 = arith.extui %lt3A_425 : i1 to i32
        %cond3A_427 = arith.constant 0 : i32
        %cond3A_428 = arith.cmpi ne, %convert_element_type3A_426, %cond3A_427 : i32
        scf.if %cond3A_428 {
          %add3A_429 = arith.constant 2 : i32
          %add3A_430 = arith.addi %add3A_339, %add3A_429 : i32
          %dma_start3A_431 = arith.constant 0 : i32
          %dma_start3A_432 = arith.constant 0 : i32
          %dma_start3A_433 = tpu.memref_slice %arg4[%dma_start3A_431, %add3A, %add3A_430, %dma_start3A_432] : memref<2x32x190x40xi32, #tpu.memory_space<hbm>> -> memref<2x1x1x40xi32, #tpu.memory_space<hbm>>
          %dma_start3A_434 = tpu.memref_squeeze %dma_start3A_433 : memref<2x1x1x40xi32, #tpu.memory_space<hbm>> -> memref<2x40xi32, #tpu.memory_space<hbm>>
          %dma_start3A_435 = arith.constant 0 : i32
          %dma_start3A_436 = arith.constant 0 : i32
          %dma_start3A_437 = tpu.memref_slice %arg4[%dma_start3A_435, %add3A, %add3A_430, %dma_start3A_436] : memref<2x32x190x40xi32, #tpu.memory_space<hbm>> -> memref<2x1x1x40xi32, #tpu.memory_space<hbm>>
          %dma_start3A_438 = tpu.memref_squeeze %dma_start3A_437 : memref<2x1x1x40xi32, #tpu.memory_space<hbm>> -> memref<2x40xi32, #tpu.memory_space<hbm>>
          tpu.enqueue_dma source(%dma_start3A_438 : memref<2x40xi32, #tpu.memory_space<hbm>>) target(%arg8 : memref<2x40xi32, #tpu.memory_space<vmem>>) target_semaphore(%arg20 : memref<!tpu.dma_semaphore, #tpu.memory_space<semaphore_mem>>)
        } else {
        }
      } else {
      }
      %mul3A_342 = arith.constant 4 : i32
      %mul3A_343 = arith.muli %mul3A_342, %scan3A_335 : i32
      %add3A_344 = arith.constant 1 : i32
      %add3A_345 = arith.addi %mul3A_343, %add3A_344 : i32
      %lt3A_346 = arith.constant 190 : i32
      %lt3A_347 = arith.cmpi slt, %add3A_345, %lt3A_346 : i32
      %convert_element_type3A_348 = arith.extui %lt3A_347 : i1 to i32
      %cond3A_349 = arith.constant 0 : i32
      %cond3A_350 = arith.cmpi ne, %convert_element_type3A_348, %cond3A_349 : i32
      scf.if %cond3A_350 {
        %add3A_369 = arith.constant 1 : i32
        %add3A_370 = arith.addi %add3A_345, %add3A_369 : i32
        %lt3A_371 = arith.constant 190 : i32
        %lt3A_372 = arith.cmpi slt, %add3A_370, %lt3A_371 : i32
        %convert_element_type3A_373 = arith.extui %lt3A_372 : i1 to i32
        %cond3A_374 = arith.constant 0 : i32
        %cond3A_375 = arith.cmpi ne, %convert_element_type3A_373, %cond3A_374 : i32
        scf.if %cond3A_375 {
          %add3A_429 = arith.constant 1 : i32
          %add3A_430 = arith.addi %add3A_345, %add3A_429 : i32
          %dma_wait3A_431 = arith.constant 0 : i32
          %dma_wait3A_432 = arith.constant 0 : i32
          %dma_wait3A_433 = tpu.memref_slice %arg4[%dma_wait3A_431, %add3A, %add3A_430, %dma_wait3A_432] : memref<2x32x190x40xi32, #tpu.memory_space<hbm>> -> memref<2x1x1x40xi32, #tpu.memory_space<hbm>>
          %dma_wait3A_434 = tpu.memref_squeeze %dma_wait3A_433 : memref<2x1x1x40xi32, #tpu.memory_space<hbm>> -> memref<2x40xi32, #tpu.memory_space<hbm>>
          %dma_wait3A_435 = arith.constant 0 : i32
          %dma_wait3A_436 = arith.constant 0 : i32
          %dma_wait3A_437 = tpu.memref_slice %arg4[%dma_wait3A_435, %add3A, %add3A_430, %dma_wait3A_436] : memref<2x32x190x40xi32, #tpu.memory_space<hbm>> -> memref<2x1x1x40xi32, #tpu.memory_space<hbm>>
          %dma_wait3A_438 = tpu.memref_squeeze %dma_wait3A_437 : memref<2x1x1x40xi32, #tpu.memory_space<hbm>> -> memref<2x40xi32, #tpu.memory_space<hbm>>
          tpu.wait_dma2 semaphore(%arg20 : memref<!tpu.dma_semaphore, #tpu.memory_space<semaphore_mem>>) src(%dma_wait3A_438 : memref<2x40xi32, #tpu.memory_space<hbm>>) dst(%arg8 : memref<2x40xi32, #tpu.memory_space<vmem>>)
          %add3A_439 = arith.constant 1 : i32
          %add3A_440 = arith.addi %add3A_345, %add3A_439 : i32
          %dma_start3A_441 = arith.constant 0 : i32
          %dma_start3A_442 = arith.constant 0 : i32
          %dma_start3A_443 = arith.constant 0 : i32
          %dma_start3A_444 = arith.constant 0 : i32
          %dma_start3A_445 = tpu.memref_slice %arg10[%dma_start3A_442, %dma_start3A_443, %dma_start3A_444] : memref<2x40x128xf32, #tpu.memory_space<vmem>> -> memref<1x40x128xf32, #tpu.memory_space<vmem>>
          %dma_start3A_446 = tpu.memref_squeeze %dma_start3A_445 : memref<1x40x128xf32, #tpu.memory_space<vmem>> -> memref<40x128xf32, #tpu.memory_space<vmem>>
          %dma_start3A_447 = arith.constant 0 : i32
          %dma_start3A_448 = tpu.memref_slice %arg8[%dma_start3A_441, %dma_start3A_447] : memref<2x40xi32, #tpu.memory_space<vmem>> -> memref<1x40xi32, #tpu.memory_space<vmem>>
          %dma_start3A_449 = tpu.memref_squeeze %dma_start3A_448 : memref<1x40xi32, #tpu.memory_space<vmem>> -> memref<40xi32, #tpu.memory_space<vmem>>
          %dma_start3A_450 = arith.constant 0 : i32
          %dma_start3A_451 = arith.constant 0 : i32
          %dma_start3A_452 = tpu.memref_slice %arg2[%dma_start3A_450, %dma_start3A_451] : memref<10000x128xf32, #tpu.memory_space<hbm>> -> memref<10000x128xf32, #tpu.memory_space<hbm>>
          tpu.enqueue_indirect_dma source(%dma_start3A_452 : memref<10000x128xf32, #tpu.memory_space<hbm>>) target(%dma_start3A_446 : memref<40x128xf32, #tpu.memory_space<vmem>>) offsets(%dma_start3A_449 : memref<40xi32, #tpu.memory_space<vmem>>) semaphore(%arg14 : memref<!tpu.dma_semaphore, #tpu.memory_space<semaphore_mem>>)
          %dma_start3A_453 = arith.constant 0 : i32
          %dma_start3A_454 = arith.constant 0 : i32
          %dma_start3A_455 = arith.constant 0 : i32
          %dma_start3A_456 = tpu.memref_slice %arg11[%dma_start3A_453, %dma_start3A_454, %dma_start3A_455] : memref<2x40x128xf32, #tpu.memory_space<vmem>> -> memref<1x40x128xf32, #tpu.memory_space<vmem>>
          %dma_start3A_457 = tpu.memref_squeeze %dma_start3A_456 : memref<1x40x128xf32, #tpu.memory_space<vmem>> -> memref<40x128xf32, #tpu.memory_space<vmem>>
          %dma_start3A_458 = arith.constant 0 : i32
          %dma_start3A_459 = arith.constant 0 : i32
          %dma_start3A_460 = tpu.memref_slice %arg3[%add3A, %add3A_440, %dma_start3A_458, %dma_start3A_459] : memref<32x190x40x128xf32, #tpu.memory_space<hbm>> -> memref<1x1x40x128xf32, #tpu.memory_space<hbm>>
          %dma_start3A_461 = tpu.memref_squeeze %dma_start3A_460 : memref<1x1x40x128xf32, #tpu.memory_space<hbm>> -> memref<40x128xf32, #tpu.memory_space<hbm>>
          %dma_start3A_462 = arith.constant 0 : i32
          %dma_start3A_463 = arith.constant 0 : i32
          %dma_start3A_464 = tpu.memref_slice %arg11[%dma_start3A_453, %dma_start3A_462, %dma_start3A_463] : memref<2x40x128xf32, #tpu.memory_space<vmem>> -> memref<1x40x128xf32, #tpu.memory_space<vmem>>
          %dma_start3A_465 = tpu.memref_squeeze %dma_start3A_464 : memref<1x40x128xf32, #tpu.memory_space<vmem>> -> memref<40x128xf32, #tpu.memory_space<vmem>>
          %dma_start3A_466 = arith.constant 0 : i32
          %dma_start3A_467 = arith.constant 0 : i32
          %dma_start3A_468 = tpu.memref_slice %arg3[%add3A, %add3A_440, %dma_start3A_466, %dma_start3A_467] : memref<32x190x40x128xf32, #tpu.memory_space<hbm>> -> memref<1x1x40x128xf32, #tpu.memory_space<hbm>>
          %dma_start3A_469 = tpu.memref_squeeze %dma_start3A_468 : memref<1x1x40x128xf32, #tpu.memory_space<hbm>> -> memref<40x128xf32, #tpu.memory_space<hbm>>
          tpu.enqueue_dma source(%dma_start3A_469 : memref<40x128xf32, #tpu.memory_space<hbm>>) target(%dma_start3A_465 : memref<40x128xf32, #tpu.memory_space<vmem>>) target_semaphore(%arg16 : memref<!tpu.dma_semaphore, #tpu.memory_space<semaphore_mem>>)
        } else {
        }
        %dma_wait3A_376 = arith.constant 0 : i32
        %dma_wait3A_377 = arith.constant 1 : i32
        %dma_wait3A_378 = arith.constant 0 : i32
        %dma_wait3A_379 = arith.constant 0 : i32
        %dma_wait3A_380 = tpu.memref_slice %arg10[%dma_wait3A_377, %dma_wait3A_378, %dma_wait3A_379] : memref<2x40x128xf32, #tpu.memory_space<vmem>> -> memref<1x40x128xf32, #tpu.memory_space<vmem>>
        %dma_wait3A_381 = tpu.memref_squeeze %dma_wait3A_380 : memref<1x40x128xf32, #tpu.memory_space<vmem>> -> memref<40x128xf32, #tpu.memory_space<vmem>>
        %dma_wait3A_382 = arith.constant 0 : i32
        %dma_wait3A_383 = tpu.memref_slice %arg7[%dma_wait3A_376, %dma_wait3A_382] : memref<2x40xi32, #tpu.memory_space<vmem>> -> memref<1x40xi32, #tpu.memory_space<vmem>>
        %dma_wait3A_384 = tpu.memref_squeeze %dma_wait3A_383 : memref<1x40xi32, #tpu.memory_space<vmem>> -> memref<40xi32, #tpu.memory_space<vmem>>
        %dma_wait3A_385 = arith.constant 0 : i32
        %dma_wait3A_386 = arith.constant 0 : i32
        %dma_wait3A_387 = tpu.memref_slice %arg2[%dma_wait3A_385, %dma_wait3A_386] : memref<10000x128xf32, #tpu.memory_space<hbm>> -> memref<10000x128xf32, #tpu.memory_space<hbm>>
        tpu.wait_indirect_dma semaphore(%arg15 : memref<!tpu.dma_semaphore, #tpu.memory_space<semaphore_mem>>) src(%dma_wait3A_387 : memref<10000x128xf32, #tpu.memory_space<hbm>>) dst(%dma_wait3A_381 : memref<40x128xf32, #tpu.memory_space<vmem>>)
        %dma_wait3A_388 = arith.constant 1 : i32
        %dma_wait3A_389 = arith.constant 0 : i32
        %dma_wait3A_390 = arith.constant 0 : i32
        %dma_wait3A_391 = tpu.memref_slice %arg11[%dma_wait3A_388, %dma_wait3A_389, %dma_wait3A_390] : memref<2x40x128xf32, #tpu.memory_space<vmem>> -> memref<1x40x128xf32, #tpu.memory_space<vmem>>
        %dma_wait3A_392 = tpu.memref_squeeze %dma_wait3A_391 : memref<1x40x128xf32, #tpu.memory_space<vmem>> -> memref<40x128xf32, #tpu.memory_space<vmem>>
        %dma_wait3A_393 = arith.constant 0 : i32
        %dma_wait3A_394 = arith.constant 0 : i32
        %dma_wait3A_395 = tpu.memref_slice %arg3[%add3A, %add3A_345, %dma_wait3A_393, %dma_wait3A_394] : memref<32x190x40x128xf32, #tpu.memory_space<hbm>> -> memref<1x1x40x128xf32, #tpu.memory_space<hbm>>
        %dma_wait3A_396 = tpu.memref_squeeze %dma_wait3A_395 : memref<1x1x40x128xf32, #tpu.memory_space<hbm>> -> memref<40x128xf32, #tpu.memory_space<hbm>>
        %dma_wait3A_397 = arith.constant 0 : i32
        %dma_wait3A_398 = arith.constant 0 : i32
        %dma_wait3A_399 = tpu.memref_slice %arg11[%dma_wait3A_388, %dma_wait3A_397, %dma_wait3A_398] : memref<2x40x128xf32, #tpu.memory_space<vmem>> -> memref<1x40x128xf32, #tpu.memory_space<vmem>>
        %dma_wait3A_400 = tpu.memref_squeeze %dma_wait3A_399 : memref<1x40x128xf32, #tpu.memory_space<vmem>> -> memref<40x128xf32, #tpu.memory_space<vmem>>
        %dma_wait3A_401 = arith.constant 0 : i32
        %dma_wait3A_402 = arith.constant 0 : i32
        %dma_wait3A_403 = tpu.memref_slice %arg3[%add3A, %add3A_345, %dma_wait3A_401, %dma_wait3A_402] : memref<32x190x40x128xf32, #tpu.memory_space<hbm>> -> memref<1x1x40x128xf32, #tpu.memory_space<hbm>>
        %dma_wait3A_404 = tpu.memref_squeeze %dma_wait3A_403 : memref<1x1x40x128xf32, #tpu.memory_space<hbm>> -> memref<40x128xf32, #tpu.memory_space<hbm>>
        tpu.wait_dma2 semaphore(%arg17 : memref<!tpu.dma_semaphore, #tpu.memory_space<semaphore_mem>>) src(%dma_wait3A_404 : memref<40x128xf32, #tpu.memory_space<hbm>>) dst(%dma_wait3A_400 : memref<40x128xf32, #tpu.memory_space<vmem>>)
        %ge3A = arith.constant 1 : i32
        %ge3A_405 = arith.cmpi sge, %add3A_345, %ge3A : i32
        %convert_element_type3A_406 = arith.extui %ge3A_405 : i1 to i32
        %cond3A_407 = arith.constant 0 : i32
        %cond3A_408 = arith.cmpi ne, %convert_element_type3A_406, %cond3A_407 : i32
        scf.if %cond3A_408 {
          %dma_wait3A_429 = arith.constant 1 : i32
          %dma_wait3A_430 = arith.constant 0 : i32
          %dma_wait3A_431 = tpu.memref_slice %arg6[%dma_wait3A_429, %dma_wait3A_430] : memref<2x40xi32, #tpu.memory_space<vmem>> -> memref<1x40xi32, #tpu.memory_space<vmem>>
          %dma_wait3A_432 = tpu.memref_squeeze %dma_wait3A_431 : memref<1x40xi32, #tpu.memory_space<vmem>> -> memref<40xi32, #tpu.memory_space<vmem>>
          %dma_wait3A_433 = arith.constant 0 : i32
          %dma_wait3A_434 = arith.constant 0 : i32
          %dma_wait3A_435 = tpu.memref_slice %arg13[%dma_wait3A_433, %dma_wait3A_434] : memref<10240x128xf32, #tpu.memory_space<vmem_shared>> -> memref<10240x128xf32, #tpu.memory_space<vmem_shared>>
          tpu.wait_indirect_dma semaphore(%arg22 : memref<!tpu.dma_semaphore, #tpu.memory_space<semaphore_mem>>) src(%arg12 : memref<40x128xf32, #tpu.memory_space<vmem>>) dst(%dma_wait3A_435 : memref<10240x128xf32, #tpu.memory_space<vmem_shared>>)
        } else {
        }
        %scan3A_409 = arith.constant 0 : i32
        %scan3A_410 = arith.constant 0 : i32
        %scan3A_411 = arith.constant 40 : i32
        %scan3A_412 = arith.addi %scan3A_410, %scan3A_411 : i32
        %scan3A_413 = arith.constant 1 : i32
        scf.for %scan3A_429 = %scan3A_410 to %scan3A_412 step %scan3A_413  : i32 {
          %get3A = arith.constant 1 : i32
          %get3A_430 = arith.index_cast %get3A : i32 to index
          %get3A_431 = arith.index_cast %scan3A_429 : i32 to index
          %get3A_432 = arith.constant 0 : index
          %get3A_433 = tpu.vector_load %arg10[%get3A_430, %get3A_431, %get3A_432] {strides = array<i32>} : memref<2x40x128xf32, #tpu.memory_space<vmem>>, vector<1x1x16xf32>,
          %get3A_434 = vector.shape_cast %get3A_433 : vector<1x1x16xf32> to vector<16xf32>
          %get3A_435 = arith.constant 1 : i32
          %get3A_436 = arith.index_cast %get3A_435 : i32 to index
          %get3A_437 = arith.index_cast %scan3A_429 : i32 to index
          %get3A_438 = arith.constant 0 : index
          %get3A_439 = tpu.vector_load %arg11[%get3A_436, %get3A_437, %get3A_438] {strides = array<i32>} : memref<2x40x128xf32, #tpu.memory_space<vmem>>, vector<1x1x16xf32>,
          %get3A_440 = vector.shape_cast %get3A_439 : vector<1x1x16xf32> to vector<16xf32>
          %mul3A_441 = arith.mulf %get3A_434, %get3A_440 : vector<16xf32>
          %swap3A = arith.index_cast %scan3A_429 : i32 to index
          %swap3A_442 = arith.constant 0 : index
          %swap3A_443 = tpu.vector_load %arg12[%swap3A, %swap3A_442] {strides = array<i32>} : memref<40x128xf32, #tpu.memory_space<vmem>>, vector<1x16xf32>,
          %swap3A_444 = vector.shape_cast %swap3A_443 : vector<1x16xf32> to vector<16xf32>
          %swap3A_445 = vector.shape_cast %mul3A_441 : vector<16xf32> to vector<1x16xf32>
          tpu.vector_store %arg12[%swap3A, %swap3A_442], %swap3A_445 {strides = array<i32>} : memref<40x128xf32, #tpu.memory_space<vmem>>, vector<1x16xf32>,
          %get3A_446 = arith.constant 1 : i32
          %get3A_447 = arith.index_cast %get3A_446 : i32 to index
          %get3A_448 = arith.index_cast %scan3A_429 : i32 to index
          %get3A_449 = arith.constant 16 : index
          %get3A_450 = tpu.vector_load %arg10[%get3A_447, %get3A_448, %get3A_449] {strides = array<i32>} : memref<2x40x128xf32, #tpu.memory_space<vmem>>, vector<1x1x16xf32>,
          %get3A_451 = vector.shape_cast %get3A_450 : vector<1x1x16xf32> to vector<16xf32>
          %get3A_452 = arith.constant 1 : i32
          %get3A_453 = arith.index_cast %get3A_452 : i32 to index
          %get3A_454 = arith.index_cast %scan3A_429 : i32 to index
          %get3A_455 = arith.constant 16 : index
          %get3A_456 = tpu.vector_load %arg11[%get3A_453, %get3A_454, %get3A_455] {strides = array<i32>} : memref<2x40x128xf32, #tpu.memory_space<vmem>>, vector<1x1x16xf32>,
          %get3A_457 = vector.shape_cast %get3A_456 : vector<1x1x16xf32> to vector<16xf32>
          %mul3A_458 = arith.mulf %get3A_451, %get3A_457 : vector<16xf32>
          %swap3A_459 = arith.index_cast %scan3A_429 : i32 to index
          %swap3A_460 = arith.constant 16 : index
          %swap3A_461 = tpu.vector_load %arg12[%swap3A_459, %swap3A_460] {strides = array<i32>} : memref<40x128xf32, #tpu.memory_space<vmem>>, vector<1x16xf32>,
          %swap3A_462 = vector.shape_cast %swap3A_461 : vector<1x16xf32> to vector<16xf32>
          %swap3A_463 = vector.shape_cast %mul3A_458 : vector<16xf32> to vector<1x16xf32>
          tpu.vector_store %arg12[%swap3A_459, %swap3A_460], %swap3A_463 {strides = array<i32>} : memref<40x128xf32, #tpu.memory_space<vmem>>, vector<1x16xf32>,
          %get3A_464 = arith.constant 1 : i32
          %get3A_465 = arith.index_cast %get3A_464 : i32 to index
          %get3A_466 = arith.index_cast %scan3A_429 : i32 to index
          %get3A_467 = arith.constant 32 : index
          %get3A_468 = tpu.vector_load %arg10[%get3A_465, %get3A_466, %get3A_467] {strides = array<i32>} : memref<2x40x128xf32, #tpu.memory_space<vmem>>, vector<1x1x16xf32>,
          %get3A_469 = vector.shape_cast %get3A_468 : vector<1x1x16xf32> to vector<16xf32>
          %get3A_470 = arith.constant 1 : i32
          %get3A_471 = arith.index_cast %get3A_470 : i32 to index
          %get3A_472 = arith.index_cast %scan3A_429 : i32 to index
          %get3A_473 = arith.constant 32 : index
          %get3A_474 = tpu.vector_load %arg11[%get3A_471, %get3A_472, %get3A_473] {strides = array<i32>} : memref<2x40x128xf32, #tpu.memory_space<vmem>>, vector<1x1x16xf32>,
          %get3A_475 = vector.shape_cast %get3A_474 : vector<1x1x16xf32> to vector<16xf32>
          %mul3A_476 = arith.mulf %get3A_469, %get3A_475 : vector<16xf32>
          %swap3A_477 = arith.index_cast %scan3A_429 : i32 to index
          %swap3A_478 = arith.constant 32 : index
          %swap3A_479 = tpu.vector_load %arg12[%swap3A_477, %swap3A_478] {strides = array<i32>} : memref<40x128xf32, #tpu.memory_space<vmem>>, vector<1x16xf32>,
          %swap3A_480 = vector.shape_cast %swap3A_479 : vector<1x16xf32> to vector<16xf32>
          %swap3A_481 = vector.shape_cast %mul3A_476 : vector<16xf32> to vector<1x16xf32>
          tpu.vector_store %arg12[%swap3A_477, %swap3A_478], %swap3A_481 {strides = array<i32>} : memref<40x128xf32, #tpu.memory_space<vmem>>, vector<1x16xf32>,
          %get3A_482 = arith.constant 1 : i32
          %get3A_483 = arith.index_cast %get3A_482 : i32 to index
          %get3A_484 = arith.index_cast %scan3A_429 : i32 to index
          %get3A_485 = arith.constant 48 : index
          %get3A_486 = tpu.vector_load %arg10[%get3A_483, %get3A_484, %get3A_485] {strides = array<i32>} : memref<2x40x128xf32, #tpu.memory_space<vmem>>, vector<1x1x16xf32>,
          %get3A_487 = vector.shape_cast %get3A_486 : vector<1x1x16xf32> to vector<16xf32>
          %get3A_488 = arith.constant 1 : i32
          %get3A_489 = arith.index_cast %get3A_488 : i32 to index
          %get3A_490 = arith.index_cast %scan3A_429 : i32 to index
          %get3A_491 = arith.constant 48 : index
          %get3A_492 = tpu.vector_load %arg11[%get3A_489, %get3A_490, %get3A_491] {strides = array<i32>} : memref<2x40x128xf32, #tpu.memory_space<vmem>>, vector<1x1x16xf32>,
          %get3A_493 = vector.shape_cast %get3A_492 : vector<1x1x16xf32> to vector<16xf32>
          %mul3A_494 = arith.mulf %get3A_487, %get3A_493 : vector<16xf32>
          %swap3A_495 = arith.index_cast %scan3A_429 : i32 to index
          %swap3A_496 = arith.constant 48 : index
          %swap3A_497 = tpu.vector_load %arg12[%swap3A_495, %swap3A_496] {strides = array<i32>} : memref<40x128xf32, #tpu.memory_space<vmem>>, vector<1x16xf32>,
          %swap3A_498 = vector.shape_cast %swap3A_497 : vector<1x16xf32> to vector<16xf32>
          %swap3A_499 = vector.shape_cast %mul3A_494 : vector<16xf32> to vector<1x16xf32>
          tpu.vector_store %arg12[%swap3A_495, %swap3A_496], %swap3A_499 {strides = array<i32>} : memref<40x128xf32, #tpu.memory_space<vmem>>, vector<1x16xf32>,
          %get3A_500 = arith.constant 1 : i32
          %get3A_501 = arith.index_cast %get3A_500 : i32 to index
          %get3A_502 = arith.index_cast %scan3A_429 : i32 to index
          %get3A_503 = arith.constant 64 : index
          %get3A_504 = tpu.vector_load %arg10[%get3A_501, %get3A_502, %get3A_503] {strides = array<i32>} : memref<2x40x128xf32, #tpu.memory_space<vmem>>, vector<1x1x16xf32>,
          %get3A_505 = vector.shape_cast %get3A_504 : vector<1x1x16xf32> to vector<16xf32>
          %get3A_506 = arith.constant 1 : i32
          %get3A_507 = arith.index_cast %get3A_506 : i32 to index
          %get3A_508 = arith.index_cast %scan3A_429 : i32 to index
          %get3A_509 = arith.constant 64 : index
          %get3A_510 = tpu.vector_load %arg11[%get3A_507, %get3A_508, %get3A_509] {strides = array<i32>} : memref<2x40x128xf32, #tpu.memory_space<vmem>>, vector<1x1x16xf32>,
          %get3A_511 = vector.shape_cast %get3A_510 : vector<1x1x16xf32> to vector<16xf32>
          %mul3A_512 = arith.mulf %get3A_505, %get3A_511 : vector<16xf32>
          %swap3A_513 = arith.index_cast %scan3A_429 : i32 to index
          %swap3A_514 = arith.constant 64 : index
          %swap3A_515 = tpu.vector_load %arg12[%swap3A_513, %swap3A_514] {strides = array<i32>} : memref<40x128xf32, #tpu.memory_space<vmem>>, vector<1x16xf32>,
          %swap3A_516 = vector.shape_cast %swap3A_515 : vector<1x16xf32> to vector<16xf32>
          %swap3A_517 = vector.shape_cast %mul3A_512 : vector<16xf32> to vector<1x16xf32>
          tpu.vector_store %arg12[%swap3A_513, %swap3A_514], %swap3A_517 {strides = array<i32>} : memref<40x128xf32, #tpu.memory_space<vmem>>, vector<1x16xf32>,
          %get3A_518 = arith.constant 1 : i32
          %get3A_519 = arith.index_cast %get3A_518 : i32 to index
          %get3A_520 = arith.index_cast %scan3A_429 : i32 to index
          %get3A_521 = arith.constant 80 : index
          %get3A_522 = tpu.vector_load %arg10[%get3A_519, %get3A_520, %get3A_521] {strides = array<i32>} : memref<2x40x128xf32, #tpu.memory_space<vmem>>, vector<1x1x16xf32>,
          %get3A_523 = vector.shape_cast %get3A_522 : vector<1x1x16xf32> to vector<16xf32>
          %get3A_524 = arith.constant 1 : i32
          %get3A_525 = arith.index_cast %get3A_524 : i32 to index
          %get3A_526 = arith.index_cast %scan3A_429 : i32 to index
          %get3A_527 = arith.constant 80 : index
          %get3A_528 = tpu.vector_load %arg11[%get3A_525, %get3A_526, %get3A_527] {strides = array<i32>} : memref<2x40x128xf32, #tpu.memory_space<vmem>>, vector<1x1x16xf32>,
          %get3A_529 = vector.shape_cast %get3A_528 : vector<1x1x16xf32> to vector<16xf32>
          %mul3A_530 = arith.mulf %get3A_523, %get3A_529 : vector<16xf32>
          %swap3A_531 = arith.index_cast %scan3A_429 : i32 to index
          %swap3A_532 = arith.constant 80 : index
          %swap3A_533 = tpu.vector_load %arg12[%swap3A_531, %swap3A_532] {strides = array<i32>} : memref<40x128xf32, #tpu.memory_space<vmem>>, vector<1x16xf32>,
          %swap3A_534 = vector.shape_cast %swap3A_533 : vector<1x16xf32> to vector<16xf32>
          %swap3A_535 = vector.shape_cast %mul3A_530 : vector<16xf32> to vector<1x16xf32>
          tpu.vector_store %arg12[%swap3A_531, %swap3A_532], %swap3A_535 {strides = array<i32>} : memref<40x128xf32, #tpu.memory_space<vmem>>, vector<1x16xf32>,
          %get3A_536 = arith.constant 1 : i32
          %get3A_537 = arith.index_cast %get3A_536 : i32 to index
          %get3A_538 = arith.index_cast %scan3A_429 : i32 to index
          %get3A_539 = arith.constant 96 : index
          %get3A_540 = tpu.vector_load %arg10[%get3A_537, %get3A_538, %get3A_539] {strides = array<i32>} : memref<2x40x128xf32, #tpu.memory_space<vmem>>, vector<1x1x16xf32>,
          %get3A_541 = vector.shape_cast %get3A_540 : vector<1x1x16xf32> to vector<16xf32>
          %get3A_542 = arith.constant 1 : i32
          %get3A_543 = arith.index_cast %get3A_542 : i32 to index
          %get3A_544 = arith.index_cast %scan3A_429 : i32 to index
          %get3A_545 = arith.constant 96 : index
          %get3A_546 = tpu.vector_load %arg11[%get3A_543, %get3A_544, %get3A_545] {strides = array<i32>} : memref<2x40x128xf32, #tpu.memory_space<vmem>>, vector<1x1x16xf32>,
          %get3A_547 = vector.shape_cast %get3A_546 : vector<1x1x16xf32> to vector<16xf32>
          %mul3A_548 = arith.mulf %get3A_541, %get3A_547 : vector<16xf32>
          %swap3A_549 = arith.index_cast %scan3A_429 : i32 to index
          %swap3A_550 = arith.constant 96 : index
          %swap3A_551 = tpu.vector_load %arg12[%swap3A_549, %swap3A_550] {strides = array<i32>} : memref<40x128xf32, #tpu.memory_space<vmem>>, vector<1x16xf32>,
          %swap3A_552 = vector.shape_cast %swap3A_551 : vector<1x16xf32> to vector<16xf32>
          %swap3A_553 = vector.shape_cast %mul3A_548 : vector<16xf32> to vector<1x16xf32>
          tpu.vector_store %arg12[%swap3A_549, %swap3A_550], %swap3A_553 {strides = array<i32>} : memref<40x128xf32, #tpu.memory_space<vmem>>, vector<1x16xf32>,
          %get3A_554 = arith.constant 1 : i32
          %get3A_555 = arith.index_cast %get3A_554 : i32 to index
          %get3A_556 = arith.index_cast %scan3A_429 : i32 to index
          %get3A_557 = arith.constant 112 : index
          %get3A_558 = tpu.vector_load %arg10[%get3A_555, %get3A_556, %get3A_557] {strides = array<i32>} : memref<2x40x128xf32, #tpu.memory_space<vmem>>, vector<1x1x16xf32>,
          %get3A_559 = vector.shape_cast %get3A_558 : vector<1x1x16xf32> to vector<16xf32>
          %get3A_560 = arith.constant 1 : i32
          %get3A_561 = arith.index_cast %get3A_560 : i32 to index
          %get3A_562 = arith.index_cast %scan3A_429 : i32 to index
          %get3A_563 = arith.constant 112 : index
          %get3A_564 = tpu.vector_load %arg11[%get3A_561, %get3A_562, %get3A_563] {strides = array<i32>} : memref<2x40x128xf32, #tpu.memory_space<vmem>>, vector<1x1x16xf32>,
          %get3A_565 = vector.shape_cast %get3A_564 : vector<1x1x16xf32> to vector<16xf32>
          %mul3A_566 = arith.mulf %get3A_559, %get3A_565 : vector<16xf32>
          %swap3A_567 = arith.index_cast %scan3A_429 : i32 to index
          %swap3A_568 = arith.constant 112 : index
          %swap3A_569 = tpu.vector_load %arg12[%swap3A_567, %swap3A_568] {strides = array<i32>} : memref<40x128xf32, #tpu.memory_space<vmem>>, vector<1x16xf32>,
          %swap3A_570 = vector.shape_cast %swap3A_569 : vector<1x16xf32> to vector<16xf32>
          %swap3A_571 = vector.shape_cast %mul3A_566 : vector<16xf32> to vector<1x16xf32>
          tpu.vector_store %arg12[%swap3A_567, %swap3A_568], %swap3A_571 {strides = array<i32>} : memref<40x128xf32, #tpu.memory_space<vmem>>, vector<1x16xf32>,
        }
        %scan3A_414 = arith.constant 40 : i32
        %dma_start3A_415 = arith.constant 1 : i32
        %dma_start3A_416 = arith.constant 0 : i32
        %dma_start3A_417 = tpu.memref_slice %arg7[%dma_start3A_415, %dma_start3A_416] : memref<2x40xi32, #tpu.memory_space<vmem>> -> memref<1x40xi32, #tpu.memory_space<vmem>>
        %dma_start3A_418 = tpu.memref_squeeze %dma_start3A_417 : memref<1x40xi32, #tpu.memory_space<vmem>> -> memref<40xi32, #tpu.memory_space<vmem>>
        %dma_start3A_419 = arith.constant 0 : i32
        %dma_start3A_420 = arith.constant 0 : i32
        %dma_start3A_421 = tpu.memref_slice %arg13[%dma_start3A_419, %dma_start3A_420] : memref<10240x128xf32, #tpu.memory_space<vmem_shared>> -> memref<10240x128xf32, #tpu.memory_space<vmem_shared>>
        tpu.enqueue_indirect_dma source(%arg12 : memref<40x128xf32, #tpu.memory_space<vmem>>) target(%dma_start3A_421 : memref<10240x128xf32, #tpu.memory_space<vmem_shared>>) offsets(%dma_start3A_418 : memref<40xi32, #tpu.memory_space<vmem>>) semaphore(%arg22 : memref<!tpu.dma_semaphore, #tpu.memory_space<semaphore_mem>>) {add = true}
        %add3A_422 = arith.constant 2 : i32
        %add3A_423 = arith.addi %add3A_345, %add3A_422 : i32
        %lt3A_424 = arith.constant 190 : i32
        %lt3A_425 = arith.cmpi slt, %add3A_423, %lt3A_424 : i32
        %convert_element_type3A_426 = arith.extui %lt3A_425 : i1 to i32
        %cond3A_427 = arith.constant 0 : i32
        %cond3A_428 = arith.cmpi ne, %convert_element_type3A_426, %cond3A_427 : i32
        scf.if %cond3A_428 {
          %add3A_429 = arith.constant 2 : i32
          %add3A_430 = arith.addi %add3A_345, %add3A_429 : i32
          %dma_start3A_431 = arith.constant 0 : i32
          %dma_start3A_432 = arith.constant 0 : i32
          %dma_start3A_433 = tpu.memref_slice %arg4[%dma_start3A_431, %add3A, %add3A_430, %dma_start3A_432] : memref<2x32x190x40xi32, #tpu.memory_space<hbm>> -> memref<2x1x1x40xi32, #tpu.memory_space<hbm>>
          %dma_start3A_434 = tpu.memref_squeeze %dma_start3A_433 : memref<2x1x1x40xi32, #tpu.memory_space<hbm>> -> memref<2x40xi32, #tpu.memory_space<hbm>>
          %dma_start3A_435 = arith.constant 0 : i32
          %dma_start3A_436 = arith.constant 0 : i32
          %dma_start3A_437 = tpu.memref_slice %arg4[%dma_start3A_435, %add3A, %add3A_430, %dma_start3A_436] : memref<2x32x190x40xi32, #tpu.memory_space<hbm>> -> memref<2x1x1x40xi32, #tpu.memory_space<hbm>>
          %dma_start3A_438 = tpu.memref_squeeze %dma_start3A_437 : memref<2x1x1x40xi32, #tpu.memory_space<hbm>> -> memref<2x40xi32, #tpu.memory_space<hbm>>
          tpu.enqueue_dma source(%dma_start3A_438 : memref<2x40xi32, #tpu.memory_space<hbm>>) target(%arg9 : memref<2x40xi32, #tpu.memory_space<vmem>>) target_semaphore(%arg21 : memref<!tpu.dma_semaphore, #tpu.memory_space<semaphore_mem>>)
        } else {
        }
      } else {
      }
      %mul3A_351 = arith.constant 4 : i32
      %mul3A_352 = arith.muli %mul3A_351, %scan3A_335 : i32
      %add3A_353 = arith.constant 2 : i32
      %add3A_354 = arith.addi %mul3A_352, %add3A_353 : i32
      %lt3A_355 = arith.constant 190 : i32
      %lt3A_356 = arith.cmpi slt, %add3A_354, %lt3A_355 : i32
      %convert_element_type3A_357 = arith.extui %lt3A_356 : i1 to i32
      %cond3A_358 = arith.constant 0 : i32
      %cond3A_359 = arith.cmpi ne, %convert_element_type3A_357, %cond3A_358 : i32
      scf.if %cond3A_359 {
        %add3A_369 = arith.constant 1 : i32
        %add3A_370 = arith.addi %add3A_354, %add3A_369 : i32
        %lt3A_371 = arith.constant 190 : i32
        %lt3A_372 = arith.cmpi slt, %add3A_370, %lt3A_371 : i32
        %convert_element_type3A_373 = arith.extui %lt3A_372 : i1 to i32
        %cond3A_374 = arith.constant 0 : i32
        %cond3A_375 = arith.cmpi ne, %convert_element_type3A_373, %cond3A_374 : i32
        scf.if %cond3A_375 {
          %add3A_429 = arith.constant 1 : i32
          %add3A_430 = arith.addi %add3A_354, %add3A_429 : i32
          %dma_wait3A_431 = arith.constant 0 : i32
          %dma_wait3A_432 = arith.constant 0 : i32
          %dma_wait3A_433 = tpu.memref_slice %arg4[%dma_wait3A_431, %add3A, %add3A_430, %dma_wait3A_432] : memref<2x32x190x40xi32, #tpu.memory_space<hbm>> -> memref<2x1x1x40xi32, #tpu.memory_space<hbm>>
          %dma_wait3A_434 = tpu.memref_squeeze %dma_wait3A_433 : memref<2x1x1x40xi32, #tpu.memory_space<hbm>> -> memref<2x40xi32, #tpu.memory_space<hbm>>
          %dma_wait3A_435 = arith.constant 0 : i32
          %dma_wait3A_436 = arith.constant 0 : i32
          %dma_wait3A_437 = tpu.memref_slice %arg4[%dma_wait3A_435, %add3A, %add3A_430, %dma_wait3A_436] : memref<2x32x190x40xi32, #tpu.memory_space<hbm>> -> memref<2x1x1x40xi32, #tpu.memory_space<hbm>>
          %dma_wait3A_438 = tpu.memref_squeeze %dma_wait3A_437 : memref<2x1x1x40xi32, #tpu.memory_space<hbm>> -> memref<2x40xi32, #tpu.memory_space<hbm>>
          tpu.wait_dma2 semaphore(%arg21 : memref<!tpu.dma_semaphore, #tpu.memory_space<semaphore_mem>>) src(%dma_wait3A_438 : memref<2x40xi32, #tpu.memory_space<hbm>>) dst(%arg9 : memref<2x40xi32, #tpu.memory_space<vmem>>)
          %add3A_439 = arith.constant 1 : i32
          %add3A_440 = arith.addi %add3A_354, %add3A_439 : i32
          %dma_start3A_441 = arith.constant 0 : i32
          %dma_start3A_442 = arith.constant 1 : i32
          %dma_start3A_443 = arith.constant 0 : i32
          %dma_start3A_444 = arith.constant 0 : i32
          %dma_start3A_445 = tpu.memref_slice %arg10[%dma_start3A_442, %dma_start3A_443, %dma_start3A_444] : memref<2x40x128xf32, #tpu.memory_space<vmem>> -> memref<1x40x128xf32, #tpu.memory_space<vmem>>
          %dma_start3A_446 = tpu.memref_squeeze %dma_start3A_445 : memref<1x40x128xf32, #tpu.memory_space<vmem>> -> memref<40x128xf32, #tpu.memory_space<vmem>>
          %dma_start3A_447 = arith.constant 0 : i32
          %dma_start3A_448 = tpu.memref_slice %arg9[%dma_start3A_441, %dma_start3A_447] : memref<2x40xi32, #tpu.memory_space<vmem>> -> memref<1x40xi32, #tpu.memory_space<vmem>>
          %dma_start3A_449 = tpu.memref_squeeze %dma_start3A_448 : memref<1x40xi32, #tpu.memory_space<vmem>> -> memref<40xi32, #tpu.memory_space<vmem>>
          %dma_start3A_450 = arith.constant 0 : i32
          %dma_start3A_451 = arith.constant 0 : i32
          %dma_start3A_452 = tpu.memref_slice %arg2[%dma_start3A_450, %dma_start3A_451] : memref<10000x128xf32, #tpu.memory_space<hbm>> -> memref<10000x128xf32, #tpu.memory_space<hbm>>
          tpu.enqueue_indirect_dma source(%dma_start3A_452 : memref<10000x128xf32, #tpu.memory_space<hbm>>) target(%dma_start3A_446 : memref<40x128xf32, #tpu.memory_space<vmem>>) offsets(%dma_start3A_449 : memref<40xi32, #tpu.memory_space<vmem>>) semaphore(%arg15 : memref<!tpu.dma_semaphore, #tpu.memory_space<semaphore_mem>>)
          %dma_start3A_453 = arith.constant 1 : i32
          %dma_start3A_454 = arith.constant 0 : i32
          %dma_start3A_455 = arith.constant 0 : i32
          %dma_start3A_456 = tpu.memref_slice %arg11[%dma_start3A_453, %dma_start3A_454, %dma_start3A_455] : memref<2x40x128xf32, #tpu.memory_space<vmem>> -> memref<1x40x128xf32, #tpu.memory_space<vmem>>
          %dma_start3A_457 = tpu.memref_squeeze %dma_start3A_456 : memref<1x40x128xf32, #tpu.memory_space<vmem>> -> memref<40x128xf32, #tpu.memory_space<vmem>>
          %dma_start3A_458 = arith.constant 0 : i32
          %dma_start3A_459 = arith.constant 0 : i32
          %dma_start3A_460 = tpu.memref_slice %arg3[%add3A, %add3A_440, %dma_start3A_458, %dma_start3A_459] : memref<32x190x40x128xf32, #tpu.memory_space<hbm>> -> memref<1x1x40x128xf32, #tpu.memory_space<hbm>>
          %dma_start3A_461 = tpu.memref_squeeze %dma_start3A_460 : memref<1x1x40x128xf32, #tpu.memory_space<hbm>> -> memref<40x128xf32, #tpu.memory_space<hbm>>
          %dma_start3A_462 = arith.constant 0 : i32
          %dma_start3A_463 = arith.constant 0 : i32
          %dma_start3A_464 = tpu.memref_slice %arg11[%dma_start3A_453, %dma_start3A_462, %dma_start3A_463] : memref<2x40x128xf32, #tpu.memory_space<vmem>> -> memref<1x40x128xf32, #tpu.memory_space<vmem>>
          %dma_start3A_465 = tpu.memref_squeeze %dma_start3A_464 : memref<1x40x128xf32, #tpu.memory_space<vmem>> -> memref<40x128xf32, #tpu.memory_space<vmem>>
          %dma_start3A_466 = arith.constant 0 : i32
          %dma_start3A_467 = arith.constant 0 : i32
          %dma_start3A_468 = tpu.memref_slice %arg3[%add3A, %add3A_440, %dma_start3A_466, %dma_start3A_467] : memref<32x190x40x128xf32, #tpu.memory_space<hbm>> -> memref<1x1x40x128xf32, #tpu.memory_space<hbm>>
          %dma_start3A_469 = tpu.memref_squeeze %dma_start3A_468 : memref<1x1x40x128xf32, #tpu.memory_space<hbm>> -> memref<40x128xf32, #tpu.memory_space<hbm>>
          tpu.enqueue_dma source(%dma_start3A_469 : memref<40x128xf32, #tpu.memory_space<hbm>>) target(%dma_start3A_465 : memref<40x128xf32, #tpu.memory_space<vmem>>) target_semaphore(%arg17 : memref<!tpu.dma_semaphore, #tpu.memory_space<semaphore_mem>>)
        } else {
        }
        %dma_wait3A_376 = arith.constant 0 : i32
        %dma_wait3A_377 = arith.constant 0 : i32
        %dma_wait3A_378 = arith.constant 0 : i32
        %dma_wait3A_379 = arith.constant 0 : i32
        %dma_wait3A_380 = tpu.memref_slice %arg10[%dma_wait3A_377, %dma_wait3A_378, %dma_wait3A_379] : memref<2x40x128xf32, #tpu.memory_space<vmem>> -> memref<1x40x128xf32, #tpu.memory_space<vmem>>
        %dma_wait3A_381 = tpu.memref_squeeze %dma_wait3A_380 : memref<1x40x128xf32, #tpu.memory_space<vmem>> -> memref<40x128xf32, #tpu.memory_space<vmem>>
        %dma_wait3A_382 = arith.constant 0 : i32
        %dma_wait3A_383 = tpu.memref_slice %arg8[%dma_wait3A_376, %dma_wait3A_382] : memref<2x40xi32, #tpu.memory_space<vmem>> -> memref<1x40xi32, #tpu.memory_space<vmem>>
        %dma_wait3A_384 = tpu.memref_squeeze %dma_wait3A_383 : memref<1x40xi32, #tpu.memory_space<vmem>> -> memref<40xi32, #tpu.memory_space<vmem>>
        %dma_wait3A_385 = arith.constant 0 : i32
        %dma_wait3A_386 = arith.constant 0 : i32
        %dma_wait3A_387 = tpu.memref_slice %arg2[%dma_wait3A_385, %dma_wait3A_386] : memref<10000x128xf32, #tpu.memory_space<hbm>> -> memref<10000x128xf32, #tpu.memory_space<hbm>>
        tpu.wait_indirect_dma semaphore(%arg14 : memref<!tpu.dma_semaphore, #tpu.memory_space<semaphore_mem>>) src(%dma_wait3A_387 : memref<10000x128xf32, #tpu.memory_space<hbm>>) dst(%dma_wait3A_381 : memref<40x128xf32, #tpu.memory_space<vmem>>)
        %dma_wait3A_388 = arith.constant 0 : i32
        %dma_wait3A_389 = arith.constant 0 : i32
        %dma_wait3A_390 = arith.constant 0 : i32
        %dma_wait3A_391 = tpu.memref_slice %arg11[%dma_wait3A_388, %dma_wait3A_389, %dma_wait3A_390] : memref<2x40x128xf32, #tpu.memory_space<vmem>> -> memref<1x40x128xf32, #tpu.memory_space<vmem>>
        %dma_wait3A_392 = tpu.memref_squeeze %dma_wait3A_391 : memref<1x40x128xf32, #tpu.memory_space<vmem>> -> memref<40x128xf32, #tpu.memory_space<vmem>>
        %dma_wait3A_393 = arith.constant 0 : i32
        %dma_wait3A_394 = arith.constant 0 : i32
        %dma_wait3A_395 = tpu.memref_slice %arg3[%add3A, %add3A_354, %dma_wait3A_393, %dma_wait3A_394] : memref<32x190x40x128xf32, #tpu.memory_space<hbm>> -> memref<1x1x40x128xf32, #tpu.memory_space<hbm>>
        %dma_wait3A_396 = tpu.memref_squeeze %dma_wait3A_395 : memref<1x1x40x128xf32, #tpu.memory_space<hbm>> -> memref<40x128xf32, #tpu.memory_space<hbm>>
        %dma_wait3A_397 = arith.constant 0 : i32
        %dma_wait3A_398 = arith.constant 0 : i32
        %dma_wait3A_399 = tpu.memref_slice %arg11[%dma_wait3A_388, %dma_wait3A_397, %dma_wait3A_398] : memref<2x40x128xf32, #tpu.memory_space<vmem>> -> memref<1x40x128xf32, #tpu.memory_space<vmem>>
        %dma_wait3A_400 = tpu.memref_squeeze %dma_wait3A_399 : memref<1x40x128xf32, #tpu.memory_space<vmem>> -> memref<40x128xf32, #tpu.memory_space<vmem>>
        %dma_wait3A_401 = arith.constant 0 : i32
        %dma_wait3A_402 = arith.constant 0 : i32
        %dma_wait3A_403 = tpu.memref_slice %arg3[%add3A, %add3A_354, %dma_wait3A_401, %dma_wait3A_402] : memref<32x190x40x128xf32, #tpu.memory_space<hbm>> -> memref<1x1x40x128xf32, #tpu.memory_space<hbm>>
        %dma_wait3A_404 = tpu.memref_squeeze %dma_wait3A_403 : memref<1x1x40x128xf32, #tpu.memory_space<hbm>> -> memref<40x128xf32, #tpu.memory_space<hbm>>
        tpu.wait_dma2 semaphore(%arg16 : memref<!tpu.dma_semaphore, #tpu.memory_space<semaphore_mem>>) src(%dma_wait3A_404 : memref<40x128xf32, #tpu.memory_space<hbm>>) dst(%dma_wait3A_400 : memref<40x128xf32, #tpu.memory_space<vmem>>)
        %ge3A = arith.constant 1 : i32
        %ge3A_405 = arith.cmpi sge, %add3A_354, %ge3A : i32
        %convert_element_type3A_406 = arith.extui %ge3A_405 : i1 to i32
        %cond3A_407 = arith.constant 0 : i32
        %cond3A_408 = arith.cmpi ne, %convert_element_type3A_406, %cond3A_407 : i32
        scf.if %cond3A_408 {
          %dma_wait3A_429 = arith.constant 1 : i32
          %dma_wait3A_430 = arith.constant 0 : i32
          %dma_wait3A_431 = tpu.memref_slice %arg7[%dma_wait3A_429, %dma_wait3A_430] : memref<2x40xi32, #tpu.memory_space<vmem>> -> memref<1x40xi32, #tpu.memory_space<vmem>>
          %dma_wait3A_432 = tpu.memref_squeeze %dma_wait3A_431 : memref<1x40xi32, #tpu.memory_space<vmem>> -> memref<40xi32, #tpu.memory_space<vmem>>
          %dma_wait3A_433 = arith.constant 0 : i32
          %dma_wait3A_434 = arith.constant 0 : i32
          %dma_wait3A_435 = tpu.memref_slice %arg13[%dma_wait3A_433, %dma_wait3A_434] : memref<10240x128xf32, #tpu.memory_space<vmem_shared>> -> memref<10240x128xf32, #tpu.memory_space<vmem_shared>>
          tpu.wait_indirect_dma semaphore(%arg22 : memref<!tpu.dma_semaphore, #tpu.memory_space<semaphore_mem>>) src(%arg12 : memref<40x128xf32, #tpu.memory_space<vmem>>) dst(%dma_wait3A_435 : memref<10240x128xf32, #tpu.memory_space<vmem_shared>>)
        } else {
        }
        %scan3A_409 = arith.constant 0 : i32
        %scan3A_410 = arith.constant 0 : i32
        %scan3A_411 = arith.constant 40 : i32
        %scan3A_412 = arith.addi %scan3A_410, %scan3A_411 : i32
        %scan3A_413 = arith.constant 1 : i32
        scf.for %scan3A_429 = %scan3A_410 to %scan3A_412 step %scan3A_413  : i32 {
          %get3A = arith.constant 0 : i32
          %get3A_430 = arith.index_cast %get3A : i32 to index
          %get3A_431 = arith.index_cast %scan3A_429 : i32 to index
          %get3A_432 = arith.constant 0 : index
          %get3A_433 = tpu.vector_load %arg10[%get3A_430, %get3A_431, %get3A_432] {strides = array<i32>} : memref<2x40x128xf32, #tpu.memory_space<vmem>>, vector<1x1x16xf32>,
          %get3A_434 = vector.shape_cast %get3A_433 : vector<1x1x16xf32> to vector<16xf32>
          %get3A_435 = arith.constant 0 : i32
          %get3A_436 = arith.index_cast %get3A_435 : i32 to index
          %get3A_437 = arith.index_cast %scan3A_429 : i32 to index
          %get3A_438 = arith.constant 0 : index
          %get3A_439 = tpu.vector_load %arg11[%get3A_436, %get3A_437, %get3A_438] {strides = array<i32>} : memref<2x40x128xf32, #tpu.memory_space<vmem>>, vector<1x1x16xf32>,
          %get3A_440 = vector.shape_cast %get3A_439 : vector<1x1x16xf32> to vector<16xf32>
          %mul3A_441 = arith.mulf %get3A_434, %get3A_440 : vector<16xf32>
          %swap3A = arith.index_cast %scan3A_429 : i32 to index
          %swap3A_442 = arith.constant 0 : index
          %swap3A_443 = tpu.vector_load %arg12[%swap3A, %swap3A_442] {strides = array<i32>} : memref<40x128xf32, #tpu.memory_space<vmem>>, vector<1x16xf32>,
          %swap3A_444 = vector.shape_cast %swap3A_443 : vector<1x16xf32> to vector<16xf32>
          %swap3A_445 = vector.shape_cast %mul3A_441 : vector<16xf32> to vector<1x16xf32>
          tpu.vector_store %arg12[%swap3A, %swap3A_442], %swap3A_445 {strides = array<i32>} : memref<40x128xf32, #tpu.memory_space<vmem>>, vector<1x16xf32>,
          %get3A_446 = arith.constant 0 : i32
          %get3A_447 = arith.index_cast %get3A_446 : i32 to index
          %get3A_448 = arith.index_cast %scan3A_429 : i32 to index
          %get3A_449 = arith.constant 16 : index
          %get3A_450 = tpu.vector_load %arg10[%get3A_447, %get3A_448, %get3A_449] {strides = array<i32>} : memref<2x40x128xf32, #tpu.memory_space<vmem>>, vector<1x1x16xf32>,
          %get3A_451 = vector.shape_cast %get3A_450 : vector<1x1x16xf32> to vector<16xf32>
          %get3A_452 = arith.constant 0 : i32
          %get3A_453 = arith.index_cast %get3A_452 : i32 to index
          %get3A_454 = arith.index_cast %scan3A_429 : i32 to index
          %get3A_455 = arith.constant 16 : index
          %get3A_456 = tpu.vector_load %arg11[%get3A_453, %get3A_454, %get3A_455] {strides = array<i32>} : memref<2x40x128xf32, #tpu.memory_space<vmem>>, vector<1x1x16xf32>,
          %get3A_457 = vector.shape_cast %get3A_456 : vector<1x1x16xf32> to vector<16xf32>
          %mul3A_458 = arith.mulf %get3A_451, %get3A_457 : vector<16xf32>
          %swap3A_459 = arith.index_cast %scan3A_429 : i32 to index
          %swap3A_460 = arith.constant 16 : index
          %swap3A_461 = tpu.vector_load %arg12[%swap3A_459, %swap3A_460] {strides = array<i32>} : memref<40x128xf32, #tpu.memory_space<vmem>>, vector<1x16xf32>,
          %swap3A_462 = vector.shape_cast %swap3A_461 : vector<1x16xf32> to vector<16xf32>
          %swap3A_463 = vector.shape_cast %mul3A_458 : vector<16xf32> to vector<1x16xf32>
          tpu.vector_store %arg12[%swap3A_459, %swap3A_460], %swap3A_463 {strides = array<i32>} : memref<40x128xf32, #tpu.memory_space<vmem>>, vector<1x16xf32>,
          %get3A_464 = arith.constant 0 : i32
          %get3A_465 = arith.index_cast %get3A_464 : i32 to index
          %get3A_466 = arith.index_cast %scan3A_429 : i32 to index
          %get3A_467 = arith.constant 32 : index
          %get3A_468 = tpu.vector_load %arg10[%get3A_465, %get3A_466, %get3A_467] {strides = array<i32>} : memref<2x40x128xf32, #tpu.memory_space<vmem>>, vector<1x1x16xf32>,
          %get3A_469 = vector.shape_cast %get3A_468 : vector<1x1x16xf32> to vector<16xf32>
          %get3A_470 = arith.constant 0 : i32
          %get3A_471 = arith.index_cast %get3A_470 : i32 to index
          %get3A_472 = arith.index_cast %scan3A_429 : i32 to index
          %get3A_473 = arith.constant 32 : index
          %get3A_474 = tpu.vector_load %arg11[%get3A_471, %get3A_472, %get3A_473] {strides = array<i32>} : memref<2x40x128xf32, #tpu.memory_space<vmem>>, vector<1x1x16xf32>,
          %get3A_475 = vector.shape_cast %get3A_474 : vector<1x1x16xf32> to vector<16xf32>
          %mul3A_476 = arith.mulf %get3A_469, %get3A_475 : vector<16xf32>
          %swap3A_477 = arith.index_cast %scan3A_429 : i32 to index
          %swap3A_478 = arith.constant 32 : index
          %swap3A_479 = tpu.vector_load %arg12[%swap3A_477, %swap3A_478] {strides = array<i32>} : memref<40x128xf32, #tpu.memory_space<vmem>>, vector<1x16xf32>,
          %swap3A_480 = vector.shape_cast %swap3A_479 : vector<1x16xf32> to vector<16xf32>
          %swap3A_481 = vector.shape_cast %mul3A_476 : vector<16xf32> to vector<1x16xf32>
          tpu.vector_store %arg12[%swap3A_477, %swap3A_478], %swap3A_481 {strides = array<i32>} : memref<40x128xf32, #tpu.memory_space<vmem>>, vector<1x16xf32>,
          %get3A_482 = arith.constant 0 : i32
          %get3A_483 = arith.index_cast %get3A_482 : i32 to index
          %get3A_484 = arith.index_cast %scan3A_429 : i32 to index
          %get3A_485 = arith.constant 48 : index
          %get3A_486 = tpu.vector_load %arg10[%get3A_483, %get3A_484, %get3A_485] {strides = array<i32>} : memref<2x40x128xf32, #tpu.memory_space<vmem>>, vector<1x1x16xf32>,
          %get3A_487 = vector.shape_cast %get3A_486 : vector<1x1x16xf32> to vector<16xf32>
          %get3A_488 = arith.constant 0 : i32
          %get3A_489 = arith.index_cast %get3A_488 : i32 to index
          %get3A_490 = arith.index_cast %scan3A_429 : i32 to index
          %get3A_491 = arith.constant 48 : index
          %get3A_492 = tpu.vector_load %arg11[%get3A_489, %get3A_490, %get3A_491] {strides = array<i32>} : memref<2x40x128xf32, #tpu.memory_space<vmem>>, vector<1x1x16xf32>,
          %get3A_493 = vector.shape_cast %get3A_492 : vector<1x1x16xf32> to vector<16xf32>
          %mul3A_494 = arith.mulf %get3A_487, %get3A_493 : vector<16xf32>
          %swap3A_495 = arith.index_cast %scan3A_429 : i32 to index
          %swap3A_496 = arith.constant 48 : index
          %swap3A_497 = tpu.vector_load %arg12[%swap3A_495, %swap3A_496] {strides = array<i32>} : memref<40x128xf32, #tpu.memory_space<vmem>>, vector<1x16xf32>,
          %swap3A_498 = vector.shape_cast %swap3A_497 : vector<1x16xf32> to vector<16xf32>
          %swap3A_499 = vector.shape_cast %mul3A_494 : vector<16xf32> to vector<1x16xf32>
          tpu.vector_store %arg12[%swap3A_495, %swap3A_496], %swap3A_499 {strides = array<i32>} : memref<40x128xf32, #tpu.memory_space<vmem>>, vector<1x16xf32>,
          %get3A_500 = arith.constant 0 : i32
          %get3A_501 = arith.index_cast %get3A_500 : i32 to index
          %get3A_502 = arith.index_cast %scan3A_429 : i32 to index
          %get3A_503 = arith.constant 64 : index
          %get3A_504 = tpu.vector_load %arg10[%get3A_501, %get3A_502, %get3A_503] {strides = array<i32>} : memref<2x40x128xf32, #tpu.memory_space<vmem>>, vector<1x1x16xf32>,
          %get3A_505 = vector.shape_cast %get3A_504 : vector<1x1x16xf32> to vector<16xf32>
          %get3A_506 = arith.constant 0 : i32
          %get3A_507 = arith.index_cast %get3A_506 : i32 to index
          %get3A_508 = arith.index_cast %scan3A_429 : i32 to index
          %get3A_509 = arith.constant 64 : index
          %get3A_510 = tpu.vector_load %arg11[%get3A_507, %get3A_508, %get3A_509] {strides = array<i32>} : memref<2x40x128xf32, #tpu.memory_space<vmem>>, vector<1x1x16xf32>,
          %get3A_511 = vector.shape_cast %get3A_510 : vector<1x1x16xf32> to vector<16xf32>
          %mul3A_512 = arith.mulf %get3A_505, %get3A_511 : vector<16xf32>
          %swap3A_513 = arith.index_cast %scan3A_429 : i32 to index
          %swap3A_514 = arith.constant 64 : index
          %swap3A_515 = tpu.vector_load %arg12[%swap3A_513, %swap3A_514] {strides = array<i32>} : memref<40x128xf32, #tpu.memory_space<vmem>>, vector<1x16xf32>,
          %swap3A_516 = vector.shape_cast %swap3A_515 : vector<1x16xf32> to vector<16xf32>
          %swap3A_517 = vector.shape_cast %mul3A_512 : vector<16xf32> to vector<1x16xf32>
          tpu.vector_store %arg12[%swap3A_513, %swap3A_514], %swap3A_517 {strides = array<i32>} : memref<40x128xf32, #tpu.memory_space<vmem>>, vector<1x16xf32>,
          %get3A_518 = arith.constant 0 : i32
          %get3A_519 = arith.index_cast %get3A_518 : i32 to index
          %get3A_520 = arith.index_cast %scan3A_429 : i32 to index
          %get3A_521 = arith.constant 80 : index
          %get3A_522 = tpu.vector_load %arg10[%get3A_519, %get3A_520, %get3A_521] {strides = array<i32>} : memref<2x40x128xf32, #tpu.memory_space<vmem>>, vector<1x1x16xf32>,
          %get3A_523 = vector.shape_cast %get3A_522 : vector<1x1x16xf32> to vector<16xf32>
          %get3A_524 = arith.constant 0 : i32
          %get3A_525 = arith.index_cast %get3A_524 : i32 to index
          %get3A_526 = arith.index_cast %scan3A_429 : i32 to index
          %get3A_527 = arith.constant 80 : index
          %get3A_528 = tpu.vector_load %arg11[%get3A_525, %get3A_526, %get3A_527] {strides = array<i32>} : memref<2x40x128xf32, #tpu.memory_space<vmem>>, vector<1x1x16xf32>,
          %get3A_529 = vector.shape_cast %get3A_528 : vector<1x1x16xf32> to vector<16xf32>
          %mul3A_530 = arith.mulf %get3A_523, %get3A_529 : vector<16xf32>
          %swap3A_531 = arith.index_cast %scan3A_429 : i32 to index
          %swap3A_532 = arith.constant 80 : index
          %swap3A_533 = tpu.vector_load %arg12[%swap3A_531, %swap3A_532] {strides = array<i32>} : memref<40x128xf32, #tpu.memory_space<vmem>>, vector<1x16xf32>,
          %swap3A_534 = vector.shape_cast %swap3A_533 : vector<1x16xf32> to vector<16xf32>
          %swap3A_535 = vector.shape_cast %mul3A_530 : vector<16xf32> to vector<1x16xf32>
          tpu.vector_store %arg12[%swap3A_531, %swap3A_532], %swap3A_535 {strides = array<i32>} : memref<40x128xf32, #tpu.memory_space<vmem>>, vector<1x16xf32>,
          %get3A_536 = arith.constant 0 : i32
          %get3A_537 = arith.index_cast %get3A_536 : i32 to index
          %get3A_538 = arith.index_cast %scan3A_429 : i32 to index
          %get3A_539 = arith.constant 96 : index
          %get3A_540 = tpu.vector_load %arg10[%get3A_537, %get3A_538, %get3A_539] {strides = array<i32>} : memref<2x40x128xf32, #tpu.memory_space<vmem>>, vector<1x1x16xf32>,
          %get3A_541 = vector.shape_cast %get3A_540 : vector<1x1x16xf32> to vector<16xf32>
          %get3A_542 = arith.constant 0 : i32
          %get3A_543 = arith.index_cast %get3A_542 : i32 to index
          %get3A_544 = arith.index_cast %scan3A_429 : i32 to index
          %get3A_545 = arith.constant 96 : index
          %get3A_546 = tpu.vector_load %arg11[%get3A_543, %get3A_544, %get3A_545] {strides = array<i32>} : memref<2x40x128xf32, #tpu.memory_space<vmem>>, vector<1x1x16xf32>,
          %get3A_547 = vector.shape_cast %get3A_546 : vector<1x1x16xf32> to vector<16xf32>
          %mul3A_548 = arith.mulf %get3A_541, %get3A_547 : vector<16xf32>
          %swap3A_549 = arith.index_cast %scan3A_429 : i32 to index
          %swap3A_550 = arith.constant 96 : index
          %swap3A_551 = tpu.vector_load %arg12[%swap3A_549, %swap3A_550] {strides = array<i32>} : memref<40x128xf32, #tpu.memory_space<vmem>>, vector<1x16xf32>,
          %swap3A_552 = vector.shape_cast %swap3A_551 : vector<1x16xf32> to vector<16xf32>
          %swap3A_553 = vector.shape_cast %mul3A_548 : vector<16xf32> to vector<1x16xf32>
          tpu.vector_store %arg12[%swap3A_549, %swap3A_550], %swap3A_553 {strides = array<i32>} : memref<40x128xf32, #tpu.memory_space<vmem>>, vector<1x16xf32>,
          %get3A_554 = arith.constant 0 : i32
          %get3A_555 = arith.index_cast %get3A_554 : i32 to index
          %get3A_556 = arith.index_cast %scan3A_429 : i32 to index
          %get3A_557 = arith.constant 112 : index
          %get3A_558 = tpu.vector_load %arg10[%get3A_555, %get3A_556, %get3A_557] {strides = array<i32>} : memref<2x40x128xf32, #tpu.memory_space<vmem>>, vector<1x1x16xf32>,
          %get3A_559 = vector.shape_cast %get3A_558 : vector<1x1x16xf32> to vector<16xf32>
          %get3A_560 = arith.constant 0 : i32
          %get3A_561 = arith.index_cast %get3A_560 : i32 to index
          %get3A_562 = arith.index_cast %scan3A_429 : i32 to index
          %get3A_563 = arith.constant 112 : index
          %get3A_564 = tpu.vector_load %arg11[%get3A_561, %get3A_562, %get3A_563] {strides = array<i32>} : memref<2x40x128xf32, #tpu.memory_space<vmem>>, vector<1x1x16xf32>,
          %get3A_565 = vector.shape_cast %get3A_564 : vector<1x1x16xf32> to vector<16xf32>
          %mul3A_566 = arith.mulf %get3A_559, %get3A_565 : vector<16xf32>
          %swap3A_567 = arith.index_cast %scan3A_429 : i32 to index
          %swap3A_568 = arith.constant 112 : index
          %swap3A_569 = tpu.vector_load %arg12[%swap3A_567, %swap3A_568] {strides = array<i32>} : memref<40x128xf32, #tpu.memory_space<vmem>>, vector<1x16xf32>,
          %swap3A_570 = vector.shape_cast %swap3A_569 : vector<1x16xf32> to vector<16xf32>
          %swap3A_571 = vector.shape_cast %mul3A_566 : vector<16xf32> to vector<1x16xf32>
          tpu.vector_store %arg12[%swap3A_567, %swap3A_568], %swap3A_571 {strides = array<i32>} : memref<40x128xf32, #tpu.memory_space<vmem>>, vector<1x16xf32>,
        }
        %scan3A_414 = arith.constant 40 : i32
        %dma_start3A_415 = arith.constant 1 : i32
        %dma_start3A_416 = arith.constant 0 : i32
        %dma_start3A_417 = tpu.memref_slice %arg8[%dma_start3A_415, %dma_start3A_416] : memref<2x40xi32, #tpu.memory_space<vmem>> -> memref<1x40xi32, #tpu.memory_space<vmem>>
        %dma_start3A_418 = tpu.memref_squeeze %dma_start3A_417 : memref<1x40xi32, #tpu.memory_space<vmem>> -> memref<40xi32, #tpu.memory_space<vmem>>
        %dma_start3A_419 = arith.constant 0 : i32
        %dma_start3A_420 = arith.constant 0 : i32
        %dma_start3A_421 = tpu.memref_slice %arg13[%dma_start3A_419, %dma_start3A_420] : memref<10240x128xf32, #tpu.memory_space<vmem_shared>> -> memref<10240x128xf32, #tpu.memory_space<vmem_shared>>
        tpu.enqueue_indirect_dma source(%arg12 : memref<40x128xf32, #tpu.memory_space<vmem>>) target(%dma_start3A_421 : memref<10240x128xf32, #tpu.memory_space<vmem_shared>>) offsets(%dma_start3A_418 : memref<40xi32, #tpu.memory_space<vmem>>) semaphore(%arg22 : memref<!tpu.dma_semaphore, #tpu.memory_space<semaphore_mem>>) {add = true}
        %add3A_422 = arith.constant 2 : i32
        %add3A_423 = arith.addi %add3A_354, %add3A_422 : i32
        %lt3A_424 = arith.constant 190 : i32
        %lt3A_425 = arith.cmpi slt, %add3A_423, %lt3A_424 : i32
        %convert_element_type3A_426 = arith.extui %lt3A_425 : i1 to i32
        %cond3A_427 = arith.constant 0 : i32
        %cond3A_428 = arith.cmpi ne, %convert_element_type3A_426, %cond3A_427 : i32
        scf.if %cond3A_428 {
          %add3A_429 = arith.constant 2 : i32
          %add3A_430 = arith.addi %add3A_354, %add3A_429 : i32
          %dma_start3A_431 = arith.constant 0 : i32
          %dma_start3A_432 = arith.constant 0 : i32
          %dma_start3A_433 = tpu.memref_slice %arg4[%dma_start3A_431, %add3A, %add3A_430, %dma_start3A_432] : memref<2x32x190x40xi32, #tpu.memory_space<hbm>> -> memref<2x1x1x40xi32, #tpu.memory_space<hbm>>
          %dma_start3A_434 = tpu.memref_squeeze %dma_start3A_433 : memref<2x1x1x40xi32, #tpu.memory_space<hbm>> -> memref<2x40xi32, #tpu.memory_space<hbm>>
          %dma_start3A_435 = arith.constant 0 : i32
          %dma_start3A_436 = arith.constant 0 : i32
          %dma_start3A_437 = tpu.memref_slice %arg4[%dma_start3A_435, %add3A, %add3A_430, %dma_start3A_436] : memref<2x32x190x40xi32, #tpu.memory_space<hbm>> -> memref<2x1x1x40xi32, #tpu.memory_space<hbm>>
          %dma_start3A_438 = tpu.memref_squeeze %dma_start3A_437 : memref<2x1x1x40xi32, #tpu.memory_space<hbm>> -> memref<2x40xi32, #tpu.memory_space<hbm>>
          tpu.enqueue_dma source(%dma_start3A_438 : memref<2x40xi32, #tpu.memory_space<hbm>>) target(%arg6 : memref<2x40xi32, #tpu.memory_space<vmem>>) target_semaphore(%arg18 : memref<!tpu.dma_semaphore, #tpu.memory_space<semaphore_mem>>)
        } else {
        }
      } else {
      }
      %mul3A_360 = arith.constant 4 : i32
      %mul3A_361 = arith.muli %mul3A_360, %scan3A_335 : i32
      %add3A_362 = arith.constant 3 : i32
      %add3A_363 = arith.addi %mul3A_361, %add3A_362 : i32
      %lt3A_364 = arith.constant 190 : i32
      %lt3A_365 = arith.cmpi slt, %add3A_363, %lt3A_364 : i32
      %convert_element_type3A_366 = arith.extui %lt3A_365 : i1 to i32
      %cond3A_367 = arith.constant 0 : i32
      %cond3A_368 = arith.cmpi ne, %convert_element_type3A_366, %cond3A_367 : i32
      scf.if %cond3A_368 {
        %add3A_369 = arith.constant 1 : i32
        %add3A_370 = arith.addi %add3A_363, %add3A_369 : i32
        %lt3A_371 = arith.constant 190 : i32
        %lt3A_372 = arith.cmpi slt, %add3A_370, %lt3A_371 : i32
        %convert_element_type3A_373 = arith.extui %lt3A_372 : i1 to i32
        %cond3A_374 = arith.constant 0 : i32
        %cond3A_375 = arith.cmpi ne, %convert_element_type3A_373, %cond3A_374 : i32
        scf.if %cond3A_375 {
          %add3A_429 = arith.constant 1 : i32
          %add3A_430 = arith.addi %add3A_363, %add3A_429 : i32
          %dma_wait3A_431 = arith.constant 0 : i32
          %dma_wait3A_432 = arith.constant 0 : i32
          %dma_wait3A_433 = tpu.memref_slice %arg4[%dma_wait3A_431, %add3A, %add3A_430, %dma_wait3A_432] : memref<2x32x190x40xi32, #tpu.memory_space<hbm>> -> memref<2x1x1x40xi32, #tpu.memory_space<hbm>>
          %dma_wait3A_434 = tpu.memref_squeeze %dma_wait3A_433 : memref<2x1x1x40xi32, #tpu.memory_space<hbm>> -> memref<2x40xi32, #tpu.memory_space<hbm>>
          %dma_wait3A_435 = arith.constant 0 : i32
          %dma_wait3A_436 = arith.constant 0 : i32
          %dma_wait3A_437 = tpu.memref_slice %arg4[%dma_wait3A_435, %add3A, %add3A_430, %dma_wait3A_436] : memref<2x32x190x40xi32, #tpu.memory_space<hbm>> -> memref<2x1x1x40xi32, #tpu.memory_space<hbm>>
          %dma_wait3A_438 = tpu.memref_squeeze %dma_wait3A_437 : memref<2x1x1x40xi32, #tpu.memory_space<hbm>> -> memref<2x40xi32, #tpu.memory_space<hbm>>
          tpu.wait_dma2 semaphore(%arg18 : memref<!tpu.dma_semaphore, #tpu.memory_space<semaphore_mem>>) src(%dma_wait3A_438 : memref<2x40xi32, #tpu.memory_space<hbm>>) dst(%arg6 : memref<2x40xi32, #tpu.memory_space<vmem>>)
          %add3A_439 = arith.constant 1 : i32
          %add3A_440 = arith.addi %add3A_363, %add3A_439 : i32
          %dma_start3A_441 = arith.constant 0 : i32
          %dma_start3A_442 = arith.constant 0 : i32
          %dma_start3A_443 = arith.constant 0 : i32
          %dma_start3A_444 = arith.constant 0 : i32
          %dma_start3A_445 = tpu.memref_slice %arg10[%dma_start3A_442, %dma_start3A_443, %dma_start3A_444] : memref<2x40x128xf32, #tpu.memory_space<vmem>> -> memref<1x40x128xf32, #tpu.memory_space<vmem>>
          %dma_start3A_446 = tpu.memref_squeeze %dma_start3A_445 : memref<1x40x128xf32, #tpu.memory_space<vmem>> -> memref<40x128xf32, #tpu.memory_space<vmem>>
          %dma_start3A_447 = arith.constant 0 : i32
          %dma_start3A_448 = tpu.memref_slice %arg6[%dma_start3A_441, %dma_start3A_447] : memref<2x40xi32, #tpu.memory_space<vmem>> -> memref<1x40xi32, #tpu.memory_space<vmem>>
          %dma_start3A_449 = tpu.memref_squeeze %dma_start3A_448 : memref<1x40xi32, #tpu.memory_space<vmem>> -> memref<40xi32, #tpu.memory_space<vmem>>
          %dma_start3A_450 = arith.constant 0 : i32
          %dma_start3A_451 = arith.constant 0 : i32
          %dma_start3A_452 = tpu.memref_slice %arg2[%dma_start3A_450, %dma_start3A_451] : memref<10000x128xf32, #tpu.memory_space<hbm>> -> memref<10000x128xf32, #tpu.memory_space<hbm>>
          tpu.enqueue_indirect_dma source(%dma_start3A_452 : memref<10000x128xf32, #tpu.memory_space<hbm>>) target(%dma_start3A_446 : memref<40x128xf32, #tpu.memory_space<vmem>>) offsets(%dma_start3A_449 : memref<40xi32, #tpu.memory_space<vmem>>) semaphore(%arg14 : memref<!tpu.dma_semaphore, #tpu.memory_space<semaphore_mem>>)
          %dma_start3A_453 = arith.constant 0 : i32
          %dma_start3A_454 = arith.constant 0 : i32
          %dma_start3A_455 = arith.constant 0 : i32
          %dma_start3A_456 = tpu.memref_slice %arg11[%dma_start3A_453, %dma_start3A_454, %dma_start3A_455] : memref<2x40x128xf32, #tpu.memory_space<vmem>> -> memref<1x40x128xf32, #tpu.memory_space<vmem>>
          %dma_start3A_457 = tpu.memref_squeeze %dma_start3A_456 : memref<1x40x128xf32, #tpu.memory_space<vmem>> -> memref<40x128xf32, #tpu.memory_space<vmem>>
          %dma_start3A_458 = arith.constant 0 : i32
          %dma_start3A_459 = arith.constant 0 : i32
          %dma_start3A_460 = tpu.memref_slice %arg3[%add3A, %add3A_440, %dma_start3A_458, %dma_start3A_459] : memref<32x190x40x128xf32, #tpu.memory_space<hbm>> -> memref<1x1x40x128xf32, #tpu.memory_space<hbm>>
          %dma_start3A_461 = tpu.memref_squeeze %dma_start3A_460 : memref<1x1x40x128xf32, #tpu.memory_space<hbm>> -> memref<40x128xf32, #tpu.memory_space<hbm>>
          %dma_start3A_462 = arith.constant 0 : i32
          %dma_start3A_463 = arith.constant 0 : i32
          %dma_start3A_464 = tpu.memref_slice %arg11[%dma_start3A_453, %dma_start3A_462, %dma_start3A_463] : memref<2x40x128xf32, #tpu.memory_space<vmem>> -> memref<1x40x128xf32, #tpu.memory_space<vmem>>
          %dma_start3A_465 = tpu.memref_squeeze %dma_start3A_464 : memref<1x40x128xf32, #tpu.memory_space<vmem>> -> memref<40x128xf32, #tpu.memory_space<vmem>>
          %dma_start3A_466 = arith.constant 0 : i32
          %dma_start3A_467 = arith.constant 0 : i32
          %dma_start3A_468 = tpu.memref_slice %arg3[%add3A, %add3A_440, %dma_start3A_466, %dma_start3A_467] : memref<32x190x40x128xf32, #tpu.memory_space<hbm>> -> memref<1x1x40x128xf32, #tpu.memory_space<hbm>>
          %dma_start3A_469 = tpu.memref_squeeze %dma_start3A_468 : memref<1x1x40x128xf32, #tpu.memory_space<hbm>> -> memref<40x128xf32, #tpu.memory_space<hbm>>
          tpu.enqueue_dma source(%dma_start3A_469 : memref<40x128xf32, #tpu.memory_space<hbm>>) target(%dma_start3A_465 : memref<40x128xf32, #tpu.memory_space<vmem>>) target_semaphore(%arg16 : memref<!tpu.dma_semaphore, #tpu.memory_space<semaphore_mem>>)
        } else {
        }
        %dma_wait3A_376 = arith.constant 0 : i32
        %dma_wait3A_377 = arith.constant 1 : i32
        %dma_wait3A_378 = arith.constant 0 : i32
        %dma_wait3A_379 = arith.constant 0 : i32
        %dma_wait3A_380 = tpu.memref_slice %arg10[%dma_wait3A_377, %dma_wait3A_378, %dma_wait3A_379] : memref<2x40x128xf32, #tpu.memory_space<vmem>> -> memref<1x40x128xf32, #tpu.memory_space<vmem>>
        %dma_wait3A_381 = tpu.memref_squeeze %dma_wait3A_380 : memref<1x40x128xf32, #tpu.memory_space<vmem>> -> memref<40x128xf32, #tpu.memory_space<vmem>>
        %dma_wait3A_382 = arith.constant 0 : i32
        %dma_wait3A_383 = tpu.memref_slice %arg9[%dma_wait3A_376, %dma_wait3A_382] : memref<2x40xi32, #tpu.memory_space<vmem>> -> memref<1x40xi32, #tpu.memory_space<vmem>>
        %dma_wait3A_384 = tpu.memref_squeeze %dma_wait3A_383 : memref<1x40xi32, #tpu.memory_space<vmem>> -> memref<40xi32, #tpu.memory_space<vmem>>
        %dma_wait3A_385 = arith.constant 0 : i32
        %dma_wait3A_386 = arith.constant 0 : i32
        %dma_wait3A_387 = tpu.memref_slice %arg2[%dma_wait3A_385, %dma_wait3A_386] : memref<10000x128xf32, #tpu.memory_space<hbm>> -> memref<10000x128xf32, #tpu.memory_space<hbm>>
        tpu.wait_indirect_dma semaphore(%arg15 : memref<!tpu.dma_semaphore, #tpu.memory_space<semaphore_mem>>) src(%dma_wait3A_387 : memref<10000x128xf32, #tpu.memory_space<hbm>>) dst(%dma_wait3A_381 : memref<40x128xf32, #tpu.memory_space<vmem>>)
        %dma_wait3A_388 = arith.constant 1 : i32
        %dma_wait3A_389 = arith.constant 0 : i32
        %dma_wait3A_390 = arith.constant 0 : i32
        %dma_wait3A_391 = tpu.memref_slice %arg11[%dma_wait3A_388, %dma_wait3A_389, %dma_wait3A_390] : memref<2x40x128xf32, #tpu.memory_space<vmem>> -> memref<1x40x128xf32, #tpu.memory_space<vmem>>
        %dma_wait3A_392 = tpu.memref_squeeze %dma_wait3A_391 : memref<1x40x128xf32, #tpu.memory_space<vmem>> -> memref<40x128xf32, #tpu.memory_space<vmem>>
        %dma_wait3A_393 = arith.constant 0 : i32
        %dma_wait3A_394 = arith.constant 0 : i32
        %dma_wait3A_395 = tpu.memref_slice %arg3[%add3A, %add3A_363, %dma_wait3A_393, %dma_wait3A_394] : memref<32x190x40x128xf32, #tpu.memory_space<hbm>> -> memref<1x1x40x128xf32, #tpu.memory_space<hbm>>
        %dma_wait3A_396 = tpu.memref_squeeze %dma_wait3A_395 : memref<1x1x40x128xf32, #tpu.memory_space<hbm>> -> memref<40x128xf32, #tpu.memory_space<hbm>>
        %dma_wait3A_397 = arith.constant 0 : i32
        %dma_wait3A_398 = arith.constant 0 : i32
        %dma_wait3A_399 = tpu.memref_slice %arg11[%dma_wait3A_388, %dma_wait3A_397, %dma_wait3A_398] : memref<2x40x128xf32, #tpu.memory_space<vmem>> -> memref<1x40x128xf32, #tpu.memory_space<vmem>>
        %dma_wait3A_400 = tpu.memref_squeeze %dma_wait3A_399 : memref<1x40x128xf32, #tpu.memory_space<vmem>> -> memref<40x128xf32, #tpu.memory_space<vmem>>
        %dma_wait3A_401 = arith.constant 0 : i32
        %dma_wait3A_402 = arith.constant 0 : i32
        %dma_wait3A_403 = tpu.memref_slice %arg3[%add3A, %add3A_363, %dma_wait3A_401, %dma_wait3A_402] : memref<32x190x40x128xf32, #tpu.memory_space<hbm>> -> memref<1x1x40x128xf32, #tpu.memory_space<hbm>>
        %dma_wait3A_404 = tpu.memref_squeeze %dma_wait3A_403 : memref<1x1x40x128xf32, #tpu.memory_space<hbm>> -> memref<40x128xf32, #tpu.memory_space<hbm>>
        tpu.wait_dma2 semaphore(%arg17 : memref<!tpu.dma_semaphore, #tpu.memory_space<semaphore_mem>>) src(%dma_wait3A_404 : memref<40x128xf32, #tpu.memory_space<hbm>>) dst(%dma_wait3A_400 : memref<40x128xf32, #tpu.memory_space<vmem>>)
        %ge3A = arith.constant 1 : i32
        %ge3A_405 = arith.cmpi sge, %add3A_363, %ge3A : i32
        %convert_element_type3A_406 = arith.extui %ge3A_405 : i1 to i32
        %cond3A_407 = arith.constant 0 : i32
        %cond3A_408 = arith.cmpi ne, %convert_element_type3A_406, %cond3A_407 : i32
        scf.if %cond3A_408 {
          %dma_wait3A_429 = arith.constant 1 : i32
          %dma_wait3A_430 = arith.constant 0 : i32
          %dma_wait3A_431 = tpu.memref_slice %arg8[%dma_wait3A_429, %dma_wait3A_430] : memref<2x40xi32, #tpu.memory_space<vmem>> -> memref<1x40xi32, #tpu.memory_space<vmem>>
          %dma_wait3A_432 = tpu.memref_squeeze %dma_wait3A_431 : memref<1x40xi32, #tpu.memory_space<vmem>> -> memref<40xi32, #tpu.memory_space<vmem>>
          %dma_wait3A_433 = arith.constant 0 : i32
          %dma_wait3A_434 = arith.constant 0 : i32
          %dma_wait3A_435 = tpu.memref_slice %arg13[%dma_wait3A_433, %dma_wait3A_434] : memref<10240x128xf32, #tpu.memory_space<vmem_shared>> -> memref<10240x128xf32, #tpu.memory_space<vmem_shared>>
          tpu.wait_indirect_dma semaphore(%arg22 : memref<!tpu.dma_semaphore, #tpu.memory_space<semaphore_mem>>) src(%arg12 : memref<40x128xf32, #tpu.memory_space<vmem>>) dst(%dma_wait3A_435 : memref<10240x128xf32, #tpu.memory_space<vmem_shared>>)
        } else {
        }
        %scan3A_409 = arith.constant 0 : i32
        %scan3A_410 = arith.constant 0 : i32
        %scan3A_411 = arith.constant 40 : i32
        %scan3A_412 = arith.addi %scan3A_410, %scan3A_411 : i32
        %scan3A_413 = arith.constant 1 : i32
        scf.for %scan3A_429 = %scan3A_410 to %scan3A_412 step %scan3A_413  : i32 {
          %get3A = arith.constant 1 : i32
          %get3A_430 = arith.index_cast %get3A : i32 to index
          %get3A_431 = arith.index_cast %scan3A_429 : i32 to index
          %get3A_432 = arith.constant 0 : index
          %get3A_433 = tpu.vector_load %arg10[%get3A_430, %get3A_431, %get3A_432] {strides = array<i32>} : memref<2x40x128xf32, #tpu.memory_space<vmem>>, vector<1x1x16xf32>,
          %get3A_434 = vector.shape_cast %get3A_433 : vector<1x1x16xf32> to vector<16xf32>
          %get3A_435 = arith.constant 1 : i32
          %get3A_436 = arith.index_cast %get3A_435 : i32 to index
          %get3A_437 = arith.index_cast %scan3A_429 : i32 to index
          %get3A_438 = arith.constant 0 : index
          %get3A_439 = tpu.vector_load %arg11[%get3A_436, %get3A_437, %get3A_438] {strides = array<i32>} : memref<2x40x128xf32, #tpu.memory_space<vmem>>, vector<1x1x16xf32>,
          %get3A_440 = vector.shape_cast %get3A_439 : vector<1x1x16xf32> to vector<16xf32>
          %mul3A_441 = arith.mulf %get3A_434, %get3A_440 : vector<16xf32>
          %swap3A = arith.index_cast %scan3A_429 : i32 to index
          %swap3A_442 = arith.constant 0 : index
          %swap3A_443 = tpu.vector_load %arg12[%swap3A, %swap3A_442] {strides = array<i32>} : memref<40x128xf32, #tpu.memory_space<vmem>>, vector<1x16xf32>,
          %swap3A_444 = vector.shape_cast %swap3A_443 : vector<1x16xf32> to vector<16xf32>
          %swap3A_445 = vector.shape_cast %mul3A_441 : vector<16xf32> to vector<1x16xf32>
          tpu.vector_store %arg12[%swap3A, %swap3A_442], %swap3A_445 {strides = array<i32>} : memref<40x128xf32, #tpu.memory_space<vmem>>, vector<1x16xf32>,
          %get3A_446 = arith.constant 1 : i32
          %get3A_447 = arith.index_cast %get3A_446 : i32 to index
          %get3A_448 = arith.index_cast %scan3A_429 : i32 to index
          %get3A_449 = arith.constant 16 : index
          %get3A_450 = tpu.vector_load %arg10[%get3A_447, %get3A_448, %get3A_449] {strides = array<i32>} : memref<2x40x128xf32, #tpu.memory_space<vmem>>, vector<1x1x16xf32>,
          %get3A_451 = vector.shape_cast %get3A_450 : vector<1x1x16xf32> to vector<16xf32>
          %get3A_452 = arith.constant 1 : i32
          %get3A_453 = arith.index_cast %get3A_452 : i32 to index
          %get3A_454 = arith.index_cast %scan3A_429 : i32 to index
          %get3A_455 = arith.constant 16 : index
          %get3A_456 = tpu.vector_load %arg11[%get3A_453, %get3A_454, %get3A_455] {strides = array<i32>} : memref<2x40x128xf32, #tpu.memory_space<vmem>>, vector<1x1x16xf32>,
          %get3A_457 = vector.shape_cast %get3A_456 : vector<1x1x16xf32> to vector<16xf32>
          %mul3A_458 = arith.mulf %get3A_451, %get3A_457 : vector<16xf32>
          %swap3A_459 = arith.index_cast %scan3A_429 : i32 to index
          %swap3A_460 = arith.constant 16 : index
          %swap3A_461 = tpu.vector_load %arg12[%swap3A_459, %swap3A_460] {strides = array<i32>} : memref<40x128xf32, #tpu.memory_space<vmem>>, vector<1x16xf32>,
          %swap3A_462 = vector.shape_cast %swap3A_461 : vector<1x16xf32> to vector<16xf32>
          %swap3A_463 = vector.shape_cast %mul3A_458 : vector<16xf32> to vector<1x16xf32>
          tpu.vector_store %arg12[%swap3A_459, %swap3A_460], %swap3A_463 {strides = array<i32>} : memref<40x128xf32, #tpu.memory_space<vmem>>, vector<1x16xf32>,
          %get3A_464 = arith.constant 1 : i32
          %get3A_465 = arith.index_cast %get3A_464 : i32 to index
          %get3A_466 = arith.index_cast %scan3A_429 : i32 to index
          %get3A_467 = arith.constant 32 : index
          %get3A_468 = tpu.vector_load %arg10[%get3A_465, %get3A_466, %get3A_467] {strides = array<i32>} : memref<2x40x128xf32, #tpu.memory_space<vmem>>, vector<1x1x16xf32>,
          %get3A_469 = vector.shape_cast %get3A_468 : vector<1x1x16xf32> to vector<16xf32>
          %get3A_470 = arith.constant 1 : i32
          %get3A_471 = arith.index_cast %get3A_470 : i32 to index
          %get3A_472 = arith.index_cast %scan3A_429 : i32 to index
          %get3A_473 = arith.constant 32 : index
          %get3A_474 = tpu.vector_load %arg11[%get3A_471, %get3A_472, %get3A_473] {strides = array<i32>} : memref<2x40x128xf32, #tpu.memory_space<vmem>>, vector<1x1x16xf32>,
          %get3A_475 = vector.shape_cast %get3A_474 : vector<1x1x16xf32> to vector<16xf32>
          %mul3A_476 = arith.mulf %get3A_469, %get3A_475 : vector<16xf32>
          %swap3A_477 = arith.index_cast %scan3A_429 : i32 to index
          %swap3A_478 = arith.constant 32 : index
          %swap3A_479 = tpu.vector_load %arg12[%swap3A_477, %swap3A_478] {strides = array<i32>} : memref<40x128xf32, #tpu.memory_space<vmem>>, vector<1x16xf32>,
          %swap3A_480 = vector.shape_cast %swap3A_479 : vector<1x16xf32> to vector<16xf32>
          %swap3A_481 = vector.shape_cast %mul3A_476 : vector<16xf32> to vector<1x16xf32>
          tpu.vector_store %arg12[%swap3A_477, %swap3A_478], %swap3A_481 {strides = array<i32>} : memref<40x128xf32, #tpu.memory_space<vmem>>, vector<1x16xf32>,
          %get3A_482 = arith.constant 1 : i32
          %get3A_483 = arith.index_cast %get3A_482 : i32 to index
          %get3A_484 = arith.index_cast %scan3A_429 : i32 to index
          %get3A_485 = arith.constant 48 : index
          %get3A_486 = tpu.vector_load %arg10[%get3A_483, %get3A_484, %get3A_485] {strides = array<i32>} : memref<2x40x128xf32, #tpu.memory_space<vmem>>, vector<1x1x16xf32>,
          %get3A_487 = vector.shape_cast %get3A_486 : vector<1x1x16xf32> to vector<16xf32>
          %get3A_488 = arith.constant 1 : i32
          %get3A_489 = arith.index_cast %get3A_488 : i32 to index
          %get3A_490 = arith.index_cast %scan3A_429 : i32 to index
          %get3A_491 = arith.constant 48 : index
          %get3A_492 = tpu.vector_load %arg11[%get3A_489, %get3A_490, %get3A_491] {strides = array<i32>} : memref<2x40x128xf32, #tpu.memory_space<vmem>>, vector<1x1x16xf32>,
          %get3A_493 = vector.shape_cast %get3A_492 : vector<1x1x16xf32> to vector<16xf32>
          %mul3A_494 = arith.mulf %get3A_487, %get3A_493 : vector<16xf32>
          %swap3A_495 = arith.index_cast %scan3A_429 : i32 to index
          %swap3A_496 = arith.constant 48 : index
          %swap3A_497 = tpu.vector_load %arg12[%swap3A_495, %swap3A_496] {strides = array<i32>} : memref<40x128xf32, #tpu.memory_space<vmem>>, vector<1x16xf32>,
          %swap3A_498 = vector.shape_cast %swap3A_497 : vector<1x16xf32> to vector<16xf32>
          %swap3A_499 = vector.shape_cast %mul3A_494 : vector<16xf32> to vector<1x16xf32>
          tpu.vector_store %arg12[%swap3A_495, %swap3A_496], %swap3A_499 {strides = array<i32>} : memref<40x128xf32, #tpu.memory_space<vmem>>, vector<1x16xf32>,
          %get3A_500 = arith.constant 1 : i32
          %get3A_501 = arith.index_cast %get3A_500 : i32 to index
          %get3A_502 = arith.index_cast %scan3A_429 : i32 to index
          %get3A_503 = arith.constant 64 : index
          %get3A_504 = tpu.vector_load %arg10[%get3A_501, %get3A_502, %get3A_503] {strides = array<i32>} : memref<2x40x128xf32, #tpu.memory_space<vmem>>, vector<1x1x16xf32>,
          %get3A_505 = vector.shape_cast %get3A_504 : vector<1x1x16xf32> to vector<16xf32>
          %get3A_506 = arith.constant 1 : i32
          %get3A_507 = arith.index_cast %get3A_506 : i32 to index
          %get3A_508 = arith.index_cast %scan3A_429 : i32 to index
          %get3A_509 = arith.constant 64 : index
          %get3A_510 = tpu.vector_load %arg11[%get3A_507, %get3A_508, %get3A_509] {strides = array<i32>} : memref<2x40x128xf32, #tpu.memory_space<vmem>>, vector<1x1x16xf32>,
          %get3A_511 = vector.shape_cast %get3A_510 : vector<1x1x16xf32> to vector<16xf32>
          %mul3A_512 = arith.mulf %get3A_505, %get3A_511 : vector<16xf32>
          %swap3A_513 = arith.index_cast %scan3A_429 : i32 to index
          %swap3A_514 = arith.constant 64 : index
          %swap3A_515 = tpu.vector_load %arg12[%swap3A_513, %swap3A_514] {strides = array<i32>} : memref<40x128xf32, #tpu.memory_space<vmem>>, vector<1x16xf32>,
          %swap3A_516 = vector.shape_cast %swap3A_515 : vector<1x16xf32> to vector<16xf32>
          %swap3A_517 = vector.shape_cast %mul3A_512 : vector<16xf32> to vector<1x16xf32>
          tpu.vector_store %arg12[%swap3A_513, %swap3A_514], %swap3A_517 {strides = array<i32>} : memref<40x128xf32, #tpu.memory_space<vmem>>, vector<1x16xf32>,
          %get3A_518 = arith.constant 1 : i32
          %get3A_519 = arith.index_cast %get3A_518 : i32 to index
          %get3A_520 = arith.index_cast %scan3A_429 : i32 to index
          %get3A_521 = arith.constant 80 : index
          %get3A_522 = tpu.vector_load %arg10[%get3A_519, %get3A_520, %get3A_521] {strides = array<i32>} : memref<2x40x128xf32, #tpu.memory_space<vmem>>, vector<1x1x16xf32>,
          %get3A_523 = vector.shape_cast %get3A_522 : vector<1x1x16xf32> to vector<16xf32>
          %get3A_524 = arith.constant 1 : i32
          %get3A_525 = arith.index_cast %get3A_524 : i32 to index
          %get3A_526 = arith.index_cast %scan3A_429 : i32 to index
          %get3A_527 = arith.constant 80 : index
          %get3A_528 = tpu.vector_load %arg11[%get3A_525, %get3A_526, %get3A_527] {strides = array<i32>} : memref<2x40x128xf32, #tpu.memory_space<vmem>>, vector<1x1x16xf32>,
          %get3A_529 = vector.shape_cast %get3A_528 : vector<1x1x16xf32> to vector<16xf32>
          %mul3A_530 = arith.mulf %get3A_523, %get3A_529 : vector<16xf32>
          %swap3A_531 = arith.index_cast %scan3A_429 : i32 to index
          %swap3A_532 = arith.constant 80 : index
          %swap3A_533 = tpu.vector_load %arg12[%swap3A_531, %swap3A_532] {strides = array<i32>} : memref<40x128xf32, #tpu.memory_space<vmem>>, vector<1x16xf32>,
          %swap3A_534 = vector.shape_cast %swap3A_533 : vector<1x16xf32> to vector<16xf32>
          %swap3A_535 = vector.shape_cast %mul3A_530 : vector<16xf32> to vector<1x16xf32>
          tpu.vector_store %arg12[%swap3A_531, %swap3A_532], %swap3A_535 {strides = array<i32>} : memref<40x128xf32, #tpu.memory_space<vmem>>, vector<1x16xf32>,
          %get3A_536 = arith.constant 1 : i32
          %get3A_537 = arith.index_cast %get3A_536 : i32 to index
          %get3A_538 = arith.index_cast %scan3A_429 : i32 to index
          %get3A_539 = arith.constant 96 : index
          %get3A_540 = tpu.vector_load %arg10[%get3A_537, %get3A_538, %get3A_539] {strides = array<i32>} : memref<2x40x128xf32, #tpu.memory_space<vmem>>, vector<1x1x16xf32>,
          %get3A_541 = vector.shape_cast %get3A_540 : vector<1x1x16xf32> to vector<16xf32>
          %get3A_542 = arith.constant 1 : i32
          %get3A_543 = arith.index_cast %get3A_542 : i32 to index
          %get3A_544 = arith.index_cast %scan3A_429 : i32 to index
          %get3A_545 = arith.constant 96 : index
          %get3A_546 = tpu.vector_load %arg11[%get3A_543, %get3A_544, %get3A_545] {strides = array<i32>} : memref<2x40x128xf32, #tpu.memory_space<vmem>>, vector<1x1x16xf32>,
          %get3A_547 = vector.shape_cast %get3A_546 : vector<1x1x16xf32> to vector<16xf32>
          %mul3A_548 = arith.mulf %get3A_541, %get3A_547 : vector<16xf32>
          %swap3A_549 = arith.index_cast %scan3A_429 : i32 to index
          %swap3A_550 = arith.constant 96 : index
          %swap3A_551 = tpu.vector_load %arg12[%swap3A_549, %swap3A_550] {strides = array<i32>} : memref<40x128xf32, #tpu.memory_space<vmem>>, vector<1x16xf32>,
          %swap3A_552 = vector.shape_cast %swap3A_551 : vector<1x16xf32> to vector<16xf32>
          %swap3A_553 = vector.shape_cast %mul3A_548 : vector<16xf32> to vector<1x16xf32>
          tpu.vector_store %arg12[%swap3A_549, %swap3A_550], %swap3A_553 {strides = array<i32>} : memref<40x128xf32, #tpu.memory_space<vmem>>, vector<1x16xf32>,
          %get3A_554 = arith.constant 1 : i32
          %get3A_555 = arith.index_cast %get3A_554 : i32 to index
          %get3A_556 = arith.index_cast %scan3A_429 : i32 to index
          %get3A_557 = arith.constant 112 : index
          %get3A_558 = tpu.vector_load %arg10[%get3A_555, %get3A_556, %get3A_557] {strides = array<i32>} : memref<2x40x128xf32, #tpu.memory_space<vmem>>, vector<1x1x16xf32>,
          %get3A_559 = vector.shape_cast %get3A_558 : vector<1x1x16xf32> to vector<16xf32>
          %get3A_560 = arith.constant 1 : i32
          %get3A_561 = arith.index_cast %get3A_560 : i32 to index
          %get3A_562 = arith.index_cast %scan3A_429 : i32 to index
          %get3A_563 = arith.constant 112 : index
          %get3A_564 = tpu.vector_load %arg11[%get3A_561, %get3A_562, %get3A_563] {strides = array<i32>} : memref<2x40x128xf32, #tpu.memory_space<vmem>>, vector<1x1x16xf32>,
          %get3A_565 = vector.shape_cast %get3A_564 : vector<1x1x16xf32> to vector<16xf32>
          %mul3A_566 = arith.mulf %get3A_559, %get3A_565 : vector<16xf32>
          %swap3A_567 = arith.index_cast %scan3A_429 : i32 to index
          %swap3A_568 = arith.constant 112 : index
          %swap3A_569 = tpu.vector_load %arg12[%swap3A_567, %swap3A_568] {strides = array<i32>} : memref<40x128xf32, #tpu.memory_space<vmem>>, vector<1x16xf32>,
          %swap3A_570 = vector.shape_cast %swap3A_569 : vector<1x16xf32> to vector<16xf32>
          %swap3A_571 = vector.shape_cast %mul3A_566 : vector<16xf32> to vector<1x16xf32>
          tpu.vector_store %arg12[%swap3A_567, %swap3A_568], %swap3A_571 {strides = array<i32>} : memref<40x128xf32, #tpu.memory_space<vmem>>, vector<1x16xf32>,
        }
        %scan3A_414 = arith.constant 40 : i32
        %dma_start3A_415 = arith.constant 1 : i32
        %dma_start3A_416 = arith.constant 0 : i32
        %dma_start3A_417 = tpu.memref_slice %arg9[%dma_start3A_415, %dma_start3A_416] : memref<2x40xi32, #tpu.memory_space<vmem>> -> memref<1x40xi32, #tpu.memory_space<vmem>>
        %dma_start3A_418 = tpu.memref_squeeze %dma_start3A_417 : memref<1x40xi32, #tpu.memory_space<vmem>> -> memref<40xi32, #tpu.memory_space<vmem>>
        %dma_start3A_419 = arith.constant 0 : i32
        %dma_start3A_420 = arith.constant 0 : i32
        %dma_start3A_421 = tpu.memref_slice %arg13[%dma_start3A_419, %dma_start3A_420] : memref<10240x128xf32, #tpu.memory_space<vmem_shared>> -> memref<10240x128xf32, #tpu.memory_space<vmem_shared>>
        tpu.enqueue_indirect_dma source(%arg12 : memref<40x128xf32, #tpu.memory_space<vmem>>) target(%dma_start3A_421 : memref<10240x128xf32, #tpu.memory_space<vmem_shared>>) offsets(%dma_start3A_418 : memref<40xi32, #tpu.memory_space<vmem>>) semaphore(%arg22 : memref<!tpu.dma_semaphore, #tpu.memory_space<semaphore_mem>>) {add = true}
        %add3A_422 = arith.constant 2 : i32
        %add3A_423 = arith.addi %add3A_363, %add3A_422 : i32
        %lt3A_424 = arith.constant 190 : i32
        %lt3A_425 = arith.cmpi slt, %add3A_423, %lt3A_424 : i32
        %convert_element_type3A_426 = arith.extui %lt3A_425 : i1 to i32
        %cond3A_427 = arith.constant 0 : i32
        %cond3A_428 = arith.cmpi ne, %convert_element_type3A_426, %cond3A_427 : i32
        scf.if %cond3A_428 {
          %add3A_429 = arith.constant 2 : i32
          %add3A_430 = arith.addi %add3A_363, %add3A_429 : i32
          %dma_start3A_431 = arith.constant 0 : i32
          %dma_start3A_432 = arith.constant 0 : i32
          %dma_start3A_433 = tpu.memref_slice %arg4[%dma_start3A_431, %add3A, %add3A_430, %dma_start3A_432] : memref<2x32x190x40xi32, #tpu.memory_space<hbm>> -> memref<2x1x1x40xi32, #tpu.memory_space<hbm>>
          %dma_start3A_434 = tpu.memref_squeeze %dma_start3A_433 : memref<2x1x1x40xi32, #tpu.memory_space<hbm>> -> memref<2x40xi32, #tpu.memory_space<hbm>>
          %dma_start3A_435 = arith.constant 0 : i32
          %dma_start3A_436 = arith.constant 0 : i32
          %dma_start3A_437 = tpu.memref_slice %arg4[%dma_start3A_435, %add3A, %add3A_430, %dma_start3A_436] : memref<2x32x190x40xi32, #tpu.memory_space<hbm>> -> memref<2x1x1x40xi32, #tpu.memory_space<hbm>>
          %dma_start3A_438 = tpu.memref_squeeze %dma_start3A_437 : memref<2x1x1x40xi32, #tpu.memory_space<hbm>> -> memref<2x40xi32, #tpu.memory_space<hbm>>
          tpu.enqueue_dma source(%dma_start3A_438 : memref<2x40xi32, #tpu.memory_space<hbm>>) target(%arg7 : memref<2x40xi32, #tpu.memory_space<vmem>>) target_semaphore(%arg19 : memref<!tpu.dma_semaphore, #tpu.memory_space<semaphore_mem>>)
        } else {
        }
      } else {
      }
    }
    %scan3A_322 = arith.constant 48 : i32
    %dma_wait3A_323 = arith.constant 1 : i32
    %dma_wait3A_324 = arith.constant 0 : i32
    %dma_wait3A_325 = tpu.memref_slice %arg7[%dma_wait3A_323, %dma_wait3A_324] : memref<2x40xi32, #tpu.memory_space<vmem>> -> memref<1x40xi32, #tpu.memory_space<vmem>>
    %dma_wait3A_326 = tpu.memref_squeeze %dma_wait3A_325 : memref<1x40xi32, #tpu.memory_space<vmem>> -> memref<40xi32, #tpu.memory_space<vmem>>
    %dma_wait3A_327 = arith.constant 0 : i32
    %dma_wait3A_328 = arith.constant 0 : i32
    %dma_wait3A_329 = tpu.memref_slice %arg13[%dma_wait3A_327, %dma_wait3A_328] : memref<10240x128xf32, #tpu.memory_space<vmem_shared>> -> memref<10240x128xf32, #tpu.memory_space<vmem_shared>>
    tpu.wait_indirect_dma semaphore(%arg22 : memref<!tpu.dma_semaphore, #tpu.memory_space<semaphore_mem>>) src(%arg12 : memref<40x128xf32, #tpu.memory_space<vmem>>) dst(%dma_wait3A_329 : memref<10240x128xf32, #tpu.memory_space<vmem_shared>>)
    %barrier3A_330 = arith.constant 0 : index
    tpu.barrier barrier_id(%barrier3A_330)
    %mul3A_331 = arith.constant 640 : i32
    %mul3A_332 = arith.muli %arg1, %mul3A_331 : i32
    %mul3A_333 = arith.constant 640 : i32
    %mul3A_334 = arith.muli %arg1, %mul3A_333 : i32
    "tpu.region"() ({
      %run_scoped3A = tpu.sem_alloc : memref<!tpu.dma_semaphore, #tpu.memory_space<semaphore_mem>>
      %dma_start3A_335 = arith.constant 0 : i32
      %dma_start3A_336 = tpu.memref_slice %arg5[%arg0, %mul3A_334, %dma_start3A_335] : memref<2x10240x128xf32, #tpu.memory_space<hbm>> -> memref<1x640x128xf32, #tpu.memory_space<hbm>>
      %dma_start3A_337 = tpu.memref_squeeze %dma_start3A_336 : memref<1x640x128xf32, #tpu.memory_space<hbm>> -> memref<640x128xf32, #tpu.memory_space<hbm>>
      %dma_start3A_338 = arith.constant 0 : i32
      %dma_start3A_339 = tpu.memref_slice %arg13[%mul3A_332, %dma_start3A_338] : memref<10240x128xf32, #tpu.memory_space<vmem_shared>> -> memref<640x128xf32, #tpu.memory_space<vmem_shared>>
      tpu.enqueue_dma source(%dma_start3A_339 : memref<640x128xf32, #tpu.memory_space<vmem_shared>>) target(%dma_start3A_337 : memref<640x128xf32, #tpu.memory_space<hbm>>) target_semaphore(%run_scoped3A : memref<!tpu.dma_semaphore, #tpu.memory_space<semaphore_mem>>)
      %dma_wait3A_340 = arith.constant 0 : i32
      %dma_wait3A_341 = tpu.memref_slice %arg5[%arg0, %mul3A_334, %dma_wait3A_340] : memref<2x10240x128xf32, #tpu.memory_space<hbm>> -> memref<1x640x128xf32, #tpu.memory_space<hbm>>
      %dma_wait3A_342 = tpu.memref_squeeze %dma_wait3A_341 : memref<1x640x128xf32, #tpu.memory_space<hbm>> -> memref<640x128xf32, #tpu.memory_space<hbm>>
      %dma_wait3A_343 = arith.constant 0 : i32
      %dma_wait3A_344 = tpu.memref_slice %arg13[%mul3A_332, %dma_wait3A_343] : memref<10240x128xf32, #tpu.memory_space<vmem_shared>> -> memref<640x128xf32, #tpu.memory_space<vmem_shared>>
      tpu.wait_dma2 semaphore(%run_scoped3A : memref<!tpu.dma_semaphore, #tpu.memory_space<semaphore_mem>>) src(%dma_wait3A_344 : memref<640x128xf32, #tpu.memory_space<vmem_shared>>) dst(%dma_wait3A_342 : memref<640x128xf32, #tpu.memory_space<hbm>>)
      tpu.yield
    }) : () -> ()
    return
  }
}

module attributes {stable_mosaic.version = 14 : i64} {
  func.func @_coeff_body(%arg0: i32, %arg1: memref<1x1x3840xf32, #tpu.memory_space<vmem>>, %arg2: memref<32x16xf32, #tpu.memory_space<vmem>>, %arg3: memref<32x1xf32, #tpu.memory_space<vmem>>, %arg4: memref<32x32xf32, #tpu.memory_space<vmem>>, %arg5: memref<32x1xf32, #tpu.memory_space<vmem>>, %arg6: memref<32x128xf32, #tpu.memory_space<vmem>>, %arg7: memref<1x128xf32, #tpu.memory_space<vmem>>, %arg8: memref<3840x128xf32, #tpu.memory_space<vmem>>) attributes {dimension_semantics = [#tpu.dimension_semantics<arbitrary>], iteration_bounds = array<i64: 20>, scalar_prefetch = 0 : i64, scratch_operands = 0 : i64, tpu.core_type = #tpu.core_type<tc>, window_params = [{transform_indices = @transform_0, window_bounds = array<i64: 1, 1, 3840>}, {pipeline_mode = #tpu.pipeline_mode<synchronous>, transform_indices = @transform_1, window_bounds = array<i64: 32, 16>}, {pipeline_mode = #tpu.pipeline_mode<synchronous>, transform_indices = @transform_2, window_bounds = array<i64: 32, 1>}, {pipeline_mode = #tpu.pipeline_mode<synchronous>, transform_indices = @transform_3, window_bounds = array<i64: 32, 32>}, {pipeline_mode = #tpu.pipeline_mode<synchronous>, transform_indices = @transform_4, window_bounds = array<i64: 32, 1>}, {pipeline_mode = #tpu.pipeline_mode<synchronous>, transform_indices = @transform_5, window_bounds = array<i64: 32, 128>}, {pipeline_mode = #tpu.pipeline_mode<synchronous>, transform_indices = @transform_6, window_bounds = array<i64: 1, 128>}, {transform_indices = @transform_7, window_bounds = array<i64: 3840, 128>}]} {
    %get3A = arith.constant 0 : index
    %get3A_0 = arith.constant 0 : index
    %get3A_1 = arith.constant 0 : index
    %get3A_2 = vector.load %arg1[%get3A, %get3A_0, %get3A_1] : memref<1x1x3840xf32, #tpu.memory_space<vmem>>, vector<1x1x3840xf32>
    %get3A_3 = vector.shape_cast %get3A_2 : vector<1x1x3840xf32> to vector<1x3840xf32>
    %iota3A = tpu.iota {dimensions = array<i32: 0>} : vector<16x1xi32>
    %convert_element_type3A = arith.sitofp %iota3A : vector<16x1xi32> to vector<16x1xf32>
    %mul3A = arith.constant 3.000000e+00 : f32
    %mul3A_4 = vector.broadcast %mul3A : f32 to vector<1x3840xf32>
    %mul3A_5 = arith.mulf %get3A_3, %mul3A_4 : vector<1x3840xf32>
    %sub3A = vector.broadcast %mul3A_5 : vector<1x3840xf32> to vector<16x3840xf32>
    %sub3A_6 = vector.broadcast %convert_element_type3A : vector<16x1xf32> to vector<16x3840xf32>
    %sub3A_7 = arith.subf %sub3A, %sub3A_6 : vector<16x3840xf32>
    %mul3A_8 = arith.mulf %sub3A_7, %sub3A_7 : vector<16x3840xf32>
    %broadcast_in_dim3A = arith.constant -8.86904745E-5 : f32
    %broadcast_in_dim3A_9 = vector.broadcast %broadcast_in_dim3A : f32 to vector<16x3840xf32>
    %mul3A_10 = arith.mulf %broadcast_in_dim3A_9, %mul3A_8 : vector<16x3840xf32>
    %add3A = arith.constant 0.00190432742 : f32
    %add3A_11 = vector.broadcast %add3A : f32 to vector<16x3840xf32>
    %add3A_12 = arith.addf %mul3A_10, %add3A_11 : vector<16x3840xf32>
    %mul3A_13 = arith.mulf %add3A_12, %mul3A_8 : vector<16x3840xf32>
    %add3A_14 = arith.constant -0.0257858075 : f32
    %add3A_15 = vector.broadcast %add3A_14 : f32 to vector<16x3840xf32>
    %add3A_16 = arith.addf %mul3A_13, %add3A_15 : vector<16x3840xf32>
    %mul3A_17 = arith.mulf %add3A_16, %mul3A_8 : vector<16x3840xf32>
    %add3A_18 = arith.constant 0.235320821 : f32
    %add3A_19 = vector.broadcast %add3A_18 : f32 to vector<16x3840xf32>
    %add3A_20 = arith.addf %mul3A_17, %add3A_19 : vector<16x3840xf32>
    %mul3A_21 = arith.mulf %add3A_20, %mul3A_8 : vector<16x3840xf32>
    %add3A_22 = arith.constant -1.33526027 : f32
    %add3A_23 = vector.broadcast %add3A_22 : f32 to vector<16x3840xf32>
    %add3A_24 = arith.addf %mul3A_21, %add3A_23 : vector<16x3840xf32>
    %mul3A_25 = arith.mulf %add3A_24, %mul3A_8 : vector<16x3840xf32>
    %add3A_26 = arith.constant 4.05871201 : f32
    %add3A_27 = vector.broadcast %add3A_26 : f32 to vector<16x3840xf32>
    %add3A_28 = arith.addf %mul3A_25, %add3A_27 : vector<16x3840xf32>
    %mul3A_29 = arith.mulf %add3A_28, %mul3A_8 : vector<16x3840xf32>
    %add3A_30 = arith.constant -4.93480206 : f32
    %add3A_31 = vector.broadcast %add3A_30 : f32 to vector<16x3840xf32>
    %add3A_32 = arith.addf %mul3A_29, %add3A_31 : vector<16x3840xf32>
    %mul3A_33 = arith.mulf %add3A_32, %mul3A_8 : vector<16x3840xf32>
    %add3A_34 = arith.constant 1.000000e+00 : f32
    %add3A_35 = vector.broadcast %add3A_34 : f32 to vector<16x3840xf32>
    %add3A_36 = arith.addf %mul3A_33, %add3A_35 : vector<16x3840xf32>
    %lt3A = arith.constant 1.000000e+00 : f32
    %lt3A_37 = vector.broadcast %lt3A : f32 to vector<16x3840xf32>
    %lt3A_38 = arith.cmpf olt, %mul3A_8, %lt3A_37 : vector<16x3840xf32>
    %mul3A_39 = arith.constant 5.000000e-01 : f32
    %mul3A_40 = vector.broadcast %mul3A_39 : f32 to vector<16x3840xf32>
    %mul3A_41 = arith.mulf %mul3A_40, %add3A_36 : vector<16x3840xf32>
    %add3A_42 = arith.constant 5.000000e-01 : f32
    %add3A_43 = vector.broadcast %add3A_42 : f32 to vector<16x3840xf32>
    %add3A_44 = arith.addf %add3A_43, %mul3A_41 : vector<16x3840xf32>
    %jit3A = arith.constant 0.000000e+00 : f32
    %broadcast_in_dim3A_45 = vector.broadcast %jit3A : f32 to vector<16x3840xf32>
    %select_n3A = arith.select %lt3A_38, %add3A_44, %broadcast_in_dim3A_45 : vector<16x3840xi1>, vector<16x3840xf32>
    %get3A_46 = arith.constant 0 : index
    %get3A_47 = arith.constant 0 : index
    %get3A_48 = vector.load %arg2[%get3A_46, %get3A_47] : memref<32x16xf32, #tpu.memory_space<vmem>>, vector<32x16xf32>
    %dot_general3A = arith.constant dense<0.000000e+00> : vector<32x3840xf32>
    %dot_general3A_49 = tpu.matmul %get3A_48, %select_n3A, %dot_general3A {dimension_numbers = #tpu.dot_dimension_numbers<[1], [0], [0], [1], [0, 0, 1, 1], [], []>, transpose_lhs_hint = false} : vector<32x16xf32>, vector<16x3840xf32>, vector<32x3840xf32> -> vector<32x3840xf32>
    %get3A_50 = arith.constant 0 : index
    %get3A_51 = arith.constant 0 : index
    %get3A_52 = vector.load %arg3[%get3A_50, %get3A_51] : memref<32x1xf32, #tpu.memory_space<vmem>>, vector<32x1xf32>
    %add3A_53 = vector.broadcast %get3A_52 : vector<32x1xf32> to vector<32x3840xf32>
    %add3A_54 = arith.addf %dot_general3A_49, %add3A_53 : vector<32x3840xf32>
    %max3A = arith.constant 0.000000e+00 : f32
    %max3A_55 = vector.broadcast %max3A : f32 to vector<32x3840xf32>
    %max3A_56 = arith.maximumf %add3A_54, %max3A_55 : vector<32x3840xf32>
    %get3A_57 = arith.constant 0 : index
    %get3A_58 = arith.constant 0 : index
    %get3A_59 = vector.load %arg4[%get3A_57, %get3A_58] : memref<32x32xf32, #tpu.memory_space<vmem>>, vector<32x32xf32>
    %dot_general3A_60 = arith.constant dense<0.000000e+00> : vector<32x3840xf32>
    %dot_general3A_61 = tpu.matmul %get3A_59, %max3A_56, %dot_general3A_60 {dimension_numbers = #tpu.dot_dimension_numbers<[1], [0], [0], [1], [0, 0, 1, 1], [], []>, transpose_lhs_hint = false} : vector<32x32xf32>, vector<32x3840xf32>, vector<32x3840xf32> -> vector<32x3840xf32>
    %get3A_62 = arith.constant 0 : index
    %get3A_63 = arith.constant 0 : index
    %get3A_64 = vector.load %arg5[%get3A_62, %get3A_63] : memref<32x1xf32, #tpu.memory_space<vmem>>, vector<32x1xf32>
    %add3A_65 = vector.broadcast %get3A_64 : vector<32x1xf32> to vector<32x3840xf32>
    %add3A_66 = arith.addf %dot_general3A_61, %add3A_65 : vector<32x3840xf32>
    %max3A_67 = arith.constant 0.000000e+00 : f32
    %max3A_68 = vector.broadcast %max3A_67 : f32 to vector<32x3840xf32>
    %max3A_69 = arith.maximumf %add3A_66, %max3A_68 : vector<32x3840xf32>
    %get3A_70 = arith.constant 0 : index
    %get3A_71 = arith.constant 0 : index
    %get3A_72 = vector.load %arg6[%get3A_70, %get3A_71] : memref<32x128xf32, #tpu.memory_space<vmem>>, vector<32x128xf32>
    %dot_general3A_73 = arith.constant dense<0.000000e+00> : vector<3840x128xf32>
    %dot_general3A_74 = tpu.matmul %max3A_69, %get3A_72, %dot_general3A_73 {dimension_numbers = #tpu.dot_dimension_numbers<[0], [0], [1], [1], [0, 1, 1, 1], [], []>, transpose_lhs_hint = false} : vector<32x3840xf32>, vector<32x128xf32>, vector<3840x128xf32> -> vector<3840x128xf32>
    %get3A_75 = arith.constant 0 : index
    %get3A_76 = arith.constant 0 : index
    %get3A_77 = vector.load %arg7[%get3A_75, %get3A_76] : memref<1x128xf32, #tpu.memory_space<vmem>>, vector<1x128xf32>
    %add3A_78 = vector.broadcast %get3A_77 : vector<1x128xf32> to vector<3840x128xf32>
    %add3A_79 = arith.addf %dot_general3A_74, %add3A_78 : vector<3840x128xf32>
    %swap3A = arith.constant 0 : index
    %swap3A_80 = arith.constant 0 : index
    %swap3A_81 = vector.load %arg8[%swap3A, %swap3A_80] : memref<3840x128xf32, #tpu.memory_space<vmem>>, vector<3840x128xf32>
    tpu.vector_store %arg8[%swap3A, %swap3A_80], %add3A_79 {strides = array<i32>} : memref<3840x128xf32, #tpu.memory_space<vmem>>, vector<3840x128xf32>,
    return
  }
  func.func @transform_0(%arg0: i32) -> (i32, i32, i32) {
    %c0_i32 = arith.constant 0 : i32
    %c0_i32_0 = arith.constant 0 : i32
    %c0_i32_1 = arith.constant 0 : i32
    return %arg0, %c0_i32, %c0_i32_0 : i32, i32, i32
  }
  func.func @transform_1(%arg0: i32) -> (i32, i32) {
    %c0_i32 = arith.constant 0 : i32
    %c0_i32_0 = arith.constant 0 : i32
    %c0_i32_1 = arith.constant 0 : i32
    return %c0_i32, %c0_i32_0 : i32, i32
  }
  func.func @transform_2(%arg0: i32) -> (i32, i32) {
    %c0_i32 = arith.constant 0 : i32
    %c0_i32_0 = arith.constant 0 : i32
    %c0_i32_1 = arith.constant 0 : i32
    return %c0_i32, %c0_i32_0 : i32, i32
  }
  func.func @transform_3(%arg0: i32) -> (i32, i32) {
    %c0_i32 = arith.constant 0 : i32
    %c0_i32_0 = arith.constant 0 : i32
    %c0_i32_1 = arith.constant 0 : i32
    return %c0_i32, %c0_i32_0 : i32, i32
  }
  func.func @transform_4(%arg0: i32) -> (i32, i32) {
    %c0_i32 = arith.constant 0 : i32
    %c0_i32_0 = arith.constant 0 : i32
    %c0_i32_1 = arith.constant 0 : i32
    return %c0_i32, %c0_i32_0 : i32, i32
  }
  func.func @transform_5(%arg0: i32) -> (i32, i32) {
    %c0_i32 = arith.constant 0 : i32
    %c0_i32_0 = arith.constant 0 : i32
    %c0_i32_1 = arith.constant 0 : i32
    return %c0_i32, %c0_i32_0 : i32, i32
  }
  func.func @transform_6(%arg0: i32) -> (i32, i32) {
    %c0_i32 = arith.constant 0 : i32
    %c0_i32_0 = arith.constant 0 : i32
    %c0_i32_1 = arith.constant 0 : i32
    return %c0_i32, %c0_i32_0 : i32, i32
  }
  func.func @transform_7(%arg0: i32) -> (i32, i32) {
    %c0_i32 = arith.constant 0 : i32
    %c0_i32_0 = arith.constant 0 : i32
    return %arg0, %c0_i32 : i32, i32
  }
}

module attributes {stable_mosaic.version = 14 : i64} {
  func.func @_coeff_body(%arg0: i32, %arg1: memref<1x1x4864xf32, #tpu.memory_space<vmem>>, %arg2: memref<32x16xf32, #tpu.memory_space<vmem>>, %arg3: memref<32x1xf32, #tpu.memory_space<vmem>>, %arg4: memref<32x32xf32, #tpu.memory_space<vmem>>, %arg5: memref<32x1xf32, #tpu.memory_space<vmem>>, %arg6: memref<32x128xf32, #tpu.memory_space<vmem>>, %arg7: memref<1x128xf32, #tpu.memory_space<vmem>>, %arg8: memref<4864x128xf32, #tpu.memory_space<vmem>>) attributes {dimension_semantics = [#tpu.dimension_semantics<arbitrary>], iteration_bounds = array<i64: 50>, scalar_prefetch = 0 : i64, scratch_operands = 0 : i64, tpu.core_type = #tpu.core_type<tc>, window_params = [{transform_indices = @transform_0, window_bounds = array<i64: 1, 1, 4864>}, {pipeline_mode = #tpu.pipeline_mode<synchronous>, transform_indices = @transform_1, window_bounds = array<i64: 32, 16>}, {pipeline_mode = #tpu.pipeline_mode<synchronous>, transform_indices = @transform_2, window_bounds = array<i64: 32, 1>}, {pipeline_mode = #tpu.pipeline_mode<synchronous>, transform_indices = @transform_3, window_bounds = array<i64: 32, 32>}, {pipeline_mode = #tpu.pipeline_mode<synchronous>, transform_indices = @transform_4, window_bounds = array<i64: 32, 1>}, {pipeline_mode = #tpu.pipeline_mode<synchronous>, transform_indices = @transform_5, window_bounds = array<i64: 32, 128>}, {pipeline_mode = #tpu.pipeline_mode<synchronous>, transform_indices = @transform_6, window_bounds = array<i64: 1, 128>}, {transform_indices = @transform_7, window_bounds = array<i64: 4864, 128>}]} {
    %get3A = arith.constant 0 : index
    %get3A_0 = arith.constant 0 : index
    %get3A_1 = arith.constant 0 : index
    %get3A_2 = vector.load %arg1[%get3A, %get3A_0, %get3A_1] : memref<1x1x4864xf32, #tpu.memory_space<vmem>>, vector<1x1x4864xf32>
    %get3A_3 = vector.shape_cast %get3A_2 : vector<1x1x4864xf32> to vector<1x4864xf32>
    %iota3A = tpu.iota {dimensions = array<i32: 0>} : vector<16x1xi32>
    %convert_element_type3A = arith.sitofp %iota3A : vector<16x1xi32> to vector<16x1xf32>
    %mul3A = arith.constant 3.000000e+00 : f32
    %mul3A_4 = vector.broadcast %mul3A : f32 to vector<1x4864xf32>
    %mul3A_5 = arith.mulf %get3A_3, %mul3A_4 : vector<1x4864xf32>
    %sub3A = vector.broadcast %mul3A_5 : vector<1x4864xf32> to vector<16x4864xf32>
    %sub3A_6 = vector.broadcast %convert_element_type3A : vector<16x1xf32> to vector<16x4864xf32>
    %sub3A_7 = arith.subf %sub3A, %sub3A_6 : vector<16x4864xf32>
    %mul3A_8 = arith.mulf %sub3A_7, %sub3A_7 : vector<16x4864xf32>
    %broadcast_in_dim3A = arith.constant -8.86904745E-5 : f32
    %broadcast_in_dim3A_9 = vector.broadcast %broadcast_in_dim3A : f32 to vector<16x4864xf32>
    %mul3A_10 = arith.mulf %broadcast_in_dim3A_9, %mul3A_8 : vector<16x4864xf32>
    %add3A = arith.constant 0.00190432742 : f32
    %add3A_11 = vector.broadcast %add3A : f32 to vector<16x4864xf32>
    %add3A_12 = arith.addf %mul3A_10, %add3A_11 : vector<16x4864xf32>
    %mul3A_13 = arith.mulf %add3A_12, %mul3A_8 : vector<16x4864xf32>
    %add3A_14 = arith.constant -0.0257858075 : f32
    %add3A_15 = vector.broadcast %add3A_14 : f32 to vector<16x4864xf32>
    %add3A_16 = arith.addf %mul3A_13, %add3A_15 : vector<16x4864xf32>
    %mul3A_17 = arith.mulf %add3A_16, %mul3A_8 : vector<16x4864xf32>
    %add3A_18 = arith.constant 0.235320821 : f32
    %add3A_19 = vector.broadcast %add3A_18 : f32 to vector<16x4864xf32>
    %add3A_20 = arith.addf %mul3A_17, %add3A_19 : vector<16x4864xf32>
    %mul3A_21 = arith.mulf %add3A_20, %mul3A_8 : vector<16x4864xf32>
    %add3A_22 = arith.constant -1.33526027 : f32
    %add3A_23 = vector.broadcast %add3A_22 : f32 to vector<16x4864xf32>
    %add3A_24 = arith.addf %mul3A_21, %add3A_23 : vector<16x4864xf32>
    %mul3A_25 = arith.mulf %add3A_24, %mul3A_8 : vector<16x4864xf32>
    %add3A_26 = arith.constant 4.05871201 : f32
    %add3A_27 = vector.broadcast %add3A_26 : f32 to vector<16x4864xf32>
    %add3A_28 = arith.addf %mul3A_25, %add3A_27 : vector<16x4864xf32>
    %mul3A_29 = arith.mulf %add3A_28, %mul3A_8 : vector<16x4864xf32>
    %add3A_30 = arith.constant -4.93480206 : f32
    %add3A_31 = vector.broadcast %add3A_30 : f32 to vector<16x4864xf32>
    %add3A_32 = arith.addf %mul3A_29, %add3A_31 : vector<16x4864xf32>
    %mul3A_33 = arith.mulf %add3A_32, %mul3A_8 : vector<16x4864xf32>
    %add3A_34 = arith.constant 1.000000e+00 : f32
    %add3A_35 = vector.broadcast %add3A_34 : f32 to vector<16x4864xf32>
    %add3A_36 = arith.addf %mul3A_33, %add3A_35 : vector<16x4864xf32>
    %lt3A = arith.constant 1.000000e+00 : f32
    %lt3A_37 = vector.broadcast %lt3A : f32 to vector<16x4864xf32>
    %lt3A_38 = arith.cmpf olt, %mul3A_8, %lt3A_37 : vector<16x4864xf32>
    %mul3A_39 = arith.constant 5.000000e-01 : f32
    %mul3A_40 = vector.broadcast %mul3A_39 : f32 to vector<16x4864xf32>
    %mul3A_41 = arith.mulf %mul3A_40, %add3A_36 : vector<16x4864xf32>
    %add3A_42 = arith.constant 5.000000e-01 : f32
    %add3A_43 = vector.broadcast %add3A_42 : f32 to vector<16x4864xf32>
    %add3A_44 = arith.addf %add3A_43, %mul3A_41 : vector<16x4864xf32>
    %jit3A = arith.constant 0.000000e+00 : f32
    %broadcast_in_dim3A_45 = vector.broadcast %jit3A : f32 to vector<16x4864xf32>
    %select_n3A = arith.select %lt3A_38, %add3A_44, %broadcast_in_dim3A_45 : vector<16x4864xi1>, vector<16x4864xf32>
    %get3A_46 = arith.constant 0 : index
    %get3A_47 = arith.constant 0 : index
    %get3A_48 = vector.load %arg2[%get3A_46, %get3A_47] : memref<32x16xf32, #tpu.memory_space<vmem>>, vector<32x16xf32>
    %dot_general3A = arith.constant dense<0.000000e+00> : vector<32x4864xf32>
    %dot_general3A_49 = tpu.matmul %get3A_48, %select_n3A, %dot_general3A {dimension_numbers = #tpu.dot_dimension_numbers<[1], [0], [0], [1], [0, 0, 1, 1], [], []>, transpose_lhs_hint = false} : vector<32x16xf32>, vector<16x4864xf32>, vector<32x4864xf32> -> vector<32x4864xf32>
    %get3A_50 = arith.constant 0 : index
    %get3A_51 = arith.constant 0 : index
    %get3A_52 = vector.load %arg3[%get3A_50, %get3A_51] : memref<32x1xf32, #tpu.memory_space<vmem>>, vector<32x1xf32>
    %add3A_53 = vector.broadcast %get3A_52 : vector<32x1xf32> to vector<32x4864xf32>
    %add3A_54 = arith.addf %dot_general3A_49, %add3A_53 : vector<32x4864xf32>
    %max3A = arith.constant 0.000000e+00 : f32
    %max3A_55 = vector.broadcast %max3A : f32 to vector<32x4864xf32>
    %max3A_56 = arith.maximumf %add3A_54, %max3A_55 : vector<32x4864xf32>
    %get3A_57 = arith.constant 0 : index
    %get3A_58 = arith.constant 0 : index
    %get3A_59 = vector.load %arg4[%get3A_57, %get3A_58] : memref<32x32xf32, #tpu.memory_space<vmem>>, vector<32x32xf32>
    %dot_general3A_60 = arith.constant dense<0.000000e+00> : vector<32x4864xf32>
    %dot_general3A_61 = tpu.matmul %get3A_59, %max3A_56, %dot_general3A_60 {dimension_numbers = #tpu.dot_dimension_numbers<[1], [0], [0], [1], [0, 0, 1, 1], [], []>, transpose_lhs_hint = false} : vector<32x32xf32>, vector<32x4864xf32>, vector<32x4864xf32> -> vector<32x4864xf32>
    %get3A_62 = arith.constant 0 : index
    %get3A_63 = arith.constant 0 : index
    %get3A_64 = vector.load %arg5[%get3A_62, %get3A_63] : memref<32x1xf32, #tpu.memory_space<vmem>>, vector<32x1xf32>
    %add3A_65 = vector.broadcast %get3A_64 : vector<32x1xf32> to vector<32x4864xf32>
    %add3A_66 = arith.addf %dot_general3A_61, %add3A_65 : vector<32x4864xf32>
    %max3A_67 = arith.constant 0.000000e+00 : f32
    %max3A_68 = vector.broadcast %max3A_67 : f32 to vector<32x4864xf32>
    %max3A_69 = arith.maximumf %add3A_66, %max3A_68 : vector<32x4864xf32>
    %get3A_70 = arith.constant 0 : index
    %get3A_71 = arith.constant 0 : index
    %get3A_72 = vector.load %arg6[%get3A_70, %get3A_71] : memref<32x128xf32, #tpu.memory_space<vmem>>, vector<32x128xf32>
    %dot_general3A_73 = arith.constant dense<0.000000e+00> : vector<4864x128xf32>
    %dot_general3A_74 = tpu.matmul %max3A_69, %get3A_72, %dot_general3A_73 {dimension_numbers = #tpu.dot_dimension_numbers<[0], [0], [1], [1], [0, 1, 1, 1], [], []>, transpose_lhs_hint = false} : vector<32x4864xf32>, vector<32x128xf32>, vector<4864x128xf32> -> vector<4864x128xf32>
    %get3A_75 = arith.constant 0 : index
    %get3A_76 = arith.constant 0 : index
    %get3A_77 = vector.load %arg7[%get3A_75, %get3A_76] : memref<1x128xf32, #tpu.memory_space<vmem>>, vector<1x128xf32>
    %add3A_78 = vector.broadcast %get3A_77 : vector<1x128xf32> to vector<4864x128xf32>
    %add3A_79 = arith.addf %dot_general3A_74, %add3A_78 : vector<4864x128xf32>
    %swap3A = arith.constant 0 : index
    %swap3A_80 = arith.constant 0 : index
    %swap3A_81 = vector.load %arg8[%swap3A, %swap3A_80] : memref<4864x128xf32, #tpu.memory_space<vmem>>, vector<4864x128xf32>
    tpu.vector_store %arg8[%swap3A, %swap3A_80], %add3A_79 {strides = array<i32>} : memref<4864x128xf32, #tpu.memory_space<vmem>>, vector<4864x128xf32>,
    return
  }
  func.func @transform_0(%arg0: i32) -> (i32, i32, i32) {
    %c0_i32 = arith.constant 0 : i32
    %c0_i32_0 = arith.constant 0 : i32
    %c0_i32_1 = arith.constant 0 : i32
    return %arg0, %c0_i32, %c0_i32_0 : i32, i32, i32
  }
  func.func @transform_1(%arg0: i32) -> (i32, i32) {
    %c0_i32 = arith.constant 0 : i32
    %c0_i32_0 = arith.constant 0 : i32
    %c0_i32_1 = arith.constant 0 : i32
    return %c0_i32, %c0_i32_0 : i32, i32
  }
  func.func @transform_2(%arg0: i32) -> (i32, i32) {
    %c0_i32 = arith.constant 0 : i32
    %c0_i32_0 = arith.constant 0 : i32
    %c0_i32_1 = arith.constant 0 : i32
    return %c0_i32, %c0_i32_0 : i32, i32
  }
  func.func @transform_3(%arg0: i32) -> (i32, i32) {
    %c0_i32 = arith.constant 0 : i32
    %c0_i32_0 = arith.constant 0 : i32
    %c0_i32_1 = arith.constant 0 : i32
    return %c0_i32, %c0_i32_0 : i32, i32
  }
  func.func @transform_4(%arg0: i32) -> (i32, i32) {
    %c0_i32 = arith.constant 0 : i32
    %c0_i32_0 = arith.constant 0 : i32
    %c0_i32_1 = arith.constant 0 : i32
    return %c0_i32, %c0_i32_0 : i32, i32
  }
  func.func @transform_5(%arg0: i32) -> (i32, i32) {
    %c0_i32 = arith.constant 0 : i32
    %c0_i32_0 = arith.constant 0 : i32
    %c0_i32_1 = arith.constant 0 : i32
    return %c0_i32, %c0_i32_0 : i32, i32
  }
  func.func @transform_6(%arg0: i32) -> (i32, i32) {
    %c0_i32 = arith.constant 0 : i32
    %c0_i32_0 = arith.constant 0 : i32
    %c0_i32_1 = arith.constant 0 : i32
    return %c0_i32, %c0_i32_0 : i32, i32
  }
  func.func @transform_7(%arg0: i32) -> (i32, i32) {
    %c0_i32 = arith.constant 0 : i32
    %c0_i32_0 = arith.constant 0 : i32
    return %arg0, %c0_i32 : i32, i32
  }
}

module attributes {stable_mosaic.version = 14 : i64} {
  func.func @_gate_body(%arg0: i32, %arg1: memref<2x2000x128xf32, #tpu.memory_space<vmem>>, %arg2: memref<2x2000x128xf32, #tpu.memory_space<vmem>>, %arg3: memref<2000x128xf32, #tpu.memory_space<vmem>>) attributes {dimension_semantics = [#tpu.dimension_semantics<arbitrary>], iteration_bounds = array<i64: 5>, scalar_prefetch = 0 : i64, scratch_operands = 0 : i64, tpu.core_type = #tpu.core_type<tc>, window_params = [{transform_indices = @transform_0, window_bounds = array<i64: 2, 2000, 128>}, {transform_indices = @transform_1, window_bounds = array<i64: 2, 2000, 128>}, {transform_indices = @transform_2, window_bounds = array<i64: 2000, 128>}]} {
    %get3A = arith.constant 0 : index
    %get3A_0 = arith.constant 0 : index
    %get3A_1 = arith.constant 0 : index
    %get3A_2 = vector.load %arg1[%get3A, %get3A_0, %get3A_1] : memref<2x2000x128xf32, #tpu.memory_space<vmem>>, vector<1x2000x128xf32>
    %get3A_3 = vector.shape_cast %get3A_2 : vector<1x2000x128xf32> to vector<2000x128xf32>
    %get3A_4 = arith.constant 1 : index
    %get3A_5 = arith.constant 0 : index
    %get3A_6 = arith.constant 0 : index
    %get3A_7 = vector.load %arg1[%get3A_4, %get3A_5, %get3A_6] : memref<2x2000x128xf32, #tpu.memory_space<vmem>>, vector<1x2000x128xf32>
    %get3A_8 = vector.shape_cast %get3A_7 : vector<1x2000x128xf32> to vector<2000x128xf32>
    %add3A = arith.addf %get3A_3, %get3A_8 : vector<2000x128xf32>
    %get3A_9 = arith.constant 0 : index
    %get3A_10 = arith.constant 0 : index
    %get3A_11 = arith.constant 0 : index
    %get3A_12 = vector.load %arg2[%get3A_9, %get3A_10, %get3A_11] : memref<2x2000x128xf32, #tpu.memory_space<vmem>>, vector<1x2000x128xf32>
    %get3A_13 = vector.shape_cast %get3A_12 : vector<1x2000x128xf32> to vector<2000x128xf32>
    %add3A_14 = arith.addf %add3A, %get3A_13 : vector<2000x128xf32>
    %get3A_15 = arith.constant 1 : index
    %get3A_16 = arith.constant 0 : index
    %get3A_17 = arith.constant 0 : index
    %get3A_18 = vector.load %arg2[%get3A_15, %get3A_16, %get3A_17] : memref<2x2000x128xf32, #tpu.memory_space<vmem>>, vector<1x2000x128xf32>
    %get3A_19 = vector.shape_cast %get3A_18 : vector<1x2000x128xf32> to vector<2000x128xf32>
    %add3A_20 = arith.addf %add3A_14, %get3A_19 : vector<2000x128xf32>
    %mul3A = arith.constant 0.176776692 : f32
    %mul3A_21 = vector.broadcast %mul3A : f32 to vector<2000x128xf32>
    %mul3A_22 = arith.mulf %add3A_20, %mul3A_21 : vector<2000x128xf32>
    %logistic3A = arith.negf %mul3A_22 : vector<2000x128xf32>
    %logistic3A_23 = math.exp %logistic3A : vector<2000x128xf32>
    %logistic3A_24 = arith.constant 1.000000e+00 : f32
    %logistic3A_25 = vector.broadcast %logistic3A_24 : f32 to vector<2000x128xf32>
    %logistic3A_26 = arith.addf %logistic3A_25, %logistic3A_23 : vector<2000x128xf32>
    %logistic3A_27 = arith.divf %logistic3A_25, %logistic3A_26 : vector<2000x128xf32>
    %mul3A_28 = arith.mulf %mul3A_22, %logistic3A_27 : vector<2000x128xf32>
    %swap3A = arith.constant 0 : index
    %swap3A_29 = arith.constant 0 : index
    %swap3A_30 = vector.load %arg3[%swap3A, %swap3A_29] : memref<2000x128xf32, #tpu.memory_space<vmem>>, vector<2000x128xf32>
    tpu.vector_store %arg3[%swap3A, %swap3A_29], %mul3A_28 {strides = array<i32>} : memref<2000x128xf32, #tpu.memory_space<vmem>>, vector<2000x128xf32>,
    return
  }
  func.func @transform_0(%arg0: i32) -> (i32, i32, i32) {
    %c0_i32 = arith.constant 0 : i32
    %c0_i32_0 = arith.constant 0 : i32
    %c0_i32_1 = arith.constant 0 : i32
    return %c0_i32, %arg0, %c0_i32_0 : i32, i32, i32
  }
  func.func @transform_1(%arg0: i32) -> (i32, i32, i32) {
    %c0_i32 = arith.constant 0 : i32
    %c0_i32_0 = arith.constant 0 : i32
    %c0_i32_1 = arith.constant 0 : i32
    return %c0_i32, %arg0, %c0_i32_0 : i32, i32, i32
  }
  func.func @transform_2(%arg0: i32) -> (i32, i32) {
    %c0_i32 = arith.constant 0 : i32
    %c0_i32_0 = arith.constant 0 : i32
    return %arg0, %c0_i32 : i32, i32
  }
}

</mosaic_0001>

<sc_bundles>
// kernel: kernel.10.cloned.1.call-start
scs
__scs_entry_jumppad:
0x0: {  	(pc) =	sbr.rel $0x88, $3  }
0x1: {  	(tag) =	ssettag $0x0;
	lr =	simm.s32 $0x1  }
0x2: {  	[smem:$0x3F98] =	sst lr;
	_ =	strace $0xD0000000  }
0x3: {  	_ = 	snop  }
0x4: {  	_ = 	snop  }
0x5: {  	_ = 	snop  }
0x6: {  	_ = 	snop  }
0x7: {  	_ = 	snop  }
__scs_overlays_trampoline_lowered:
0x8: {  	[smem:$0x3FA7] =	sst s0  }
0x9: {  	[smem:$0x3FA8] =	sst s1  }
0xa: {  	[smem:$0x3FA9] =	sst s2  }
0xb: {  	[smem:$0x3FAA] =	sst s3  }
0xc: {  	[smem:$0x3FAB] =	sst s4  }
0xd: {  	[smem:$0x3FAC] =	sst s5  }
0xe: {  	[smem:$0x3FAD] =	sst s6  }
0xf: {  	[smem:$0x3FAE] =	sst s7  }
0x10: {  	[smem:$0x3FAF] =	sst s8  }
0x11: {  	[smem:$0x3FB0] =	sst s9;
	s0 =	simm.s32 @!p0 $0x0  }
0x12: {  	s1 =	sld [smem:$0x3F96];
	s0 =	simm.s32 @p0 $0x1  }
0x13: {  	[smem:$0x3FB1] =	sst s0;
	s0 =	simm.s32 @!p1 $0x0  }
0x14: {  	s2 =	sld [smem:$0x3F95];
	s0 =	simm.s32 @p1 $0x1  }
0x15: {  	[smem:$0x3FB2] =	sst s0;
	s0 =	simm.s32 @!p2 $0x0  }
0x16: {  	s3 =	sld [smem:$0x3FDB];
	s0 =	simm.s32 @p2 $0x1  }
0x17: {  	s4 =	simm.s32 $0x1BF5;
	[smem:$0x3FB4] =	sst s0  }
0x18: {  	s0 =	sld [smem:$0x3F97];
	_ =	swait.ge [sflag:s4], $0x0  }
0x19: {  	s7 =	sld [smem:$0x3F98]  }
0x1a: {  	s8 =	sadd.s32 $0xFFFFE003, lr  }
0x1b: {  	s9 =	sadd.s32 $0xFFFFFEF7, lr;
	s5 =	simm.s32 $0xFFFFFFFF;
	p2 =	slt.u32 s8, $0xFFFFF086  }
0x1c: {  	p1 =	slt.u32 s9, $0xF7A;
	s5 =	simm.s32 @!p2 $0x0  }
0x1d: {  	s5 =	simm.s32 @p1 $0x1;
	p0 =	seq.s32 s7, s2  }
0x1e: {  	s7 =	smul.u32 @!p0 $0xF7A, s2;
	p2 =	seq.s32 @!p0 s5, $0x0  }
0x1f: {  	s9 =	smul.u32 $0xF7A, s1;
	s8 =	simm.s32 @!p0 $0x1BF5;
	p2 =	por !p2, p0  }
0x20: {  	[sflag:s8] =	ssyncset.s32 @!p0 $0xFFFFF086;
	s6 =	sadd.s32 @!p0 s3, s7;
	s7 =	simm.s32 @!p0 $0x108  }
0x21: {  	s3 =	sadd.s32 s3, s9;
	s6 =	sadd.s32 @!p0 $0x88, s6;
	s7 =	simm.s32 @p2 $0x1082  }
0x22: {  	[simem:s7], [sflag:s8] =	dma.local @!p0 [hbm:s6], $0xF7A  }
0x23: {  	s9 =	sor.u32 $0xD0000000, s2;
	s6 =	simm.s32 $0x108;
	_ =	swait.ge @!p0 [sflag:s8], $0x0  }
0x24: {  	s3 =	sadd.s32 $0x88, s3;
	s6 =	simm.s32 @!p1 $0x1082;
	[sflag:s4] =	ssyncset.s32 $0xFFFFF086  }
0x25: {  	[simem:s6], [sflag:s4] =	dma.local [hbm:s3], $0xF7A  }
0x26: {  	[smem:$0x3F98] =	sst s1;
	(tag) =	ssettag s2;
	_ =	strace s9  }
0x27: {  	s1 =	sld [smem:$0x3FA8]  }
0x28: {  	s2 =	sld [smem:$0x3FA9]  }
0x29: {  	s4 =	sld [smem:$0x3FAB]  }
0x2a: {  	p0 =	seq.s32 s5, $0x0;
	s5 =	sld [smem:$0x3FAC]  }
0x2b: {  	s6 =	sld [smem:$0x3FAD]  }
0x2c: {  	s7 =	sld [smem:$0x3FAE]  }
0x2d: {  	s3 =	simm.s32 $0x108;
	s8 =	sld [smem:$0x3FAF]  }
0x2e: {  	s3 =	simm.s32 @!p0 $0x1082;
	s9 =	sld [smem:$0x3FB0]  }
0x2f: {  	lr =	sadd.s32 s0, s3;
	s0 =	sld [smem:$0x3FA7]  }
0x30: {  	s3 =	sld [smem:$0x3FAA]  }
0x31: {  	[smem:$0x3FB3] =	sst s10  }
0x32: {  	s10 =	sld [smem:$0x3FB1];
	_ =	sdelay $0x3  }
0x33: {  	p0 =	seq.s32 s10, $0x1;
	s10 =	sld [smem:$0x3FB3];
	_ =	sdelay $0x3  }
0x34: {  	[smem:$0x3FB3] =	sst s10  }
0x35: {  	s10 =	sld [smem:$0x3FB2];
	_ =	sdelay $0x3  }
0x36: {  	p1 =	seq.s32 s10, $0x1;
	s10 =	sld [smem:$0x3FB3];
	_ =	sdelay $0x3  }
0x37: {  	[smem:$0x3FB3] =	sst s10  }
0x38: {  	s10 =	sld [smem:$0x3FB4]  }
0x39: {  	_ = 	snop;
	(pc) =	sbr.ind lr, $3  }
0x3a: {  	_ = 	snop  }
0x3b: {  	_ = 	snop  }
0x3c: {  	p2 =	seq.s32 s10, $0x1;
	s10 =	sld [smem:$0x3FB3]  }
0x3d: {  	_ =	shalt  }
0x3e: {  	_ =	shalt  }
0x3f: {  	_ =	shalt  }
0x40: {  	_ =	shalt  }
0x41: {  	_ =	shalt  }
0x42: {  	_ =	shalt  }
0x43: {  	_ =	shalt  }
0x44: {  	_ =	shalt  }
0x45: {  	_ =	shalt  }
0x46: {  	_ =	shalt  }
0x47: {  	_ =	shalt  }
0x48: {  	_ =	shalt  }
0x49: {  	_ =	shalt  }
0x4a: {  	_ =	shalt  }
0x4b: {  	_ =	shalt  }
0x4c: {  	_ =	shalt  }
0x4d: {  	_ =	shalt  }
0x4e: {  	_ =	shalt  }
0x4f: {  	_ =	shalt  }
0x50: {  	_ =	shalt  }
0x51: {  	_ =	shalt  }
0x52: {  	_ =	shalt  }
0x53: {  	_ =	shalt  }
0x54: {  	_ =	shalt  }
0x55: {  	_ =	shalt  }
0x56: {  	_ =	shalt  }
0x57: {  	_ =	shalt  }
0x58: {  	_ =	shalt  }
0x59: {  	_ =	shalt  }
0x5a: {  	_ =	shalt  }
0x5b: {  	_ =	shalt  }
0x5c: {  	_ =	shalt  }
0x5d: {  	_ =	shalt  }
0x5e: {  	_ =	shalt  }
0x5f: {  	_ =	shalt  }
0x60: {  	_ =	shalt  }
0x61: {  	_ =	shalt  }
0x62: {  	_ =	shalt  }
0x63: {  	_ =	shalt  }
0x64: {  	_ =	shalt  }
0x65: {  	_ =	shalt  }
0x66: {  	_ =	shalt  }
0x67: {  	_ =	shalt  }
0x68: {  	_ =	shalt  }
0x69: {  	_ =	shalt  }
0x6a: {  	_ =	shalt  }
0x6b: {  	_ =	shalt  }
0x6c: {  	_ =	shalt  }
0x6d: {  	_ =	shalt  }
0x6e: {  	_ =	shalt  }
0x6f: {  	_ =	shalt  }
0x70: {  	_ =	shalt  }
0x71: {  	_ =	shalt  }
0x72: {  	_ =	shalt  }
0x73: {  	_ =	shalt  }
0x74: {  	_ =	shalt  }
0x75: {  	_ =	shalt  }
0x76: {  	_ =	shalt  }
0x77: {  	_ =	shalt  }
0x78: {  	_ =	shalt  }
0x79: {  	_ =	shalt  }
0x7a: {  	_ =	shalt  }
0x7b: {  	_ =	shalt  }
0x7c: {  	_ =	shalt  }
0x7d: {  	_ =	shalt  }
0x7e: {  	_ =	shalt  }
0x7f: {  	_ =	shalt  }
0x80: {  	_ =	shalt  }
0x81: {  	_ =	shalt  }
0x82: {  	_ =	shalt  }
0x83: {  	_ =	shalt  }
0x84: {  	_ =	shalt  }
0x85: {  	_ =	shalt  }
0x86: {  	_ =	shalt  }
0x87: {  	_ =	shalt  }
.Lfunc_end0:
.L_simem_size_0:
called_computation.1_lowered:
.L_overlay_start_0:
0x88: {  	s2 =	sld [smem:$0x3FD9]  }
0x89: {  	s3 =	sld [smem:$0x3FFE];
	_ =	sdelay $0x1  }
0x8a: {  	s1 =	srdreg.scid  }
0x8b: {  	s0 =	sand.u32 $0x1, s1  }
0x8c: {  	s17 =	sshll.u32 s0, $0xA;
	s2 =	sadd.s32 s3, s2  }
0x8d: {  	s2 =	sadd.s32 s2, s17  }
0x8e: {  	[smem:$0x3FBF] =	sst s2  }
0x8f: {  	_ = 	snop  }
0x90: {  	s18 =	sld [smem:$0x3FC9];
	(tm) =	ssettm $0x1  }
0x91: {  	s19 =	sld [smem:$0x3FFB];
	_ =	sdelay $0x3  }
0x92: {  	_ =	strace s19  }
0x93: {  	s2 =	sld [smem:$0x3FFC];
	_ =	sdelay $0x3  }
0x94: {  	_ =	strace s2  }
0x95: {  	s2 =	sld [smem:$0x3FFD];
	_ =	sdelay $0x3  }
0x96: {  	_ =	strace s2  }
0x97: {  	_ =	strace $0x8FFFFFFF  }
0x98: {  	s20 =	sld [smem:$0x3FDB];
	_ =	sdelay $0x1  }
0x99: {  	s4 =	simm.s32 $_scs_section_size  }
0x9a: {  	s5 =	simm.s32 $_size__tile_overlayer_lowered;
	s6 =	simm.s32 $_tile_overlayer_lowered  }
0x9b: {  	s7 =	simm.s32 $0x1BFF;
	s21 =	sshll.u32 s6, $0x1;
	s4 =	sadd.s32 s4, s20  }
0x9c: {  	s22 =	simm.s32 $0x0;
	s5 =	sshll.u32 s5, $0x1;
	s6 =	sadd.s32 s21, s4  }
0x9d: {  	[timem:s22], [sflag:s7] =	dma.local [hbm:s6], s5  }
0x9e: {  	_ =	swait.ge [sflag:s7], s5  }
0x9f: {  	s5 =	ssub.s32 $0x0, s5;
	[sflag:s7] =	ssyncset.done $0x0  }
0xa0: {  	[sflag:s7] =	ssyncadd.s32 s5;
	_ =	sdelay $0x1  }
0xa1: {  	s23 =	simm.s32 $0x1B8B  }
0xa2: {  	_ =	swait.ge [sflag:s23], $0x1  }
0xa3: {  	[sflag:s23] =	ssyncset.done $0x0  }
0xa4: {  	[sflag:s23] =	ssyncadd.s32 $0xFFFFFFFF  }
0xa5: {  	s5 =	sld [smem:$0x0]  }
0xa6: {  	s6 =	sand.u32 $0xFFFFFFFE, s1  }
0xa7: {  	p0 =	sne.s32 s1, s6  }
0xa8: {  	s6 =	sshll.u32 @p0 s6, $0xE  }
0xa9: {  	s6 =	sadd.s32 @p0 $0x11B8D, s6;
	s7 =	sshll.u32 @p0 s5, $0x11  }
0xaa: {  	s6 =	sor.u32 @p0 s7, s6  }
0xab: {  	[sflag:s6] =	ssyncadd.remote.s32 @p0 $0x1;
	_ =	sdelay $0x1  }
0xac: {  	s6 =	simm.s32 @p0 $0x1B8D  }
0xad: {  	_ =	swait.eq @p0 [sflag:s6], $0x1  }
0xae: {  	[sflag:s6] =	ssyncadd.s32 @p0 $0xFFFFFFFF  }
0xaf: {  	s7 =	sshll.u32 @!p0 s1, $0xE  }
0xb0: {  	s7 =	sor.u32 @!p0 $0x4000, s7;
	s6 =	simm.s32 @!p0 $0x1B8D  }
0xb1: {  	s5 =	sshll.u32 @!p0 s5, $0x11;
	s7 =	sadd.s32 @!p0 $0x11B8D, s7;
	_ =	swait.eq @!p0 [sflag:s6], $0x1  }
0xb2: {  	s5 =	sor.u32 @!p0 s5, s7;
	[sflag:s6] =	ssyncadd.s32 @!p0 $0xFFFFFFFF  }
0xb3: {  	s25 =	simm.s32 $0x1B8E;
	s24 =	sld [smem:$0x3FFE];
	[sflag:s5] =	ssyncadd.remote.s32 @!p0 $0x1  }
0xb4: {  	s26 =	simm.s32 $execute0_lowered;
	[smem:$0x3FD2] =	sst s25  }
0xb5: {  	s6 =	sshll.u32 s26, $0x1;
	_ =	strace $0x80000049;
	[dreg:$0x1] =	wrdreg $0xFFFFFFFF  }
0xb6: {  	s28 =	simm.s32 $_size_execute0_lowered;
	s4 =	sadd.s32 s4, s6;
	[dreg:$0x0] =	wrdreg $0x0  }
0xb7: {  	s6 =	sshll.u32 s28, $0x1;
	[dreg:$0x2] =	wrdreg s4  }
0xb8: {  	[dreg:$0x3] =	wrdreg s6  }
0xb9: {  	[dreg:$0x4] =	wrdreg $0xC0  }
0xba: {  	_ =	task [dreg:s22], $0x5FFFF  }
0xbb: {  	[dreg:$0x1] =	wrdreg $0xFFFFFFFF  }
0xbc: {  	[dreg:$0x0] =	wrdreg $0x60  }
0xbd: {  	[dreg:$0x2] =	wrdreg s18  }
0xbe: {  	[dreg:$0x3] =	wrdreg s24  }
0xbf: {  	[dreg:$0x4] =	wrdreg $0x68000  }
0xc0: {  	[dreg:$0x5] =	wrdreg $0xA  }
0xc1: {  	_ =	task.clear_ibuf [dreg:s22], $0x6FFFF;
	_ =	strace $0x90000049  }
0xc2: {  	s29 =	simm.s32 $0xA;
	_ =	strace $0x8000004B  }
0xc3: {  	_ =	swait.ge [sflag:s29], $0x1  }
0xc4: {  	[sflag:s29] =	ssyncadd.s32 $0xFFFFFFFF  }
0xc5: {  	_ =	strace $0x9000004B  }
0xc6: {  	_ =	sfence  }
0xc7: {  	s30 =	sld [smem:$0x0];
	_ =	sdelay $0x2  }
0xc8: {  	s31 =	sshll.u32 s1, $0xD;
	s1 =	sshrl.u32 s1, $0x2  }
0xc9: {  	s4 =	sand.u32 $0x4000, s31;
	s1 =	sadd.s32 s1, s30  }
0xca: {  	s0 =	sor.u32 s4, s0;
	s1 =	sshll.u32 s1, $0x11  }
0xcb: {  	s0 =	sor.u32 s1, s0  }
0xcc: {  	s0 =	sadd.s32 $0x8F2B, s0  }
0xcd: {  	[sflag:s0] =	ssyncadd.remote.s32 $0x1  }
0xce: {  	_ =	sfence.sel $0xFFFF  }
0xcf: {  	[dreg:$0x0] =	wrdreg $0xFFFFFFFF;
	(pc) =	sbr.abs _section_cstart, $3  }
0xd0: {  	[dreg:$0x1] =	wrdreg $0xFFFFFFFF  }
0xd1: {  	_ =	task.clear_ibuf [dreg:s22], $0x2FFFF;
	_ =	strace $0x9FFFFFFF  }
0xd2: {  	(tm) =	ssettm $0x7FFFFFFF  }
0xd3: {  	_ =	shalt  }
tec
execute0_lowered:
.L_overlay_start_1:
0x0: {  	(tag) =	ssettag $0x1  }
0x1: {  	s0 =	rddreg [dreg:$0x0]  }
0x2: {  	s1 =	rddreg [dreg:$0x1];
	s2 =	srdreg.scid  }
0x3: {  	s3 =	rddreg [dreg:$0x2];
	s10 =	stileid.u32  }
0x4: {  	s4 =	simm.s32 $0x0;
	s29 =	simm.s32 $0x8;
	s6 =	smul.u32 $0x14000, s10  }
0x5: {  	s2 =	sand.u32 $0x1, s2;
	[smem:$0x7FF] =	sst s4;
	s8 =	smul.u32 $0x50000, s10  }
0x6: {  	s10 =	sshll.u32 s10, $0x1;
	s5 =	smul.u32 $0x140000, s2;
	_ =	strace $0x8000004A  }
0x7: {  	s26 =	ssub.s32 $0x2, s2;
	s2 =	sor.u32 s2, s10;
	s8 =	sshrl.u32 s8, $0x2  }
0x8: {  	s9 =	sshrl.u32 s26, $0x1;
	s14 =	smul.u32 $0x6000, s2;
	s15 =	sadd.s32 s8, s3  }
0x9: {  	s17 =	smul.u32 $0xED800, s2;
	s8 =	sadd.s32 $0x1400, s15;
	[dreg:$0x4] =	wrdreg s15  }
0xa: {  	s7 =	sadd.s32 s6, s5;
	s28 =	sadd.s32 $0x2800, s15;
	[dreg:$0x5] =	wrdreg s8  }
0xb: {  	s5 =	sadd.s32 $0x1ADE00, s1;
	s30 =	sadd.s32 $0x3C00, s15;
	[dreg:$0x6] =	wrdreg s28  }
0xc: {  	s6 =	sadd.s32 $0x17DE00, s1;
	s10 =	sadd.s32 $0x6400, s15;
	[dreg:$0x7] =	wrdreg s30  }
0xd: {  	s7 =	sshrl.u32 s7, $0x3;
	s11 =	sadd.s32 $0x7800, s15;
	[dreg:$0x9] =	wrdreg s10  }
0xe: {  	s12 =	sadd.s32 $0x8C00, s15;
	s13 =	sadd.s32 $0xA000, s15;
	[dreg:$0xa] =	wrdreg s11  }
0xf: {  	s16 =	sadd.s32 $0xB400, s15;
	s18 =	sadd.s32 $0xC800, s15;
	[dreg:$0xb] =	wrdreg s12  }
0x10: {  	s19 =	sadd.s32 $0xDC00, s15;
	s20 =	sadd.s32 $0xF000, s15;
	[dreg:$0xc] =	wrdreg s13  }
0x11: {  	s21 =	sshrl.u32 s14, $0x3;
	s22 =	sshrl.u32 s17, $0x3;
	[dreg:$0xd] =	wrdreg s16  }
0x12: {  	s24 =	sadd.s32 $0x10400, s15;
	s25 =	sadd.s32 $0x11800, s15;
	[dreg:$0xe] =	wrdreg s18  }
0x13: {  	s31 =	sadd.s32 $0x1400, s17;
	s1 =	sadd.s32 s7, s1;
	[dreg:$0xf] =	wrdreg s19  }
0x14: {  	s7 =	ssub.s32 s26, s9;
	s9 =	sadd.s32 $0x5000, s15;
	[dreg:$0x10] =	wrdreg s20  }
0x15: {  	s2 =	sadd.s32 s6, s21;
	s8 =	sadd.s32 s5, s22;
	[dreg:$0x15] =	wrdreg s24  }
0x16: {  	[dreg:$0x16] =	wrdreg s25;
	s26 =	sadd.s32 $0x12C00, s15;
	s30 =	sadd.s32 $0x5000, s17  }
0x17: {  	s10 =	simm.s32 $0xC0000;
	s11 =	simm.s32 $0x100;
	s12 =	simm.s32 $0x5  }
0x18: {  	s13 =	simm.s32 $0x28;
	s18 =	simm.s32 $0x6;
	[dreg:$0x8] =	wrdreg s9  }
0x19: {  	s19 =	simm.s32 $0x1800;
	s20 =	simm.s32 $0x4000;
	[dreg:$0x12] =	wrdreg s8  }
0x1a: {  	s21 =	simm.s32 $0x1;
	s24 =	simm.s32 $0x2;
	[dreg:$0x17] =	wrdreg s26  }
.Ltmp0:
0x1b: {  	s25 =	simm.s32 $0x4;
	[dreg:$0x11] =	wrdreg s2;
	(pc) =	sbr.rel .LBB2_1-.Ltmp0, $4  }
0x1c: {  	s16 =	simm.s32 $0x0;
	s1 =	sadd.s32 $0x563E00, s1;
	[dreg:$0x19] =	wrdreg s30  }
0x1d: {  	s23 =	smax.u32 s7, $0x1;
	s28 =	sadd.s32 $0x10, s2;
	[dreg:$0x13] =	wrdreg s1  }
0x1e: {  	s2 =	simm.s32 $0x5400;
	s8 =	simm.s32 $0x9;
	[dreg:$0x14] =	wrdreg s23  }
0x1f: {  	v0 =	vimm.f32 $0.0e+00;
	s9 =	simm.s32 $0x80;
	[dreg:$0x18] =	wrdreg s28;
	s23 =	simm.s32 $0x3  }
.LBB2_19:
0x20: {  	_ =	swait.ge [sflag:s8], $0x1400  }
0x21: {  	[sflag:s8] =	ssyncset.done $0x0  }
0x22: {  	[sflag:s8] =	ssyncadd.s32 $0xFFFFEC00  }
0x23: {  	s1 =	stileid.u32;
	[bflag:$0x0] =	sbarrier.arrive $0xFFFF  }
0x24: {  	s26 =	simm.s32 $0xA;
	s1 =	sshll.u32 s1, $0x6;
	s15 =	rddreg [dreg:$0x4]  }
0x25: {  	s1 =	sor.u32 $0x1C0A, s1;
	s16 =	rddreg [dreg:$0x13];
	s7 =	sshrl.u32 s15, $0x3  }
0x26: {  	[hbm:s16], [sflag:s1] =	dma.local [spmem:s7], $0x2800  }
0x27: {  	_ =	swait.ge [sflag:s26], $0x2800  }
0x28: {  	s28 =	rddreg [dreg:$0x1a]  }
0x29: {  	s30 =	rddreg [dreg:$0x14];
	s16 =	sadd.s32 $0x1, s28  }
0x2a: {  	p0 =	sne.s32 s16, s30  }
.Ltmp1:
0x2b: {  	_ = 	snop;
	(pc) =	sbr.rel @!p0 .LBB2_20-.Ltmp1, $3  }
0x2c: {  	_ =	sdelay $0x1  }
0x2d: {  	[sflag:s26] =	ssyncset.done $0x0  }
0x2e: {  	[sflag:s26] =	ssyncadd.s32 $0xFFFFD800  }
.LBB2_1:
0x2f: {  	s1 =	simm.s32 $0x0;
	s7 =	simm.s32 $0x200  }
.LBB2_2:
0x30: {  	p0 =	sne.s32 s7, $0x4E00;
	[tilespmem:s1+$0x5470] =	vst v0  }
0x31: {  	[tilespmem:s1+$0x5400] =	vst v0  }
0x32: {  	[tilespmem:s1+$0x5410] =	vst v0  }
.Ltmp2:
0x33: {  	[tilespmem:s1+$0x5420] =	vst v0;
	(pc) =	sbr.rel @p0 .LBB2_2-.Ltmp2, $4  }
0x34: {  	[tilespmem:s1+$0x5430] =	vst v0  }
0x35: {  	[tilespmem:s1+$0x5440] =	vst v0  }
0x36: {  	[tilespmem:s1+$0x5450] =	vst v0  }
0x37: {  	[tilespmem:s1+$0x5460] =	vst v0;
	s1 =	sshra.s32 s7, $0x2;
	s7 =	sadd.s32 $0x200, s7  }
0x38: {  	[tilespmem:s1+$0x5470] =	vst v0  }
0x39: {  	[tilespmem:s1+$0x5400] =	vst v0  }
0x3a: {  	[tilespmem:s1+$0x5410] =	vst v0  }
0x3b: {  	[tilespmem:s1+$0x5420] =	vst v0  }
0x3c: {  	[tilespmem:s1+$0x5430] =	vst v0  }
0x3d: {  	[tilespmem:s1+$0x5440] =	vst v0  }
0x3e: {  	[tilespmem:s1+$0x5450] =	vst v0  }
0x3f: {  	[dreg:$0x1a] =	wrdreg s16;
	[tilespmem:s1+$0x5460] =	vst v0  }
0x40: {  	[spmem:s15] =	stream.linear.scatter [tilespmem:s2], [sflag:$0x9], $0x1400, $0x38;
	[tilespmem:$0x1A800] =	vst v63  }
0x41: {  	s15 =	rddreg [dreg:$0x5]  }
0x42: {  	[spmem:s15] =	stream.linear.scatter [tilespmem:s2], [sflag:$0x9], $0x1400, $0x38;
	[tilespmem:$0x1A800] =	vst v63  }
0x43: {  	s16 =	rddreg [dreg:$0x6]  }
0x44: {  	[spmem:s16] =	stream.linear.scatter [tilespmem:s2], [sflag:$0x9], $0x1400, $0x38;
	[tilespmem:$0x1A800] =	vst v63  }
0x45: {  	s22 =	rddreg [dreg:$0x7]  }
0x46: {  	[spmem:s22] =	stream.linear.scatter [tilespmem:s2], [sflag:$0x9], $0x1400, $0x38;
	[tilespmem:$0x1A800] =	vst v63  }
0x47: {  	s26 =	rddreg [dreg:$0x8]  }
0x48: {  	[spmem:s26] =	stream.linear.scatter [tilespmem:s2], [sflag:$0x9], $0x1400, $0x38;
	[tilespmem:$0x1A800] =	vst v63  }
0x49: {  	s28 =	rddreg [dreg:$0x9]  }
0x4a: {  	[spmem:s28] =	stream.linear.scatter [tilespmem:s2], [sflag:$0x9], $0x1400, $0x38;
	[tilespmem:$0x1A800] =	vst v63  }
0x4b: {  	s30 =	rddreg [dreg:$0xa]  }
0x4c: {  	[spmem:s30] =	stream.linear.scatter [tilespmem:s2], [sflag:$0x9], $0x1400, $0x38;
	[tilespmem:$0x1A800] =	vst v63  }
0x4d: {  	s7 =	rddreg [dreg:$0xb]  }
0x4e: {  	[spmem:s7] =	stream.linear.scatter [tilespmem:s2], [sflag:$0x9], $0x1400, $0x38;
	[tilespmem:$0x1A800] =	vst v63  }
0x4f: {  	s15 =	rddreg [dreg:$0xc]  }
0x50: {  	[spmem:s15] =	stream.linear.scatter [tilespmem:s2], [sflag:$0x9], $0x1400, $0x38;
	[tilespmem:$0x1A800] =	vst v63  }
0x51: {  	s16 =	rddreg [dreg:$0xd]  }
0x52: {  	[spmem:s16] =	stream.linear.scatter [tilespmem:s2], [sflag:$0x9], $0x1400, $0x38;
	[tilespmem:$0x1A800] =	vst v63  }
0x53: {  	s22 =	rddreg [dreg:$0xe]  }
0x54: {  	[spmem:s22] =	stream.linear.scatter [tilespmem:s2], [sflag:$0x9], $0x1400, $0x38;
	[tilespmem:$0x1A800] =	vst v63  }
0x55: {  	s26 =	rddreg [dreg:$0xf]  }
0x56: {  	[spmem:s26] =	stream.linear.scatter [tilespmem:s2], [sflag:$0x9], $0x1400, $0x38;
	[tilespmem:$0x1A800] =	vst v63  }
0x57: {  	s28 =	rddreg [dreg:$0x10]  }
0x58: {  	[spmem:s28] =	stream.linear.scatter [tilespmem:s2], [sflag:$0x9], $0x1400, $0x38;
	[tilespmem:$0x1A800] =	vst v63  }
0x59: {  	s30 =	rddreg [dreg:$0x15]  }
0x5a: {  	[spmem:s30] =	stream.linear.scatter [tilespmem:s2], [sflag:$0x9], $0x1400, $0x38;
	[tilespmem:$0x1A800] =	vst v63  }
0x5b: {  	s7 =	rddreg [dreg:$0x16]  }
0x5c: {  	[spmem:s7] =	stream.linear.scatter [tilespmem:s2], [sflag:$0x9], $0x1400, $0x38;
	[tilespmem:$0x1A800] =	vst v63  }
0x5d: {  	s15 =	rddreg [dreg:$0x17]  }
0x5e: {  	[spmem:s15] =	stream.linear.scatter [tilespmem:s2], [sflag:$0x9], $0x1400, $0x38;
	[tilespmem:$0x1A800] =	vst v63  }
0x5f: {  	_ =	swait.ge [sflag:s8], $0x1400  }
0x60: {  	[sflag:s8] =	ssyncset.done $0x0  }
0x61: {  	[sflag:s8] =	ssyncadd.s32 $0xFFFFEC00  }
0x62: {  	_ =	swait.ge [sflag:s8], $0x1400  }
0x63: {  	[sflag:s8] =	ssyncset.done $0x0  }
0x64: {  	[sflag:s8] =	ssyncadd.s32 $0xFFFFEC00  }
0x65: {  	_ =	swait.ge [sflag:s8], $0x1400  }
0x66: {  	[sflag:s8] =	ssyncset.done $0x0  }
0x67: {  	[sflag:s8] =	ssyncadd.s32 $0xFFFFEC00  }
0x68: {  	_ =	swait.ge [sflag:s8], $0x1400  }
0x69: {  	[sflag:s8] =	ssyncset.done $0x0  }
0x6a: {  	[sflag:s8] =	ssyncadd.s32 $0xFFFFEC00  }
0x6b: {  	_ =	swait.ge [sflag:s8], $0x1400  }
0x6c: {  	[sflag:s8] =	ssyncset.done $0x0  }
0x6d: {  	[sflag:s8] =	ssyncadd.s32 $0xFFFFEC00  }
0x6e: {  	_ =	swait.ge [sflag:s8], $0x1400  }
0x6f: {  	[sflag:s8] =	ssyncset.done $0x0  }
0x70: {  	[sflag:s8] =	ssyncadd.s32 $0xFFFFEC00  }
0x71: {  	_ =	swait.ge [sflag:s8], $0x1400  }
0x72: {  	[sflag:s8] =	ssyncset.done $0x0  }
0x73: {  	[sflag:s8] =	ssyncadd.s32 $0xFFFFEC00  }
0x74: {  	_ =	swait.ge [sflag:s8], $0x1400  }
0x75: {  	[sflag:s8] =	ssyncset.done $0x0  }
0x76: {  	[sflag:s8] =	ssyncadd.s32 $0xFFFFEC00  }
0x77: {  	_ =	swait.ge [sflag:s8], $0x1400  }
0x78: {  	[sflag:s8] =	ssyncset.done $0x0  }
0x79: {  	[sflag:s8] =	ssyncadd.s32 $0xFFFFEC00  }
0x7a: {  	_ =	swait.ge [sflag:s8], $0x1400  }
0x7b: {  	[sflag:s8] =	ssyncset.done $0x0  }
0x7c: {  	[sflag:s8] =	ssyncadd.s32 $0xFFFFEC00  }
0x7d: {  	_ =	swait.ge [sflag:s8], $0x1400  }
0x7e: {  	[sflag:s8] =	ssyncset.done $0x0  }
0x7f: {  	[sflag:s8] =	ssyncadd.s32 $0xFFFFEC00  }
0x80: {  	_ =	swait.ge [sflag:s8], $0x1400  }
0x81: {  	[sflag:s8] =	ssyncset.done $0x0  }
0x82: {  	[sflag:s8] =	ssyncadd.s32 $0xFFFFEC00  }
0x83: {  	_ =	swait.ge [sflag:s8], $0x1400  }
0x84: {  	[sflag:s8] =	ssyncset.done $0x0  }
0x85: {  	[sflag:s8] =	ssyncadd.s32 $0xFFFFEC00  }
0x86: {  	_ =	swait.ge [sflag:s8], $0x1400  }
0x87: {  	[sflag:s8] =	ssyncset.done $0x0  }
0x88: {  	[sflag:s8] =	ssyncadd.s32 $0xFFFFEC00  }
0x89: {  	_ =	swait.ge [sflag:s8], $0x1400  }
0x8a: {  	[sflag:s8] =	ssyncset.done $0x0  }
0x8b: {  	[sflag:s8] =	ssyncadd.s32 $0xFFFFEC00  }
0x8c: {  	_ =	swait.ge [sflag:s8], $0x1400  }
0x8d: {  	[sflag:s8] =	ssyncset.done $0x0  }
0x8e: {  	s22 =	simm.s32 $0x0;
	s16 =	rddreg [dreg:$0x11];
	[sflag:s8] =	ssyncadd.s32 $0xFFFFEC00  }
0x8f: {  	[tilespmem:s22], [sflag:$0x5] =	stream.strided.gather [hbm4b:s16+s9], $0x100, s10, s9, $0x38;
	[tilespmem:$0x1A800] =	vst v63  }
0x90: {  	s26 =	rddreg [dreg:$0x18]  }
0x91: {  	[tilespmem:s11], [sflag:$0x6] =	stream.strided.gather [hbm4b:s26+s9], $0x100, s10, s9, $0x38;
	[tilespmem:$0x1A800] =	vst v63  }
0x92: {  	_ =	swait.ge [sflag:s12], $0x100  }
0x93: {  	[sflag:s12] =	ssyncset.done $0x0  }
0x94: {  	s28 =	simm.s32 $0x400;
	[sflag:s12] =	ssyncadd.s32 $0xFFFFFF00  }
0x95: {  	[tilespmem:s28], [sflag:$0x1] =	stream.indirect.gather [hbm4b:s0+s13], $0x80, s22, s13, $0xb8;
	[tilespmem:$0x1A800] =	vst v63  }
.Ltmp3:
0x96: {  	_ = 	snop;
	(pc) =	sbr.rel .LBB2_4-.Ltmp3, $3  }
0x97: {  	s7 =	simm.s32 $0x2C00;
	s30 =	rddreg [dreg:$0x12]  }
0x98: {  	[tilespmem:s7], [sflag:$0x3] =	stream.linear.gather [hbm4b:s30+s22], $0x1400, $0x38;
	[tilespmem:$0x1A800] =	vst v63  }
0x99: {  	[bflag:$0x0] =	sbarrier.arrive $0xFFFF;
	_ =	sdelay $0x1  }
.LBB2_18:
0x9a: {  	s22 =	sadd.s32 $0x1, s22  }
0x9b: {  	p0 =	sne.s32 s22, $0x30  }
.Ltmp4:
0x9c: {  	_ = 	snop;
	(pc) =	sbr.rel @!p0 .LBB2_19-.Ltmp4, $1  }
0x9d: {  	_ =	sdelay $0x3  }
.LBB2_4:
0x9e: {  	_ =	swait.ge [sflag:s18], $0x100;
	s15 =	smul.u32 $0x5000, s22  }
0x9f: {  	[sflag:s18] =	ssyncset.done $0x0  }
0xa0: {  	[sflag:s18] =	ssyncadd.s32 $0xFFFFFF00;
	s1 =	sadd.s32 s15, s31  }
0xa1: {  	[tilespmem:s19], [sflag:$0x2] =	stream.indirect.gather [hbm4b:s0+s13], $0x80, s11, s13, $0xb8;
	[tilespmem:$0x1A800] =	vst v63  }
0xa2: {  	s1 =	sshrl.u32 s1, $0x3  }
0xa3: {  	s1 =	sadd.s32 s5, s1  }
0xa4: {  	[tilespmem:s20], [sflag:$0x4] =	stream.linear.gather [hbm4b:s1+s4], $0x1400, $0x38;
	[tilespmem:$0x1A800] =	vst v63  }
0xa5: {  	_ =	swait.ge [sflag:s21], $0x1400  }
0xa6: {  	[sflag:s21] =	ssyncset.done $0x0  }
0xa7: {  	[sflag:s21] =	ssyncadd.s32 $0xFFFFEC00  }
0xa8: {  	_ =	swait.ge [sflag:s23], $0x1400  }
0xa9: {  	p0 =	seq.s32 s22, $0x0;
	[sflag:s23] =	ssyncset.done $0x0  }
0xaa: {  	s1 =	simm.s32 @!p0 $0x9;
	[sflag:s23] =	ssyncadd.s32 $0xFFFFEC00  }
0xab: {  	_ =	swait.ge @!p0 [sflag:s1], $0x1400  }
0xac: {  	[sflag:s1] =	ssyncset.done @!p0 $0x0  }
0xad: {  	[sflag:s1] =	ssyncadd.s32 @!p0 $0xFFFFEC00;
	s1 =	simm.s32 $0x0  }
0xae: {  	v1 =	vld [tilespmem:s1+$0x470]  }
0xaf: {  	v2 =	vld [tilespmem:s1+$0x2C70]  }
0xb0: {  	v3 =	vld [tilespmem:s1+$0x400]  }
0xb1: {  	v4 =	vld [tilespmem:s1+$0x2C00]  }
0xb2: {  	v5 =	vld [tilespmem:s1+$0x410]  }
0xb3: {  	v6 =	vld [tilespmem:s1+$0x2C10]  }
0xb4: {  	v7 =	vld [tilespmem:s1+$0x420]  }
0xb5: {  	v8 =	vld [tilespmem:s1+$0x430]  }
0xb6: {  	v1 =	vmul.f32 v2, v1;
	v2 =	vld [tilespmem:s1+$0x2C20]  }
0xb7: {  	v9 =	vld [tilespmem:s1+$0x2C30]  }
0xb8: {  	v10 =	vld [tilespmem:s1+$0x2C40];
	v3 =	vmul.f32 v4, v3  }
0xb9: {  	[tilespmem:s1+$0x5470] =	vst v1;
	v1 =	vmul.f32 v6, v5;
	v6 =	vld [tilespmem:s1+$0x440]  }
0xba: {  	v4 =	vld [tilespmem:s1+$0x2C50];
	[tilespmem:s1+$0x5400] =	vst v3  }
0xbb: {  	v3 =	vld [tilespmem:s1+$0x450];
	[tilespmem:s1+$0x5410] =	vst v1;
	v1 =	vmul.f32 v2, v7  }
0xbc: {  	v5 =	vld [tilespmem:s1+$0x2C60];
	v7 =	vmul.f32 v9, v8  }
0xbd: {  	s30 =	simm.s32 $0x80;
	[tilespmem:s1+$0x5420] =	vst v1;
	v1 =	vld [tilespmem:s1+$0x460]  }
0xbe: {  	s16 =	sshll.u32 s22, $0x2;
	s7 =	simm.s32 $0x400;
	v6 =	vmul.f32 v10, v6;
	v2 =	vld [tilespmem:s30+$0x470];
	[tilespmem:s1+$0x5430] =	vst v7  }
.LBB2_5:
0xbf: {  	p0 =	sne.s32 s7, $0x4E00;
	v7 =	vld [tilespmem:s30+$0x2C70]  }
0xc0: {  	v8 =	vld [tilespmem:s30+$0x400];
	[tilespmem:s1+$0x5440] =	vst v6;
	v3 =	vmul.f32 v4, v3  }
0xc1: {  	v4 =	vld [tilespmem:s30+$0x2C00]  }
0xc2: {  	v6 =	vld [tilespmem:s30+$0x410];
	[tilespmem:s1+$0x5450] =	vst v3;
	v1 =	vmul.f32 v5, v1  }
0xc3: {  	v3 =	vld [tilespmem:s30+$0x2C10]  }
0xc4: {  	v5 =	vld [tilespmem:s30+$0x420];
	v2 =	vmul.f32 v7, v2;
	[tilespmem:s1+$0x5460] =	vst v1;
	s1 =	smov.u32 s30  }
0xc5: {  	v1 =	vld [tilespmem:s1+$0x2C20]  }
0xc6: {  	v4 =	vmul.f32 v4, v8;
	v7 =	vld [tilespmem:s1+$0x430];
	[tilespmem:s1+$0x5470] =	vst v2  }
0xc7: {  	v2 =	vld [tilespmem:s1+$0x2C30]  }
0xc8: {  	[tilespmem:s1+$0x5400] =	vst v4;
	v3 =	vmul.f32 v3, v6;
	v6 =	vld [tilespmem:s1+$0x440]  }
0xc9: {  	v8 =	vld [tilespmem:s1+$0x2C40]  }
.Ltmp5:
0xca: {  	[tilespmem:s1+$0x5410] =	vst v3;
	v1 =	vmul.f32 v1, v5;
	v3 =	vld [tilespmem:s1+$0x450];
	(pc) =	sbr.rel @p0 .LBB2_5-.Ltmp5, $4  }
0xcb: {  	v4 =	vld [tilespmem:s1+$0x2C50]  }
0xcc: {  	[tilespmem:s1+$0x5420] =	vst v1;
	v7 =	vmul.f32 v2, v7;
	v1 =	vld [tilespmem:s1+$0x460]  }
0xcd: {  	s30 =	sshra.s32 s7, $0x2;
	v5 =	vld [tilespmem:s1+$0x2C60]  }
0xce: {  	s7 =	sadd.s32 $0x200, s7;
	v2 =	vld [tilespmem:s30+$0x470];
	[tilespmem:s1+$0x5430] =	vst v7;
	v6 =	vmul.f32 v8, v6  }
0xcf: {  	v7 =	vld [tilespmem:s30+$0x2C70]  }
0xd0: {  	v8 =	vld [tilespmem:s30+$0x400];
	[tilespmem:s1+$0x5440] =	vst v6;
	v3 =	vmul.f32 v4, v3  }
0xd1: {  	v4 =	vld [tilespmem:s30+$0x2C00]  }
0xd2: {  	v6 =	vld [tilespmem:s30+$0x410];
	[tilespmem:s1+$0x5450] =	vst v3;
	v1 =	vmul.f32 v5, v1  }
0xd3: {  	v3 =	vld [tilespmem:s30+$0x2C10]  }
0xd4: {  	v5 =	vld [tilespmem:s30+$0x420];
	[tilespmem:s1+$0x5460] =	vst v1  }
0xd5: {  	v1 =	vmul.f32 v7, v2;
	v2 =	vld [tilespmem:s30+$0x2C20]  }
0xd6: {  	v7 =	vld [tilespmem:s30+$0x430]  }
0xd7: {  	v4 =	vmul.f32 v4, v8;
	[tilespmem:s30+$0x5470] =	vst v1;
	v1 =	vld [tilespmem:s30+$0x2C30]  }
0xd8: {  	v8 =	vld [tilespmem:s30+$0x2C60]  }
0xd9: {  	[tilespmem:s30+$0x5400] =	vst v4;
	v3 =	vmul.f32 v3, v6;
	v4 =	vld [tilespmem:s30+$0x440]  }
0xda: {  	v6 =	vld [tilespmem:s30+$0x2C40]  }
0xdb: {  	[tilespmem:s30+$0x5410] =	vst v3;
	v2 =	vmul.f32 v2, v5;
	v3 =	vld [tilespmem:s30+$0x450]  }
0xdc: {  	v5 =	vld [tilespmem:s30+$0x2C50]  }
0xdd: {  	[tilespmem:s30+$0x5420] =	vst v2;
	v2 =	vld [tilespmem:s30+$0x460]  }
0xde: {  	s1 =	sor.u32 $0x2, s16  }
0xdf: {  	p0 =	sgt.u32 s1, $0xBD;
	v1 =	vmul.f32 v1, v7  }
0xe0: {  	s7 =	sshll.u32 @!p0 s22, $0x9;
	v4 =	vmul.f32 v6, v4  }
0xe1: {  	s26 =	sshll.u32 @!p0 s1, $0x7;
	s7 =	sand.u32 @!p0 $0x7C00, s7;
	[tilespmem:s30+$0x5430] =	vst v1;
	v1 =	vmul.f32 v5, v3  }
0xe2: {  	s26 =	sand.u32 @!p0 $0x300, s26;
	s7 =	sadd.s32 @!p0 s14, s7;
	[tilespmem:s30+$0x5440] =	vst v4;
	v2 =	vmul.f32 v8, v2  }
0xe3: {  	s7 =	sor.u32 @!p0 s7, s26;
	[tilespmem:s30+$0x5450] =	vst v1  }
0xe4: {  	s28 =	simm.s32 @!p0 $0x200;
	s7 =	sshrl.u32 @!p0 s7, $0x3;
	[tilespmem:s30+$0x5460] =	vst v2  }
0xe5: {  	[spmem:s3] =	stream.indirect.scatter.add.f32 [tilespmem:s2], [sflag:$0x9], $0x80, s9, s13, $0xb8;
	[tilespmem:$0x1A800] =	vst v63  }
0xe6: {  	s26 =	simm.s32 @!p0 $0x80;
	s7 =	sadd.s32 @!p0 s6, s7;
	s30 =	simm.s32 @!p0 $0xC0000  }
0xe7: {  	[tilespmem:s28], [sflag:$0x7] =	stream.strided.gather @!p0 [hbm4b:s7+s26], $0x100, s30, s26, $0x38;
	[tilespmem:$0x1A800] =	vst v63  }
0xe8: {  	s7 =	simm.s32 @!p0 $0x7  }
0xe9: {  	_ =	swait.ge @!p0 [sflag:s7], $0x100  }
0xea: {  	s26 =	simm.s32 @!p0 $0x400;
	[sflag:s7] =	ssyncset.done @!p0 $0x0  }
0xeb: {  	s30 =	smul.u32 @!p0 $0x1400, s1;
	[sflag:s7] =	ssyncadd.s32 @!p0 $0xFFFFFF00;
	s7 =	simm.s32 @!p0 $0x28  }
0xec: {  	[tilespmem:s26], [sflag:$0x1] =	stream.indirect.gather @!p0 [hbm4b:s0+s7], $0x80, s28, s7, $0xb8;
	[tilespmem:$0x1A800] =	vst v63  }
0xed: {  	s7 =	sadd.s32 @!p0 s17, s30  }
0xee: {  	s7 =	sshrl.u32 @!p0 s7, $0x3  }
0xef: {  	s26 =	simm.s32 @!p0 $0x0;
	s28 =	simm.s32 @!p0 $0x2C00;
	s7 =	sadd.s32 @!p0 s5, s7  }
0xf0: {  	[tilespmem:s28], [sflag:$0x3] =	stream.linear.gather @!p0 [hbm4b:s7+s26], $0x1400, $0x38;
	[tilespmem:$0x1A800] =	vst v63  }
0xf1: {  	_ =	swait.ge [sflag:s24], $0x1400  }
0xf2: {  	[sflag:s24] =	ssyncset.done $0x0  }
0xf3: {  	[sflag:s24] =	ssyncadd.s32 $0xFFFFEC00  }
0xf4: {  	_ =	swait.ge [sflag:s25], $0x1400  }
0xf5: {  	[sflag:s25] =	ssyncset.done $0x0  }
0xf6: {  	[sflag:s25] =	ssyncadd.s32 $0xFFFFEC00  }
0xf7: {  	_ =	swait.ge [sflag:s8], $0x1400  }
0xf8: {  	[sflag:s8] =	ssyncset.done $0x0  }
0xf9: {  	s30 =	simm.s32 $0x0;
	[sflag:s8] =	ssyncadd.s32 $0xFFFFEC00  }
0xfa: {  	v1 =	vld [tilespmem:s30+$0x1870]  }
0xfb: {  	v2 =	vld [tilespmem:s30+$0x4070]  }
0xfc: {  	v3 =	vld [tilespmem:s30+$0x1800]  }
0xfd: {  	v4 =	vld [tilespmem:s30+$0x4000]  }
0xfe: {  	v5 =	vld [tilespmem:s30+$0x1810]  }
0xff: {  	v6 =	vld [tilespmem:s30+$0x4010]  }
0x100: {  	v7 =	vld [tilespmem:s30+$0x1820]  }
0x101: {  	v8 =	vld [tilespmem:s30+$0x1830]  }
0x102: {  	v1 =	vmul.f32 v2, v1;
	v2 =	vld [tilespmem:s30+$0x4020]  }
0x103: {  	v9 =	vld [tilespmem:s30+$0x4030]  }
0x104: {  	v10 =	vld [tilespmem:s30+$0x4040];
	v3 =	vmul.f32 v4, v3  }
0x105: {  	[tilespmem:s30+$0x5470] =	vst v1;
	v1 =	vmul.f32 v6, v5;
	v6 =	vld [tilespmem:s30+$0x1840]  }
0x106: {  	v4 =	vld [tilespmem:s30+$0x4050];
	[tilespmem:s30+$0x5400] =	vst v3  }
0x107: {  	v3 =	vld [tilespmem:s30+$0x1850];
	[tilespmem:s30+$0x5410] =	vst v1;
	v1 =	vmul.f32 v2, v7  }
0x108: {  	v5 =	vld [tilespmem:s30+$0x4060];
	v7 =	vmul.f32 v9, v8  }
0x109: {  	s7 =	simm.s32 $0x80;
	[tilespmem:s30+$0x5420] =	vst v1;
	v1 =	vld [tilespmem:s30+$0x1860]  }
0x10a: {  	s26 =	simm.s32 $0x400;
	v6 =	vmul.f32 v10, v6;
	v2 =	vld [tilespmem:s7+$0x1870];
	[tilespmem:s30+$0x5430] =	vst v7  }
.LBB2_7:
0x10b: {  	p1 =	sne.s32 s26, $0x4E00;
	v7 =	vld [tilespmem:s7+$0x4070]  }
0x10c: {  	v8 =	vld [tilespmem:s7+$0x1800];
	[tilespmem:s30+$0x5440] =	vst v6;
	v3 =	vmul.f32 v4, v3  }
0x10d: {  	v4 =	vld [tilespmem:s7+$0x4000]  }
0x10e: {  	v6 =	vld [tilespmem:s7+$0x1810];
	[tilespmem:s30+$0x5450] =	vst v3;
	v1 =	vmul.f32 v5, v1  }
0x10f: {  	v3 =	vld [tilespmem:s7+$0x4010]  }
0x110: {  	v5 =	vld [tilespmem:s7+$0x1820];
	v2 =	vmul.f32 v7, v2;
	[tilespmem:s30+$0x5460] =	vst v1;
	s30 =	smov.u32 s7  }
0x111: {  	v1 =	vld [tilespmem:s30+$0x4020]  }
0x112: {  	v4 =	vmul.f32 v4, v8;
	v7 =	vld [tilespmem:s30+$0x1830];
	[tilespmem:s30+$0x5470] =	vst v2  }
0x113: {  	v2 =	vld [tilespmem:s30+$0x4030]  }
0x114: {  	[tilespmem:s30+$0x5400] =	vst v4;
	v3 =	vmul.f32 v3, v6;
	v6 =	vld [tilespmem:s30+$0x1840]  }
0x115: {  	v8 =	vld [tilespmem:s30+$0x4040]  }
.Ltmp6:
0x116: {  	[tilespmem:s30+$0x5410] =	vst v3;
	v1 =	vmul.f32 v1, v5;
	v3 =	vld [tilespmem:s30+$0x1850];
	(pc) =	sbr.rel @p1 .LBB2_7-.Ltmp6, $4  }
0x117: {  	v4 =	vld [tilespmem:s30+$0x4050]  }
0x118: {  	[tilespmem:s30+$0x5420] =	vst v1;
	v7 =	vmul.f32 v2, v7;
	v1 =	vld [tilespmem:s30+$0x1860]  }
0x119: {  	s7 =	sshra.s32 s26, $0x2;
	v5 =	vld [tilespmem:s30+$0x4060]  }
0x11a: {  	s26 =	sadd.s32 $0x200, s26;
	v2 =	vld [tilespmem:s7+$0x1870];
	[tilespmem:s30+$0x5430] =	vst v7;
	v6 =	vmul.f32 v8, v6  }
0x11b: {  	v7 =	vld [tilespmem:s7+$0x4070]  }
0x11c: {  	v8 =	vld [tilespmem:s7+$0x1800];
	[tilespmem:s30+$0x5440] =	vst v6;
	v3 =	vmul.f32 v4, v3  }
0x11d: {  	v57 =	vld [tilespmem:s7+$0x4000]  }
0x11e: {  	v6 =	vld [tilespmem:s7+$0x1810];
	[tilespmem:s30+$0x5450] =	vst v3;
	v1 =	vmul.f32 v5, v1  }
0x11f: {  	v3 =	vld [tilespmem:s7+$0x4010]  }
0x120: {  	v58 =	vld [tilespmem:s7+$0x1820];
	[tilespmem:s30+$0x5460] =	vst v1  }
0x121: {  	v1 =	vmul.f32 v7, v2;
	v2 =	vld [tilespmem:s7+$0x4020]  }
0x122: {  	v59 =	vld [tilespmem:s7+$0x1830]  }
0x123: {  	v60 =	vld [tilespmem:s7+$0x1840]  }
0x124: {  	v61 =	vld [tilespmem:s7+$0x4040]  }
0x125: {  	v62 =	vld [tilespmem:s7+$0x4050]  }
0x126: {  	[tilespmem:s7+$0x5470] =	vst v1;
	v1 =	vld [tilespmem:s7+$0x4030];
	v3 =	vmul.f32 v3, v6  }
0x127: {  	v63 =	vld [tilespmem:s7+$0x4060];
	v2 =	vmul.f32 v2, v58  }
0x128: {  	[tilespmem:s7+$0x5410] =	vst v3;
	v3 =	vld [tilespmem:s7+$0x1850]  }
0x129: {  	[tilespmem:s7+$0x5420] =	vst v2;
	v2 =	vld [tilespmem:s7+$0x1860]  }
0x12a: {  	v4 =	vmul.f32 v57, v8  }
0x12b: {  	v1 =	vmul.f32 v1, v59  }
0x12c: {  	[tilespmem:s7+$0x5400] =	vst v4;
	v4 =	vmul.f32 v61, v60  }
0x12d: {  	[tilespmem:s7+$0x5430] =	vst v1;
	v1 =	vmul.f32 v62, v3  }
0x12e: {  	[tilespmem:s7+$0x5440] =	vst v4;
	v2 =	vmul.f32 v63, v2  }
0x12f: {  	[tilespmem:s7+$0x5450] =	vst v1  }
0x130: {  	[tilespmem:s7+$0x5460] =	vst v2;
	s7 =	sor.u32 $0x3, s16  }
0x131: {  	p1 =	slt.u32 s7, $0xBE  }
.Ltmp7:
0x132: {  	_ = 	snop;
	(pc) =	sbr.rel @!p1 .LBB2_9-.Ltmp7, $3  }
0x133: {  	_ =	sdelay $0x1  }
0x134: {  	s30 =	simm.s32 $0x180;
	s16 =	sshll.u32 s22, $0x9  }
0x135: {  	[spmem:s3] =	stream.indirect.scatter.add.f32 [tilespmem:s2], [sflag:$0x9], $0x80, s30, s13, $0xb8;
	[tilespmem:$0x1A800] =	vst v63  }
0x136: {  	s1 =	sand.u32 $0x7C00, s16;
	s26 =	sshll.u32 s7, $0x7  }
0x137: {  	s1 =	sadd.s32 s14, s1;
	s26 =	sand.u32 $0x380, s26  }
0x138: {  	s1 =	sor.u32 s1, s26  }
0x139: {  	s1 =	sshrl.u32 s1, $0x3  }
0x13a: {  	s28 =	simm.s32 $0x300;
	s30 =	smul.u32 $0x1400, s7;
	s1 =	sadd.s32 s6, s1  }
0x13b: {  	[tilespmem:s28], [sflag:$0x8] =	stream.strided.gather [hbm4b:s1+s9], $0x100, s10, s9, $0x38;
	[tilespmem:$0x1A800] =	vst v63  }
0x13c: {  	_ =	swait.ge [sflag:s29], $0x100  }
.Ltmp8:
0x13d: {  	s1 =	sadd.s32 s17, s30;
	[sflag:s29] =	ssyncset.done $0x0;
	(pc) =	sbr.rel .LBB2_11-.Ltmp8, $4  }
0x13e: {  	s1 =	sshrl.u32 s1, $0x3;
	[sflag:s29] =	ssyncadd.s32 $0xFFFFFF00  }
0x13f: {  	[tilespmem:s19], [sflag:$0x2] =	stream.indirect.gather [hbm4b:s0+s13], $0x80, s28, s13, $0xb8;
	[tilespmem:$0x1A800] =	vst v63  }
0x140: {  	s1 =	sadd.s32 s5, s1  }
0x141: {  	[tilespmem:s20], [sflag:$0x4] =	stream.linear.gather [hbm4b:s1+s4], $0x1400, $0x38;
	[tilespmem:$0x1A800] =	vst v63  }
.LBB2_9:
0x142: {  	p1 =	slt.u32 s1, $0xBE  }
.Ltmp9:
0x143: {  	_ = 	snop;
	(pc) =	sbr.rel @!p1 .LBB2_18-.Ltmp9, $1  }
0x144: {  	_ =	sdelay $0x3  }
.LBB2_11:
0x145: {  	_ =	swait.ge [sflag:s21], $0x1400  }
0x146: {  	[sflag:s21] =	ssyncset.done $0x0  }
0x147: {  	[sflag:s21] =	ssyncadd.s32 $0xFFFFEC00  }
0x148: {  	_ =	swait.ge [sflag:s23], $0x1400  }
0x149: {  	[sflag:s23] =	ssyncset.done $0x0  }
0x14a: {  	[sflag:s23] =	ssyncadd.s32 $0xFFFFEC00  }
0x14b: {  	_ =	swait.ge [sflag:s8], $0x1400  }
0x14c: {  	[sflag:s8] =	ssyncset.done $0x0  }
0x14d: {  	s1 =	simm.s32 $0x0;
	[sflag:s8] =	ssyncadd.s32 $0xFFFFEC00  }
0x14e: {  	v1 =	vld [tilespmem:s1+$0x470]  }
0x14f: {  	v2 =	vld [tilespmem:s1+$0x2C70]  }
0x150: {  	v3 =	vld [tilespmem:s1+$0x400]  }
0x151: {  	v4 =	vld [tilespmem:s1+$0x2C00]  }
0x152: {  	v5 =	vld [tilespmem:s1+$0x410]  }
0x153: {  	v6 =	vld [tilespmem:s1+$0x2C10]  }
0x154: {  	v7 =	vld [tilespmem:s1+$0x420]  }
0x155: {  	v8 =	vld [tilespmem:s1+$0x430]  }
0x156: {  	v1 =	vmul.f32 v2, v1;
	v2 =	vld [tilespmem:s1+$0x2C20]  }
0x157: {  	v9 =	vld [tilespmem:s1+$0x2C30]  }
0x158: {  	v10 =	vld [tilespmem:s1+$0x2C40];
	v3 =	vmul.f32 v4, v3  }
0x159: {  	[tilespmem:s1+$0x5470] =	vst v1;
	v1 =	vmul.f32 v6, v5;
	v6 =	vld [tilespmem:s1+$0x440]  }
0x15a: {  	v4 =	vld [tilespmem:s1+$0x2C50];
	[tilespmem:s1+$0x5400] =	vst v3  }
0x15b: {  	v3 =	vld [tilespmem:s1+$0x450];
	[tilespmem:s1+$0x5410] =	vst v1;
	v1 =	vmul.f32 v2, v7  }
0x15c: {  	v5 =	vld [tilespmem:s1+$0x2C60];
	v7 =	vmul.f32 v9, v8  }
0x15d: {  	s7 =	simm.s32 $0x80;
	[tilespmem:s1+$0x5420] =	vst v1;
	v1 =	vld [tilespmem:s1+$0x460]  }
0x15e: {  	s26 =	simm.s32 $0x400;
	v6 =	vmul.f32 v10, v6;
	v2 =	vld [tilespmem:s7+$0x470];
	[tilespmem:s1+$0x5430] =	vst v7  }
.LBB2_12:
0x15f: {  	p1 =	sne.s32 s26, $0x4E00;
	v7 =	vld [tilespmem:s7+$0x2C70]  }
0x160: {  	v8 =	vld [tilespmem:s7+$0x400];
	[tilespmem:s1+$0x5440] =	vst v6;
	v3 =	vmul.f32 v4, v3  }
0x161: {  	v4 =	vld [tilespmem:s7+$0x2C00]  }
0x162: {  	v6 =	vld [tilespmem:s7+$0x410];
	[tilespmem:s1+$0x5450] =	vst v3;
	v1 =	vmul.f32 v5, v1  }
0x163: {  	v3 =	vld [tilespmem:s7+$0x2C10]  }
0x164: {  	v5 =	vld [tilespmem:s7+$0x420];
	v2 =	vmul.f32 v7, v2;
	[tilespmem:s1+$0x5460] =	vst v1;
	s1 =	smov.u32 s7  }
0x165: {  	v1 =	vld [tilespmem:s1+$0x2C20]  }
0x166: {  	v4 =	vmul.f32 v4, v8;
	v7 =	vld [tilespmem:s1+$0x430];
	[tilespmem:s1+$0x5470] =	vst v2  }
0x167: {  	v2 =	vld [tilespmem:s1+$0x2C30]  }
0x168: {  	[tilespmem:s1+$0x5400] =	vst v4;
	v3 =	vmul.f32 v3, v6;
	v6 =	vld [tilespmem:s1+$0x440]  }
0x169: {  	v8 =	vld [tilespmem:s1+$0x2C40]  }
.Ltmp10:
0x16a: {  	[tilespmem:s1+$0x5410] =	vst v3;
	v1 =	vmul.f32 v1, v5;
	v3 =	vld [tilespmem:s1+$0x450];
	(pc) =	sbr.rel @p1 .LBB2_12-.Ltmp10, $4  }
0x16b: {  	v4 =	vld [tilespmem:s1+$0x2C50]  }
0x16c: {  	[tilespmem:s1+$0x5420] =	vst v1;
	v7 =	vmul.f32 v2, v7;
	v1 =	vld [tilespmem:s1+$0x460]  }
0x16d: {  	s7 =	sshra.s32 s26, $0x2;
	v5 =	vld [tilespmem:s1+$0x2C60]  }
0x16e: {  	s26 =	sadd.s32 $0x200, s26;
	v2 =	vld [tilespmem:s7+$0x470];
	[tilespmem:s1+$0x5430] =	vst v7;
	v6 =	vmul.f32 v8, v6  }
0x16f: {  	v7 =	vld [tilespmem:s7+$0x2C70]  }
0x170: {  	v8 =	vld [tilespmem:s7+$0x400];
	[tilespmem:s1+$0x5440] =	vst v6;
	v3 =	vmul.f32 v4, v3  }
0x171: {  	v57 =	vld [tilespmem:s7+$0x2C00]  }
0x172: {  	v6 =	vld [tilespmem:s7+$0x410];
	[tilespmem:s1+$0x5450] =	vst v3;
	v1 =	vmul.f32 v5, v1  }
0x173: {  	v3 =	vld [tilespmem:s7+$0x2C10]  }
0x174: {  	v58 =	vld [tilespmem:s7+$0x420];
	[tilespmem:s1+$0x5460] =	vst v1  }
0x175: {  	v1 =	vmul.f32 v7, v2;
	v2 =	vld [tilespmem:s7+$0x2C20]  }
0x176: {  	v59 =	vld [tilespmem:s7+$0x430]  }
0x177: {  	v60 =	vld [tilespmem:s7+$0x440]  }
0x178: {  	v61 =	vld [tilespmem:s7+$0x2C40]  }
0x179: {  	v62 =	vld [tilespmem:s7+$0x2C50]  }
0x17a: {  	[tilespmem:s7+$0x5470] =	vst v1;
	v1 =	vld [tilespmem:s7+$0x2C30];
	v3 =	vmul.f32 v3, v6  }
0x17b: {  	v63 =	vld [tilespmem:s7+$0x2C60];
	v2 =	vmul.f32 v2, v58  }
0x17c: {  	[tilespmem:s7+$0x5410] =	vst v3;
	v3 =	vld [tilespmem:s7+$0x450]  }
0x17d: {  	[tilespmem:s7+$0x5420] =	vst v2;
	v2 =	vld [tilespmem:s7+$0x460]  }
0x17e: {  	v4 =	vmul.f32 v57, v8  }
0x17f: {  	v1 =	vmul.f32 v1, v59  }
0x180: {  	p1 =	seq.s32 s22, $0x2F;
	[tilespmem:s7+$0x5400] =	vst v4;
	v4 =	vmul.f32 v61, v60  }
.Ltmp11:
0x181: {  	[tilespmem:s7+$0x5430] =	vst v1;
	v1 =	vmul.f32 v62, v3;
	(pc) =	sbr.rel @p1 .LBB2_19-.Ltmp11, $4  }
0x182: {  	[tilespmem:s7+$0x5440] =	vst v4;
	v2 =	vmul.f32 v63, v2  }
0x183: {  	[tilespmem:s7+$0x5450] =	vst v1  }
0x184: {  	s30 =	simm.s32 $0x280;
	[tilespmem:s7+$0x5460] =	vst v2  }
0x185: {  	[spmem:s3] =	stream.indirect.scatter.add.f32 [tilespmem:s2], [sflag:$0x9], $0x80, s30, s13, $0xb8;
	[tilespmem:$0x1A800] =	vst v63  }
0x186: {  	s1 =	sadd.s32 $0x200, s16  }
0x187: {  	s7 =	sand.u32 $0xFC00, s1  }
.Ltmp12:
0x188: {  	s1 =	sand.u32 $0x200, s1;
	s7 =	sadd.s32 s14, s7;
	(pc) =	sbr.rel @p0 .LBB2_18-.Ltmp12, $4  }
0x189: {  	s1 =	sor.u32 s1, s7  }
0x18a: {  	s1 =	sshrl.u32 s1, $0x3  }
0x18b: {  	s1 =	sadd.s32 s6, s1  }
0x18c: {  	[tilespmem:s4], [sflag:$0x5] =	stream.strided.gather [hbm4b:s1+s9], $0x100, s10, s9, $0x38;
	[tilespmem:$0x1A800] =	vst v63  }
0x18d: {  	_ =	swait.ge [sflag:s12], $0x100  }
0x18e: {  	s1 =	simm.s32 $0x0;
	[sflag:s12] =	ssyncset.done $0x0  }
0x18f: {  	s7 =	simm.s32 $0x400;
	s28 =	rddreg [dreg:$0x19];
	[sflag:s12] =	ssyncadd.s32 $0xFFFFFF00  }
0x190: {  	[tilespmem:s7], [sflag:$0x1] =	stream.indirect.gather [hbm4b:s0+s13], $0x80, s1, s13, $0xb8;
	[tilespmem:$0x1A800] =	vst v63  }
0x191: {  	s7 =	sadd.s32 s15, s28  }
0x192: {  	s7 =	sshrl.u32 s7, $0x3  }
0x193: {  	s30 =	simm.s32 $0x2C00;
	s7 =	sadd.s32 s5, s7  }
0x194: {  	[tilespmem:s30], [sflag:$0x3] =	stream.linear.gather [hbm4b:s7+s1], $0x1400, $0x38;
	[tilespmem:$0x1A800] =	vst v63  }
0x195: {  	_ =	swait.ge [sflag:s24], $0x1400  }
0x196: {  	[sflag:s24] =	ssyncset.done $0x0  }
0x197: {  	[sflag:s24] =	ssyncadd.s32 $0xFFFFEC00  }
0x198: {  	_ =	swait.ge [sflag:s25], $0x1400  }
0x199: {  	[sflag:s25] =	ssyncset.done $0x0  }
0x19a: {  	[sflag:s25] =	ssyncadd.s32 $0xFFFFEC00  }
0x19b: {  	_ =	swait.ge [sflag:s8], $0x1400  }
0x19c: {  	[sflag:s8] =	ssyncset.done $0x0  }
0x19d: {  	s1 =	simm.s32 $0x0;
	[sflag:s8] =	ssyncadd.s32 $0xFFFFEC00  }
0x19e: {  	v1 =	vld [tilespmem:s1+$0x1870]  }
0x19f: {  	v2 =	vld [tilespmem:s1+$0x4070]  }
0x1a0: {  	v3 =	vld [tilespmem:s1+$0x1800]  }
0x1a1: {  	v4 =	vld [tilespmem:s1+$0x4000]  }
0x1a2: {  	v5 =	vld [tilespmem:s1+$0x1810]  }
0x1a3: {  	v6 =	vld [tilespmem:s1+$0x4010]  }
0x1a4: {  	v7 =	vld [tilespmem:s1+$0x1820]  }
0x1a5: {  	v8 =	vld [tilespmem:s1+$0x1830]  }
0x1a6: {  	v1 =	vmul.f32 v2, v1;
	v2 =	vld [tilespmem:s1+$0x4020]  }
0x1a7: {  	v9 =	vld [tilespmem:s1+$0x4030]  }
0x1a8: {  	v10 =	vld [tilespmem:s1+$0x4040];
	v3 =	vmul.f32 v4, v3  }
0x1a9: {  	[tilespmem:s1+$0x5470] =	vst v1;
	v1 =	vmul.f32 v6, v5;
	v6 =	vld [tilespmem:s1+$0x1840]  }
0x1aa: {  	v4 =	vld [tilespmem:s1+$0x4050];
	[tilespmem:s1+$0x5400] =	vst v3  }
0x1ab: {  	v3 =	vld [tilespmem:s1+$0x1850];
	[tilespmem:s1+$0x5410] =	vst v1;
	v1 =	vmul.f32 v2, v7  }
0x1ac: {  	v5 =	vld [tilespmem:s1+$0x4060];
	v7 =	vmul.f32 v9, v8  }
0x1ad: {  	s7 =	simm.s32 $0x80;
	[tilespmem:s1+$0x5420] =	vst v1;
	v1 =	vld [tilespmem:s1+$0x1860]  }
0x1ae: {  	s15 =	simm.s32 $0x400;
	v6 =	vmul.f32 v10, v6;
	v2 =	vld [tilespmem:s7+$0x1870];
	[tilespmem:s1+$0x5430] =	vst v7  }
.LBB2_16:
0x1af: {  	p0 =	sne.s32 s15, $0x4E00;
	v7 =	vld [tilespmem:s7+$0x4070]  }
0x1b0: {  	v8 =	vld [tilespmem:s7+$0x1800];
	[tilespmem:s1+$0x5440] =	vst v6;
	v3 =	vmul.f32 v4, v3  }
0x1b1: {  	v4 =	vld [tilespmem:s7+$0x4000]  }
0x1b2: {  	v6 =	vld [tilespmem:s7+$0x1810];
	[tilespmem:s1+$0x5450] =	vst v3;
	v1 =	vmul.f32 v5, v1  }
0x1b3: {  	v3 =	vld [tilespmem:s7+$0x4010]  }
0x1b4: {  	v5 =	vld [tilespmem:s7+$0x1820];
	v2 =	vmul.f32 v7, v2;
	[tilespmem:s1+$0x5460] =	vst v1;
	s1 =	smov.u32 s7  }
0x1b5: {  	v1 =	vld [tilespmem:s1+$0x4020]  }
0x1b6: {  	v4 =	vmul.f32 v4, v8;
	v7 =	vld [tilespmem:s1+$0x1830];
	[tilespmem:s1+$0x5470] =	vst v2  }
0x1b7: {  	v2 =	vld [tilespmem:s1+$0x4030]  }
0x1b8: {  	[tilespmem:s1+$0x5400] =	vst v4;
	v3 =	vmul.f32 v3, v6;
	v6 =	vld [tilespmem:s1+$0x1840]  }
0x1b9: {  	v8 =	vld [tilespmem:s1+$0x4040]  }
.Ltmp13:
0x1ba: {  	[tilespmem:s1+$0x5410] =	vst v3;
	v1 =	vmul.f32 v1, v5;
	v3 =	vld [tilespmem:s1+$0x1850];
	(pc) =	sbr.rel @p0 .LBB2_16-.Ltmp13, $4  }
0x1bb: {  	v4 =	vld [tilespmem:s1+$0x4050]  }
0x1bc: {  	[tilespmem:s1+$0x5420] =	vst v1;
	v7 =	vmul.f32 v2, v7;
	v1 =	vld [tilespmem:s1+$0x1860]  }
0x1bd: {  	s7 =	sshra.s32 s15, $0x2;
	v5 =	vld [tilespmem:s1+$0x4060]  }
0x1be: {  	s15 =	sadd.s32 $0x200, s15;
	v2 =	vld [tilespmem:s7+$0x1870];
	[tilespmem:s1+$0x5430] =	vst v7;
	v6 =	vmul.f32 v8, v6  }
0x1bf: {  	v7 =	vld [tilespmem:s7+$0x4070]  }
0x1c0: {  	v8 =	vld [tilespmem:s7+$0x1800];
	[tilespmem:s1+$0x5440] =	vst v6;
	v3 =	vmul.f32 v4, v3  }
0x1c1: {  	v57 =	vld [tilespmem:s7+$0x4000]  }
0x1c2: {  	v6 =	vld [tilespmem:s7+$0x1810];
	[tilespmem:s1+$0x5450] =	vst v3;
	v1 =	vmul.f32 v5, v1  }
0x1c3: {  	v3 =	vld [tilespmem:s7+$0x4010]  }
0x1c4: {  	v58 =	vld [tilespmem:s7+$0x1820];
	[tilespmem:s1+$0x5460] =	vst v1  }
0x1c5: {  	v1 =	vmul.f32 v7, v2;
	v2 =	vld [tilespmem:s7+$0x4020]  }
0x1c6: {  	v59 =	vld [tilespmem:s7+$0x1830]  }
0x1c7: {  	v60 =	vld [tilespmem:s7+$0x1840]  }
0x1c8: {  	v61 =	vld [tilespmem:s7+$0x4040]  }
0x1c9: {  	v62 =	vld [tilespmem:s7+$0x4050]  }
0x1ca: {  	[tilespmem:s7+$0x5470] =	vst v1;
	v1 =	vld [tilespmem:s7+$0x4030];
	v3 =	vmul.f32 v3, v6  }
0x1cb: {  	v63 =	vld [tilespmem:s7+$0x4060];
	v2 =	vmul.f32 v2, v58  }
0x1cc: {  	[tilespmem:s7+$0x5410] =	vst v3;
	v3 =	vld [tilespmem:s7+$0x1850]  }
0x1cd: {  	[tilespmem:s7+$0x5420] =	vst v2;
	v2 =	vld [tilespmem:s7+$0x1860]  }
0x1ce: {  	v4 =	vmul.f32 v57, v8  }
0x1cf: {  	v1 =	vmul.f32 v1, v59  }
0x1d0: {  	[tilespmem:s7+$0x5400] =	vst v4;
	v4 =	vmul.f32 v61, v60  }
0x1d1: {  	[tilespmem:s7+$0x5430] =	vst v1;
	v1 =	vmul.f32 v62, v3  }
0x1d2: {  	[tilespmem:s7+$0x5440] =	vst v4;
	v2 =	vmul.f32 v63, v2  }
0x1d3: {  	s28 =	sadd.s32 $0x280, s16;
	[tilespmem:s7+$0x5450] =	vst v1  }
0x1d4: {  	s26 =	simm.s32 $0x380;
	s30 =	sand.u32 $0xFC00, s28;
	[tilespmem:s7+$0x5460] =	vst v2  }
0x1d5: {  	[spmem:s3] =	stream.indirect.scatter.add.f32 [tilespmem:s2], [sflag:$0x9], $0x80, s26, s13, $0xb8;
	[tilespmem:$0x1A800] =	vst v63  }
.Ltmp14:
0x1d6: {  	s1 =	sand.u32 $0x280, s28;
	s7 =	sadd.s32 s14, s30;
	(pc) =	sbr.rel .LBB2_18-.Ltmp14, $4  }
0x1d7: {  	s1 =	sor.u32 s1, s7  }
0x1d8: {  	s1 =	sshrl.u32 s1, $0x3  }
0x1d9: {  	s1 =	sadd.s32 s6, s1  }
0x1da: {  	[tilespmem:s11], [sflag:$0x6] =	stream.strided.gather [hbm4b:s1+s9], $0x100, s10, s9, $0x38;
	[tilespmem:$0x1A800] =	vst v63  }
.LBB2_20:
0x1db: {  	_ =	sfence.sel $0x180000  }
0x1dc: {  	[bflag:$0x0] =	sbarrier.arrive $0xFFFF  }
0x1dd: {  	_ =	strace $0x9000004A  }
0x1de: {  	s0 =	stileid.u32;
	[bflag:$0x2] =	sbarrier.arrive $0xFFFF  }
0x1df: {  	p0 =	sne.s32 s0, $0x0;
	s0 =	rddreg [dreg:$0x3]  }
0x1e0: {  	s0 =	sadd.s32 @!p0 $0x100000, s0  }
0x1e1: {  	[sflag:s0] =	ssyncadd.tile.s32 @!p0 $0x1;
	_ =	shalt  }
.Lfunc_end2:
_tile_overlayer_lowered:
.L_overlay_start_2:
0x1e2: {  	(tag) =	ssettag $0x2  }
0x1e3: {  	s0 =	rddreg [dreg:$0x0];
	s2 =	stileid.u32  }
0x1e4: {  	s1 =	rddreg [dreg:$0x1];
	p0 =	sne.s32 s2, $0x0  }
0x1e5: {  	s3 =	rddreg [dreg:$0x2];
	[bflag:$0x3] =	sbarrier.arrive $0xFFFF;
	s2 =	simm.s32 @!p0 $0x1C0A  }
0x1e6: {  	[timem:s3], [sflag:s2] =	dma.local @!p0 [hbm:s0], s1  }
0x1e7: {  	s0 =	simm.s32 @!p0 $0xA  }
0x1e8: {  	_ =	swait.ge @!p0 [sflag:s0], s1  }
0x1e9: {  	s1 =	ssub.s32 @!p0 $0x0, s1;
	[sflag:s0] =	ssyncset.done @!p0 $0x0  }
0x1ea: {  	[sflag:s0] =	ssyncadd.s32 @!p0 s1  }
0x1eb: {  	[bflag:$0x3] =	sbarrier.arrive $0xFFFF  }
0x1ec: {  	_ =	shalt  }

// kernel: kernel.7.cloned.1.call-start
scs
__scs_entry_jumppad:
0x0: {  	(pc) =	sbr.rel $0x88, $3  }
0x1: {  	(tag) =	ssettag $0x0;
	lr =	simm.s32 $0x1  }
0x2: {  	[smem:$0x3F98] =	sst lr;
	_ =	strace $0xD0000000  }
0x3: {  	_ = 	snop  }
0x4: {  	_ = 	snop  }
0x5: {  	_ = 	snop  }
0x6: {  	_ = 	snop  }
0x7: {  	_ = 	snop  }
__scs_overlays_trampoline_lowered:
0x8: {  	[smem:$0x3FA7] =	sst s0  }
0x9: {  	[smem:$0x3FA8] =	sst s1  }
0xa: {  	[smem:$0x3FA9] =	sst s2  }
0xb: {  	[smem:$0x3FAA] =	sst s3  }
0xc: {  	[smem:$0x3FAB] =	sst s4  }
0xd: {  	[smem:$0x3FAC] =	sst s5  }
0xe: {  	[smem:$0x3FAD] =	sst s6  }
0xf: {  	[smem:$0x3FAE] =	sst s7  }
0x10: {  	[smem:$0x3FAF] =	sst s8  }
0x11: {  	[smem:$0x3FB0] =	sst s9;
	s0 =	simm.s32 @!p0 $0x0  }
0x12: {  	s1 =	sld [smem:$0x3F96];
	s0 =	simm.s32 @p0 $0x1  }
0x13: {  	[smem:$0x3FB1] =	sst s0;
	s0 =	simm.s32 @!p1 $0x0  }
0x14: {  	s2 =	sld [smem:$0x3F95];
	s0 =	simm.s32 @p1 $0x1  }
0x15: {  	[smem:$0x3FB2] =	sst s0;
	s0 =	simm.s32 @!p2 $0x0  }
0x16: {  	s3 =	sld [smem:$0x3FDB];
	s0 =	simm.s32 @p2 $0x1  }
0x17: {  	s4 =	simm.s32 $0x1BF5;
	[smem:$0x3FB4] =	sst s0  }
0x18: {  	s0 =	sld [smem:$0x3F97];
	_ =	swait.ge [sflag:s4], $0x0  }
0x19: {  	s7 =	sld [smem:$0x3F98]  }
0x1a: {  	s8 =	sadd.s32 $0xFFFFE003, lr  }
0x1b: {  	s9 =	sadd.s32 $0xFFFFFEF7, lr;
	s5 =	simm.s32 $0xFFFFFFFF;
	p2 =	slt.u32 s8, $0xFFFFF086  }
0x1c: {  	p1 =	slt.u32 s9, $0xF7A;
	s5 =	simm.s32 @!p2 $0x0  }
0x1d: {  	s5 =	simm.s32 @p1 $0x1;
	p0 =	seq.s32 s7, s2  }
0x1e: {  	s7 =	smul.u32 @!p0 $0xF7A, s2;
	p2 =	seq.s32 @!p0 s5, $0x0  }
0x1f: {  	s9 =	smul.u32 $0xF7A, s1;
	s8 =	simm.s32 @!p0 $0x1BF5;
	p2 =	por !p2, p0  }
0x20: {  	[sflag:s8] =	ssyncset.s32 @!p0 $0xFFFFF086;
	s6 =	sadd.s32 @!p0 s3, s7;
	s7 =	simm.s32 @!p0 $0x108  }
0x21: {  	s3 =	sadd.s32 s3, s9;
	s6 =	sadd.s32 @!p0 $0x88, s6;
	s7 =	simm.s32 @p2 $0x1082  }
0x22: {  	[simem:s7], [sflag:s8] =	dma.local @!p0 [hbm:s6], $0xF7A  }
0x23: {  	s9 =	sor.u32 $0xD0000000, s2;
	s6 =	simm.s32 $0x108;
	_ =	swait.ge @!p0 [sflag:s8], $0x0  }
0x24: {  	s3 =	sadd.s32 $0x88, s3;
	s6 =	simm.s32 @!p1 $0x1082;
	[sflag:s4] =	ssyncset.s32 $0xFFFFF086  }
0x25: {  	[simem:s6], [sflag:s4] =	dma.local [hbm:s3], $0xF7A  }
0x26: {  	[smem:$0x3F98] =	sst s1;
	(tag) =	ssettag s2;
	_ =	strace s9  }
0x27: {  	s1 =	sld [smem:$0x3FA8]  }
0x28: {  	s2 =	sld [smem:$0x3FA9]  }
0x29: {  	s4 =	sld [smem:$0x3FAB]  }
0x2a: {  	p0 =	seq.s32 s5, $0x0;
	s5 =	sld [smem:$0x3FAC]  }
0x2b: {  	s6 =	sld [smem:$0x3FAD]  }
0x2c: {  	s7 =	sld [smem:$0x3FAE]  }
0x2d: {  	s3 =	simm.s32 $0x108;
	s8 =	sld [smem:$0x3FAF]  }
0x2e: {  	s3 =	simm.s32 @!p0 $0x1082;
	s9 =	sld [smem:$0x3FB0]  }
0x2f: {  	lr =	sadd.s32 s0, s3;
	s0 =	sld [smem:$0x3FA7]  }
0x30: {  	s3 =	sld [smem:$0x3FAA]  }
0x31: {  	[smem:$0x3FB3] =	sst s10  }
0x32: {  	s10 =	sld [smem:$0x3FB1];
	_ =	sdelay $0x3  }
0x33: {  	p0 =	seq.s32 s10, $0x1;
	s10 =	sld [smem:$0x3FB3];
	_ =	sdelay $0x3  }
0x34: {  	[smem:$0x3FB3] =	sst s10  }
0x35: {  	s10 =	sld [smem:$0x3FB2];
	_ =	sdelay $0x3  }
0x36: {  	p1 =	seq.s32 s10, $0x1;
	s10 =	sld [smem:$0x3FB3];
	_ =	sdelay $0x3  }
0x37: {  	[smem:$0x3FB3] =	sst s10  }
0x38: {  	s10 =	sld [smem:$0x3FB4]  }
0x39: {  	_ = 	snop;
	(pc) =	sbr.ind lr, $3  }
0x3a: {  	_ = 	snop  }
0x3b: {  	_ = 	snop  }
0x3c: {  	p2 =	seq.s32 s10, $0x1;
	s10 =	sld [smem:$0x3FB3]  }
0x3d: {  	_ =	shalt  }
0x3e: {  	_ =	shalt  }
0x3f: {  	_ =	shalt  }
0x40: {  	_ =	shalt  }
0x41: {  	_ =	shalt  }
0x42: {  	_ =	shalt  }
0x43: {  	_ =	shalt  }
0x44: {  	_ =	shalt  }
0x45: {  	_ =	shalt  }
0x46: {  	_ =	shalt  }
0x47: {  	_ =	shalt  }
0x48: {  	_ =	shalt  }
0x49: {  	_ =	shalt  }
0x4a: {  	_ =	shalt  }
0x4b: {  	_ =	shalt  }
0x4c: {  	_ =	shalt  }
0x4d: {  	_ =	shalt  }
0x4e: {  	_ =	shalt  }
0x4f: {  	_ =	shalt  }
0x50: {  	_ =	shalt  }
0x51: {  	_ =	shalt  }
0x52: {  	_ =	shalt  }
0x53: {  	_ =	shalt  }
0x54: {  	_ =	shalt  }
0x55: {  	_ =	shalt  }
0x56: {  	_ =	shalt  }
0x57: {  	_ =	shalt  }
0x58: {  	_ =	shalt  }
0x59: {  	_ =	shalt  }
0x5a: {  	_ =	shalt  }
0x5b: {  	_ =	shalt  }
0x5c: {  	_ =	shalt  }
0x5d: {  	_ =	shalt  }
0x5e: {  	_ =	shalt  }
0x5f: {  	_ =	shalt  }
0x60: {  	_ =	shalt  }
0x61: {  	_ =	shalt  }
0x62: {  	_ =	shalt  }
0x63: {  	_ =	shalt  }
0x64: {  	_ =	shalt  }
0x65: {  	_ =	shalt  }
0x66: {  	_ =	shalt  }
0x67: {  	_ =	shalt  }
0x68: {  	_ =	shalt  }
0x69: {  	_ =	shalt  }
0x6a: {  	_ =	shalt  }
0x6b: {  	_ =	shalt  }
0x6c: {  	_ =	shalt  }
0x6d: {  	_ =	shalt  }
0x6e: {  	_ =	shalt  }
0x6f: {  	_ =	shalt  }
0x70: {  	_ =	shalt  }
0x71: {  	_ =	shalt  }
0x72: {  	_ =	shalt  }
0x73: {  	_ =	shalt  }
0x74: {  	_ =	shalt  }
0x75: {  	_ =	shalt  }
0x76: {  	_ =	shalt  }
0x77: {  	_ =	shalt  }
0x78: {  	_ =	shalt  }
0x79: {  	_ =	shalt  }
0x7a: {  	_ =	shalt  }
0x7b: {  	_ =	shalt  }
0x7c: {  	_ =	shalt  }
0x7d: {  	_ =	shalt  }
0x7e: {  	_ =	shalt  }
0x7f: {  	_ =	shalt  }
0x80: {  	_ =	shalt  }
0x81: {  	_ =	shalt  }
0x82: {  	_ =	shalt  }
0x83: {  	_ =	shalt  }
0x84: {  	_ =	shalt  }
0x85: {  	_ =	shalt  }
0x86: {  	_ =	shalt  }
0x87: {  	_ =	shalt  }
.Lfunc_end0:
.L_simem_size_0:
called_computation_lowered:
.L_overlay_start_0:
0x88: {  	s2 =	sld [smem:$0x3FD9]  }
0x89: {  	s3 =	sld [smem:$0x3FFE];
	_ =	sdelay $0x1  }
0x8a: {  	s1 =	srdreg.scid  }
0x8b: {  	s0 =	sand.u32 $0x1, s1  }
0x8c: {  	s17 =	sshll.u32 s0, $0xA;
	s2 =	sadd.s32 s3, s2  }
0x8d: {  	s2 =	sadd.s32 s2, s17  }
0x8e: {  	[smem:$0x3FBF] =	sst s2  }
0x8f: {  	_ = 	snop  }
0x90: {  	s2 =	sld [smem:$0x3FC9]  }
0x91: {  	s18 =	sld [smem:$0x3FD0];
	(tm) =	ssettm $0x1  }
0x92: {  	s4 =	sld [smem:$0x3FFB];
	_ =	sdelay $0x3  }
0x93: {  	_ =	strace s4  }
0x94: {  	s4 =	sld [smem:$0x3FFC];
	_ =	sdelay $0x3  }
0x95: {  	_ =	strace s4  }
0x96: {  	s4 =	sld [smem:$0x3FFD];
	_ =	sdelay $0x3  }
0x97: {  	_ =	strace s4  }
0x98: {  	_ =	strace $0x8FFFFFFF  }
0x99: {  	s19 =	sld [smem:$0x3FDB];
	_ =	sdelay $0x1  }
0x9a: {  	s5 =	simm.s32 $_scs_section_size  }
0x9b: {  	s6 =	simm.s32 $_size__tile_overlayer_lowered;
	s7 =	simm.s32 $_tile_overlayer_lowered  }
0x9c: {  	s22 =	simm.s32 $0x1BFF;
	s21 =	sshll.u32 s7, $0x1;
	s4 =	sadd.s32 s5, s19  }
0x9d: {  	s8 =	simm.s32 $0x0;
	s20 =	sshll.u32 s6, $0x1;
	s6 =	sadd.s32 s21, s4  }
0x9e: {  	[timem:s8], [sflag:s22] =	dma.local [hbm:s6], s20  }
0x9f: {  	_ =	swait.ge [sflag:s22], s20  }
0xa0: {  	s5 =	ssub.s32 $0x0, s20;
	[sflag:s22] =	ssyncset.done $0x0  }
0xa1: {  	[sflag:s22] =	ssyncadd.s32 s5;
	_ =	sdelay $0x1  }
0xa2: {  	s23 =	simm.s32 $0x1B8B  }
0xa3: {  	_ =	swait.ge [sflag:s23], $0x1  }
0xa4: {  	[sflag:s23] =	ssyncset.done $0x0  }
0xa5: {  	s25 =	simm.s32 $0x1B8E;
	s24 =	sld [smem:$0x3FFE];
	[sflag:s23] =	ssyncadd.s32 $0xFFFFFFFF  }
0xa6: {  	s26 =	simm.s32 $execute0_lowered;
	[smem:$0x3FD2] =	sst s25  }
0xa7: {  	s6 =	sshll.u32 s26, $0x1;
	_ =	strace $0x80000046;
	[dreg:$0x1] =	wrdreg $0xFFFFFFFF  }
0xa8: {  	s28 =	simm.s32 $_size_execute0_lowered;
	s4 =	sadd.s32 s4, s6;
	[dreg:$0x0] =	wrdreg $0x0  }
0xa9: {  	s6 =	sshll.u32 s28, $0x1;
	[dreg:$0x2] =	wrdreg s4  }
0xaa: {  	[dreg:$0x3] =	wrdreg s6  }
0xab: {  	[dreg:$0x4] =	wrdreg $0xC0  }
0xac: {  	_ =	task [dreg:s8], $0x5FFFF  }
0xad: {  	[dreg:$0x1] =	wrdreg $0xFFFFFFFF  }
0xae: {  	[dreg:$0x0] =	wrdreg $0x60  }
0xaf: {  	[dreg:$0x2] =	wrdreg s2  }
0xb0: {  	[dreg:$0x3] =	wrdreg s24  }
0xb1: {  	[dreg:$0x4] =	wrdreg s18  }
0xb2: {  	[dreg:$0x5] =	wrdreg $0x68000  }
0xb3: {  	[dreg:$0x6] =	wrdreg $0x9  }
0xb4: {  	_ =	task.clear_ibuf [dreg:s8], $0x7FFFF;
	_ =	strace $0x90000046  }
0xb5: {  	s29 =	simm.s32 $0x9;
	_ =	strace $0x80000048  }
0xb6: {  	_ =	swait.ge [sflag:s29], $0x1  }
0xb7: {  	[sflag:s29] =	ssyncadd.s32 $0xFFFFFFFF  }
0xb8: {  	_ =	strace $0x90000048  }
0xb9: {  	_ =	sfence  }
0xba: {  	s30 =	sld [smem:$0x0];
	_ =	sdelay $0x2  }
0xbb: {  	s31 =	sshll.u32 s1, $0xD;
	s1 =	sshrl.u32 s1, $0x2  }
0xbc: {  	s3 =	sand.u32 $0x4000, s31;
	s1 =	sadd.s32 s1, s30  }
0xbd: {  	s0 =	sor.u32 s3, s0;
	s1 =	sshll.u32 s1, $0x11  }
0xbe: {  	s0 =	sor.u32 s1, s0  }
0xbf: {  	s0 =	sadd.s32 $0x8F2B, s0  }
0xc0: {  	[sflag:s0] =	ssyncadd.remote.s32 $0x1  }
0xc1: {  	_ =	sfence.sel $0xFFFF  }
0xc2: {  	[dreg:$0x0] =	wrdreg $0xFFFFFFFF;
	(pc) =	sbr.abs _section_cstart, $3  }
0xc3: {  	[dreg:$0x1] =	wrdreg $0xFFFFFFFF  }
0xc4: {  	_ =	task.clear_ibuf [dreg:s8], $0x2FFFF;
	_ =	strace $0x9FFFFFFF  }
0xc5: {  	(tm) =	ssettm $0x7FFFFFFF  }
tec
execute0_lowered:
.L_overlay_start_1:
0x0: {  	(tag) =	ssettag $0x1  }
0x1: {  	s0 =	rddreg [dreg:$0x0]  }
0x2: {  	s1 =	rddreg [dreg:$0x1]  }
0x3: {  	s3 =	rddreg [dreg:$0x2];
	s2 =	srdreg.scid  }
0x4: {  	s4 =	rddreg [dreg:$0x3];
	s9 =	stileid.u32;
	s7 =	simm.s32 $0x0  }
0x5: {  	s28 =	simm.s32 $0x3;
	s29 =	simm.s32 $0x200;
	s30 =	simm.s32 $0x7  }
0x6: {  	s31 =	simm.s32 $0x2;
	s2 =	sand.u32 $0x1, s2;
	s17 =	smul.u32 $0x50000, s9  }
0x7: {  	s6 =	smul.u32 $0x14000, s9;
	[smem:$0x7FF] =	sst s7;
	s19 =	sshll.u32 s9, $0x1  }
0x8: {  	s5 =	smul.u32 $0x140000, s2;
	_ =	strace $0x80000047;
	s7 =	sshrl.u32 s17, $0x2  }
0x9: {  	s8 =	ssub.s32 $0x2, s2;
	s2 =	sor.u32 s2, s19;
	s15 =	sadd.s32 s7, s4  }
0xa: {  	s18 =	sshrl.u32 s8, $0x1;
	s7 =	sadd.s32 $0x1400, s15;
	[dreg:$0x5] =	wrdreg s15  }
0xb: {  	s26 =	smul.u32 $0x4B000, s2;
	s20 =	sadd.s32 $0x2800, s15;
	[dreg:$0x6] =	wrdreg s7  }
0xc: {  	s11 =	sshll.u32 s2, $0xA;
	s21 =	sadd.s32 $0x3C00, s15;
	[dreg:$0x7] =	wrdreg s20  }
0xd: {  	s17 =	sshll.u32 s2, $0xD;
	s22 =	sadd.s32 $0x5000, s15;
	[dreg:$0x8] =	wrdreg s21  }
0xe: {  	s5 =	sadd.s32 s6, s5;
	s23 =	sadd.s32 $0x6400, s15;
	[dreg:$0x9] =	wrdreg s22  }
0xf: {  	s6 =	sadd.s32 $0x1C00, s1;
	s24 =	sadd.s32 $0x7800, s15;
	[dreg:$0xa] =	wrdreg s23  }
0x10: {  	s5 =	sshrl.u32 s5, $0x3;
	s25 =	sadd.s32 $0x8C00, s15;
	[dreg:$0xb] =	wrdreg s24  }
0x11: {  	s9 =	sadd.s32 $0xA000, s15;
	s10 =	sadd.s32 $0xB400, s15;
	[dreg:$0xc] =	wrdreg s25  }
0x12: {  	s12 =	sshrl.u32 s26, $0x3;
	s13 =	sadd.s32 $0x1400, s26;
	[dreg:$0xd] =	wrdreg s9  }
0x13: {  	s14 =	sadd.s32 $0x2800, s26;
	s19 =	sadd.s32 $0xDC00, s15;
	[dreg:$0xe] =	wrdreg s10  }
0x14: {  	s1 =	sadd.s32 s5, s1;
	s5 =	ssub.s32 s8, s18;
	[dreg:$0x11] =	wrdreg s13  }
0x15: {  	s8 =	sadd.s32 s3, s11;
	s2 =	sadd.s32 s6, s12;
	[dreg:$0x12] =	wrdreg s14  }
0x16: {  	s22 =	sadd.s32 $0x3C00, s26;
	s23 =	sadd.s32 $0x5000, s26;
	s18 =	sadd.s32 $0xC800, s15  }
0x17: {  	[dreg:$0x16] =	wrdreg s19;
	s20 =	sadd.s32 $0xF000, s15;
	s21 =	sadd.s32 $0x10400, s15  }
0x18: {  	s24 =	sadd.s32 $0x11800, s15;
	s25 =	sadd.s32 $0x12C00, s15;
	[dreg:$0x10] =	wrdreg s2  }
0x19: {  	s9 =	simm.s32 $0x9;
	s10 =	simm.s32 $0x80;
	[dreg:$0x15] =	wrdreg s18  }
0x1a: {  	s11 =	simm.s32 $0x40000;
	s12 =	simm.s32 $0x100;
	[dreg:$0x17] =	wrdreg s20  }
0x1b: {  	s14 =	simm.s32 $0x28;
	s19 =	simm.s32 $0x6;
	[dreg:$0x18] =	wrdreg s21  }
0x1c: {  	s13 =	simm.s32 $0x8;
	s7 =	simm.s32 $0x0;
	[dreg:$0x19] =	wrdreg s24  }
.Ltmp0:
0x1d: {  	s1 =	sadd.s32 $0x12DC00, s1;
	[dreg:$0x1a] =	wrdreg s25;
	(pc) =	sbr.rel .LBB2_1-.Ltmp0, $4  }
0x1e: {  	s16 =	smax.u32 s5, $0x1;
	[dreg:$0xf] =	wrdreg s8;
	s26 =	sadd.s32 $0x10, s8  }
0x1f: {  	s8 =	simm.s32 $0x5400;
	s24 =	simm.s32 $0x1800;
	[dreg:$0x13] =	wrdreg s1  }
0x20: {  	s25 =	simm.s32 $0x4000;
	s18 =	simm.s32 $0x300;
	[dreg:$0x14] =	wrdreg s16  }
0x21: {  	v0 =	vimm.f32 $0.0e+00;
	[dreg:$0x1b] =	wrdreg s26;
	s26 =	simm.s32 $0x1;
	s1 =	simm.s32 $0x4  }
.LBB2_14:
0x22: {  	_ =	swait.ge [sflag:s9], $0x1400  }
0x23: {  	[sflag:s9] =	ssyncset.done $0x0  }
0x24: {  	[sflag:s9] =	ssyncadd.s32 $0xFFFFEC00  }
0x25: {  	s2 =	stileid.u32;
	[bflag:$0x0] =	sbarrier.arrive $0xFFFF  }
0x26: {  	s16 =	simm.s32 $0xA;
	s2 =	sshll.u32 s2, $0x6;
	s15 =	rddreg [dreg:$0x5]  }
0x27: {  	s2 =	sor.u32 $0x1C0A, s2;
	s7 =	rddreg [dreg:$0x13];
	s5 =	sshrl.u32 s15, $0x3  }
0x28: {  	[hbm:s7], [sflag:s2] =	dma.local [spmem:s5], $0x2800  }
0x29: {  	_ =	swait.ge [sflag:s16], $0x2800  }
0x2a: {  	s20 =	rddreg [dreg:$0x1c]  }
0x2b: {  	s21 =	rddreg [dreg:$0x14];
	s7 =	sadd.s32 $0x1, s20  }
0x2c: {  	p0 =	sne.s32 s7, s21  }
.Ltmp1:
0x2d: {  	_ = 	snop;
	(pc) =	sbr.rel @!p0 .LBB2_15-.Ltmp1, $3  }
0x2e: {  	_ =	sdelay $0x1  }
0x2f: {  	[sflag:s16] =	ssyncset.done $0x0  }
0x30: {  	[sflag:s16] =	ssyncadd.s32 $0xFFFFD800  }
.LBB2_1:
0x31: {  	[dreg:$0x1c] =	wrdreg s7;
	s2 =	simm.s32 $0x0;
	s5 =	simm.s32 $0x200  }
.LBB2_2:
0x32: {  	p0 =	sne.s32 s5, $0x4E00;
	[tilespmem:s2+$0x5470] =	vst v0  }
0x33: {  	[tilespmem:s2+$0x5400] =	vst v0  }
0x34: {  	[tilespmem:s2+$0x5410] =	vst v0  }
.Ltmp2:
0x35: {  	[tilespmem:s2+$0x5420] =	vst v0;
	(pc) =	sbr.rel @p0 .LBB2_2-.Ltmp2, $4  }
0x36: {  	[tilespmem:s2+$0x5430] =	vst v0  }
0x37: {  	[tilespmem:s2+$0x5440] =	vst v0  }
0x38: {  	[tilespmem:s2+$0x5450] =	vst v0  }
0x39: {  	[tilespmem:s2+$0x5460] =	vst v0;
	s2 =	sshra.s32 s5, $0x2;
	s5 =	sadd.s32 $0x200, s5  }
0x3a: {  	[tilespmem:s2+$0x5470] =	vst v0  }
0x3b: {  	[tilespmem:s2+$0x5400] =	vst v0  }
0x3c: {  	[tilespmem:s2+$0x5410] =	vst v0  }
0x3d: {  	[tilespmem:s2+$0x5420] =	vst v0  }
0x3e: {  	[tilespmem:s2+$0x5430] =	vst v0  }
0x3f: {  	[tilespmem:s2+$0x5440] =	vst v0  }
0x40: {  	[tilespmem:s2+$0x5450] =	vst v0  }
0x41: {  	[tilespmem:s2+$0x5460] =	vst v0  }
0x42: {  	[spmem:s15] =	stream.linear.scatter [tilespmem:s8], [sflag:$0x9], $0x1400, $0x38;
	[tilespmem:$0x1A800] =	vst v63  }
0x43: {  	s21 =	rddreg [dreg:$0x6]  }
0x44: {  	[spmem:s21] =	stream.linear.scatter [tilespmem:s8], [sflag:$0x9], $0x1400, $0x38;
	[tilespmem:$0x1A800] =	vst v63  }
0x45: {  	s5 =	rddreg [dreg:$0x7]  }
0x46: {  	[spmem:s5] =	stream.linear.scatter [tilespmem:s8], [sflag:$0x9], $0x1400, $0x38;
	[tilespmem:$0x1A800] =	vst v63  }
0x47: {  	s7 =	rddreg [dreg:$0x8]  }
0x48: {  	[spmem:s7] =	stream.linear.scatter [tilespmem:s8], [sflag:$0x9], $0x1400, $0x38;
	[tilespmem:$0x1A800] =	vst v63  }
0x49: {  	s15 =	rddreg [dreg:$0x9]  }
0x4a: {  	[spmem:s15] =	stream.linear.scatter [tilespmem:s8], [sflag:$0x9], $0x1400, $0x38;
	[tilespmem:$0x1A800] =	vst v63  }
0x4b: {  	s16 =	rddreg [dreg:$0xa]  }
0x4c: {  	[spmem:s16] =	stream.linear.scatter [tilespmem:s8], [sflag:$0x9], $0x1400, $0x38;
	[tilespmem:$0x1A800] =	vst v63  }
0x4d: {  	s20 =	rddreg [dreg:$0xb]  }
0x4e: {  	[spmem:s20] =	stream.linear.scatter [tilespmem:s8], [sflag:$0x9], $0x1400, $0x38;
	[tilespmem:$0x1A800] =	vst v63  }
0x4f: {  	s21 =	rddreg [dreg:$0xc]  }
0x50: {  	[spmem:s21] =	stream.linear.scatter [tilespmem:s8], [sflag:$0x9], $0x1400, $0x38;
	[tilespmem:$0x1A800] =	vst v63  }
0x51: {  	s5 =	rddreg [dreg:$0xd]  }
0x52: {  	[spmem:s5] =	stream.linear.scatter [tilespmem:s8], [sflag:$0x9], $0x1400, $0x38;
	[tilespmem:$0x1A800] =	vst v63  }
0x53: {  	s7 =	rddreg [dreg:$0xe]  }
0x54: {  	[spmem:s7] =	stream.linear.scatter [tilespmem:s8], [sflag:$0x9], $0x1400, $0x38;
	[tilespmem:$0x1A800] =	vst v63  }
0x55: {  	s15 =	rddreg [dreg:$0x15]  }
0x56: {  	[spmem:s15] =	stream.linear.scatter [tilespmem:s8], [sflag:$0x9], $0x1400, $0x38;
	[tilespmem:$0x1A800] =	vst v63  }
0x57: {  	s16 =	rddreg [dreg:$0x16]  }
0x58: {  	[spmem:s16] =	stream.linear.scatter [tilespmem:s8], [sflag:$0x9], $0x1400, $0x38;
	[tilespmem:$0x1A800] =	vst v63  }
0x59: {  	s20 =	rddreg [dreg:$0x17]  }
0x5a: {  	[spmem:s20] =	stream.linear.scatter [tilespmem:s8], [sflag:$0x9], $0x1400, $0x38;
	[tilespmem:$0x1A800] =	vst v63  }
0x5b: {  	s21 =	rddreg [dreg:$0x18]  }
0x5c: {  	[spmem:s21] =	stream.linear.scatter [tilespmem:s8], [sflag:$0x9], $0x1400, $0x38;
	[tilespmem:$0x1A800] =	vst v63  }
0x5d: {  	s5 =	rddreg [dreg:$0x19]  }
0x5e: {  	[spmem:s5] =	stream.linear.scatter [tilespmem:s8], [sflag:$0x9], $0x1400, $0x38;
	[tilespmem:$0x1A800] =	vst v63  }
0x5f: {  	s7 =	rddreg [dreg:$0x1a]  }
0x60: {  	[spmem:s7] =	stream.linear.scatter [tilespmem:s8], [sflag:$0x9], $0x1400, $0x38;
	[tilespmem:$0x1A800] =	vst v63  }
0x61: {  	_ =	swait.ge [sflag:s9], $0x1400  }
0x62: {  	[sflag:s9] =	ssyncset.done $0x0  }
0x63: {  	[sflag:s9] =	ssyncadd.s32 $0xFFFFEC00  }
0x64: {  	_ =	swait.ge [sflag:s9], $0x1400  }
0x65: {  	[sflag:s9] =	ssyncset.done $0x0  }
0x66: {  	[sflag:s9] =	ssyncadd.s32 $0xFFFFEC00  }
0x67: {  	_ =	swait.ge [sflag:s9], $0x1400  }
0x68: {  	[sflag:s9] =	ssyncset.done $0x0  }
0x69: {  	[sflag:s9] =	ssyncadd.s32 $0xFFFFEC00  }
0x6a: {  	_ =	swait.ge [sflag:s9], $0x1400  }
0x6b: {  	[sflag:s9] =	ssyncset.done $0x0  }
0x6c: {  	[sflag:s9] =	ssyncadd.s32 $0xFFFFEC00  }
0x6d: {  	_ =	swait.ge [sflag:s9], $0x1400  }
0x6e: {  	[sflag:s9] =	ssyncset.done $0x0  }
0x6f: {  	[sflag:s9] =	ssyncadd.s32 $0xFFFFEC00  }
0x70: {  	_ =	swait.ge [sflag:s9], $0x1400  }
0x71: {  	[sflag:s9] =	ssyncset.done $0x0  }
0x72: {  	[sflag:s9] =	ssyncadd.s32 $0xFFFFEC00  }
0x73: {  	_ =	swait.ge [sflag:s9], $0x1400  }
0x74: {  	[sflag:s9] =	ssyncset.done $0x0  }
0x75: {  	[sflag:s9] =	ssyncadd.s32 $0xFFFFEC00  }
0x76: {  	_ =	swait.ge [sflag:s9], $0x1400  }
0x77: {  	[sflag:s9] =	ssyncset.done $0x0  }
0x78: {  	[sflag:s9] =	ssyncadd.s32 $0xFFFFEC00  }
0x79: {  	_ =	swait.ge [sflag:s9], $0x1400  }
0x7a: {  	[sflag:s9] =	ssyncset.done $0x0  }
0x7b: {  	[sflag:s9] =	ssyncadd.s32 $0xFFFFEC00  }
0x7c: {  	_ =	swait.ge [sflag:s9], $0x1400  }
0x7d: {  	[sflag:s9] =	ssyncset.done $0x0  }
0x7e: {  	[sflag:s9] =	ssyncadd.s32 $0xFFFFEC00  }
0x7f: {  	_ =	swait.ge [sflag:s9], $0x1400  }
0x80: {  	[sflag:s9] =	ssyncset.done $0x0  }
0x81: {  	[sflag:s9] =	ssyncadd.s32 $0xFFFFEC00  }
0x82: {  	_ =	swait.ge [sflag:s9], $0x1400  }
0x83: {  	[sflag:s9] =	ssyncset.done $0x0  }
0x84: {  	[sflag:s9] =	ssyncadd.s32 $0xFFFFEC00  }
0x85: {  	_ =	swait.ge [sflag:s9], $0x1400  }
0x86: {  	[sflag:s9] =	ssyncset.done $0x0  }
0x87: {  	[sflag:s9] =	ssyncadd.s32 $0xFFFFEC00  }
0x88: {  	_ =	swait.ge [sflag:s9], $0x1400  }
0x89: {  	[sflag:s9] =	ssyncset.done $0x0  }
0x8a: {  	[sflag:s9] =	ssyncadd.s32 $0xFFFFEC00  }
0x8b: {  	_ =	swait.ge [sflag:s9], $0x1400  }
0x8c: {  	[sflag:s9] =	ssyncset.done $0x0  }
0x8d: {  	[sflag:s9] =	ssyncadd.s32 $0xFFFFEC00  }
0x8e: {  	_ =	swait.ge [sflag:s9], $0x1400  }
0x8f: {  	[sflag:s9] =	ssyncset.done $0x0  }
0x90: {  	s2 =	simm.s32 $0x0;
	s5 =	rddreg [dreg:$0xf];
	[sflag:s9] =	ssyncadd.s32 $0xFFFFEC00  }
0x91: {  	[tilespmem:s2], [sflag:$0x5] =	stream.strided.gather [hbm4b:s5+s10], $0x100, s11, s10, $0x38;
	[tilespmem:$0x1A800] =	vst v63  }
0x92: {  	s16 =	simm.s32 $0x5;
	s15 =	rddreg [dreg:$0x1b]  }
0x93: {  	[tilespmem:s12], [sflag:$0x6] =	stream.strided.gather [hbm4b:s15+s10], $0x100, s11, s10, $0x38;
	[tilespmem:$0x1A800] =	vst v63  }
0x94: {  	_ =	swait.ge [sflag:s16], $0x100  }
0x95: {  	[sflag:s16] =	ssyncset.done $0x0  }
0x96: {  	s20 =	simm.s32 $0x400;
	[sflag:s16] =	ssyncadd.s32 $0xFFFFFF00  }
0x97: {  	[tilespmem:s20], [sflag:$0x1] =	stream.indirect.gather [hbm4b:s0+s14], $0x80, s2, s14, $0xb8;
	[tilespmem:$0x1A800] =	vst v63  }
0x98: {  	s7 =	simm.s32 $0x2C00;
	s21 =	rddreg [dreg:$0x10]  }
0x99: {  	[tilespmem:s7], [sflag:$0x3] =	stream.linear.gather [hbm4b:s21+s2], $0x1400, $0x38;
	[tilespmem:$0x1A800] =	vst v63  }
0x9a: {  	[bflag:$0x0] =	sbarrier.arrive $0xFFFF  }
.LBB2_4:
0x9b: {  	_ =	swait.ge [sflag:s19], $0x100;
	s5 =	smul.u32 $0x5000, s2  }
0x9c: {  	[sflag:s19] =	ssyncset.done $0x0;
	s7 =	rddreg [dreg:$0x11]  }
0x9d: {  	[sflag:s19] =	ssyncadd.s32 $0xFFFFFF00;
	s7 =	sadd.s32 s5, s7  }
0x9e: {  	[tilespmem:s24], [sflag:$0x2] =	stream.indirect.gather [hbm4b:s0+s14], $0x80, s12, s14, $0xb8;
	[tilespmem:$0x1A800] =	vst v63  }
0x9f: {  	s7 =	sshrl.u32 s7, $0x3  }
0xa0: {  	s15 =	simm.s32 $0x0;
	s7 =	sadd.s32 s6, s7  }
0xa1: {  	[tilespmem:s25], [sflag:$0x4] =	stream.linear.gather [hbm4b:s7+s15], $0x1400, $0x38;
	[tilespmem:$0x1A800] =	vst v63  }
0xa2: {  	_ =	swait.ge [sflag:s26], $0x1400  }
0xa3: {  	[sflag:s26] =	ssyncset.done $0x0  }
0xa4: {  	[sflag:s26] =	ssyncadd.s32 $0xFFFFEC00  }
0xa5: {  	_ =	swait.ge [sflag:s28], $0x1400  }
0xa6: {  	p0 =	seq.s32 s2, $0x0;
	[sflag:s28] =	ssyncset.done $0x0  }
0xa7: {  	s7 =	simm.s32 @!p0 $0x9;
	[sflag:s28] =	ssyncadd.s32 $0xFFFFEC00  }
0xa8: {  	_ =	swait.ge @!p0 [sflag:s7], $0x1400  }
0xa9: {  	[sflag:s7] =	ssyncset.done @!p0 $0x0  }
0xaa: {  	s15 =	simm.s32 $0x0;
	[sflag:s7] =	ssyncadd.s32 @!p0 $0xFFFFEC00  }
0xab: {  	v1 =	vld [tilespmem:s15+$0x470]  }
0xac: {  	v2 =	vld [tilespmem:s15+$0x2C70]  }
0xad: {  	v3 =	vld [tilespmem:s15+$0x400]  }
0xae: {  	v4 =	vld [tilespmem:s15+$0x2C00]  }
0xaf: {  	v5 =	vld [tilespmem:s15+$0x410]  }
0xb0: {  	v6 =	vld [tilespmem:s15+$0x2C10]  }
0xb1: {  	v7 =	vld [tilespmem:s15+$0x420]  }
0xb2: {  	v8 =	vld [tilespmem:s15+$0x430]  }
0xb3: {  	v1 =	vmul.f32 v2, v1;
	v2 =	vld [tilespmem:s15+$0x2C20]  }
0xb4: {  	v9 =	vld [tilespmem:s15+$0x2C30]  }
0xb5: {  	v10 =	vld [tilespmem:s15+$0x2C40];
	v3 =	vmul.f32 v4, v3  }
0xb6: {  	[tilespmem:s15+$0x5470] =	vst v1;
	v1 =	vmul.f32 v6, v5;
	v6 =	vld [tilespmem:s15+$0x440]  }
0xb7: {  	v4 =	vld [tilespmem:s15+$0x2C50];
	[tilespmem:s15+$0x5400] =	vst v3  }
0xb8: {  	v3 =	vld [tilespmem:s15+$0x450];
	[tilespmem:s15+$0x5410] =	vst v1;
	v1 =	vmul.f32 v2, v7  }
0xb9: {  	v5 =	vld [tilespmem:s15+$0x2C60];
	v7 =	vmul.f32 v9, v8  }
0xba: {  	s16 =	simm.s32 $0x80;
	[tilespmem:s15+$0x5420] =	vst v1;
	v1 =	vld [tilespmem:s15+$0x460]  }
0xbb: {  	s20 =	simm.s32 $0x400;
	s7 =	sshll.u32 s2, $0x9;
	v6 =	vmul.f32 v10, v6;
	v2 =	vld [tilespmem:s16+$0x470];
	[tilespmem:s15+$0x5430] =	vst v7  }
.LBB2_5:
0xbc: {  	p0 =	sne.s32 s20, $0x4E00;
	v7 =	vld [tilespmem:s16+$0x2C70]  }
0xbd: {  	v8 =	vld [tilespmem:s16+$0x400];
	[tilespmem:s15+$0x5440] =	vst v6;
	v3 =	vmul.f32 v4, v3  }
0xbe: {  	v4 =	vld [tilespmem:s16+$0x2C00]  }
0xbf: {  	v6 =	vld [tilespmem:s16+$0x410];
	[tilespmem:s15+$0x5450] =	vst v3;
	v1 =	vmul.f32 v5, v1  }
0xc0: {  	v3 =	vld [tilespmem:s16+$0x2C10]  }
0xc1: {  	v5 =	vld [tilespmem:s16+$0x420];
	v2 =	vmul.f32 v7, v2;
	[tilespmem:s15+$0x5460] =	vst v1;
	s15 =	smov.u32 s16  }
0xc2: {  	v1 =	vld [tilespmem:s15+$0x2C20]  }
0xc3: {  	v4 =	vmul.f32 v4, v8;
	v7 =	vld [tilespmem:s15+$0x430];
	[tilespmem:s15+$0x5470] =	vst v2  }
0xc4: {  	v2 =	vld [tilespmem:s15+$0x2C30]  }
0xc5: {  	[tilespmem:s15+$0x5400] =	vst v4;
	v3 =	vmul.f32 v3, v6;
	v6 =	vld [tilespmem:s15+$0x440]  }
0xc6: {  	v8 =	vld [tilespmem:s15+$0x2C40]  }
.Ltmp3:
0xc7: {  	[tilespmem:s15+$0x5410] =	vst v3;
	v1 =	vmul.f32 v1, v5;
	v3 =	vld [tilespmem:s15+$0x450];
	(pc) =	sbr.rel @p0 .LBB2_5-.Ltmp3, $4  }
0xc8: {  	v4 =	vld [tilespmem:s15+$0x2C50]  }
0xc9: {  	[tilespmem:s15+$0x5420] =	vst v1;
	v7 =	vmul.f32 v2, v7;
	v1 =	vld [tilespmem:s15+$0x460]  }
0xca: {  	s16 =	sshra.s32 s20, $0x2;
	v5 =	vld [tilespmem:s15+$0x2C60]  }
0xcb: {  	s20 =	sadd.s32 $0x200, s20;
	v2 =	vld [tilespmem:s16+$0x470];
	[tilespmem:s15+$0x5430] =	vst v7;
	v6 =	vmul.f32 v8, v6  }
0xcc: {  	v7 =	vld [tilespmem:s16+$0x2C70]  }
0xcd: {  	v8 =	vld [tilespmem:s16+$0x400];
	[tilespmem:s15+$0x5440] =	vst v6;
	v3 =	vmul.f32 v4, v3  }
0xce: {  	v4 =	vld [tilespmem:s16+$0x2C00]  }
0xcf: {  	v6 =	vld [tilespmem:s16+$0x410];
	[tilespmem:s15+$0x5450] =	vst v3;
	v1 =	vmul.f32 v5, v1  }
0xd0: {  	v3 =	vld [tilespmem:s16+$0x2C10]  }
0xd1: {  	v5 =	vld [tilespmem:s16+$0x420];
	[tilespmem:s15+$0x5460] =	vst v1  }
0xd2: {  	v1 =	vmul.f32 v7, v2;
	v2 =	vld [tilespmem:s16+$0x2C20]  }
0xd3: {  	v7 =	vld [tilespmem:s16+$0x430]  }
0xd4: {  	v4 =	vmul.f32 v4, v8;
	[tilespmem:s16+$0x5470] =	vst v1;
	v1 =	vld [tilespmem:s16+$0x2C30]  }
0xd5: {  	v8 =	vld [tilespmem:s16+$0x2C60]  }
0xd6: {  	[tilespmem:s16+$0x5400] =	vst v4;
	v3 =	vmul.f32 v3, v6;
	v4 =	vld [tilespmem:s16+$0x440]  }
0xd7: {  	v6 =	vld [tilespmem:s16+$0x2C40]  }
0xd8: {  	[tilespmem:s16+$0x5410] =	vst v3;
	v2 =	vmul.f32 v2, v5;
	v3 =	vld [tilespmem:s16+$0x450]  }
0xd9: {  	v5 =	vld [tilespmem:s16+$0x2C50]  }
0xda: {  	[tilespmem:s16+$0x5420] =	vst v2;
	v2 =	vld [tilespmem:s16+$0x460];
	_ =	sdelay $0x1  }
0xdb: {  	v1 =	vmul.f32 v1, v7  }
0xdc: {  	v4 =	vmul.f32 v6, v4  }
0xdd: {  	s20 =	sand.u32 $0x1E00, s7;
	[tilespmem:s16+$0x5430] =	vst v1;
	v1 =	vmul.f32 v5, v3  }
0xde: {  	s15 =	sor.u32 s20, s17;
	[tilespmem:s16+$0x5440] =	vst v4;
	v2 =	vmul.f32 v8, v2  }
0xdf: {  	s15 =	sshrl.u32 s15, $0x3;
	[tilespmem:s16+$0x5450] =	vst v1  }
0xe0: {  	s15 =	sadd.s32 s15, s3;
	[tilespmem:s16+$0x5460] =	vst v2  }
0xe1: {  	[spmem:s4] =	stream.indirect.scatter.add.f32 [tilespmem:s8], [sflag:$0x9], $0x80, s10, s14, $0xb8;
	[tilespmem:$0x1A800] =	vst v63  }
0xe2: {  	s21 =	sadd.s32 $0x20, s15  }
0xe3: {  	[tilespmem:s29], [sflag:$0x7] =	stream.strided.gather [hbm4b:s21+s10], $0x100, s11, s10, $0x38;
	[tilespmem:$0x1A800] =	vst v63  }
0xe4: {  	_ =	swait.ge [sflag:s30], $0x100  }
0xe5: {  	[sflag:s30] =	ssyncset.done $0x0;
	s21 =	rddreg [dreg:$0x12]  }
0xe6: {  	s20 =	simm.s32 $0x400;
	[sflag:s30] =	ssyncadd.s32 $0xFFFFFF00;
	s16 =	sadd.s32 s5, s21  }
0xe7: {  	[tilespmem:s20], [sflag:$0x1] =	stream.indirect.gather [hbm4b:s0+s14], $0x80, s29, s14, $0xb8;
	[tilespmem:$0x1A800] =	vst v63  }
0xe8: {  	s16 =	sshrl.u32 s16, $0x3  }
0xe9: {  	s21 =	simm.s32 $0x2C00;
	s20 =	simm.s32 $0x0;
	s16 =	sadd.s32 s6, s16  }
0xea: {  	[tilespmem:s21], [sflag:$0x3] =	stream.linear.gather [hbm4b:s16+s20], $0x1400, $0x38;
	[tilespmem:$0x1A800] =	vst v63  }
0xeb: {  	_ =	swait.ge [sflag:s31], $0x1400  }
0xec: {  	[sflag:s31] =	ssyncset.done $0x0  }
0xed: {  	[sflag:s31] =	ssyncadd.s32 $0xFFFFEC00  }
0xee: {  	_ =	swait.ge [sflag:s1], $0x1400  }
0xef: {  	[sflag:s1] =	ssyncset.done $0x0  }
0xf0: {  	[sflag:s1] =	ssyncadd.s32 $0xFFFFEC00  }
0xf1: {  	_ =	swait.ge [sflag:s9], $0x1400  }
0xf2: {  	[sflag:s9] =	ssyncset.done $0x0  }
0xf3: {  	s16 =	simm.s32 $0x0;
	[sflag:s9] =	ssyncadd.s32 $0xFFFFEC00  }
0xf4: {  	v1 =	vld [tilespmem:s16+$0x1870]  }
0xf5: {  	v2 =	vld [tilespmem:s16+$0x4070]  }
0xf6: {  	v3 =	vld [tilespmem:s16+$0x1800]  }
0xf7: {  	v4 =	vld [tilespmem:s16+$0x4000]  }
0xf8: {  	v5 =	vld [tilespmem:s16+$0x1810]  }
0xf9: {  	v6 =	vld [tilespmem:s16+$0x4010]  }
0xfa: {  	v7 =	vld [tilespmem:s16+$0x1820]  }
0xfb: {  	v8 =	vld [tilespmem:s16+$0x1830]  }
0xfc: {  	v1 =	vmul.f32 v2, v1;
	v2 =	vld [tilespmem:s16+$0x4020]  }
0xfd: {  	v9 =	vld [tilespmem:s16+$0x4030]  }
0xfe: {  	v10 =	vld [tilespmem:s16+$0x4040];
	v3 =	vmul.f32 v4, v3  }
0xff: {  	[tilespmem:s16+$0x5470] =	vst v1;
	v1 =	vmul.f32 v6, v5;
	v6 =	vld [tilespmem:s16+$0x1840]  }
0x100: {  	v4 =	vld [tilespmem:s16+$0x4050];
	[tilespmem:s16+$0x5400] =	vst v3  }
0x101: {  	v3 =	vld [tilespmem:s16+$0x1850];
	[tilespmem:s16+$0x5410] =	vst v1;
	v1 =	vmul.f32 v2, v7  }
0x102: {  	v5 =	vld [tilespmem:s16+$0x4060];
	v7 =	vmul.f32 v9, v8  }
0x103: {  	s20 =	simm.s32 $0x80;
	[tilespmem:s16+$0x5420] =	vst v1;
	v1 =	vld [tilespmem:s16+$0x1860]  }
0x104: {  	s21 =	simm.s32 $0x400;
	v6 =	vmul.f32 v10, v6;
	v2 =	vld [tilespmem:s20+$0x1870];
	[tilespmem:s16+$0x5430] =	vst v7  }
.LBB2_7:
0x105: {  	p0 =	sne.s32 s21, $0x4E00;
	v7 =	vld [tilespmem:s20+$0x4070]  }
0x106: {  	v8 =	vld [tilespmem:s20+$0x1800];
	[tilespmem:s16+$0x5440] =	vst v6;
	v3 =	vmul.f32 v4, v3  }
0x107: {  	v4 =	vld [tilespmem:s20+$0x4000]  }
0x108: {  	v6 =	vld [tilespmem:s20+$0x1810];
	[tilespmem:s16+$0x5450] =	vst v3;
	v1 =	vmul.f32 v5, v1  }
0x109: {  	v3 =	vld [tilespmem:s20+$0x4010]  }
0x10a: {  	v5 =	vld [tilespmem:s20+$0x1820];
	v2 =	vmul.f32 v7, v2;
	[tilespmem:s16+$0x5460] =	vst v1;
	s16 =	smov.u32 s20  }
0x10b: {  	v1 =	vld [tilespmem:s16+$0x4020]  }
0x10c: {  	v4 =	vmul.f32 v4, v8;
	v7 =	vld [tilespmem:s16+$0x1830];
	[tilespmem:s16+$0x5470] =	vst v2  }
0x10d: {  	v2 =	vld [tilespmem:s16+$0x4030]  }
0x10e: {  	[tilespmem:s16+$0x5400] =	vst v4;
	v3 =	vmul.f32 v3, v6;
	v6 =	vld [tilespmem:s16+$0x1840]  }
0x10f: {  	v8 =	vld [tilespmem:s16+$0x4040]  }
.Ltmp4:
0x110: {  	[tilespmem:s16+$0x5410] =	vst v3;
	v1 =	vmul.f32 v1, v5;
	v3 =	vld [tilespmem:s16+$0x1850];
	(pc) =	sbr.rel @p0 .LBB2_7-.Ltmp4, $4  }
0x111: {  	v4 =	vld [tilespmem:s16+$0x4050]  }
0x112: {  	[tilespmem:s16+$0x5420] =	vst v1;
	v7 =	vmul.f32 v2, v7;
	v1 =	vld [tilespmem:s16+$0x1860]  }
0x113: {  	s20 =	sshra.s32 s21, $0x2;
	v5 =	vld [tilespmem:s16+$0x4060]  }
0x114: {  	s21 =	sadd.s32 $0x200, s21;
	v2 =	vld [tilespmem:s20+$0x1870];
	[tilespmem:s16+$0x5430] =	vst v7;
	v6 =	vmul.f32 v8, v6  }
0x115: {  	v7 =	vld [tilespmem:s20+$0x4070]  }
0x116: {  	v8 =	vld [tilespmem:s20+$0x1800];
	[tilespmem:s16+$0x5440] =	vst v6;
	v3 =	vmul.f32 v4, v3  }
0x117: {  	v4 =	vld [tilespmem:s20+$0x4000]  }
0x118: {  	v6 =	vld [tilespmem:s20+$0x1810];
	[tilespmem:s16+$0x5450] =	vst v3;
	v1 =	vmul.f32 v5, v1  }
0x119: {  	v3 =	vld [tilespmem:s20+$0x4010]  }
0x11a: {  	v5 =	vld [tilespmem:s20+$0x1820];
	[tilespmem:s16+$0x5460] =	vst v1  }
0x11b: {  	v1 =	vmul.f32 v7, v2;
	v2 =	vld [tilespmem:s20+$0x4020]  }
0x11c: {  	v7 =	vld [tilespmem:s20+$0x1830]  }
0x11d: {  	v4 =	vmul.f32 v4, v8;
	[tilespmem:s20+$0x5470] =	vst v1;
	v1 =	vld [tilespmem:s20+$0x4030]  }
0x11e: {  	v8 =	vld [tilespmem:s20+$0x4060]  }
0x11f: {  	[tilespmem:s20+$0x5400] =	vst v4;
	v3 =	vmul.f32 v3, v6;
	v4 =	vld [tilespmem:s20+$0x1840]  }
0x120: {  	v6 =	vld [tilespmem:s20+$0x4040]  }
0x121: {  	[tilespmem:s20+$0x5410] =	vst v3;
	v2 =	vmul.f32 v2, v5;
	v3 =	vld [tilespmem:s20+$0x1850]  }
0x122: {  	v5 =	vld [tilespmem:s20+$0x4050]  }
0x123: {  	[tilespmem:s20+$0x5420] =	vst v2;
	v2 =	vld [tilespmem:s20+$0x1860];
	_ =	sdelay $0x1  }
0x124: {  	v1 =	vmul.f32 v1, v7  }
0x125: {  	v4 =	vmul.f32 v6, v4  }
0x126: {  	[tilespmem:s20+$0x5430] =	vst v1;
	v1 =	vmul.f32 v5, v3  }
0x127: {  	[tilespmem:s20+$0x5440] =	vst v4;
	v2 =	vmul.f32 v8, v2  }
0x128: {  	[tilespmem:s20+$0x5450] =	vst v1  }
0x129: {  	s21 =	simm.s32 $0x180;
	[tilespmem:s20+$0x5460] =	vst v2  }
0x12a: {  	[spmem:s4] =	stream.indirect.scatter.add.f32 [tilespmem:s8], [sflag:$0x9], $0x80, s21, s14, $0xb8;
	[tilespmem:$0x1A800] =	vst v63  }
0x12b: {  	s15 =	sadd.s32 $0x30, s15  }
0x12c: {  	[tilespmem:s18], [sflag:$0x8] =	stream.strided.gather [hbm4b:s15+s10], $0x100, s11, s10, $0x38;
	[tilespmem:$0x1A800] =	vst v63  }
0x12d: {  	_ =	swait.ge [sflag:s13], $0x100  }
0x12e: {  	s20 =	sadd.s32 s5, s22;
	[sflag:s13] =	ssyncset.done $0x0  }
0x12f: {  	s15 =	sshrl.u32 s20, $0x3;
	[sflag:s13] =	ssyncadd.s32 $0xFFFFFF00  }
0x130: {  	[tilespmem:s24], [sflag:$0x2] =	stream.indirect.gather [hbm4b:s0+s14], $0x80, s18, s14, $0xb8;
	[tilespmem:$0x1A800] =	vst v63  }
0x131: {  	s21 =	simm.s32 $0x0;
	s15 =	sadd.s32 s6, s15  }
0x132: {  	[tilespmem:s25], [sflag:$0x4] =	stream.linear.gather [hbm4b:s15+s21], $0x1400, $0x38;
	[tilespmem:$0x1A800] =	vst v63  }
0x133: {  	_ =	swait.ge [sflag:s26], $0x1400  }
0x134: {  	[sflag:s26] =	ssyncset.done $0x0  }
0x135: {  	[sflag:s26] =	ssyncadd.s32 $0xFFFFEC00  }
0x136: {  	_ =	swait.ge [sflag:s28], $0x1400  }
0x137: {  	[sflag:s28] =	ssyncset.done $0x0  }
0x138: {  	[sflag:s28] =	ssyncadd.s32 $0xFFFFEC00  }
0x139: {  	_ =	swait.ge [sflag:s9], $0x1400  }
0x13a: {  	[sflag:s9] =	ssyncset.done $0x0  }
0x13b: {  	s15 =	simm.s32 $0x0;
	[sflag:s9] =	ssyncadd.s32 $0xFFFFEC00  }
0x13c: {  	v1 =	vld [tilespmem:s15+$0x470]  }
0x13d: {  	v2 =	vld [tilespmem:s15+$0x2C70]  }
0x13e: {  	v3 =	vld [tilespmem:s15+$0x400]  }
0x13f: {  	v4 =	vld [tilespmem:s15+$0x2C00]  }
0x140: {  	v5 =	vld [tilespmem:s15+$0x410]  }
0x141: {  	v6 =	vld [tilespmem:s15+$0x2C10]  }
0x142: {  	v7 =	vld [tilespmem:s15+$0x420]  }
0x143: {  	v8 =	vld [tilespmem:s15+$0x430]  }
0x144: {  	v1 =	vmul.f32 v2, v1;
	v2 =	vld [tilespmem:s15+$0x2C20]  }
0x145: {  	v9 =	vld [tilespmem:s15+$0x2C30]  }
0x146: {  	v10 =	vld [tilespmem:s15+$0x2C40];
	v3 =	vmul.f32 v4, v3  }
0x147: {  	[tilespmem:s15+$0x5470] =	vst v1;
	v1 =	vmul.f32 v6, v5;
	v6 =	vld [tilespmem:s15+$0x440]  }
0x148: {  	v4 =	vld [tilespmem:s15+$0x2C50];
	[tilespmem:s15+$0x5400] =	vst v3  }
0x149: {  	v3 =	vld [tilespmem:s15+$0x450];
	[tilespmem:s15+$0x5410] =	vst v1;
	v1 =	vmul.f32 v2, v7  }
0x14a: {  	v5 =	vld [tilespmem:s15+$0x2C60];
	v7 =	vmul.f32 v9, v8  }
0x14b: {  	s16 =	simm.s32 $0x80;
	[tilespmem:s15+$0x5420] =	vst v1;
	v1 =	vld [tilespmem:s15+$0x460]  }
0x14c: {  	s20 =	simm.s32 $0x400;
	v6 =	vmul.f32 v10, v6;
	v2 =	vld [tilespmem:s16+$0x470];
	[tilespmem:s15+$0x5430] =	vst v7  }
.LBB2_9:
0x14d: {  	p0 =	sne.s32 s20, $0x4E00;
	v7 =	vld [tilespmem:s16+$0x2C70]  }
0x14e: {  	v8 =	vld [tilespmem:s16+$0x400];
	[tilespmem:s15+$0x5440] =	vst v6;
	v3 =	vmul.f32 v4, v3  }
0x14f: {  	v4 =	vld [tilespmem:s16+$0x2C00]  }
0x150: {  	v6 =	vld [tilespmem:s16+$0x410];
	[tilespmem:s15+$0x5450] =	vst v3;
	v1 =	vmul.f32 v5, v1  }
0x151: {  	v3 =	vld [tilespmem:s16+$0x2C10]  }
0x152: {  	v5 =	vld [tilespmem:s16+$0x420];
	v2 =	vmul.f32 v7, v2;
	[tilespmem:s15+$0x5460] =	vst v1;
	s15 =	smov.u32 s16  }
0x153: {  	v1 =	vld [tilespmem:s15+$0x2C20]  }
0x154: {  	v4 =	vmul.f32 v4, v8;
	v7 =	vld [tilespmem:s15+$0x430];
	[tilespmem:s15+$0x5470] =	vst v2  }
0x155: {  	v2 =	vld [tilespmem:s15+$0x2C30]  }
0x156: {  	[tilespmem:s15+$0x5400] =	vst v4;
	v3 =	vmul.f32 v3, v6;
	v6 =	vld [tilespmem:s15+$0x440]  }
0x157: {  	v8 =	vld [tilespmem:s15+$0x2C40]  }
.Ltmp5:
0x158: {  	[tilespmem:s15+$0x5410] =	vst v3;
	v1 =	vmul.f32 v1, v5;
	v3 =	vld [tilespmem:s15+$0x450];
	(pc) =	sbr.rel @p0 .LBB2_9-.Ltmp5, $4  }
0x159: {  	v4 =	vld [tilespmem:s15+$0x2C50]  }
0x15a: {  	[tilespmem:s15+$0x5420] =	vst v1;
	v7 =	vmul.f32 v2, v7;
	v1 =	vld [tilespmem:s15+$0x460]  }
0x15b: {  	s16 =	sshra.s32 s20, $0x2;
	v5 =	vld [tilespmem:s15+$0x2C60]  }
0x15c: {  	s20 =	sadd.s32 $0x200, s20;
	v2 =	vld [tilespmem:s16+$0x470];
	[tilespmem:s15+$0x5430] =	vst v7;
	v6 =	vmul.f32 v8, v6  }
0x15d: {  	v7 =	vld [tilespmem:s16+$0x2C70]  }
0x15e: {  	v8 =	vld [tilespmem:s16+$0x400];
	[tilespmem:s15+$0x5440] =	vst v6;
	v3 =	vmul.f32 v4, v3  }
0x15f: {  	v4 =	vld [tilespmem:s16+$0x2C00]  }
0x160: {  	v6 =	vld [tilespmem:s16+$0x410];
	[tilespmem:s15+$0x5450] =	vst v3;
	v1 =	vmul.f32 v5, v1  }
0x161: {  	v3 =	vld [tilespmem:s16+$0x2C10]  }
0x162: {  	v5 =	vld [tilespmem:s16+$0x420];
	[tilespmem:s15+$0x5460] =	vst v1  }
0x163: {  	v1 =	vmul.f32 v7, v2;
	v2 =	vld [tilespmem:s16+$0x2C20]  }
0x164: {  	v7 =	vld [tilespmem:s16+$0x430]  }
0x165: {  	v4 =	vmul.f32 v4, v8;
	[tilespmem:s16+$0x5470] =	vst v1;
	v1 =	vld [tilespmem:s16+$0x2C30]  }
0x166: {  	v8 =	vld [tilespmem:s16+$0x2C60]  }
0x167: {  	[tilespmem:s16+$0x5400] =	vst v4;
	v3 =	vmul.f32 v3, v6;
	v4 =	vld [tilespmem:s16+$0x440]  }
0x168: {  	v6 =	vld [tilespmem:s16+$0x2C40]  }
0x169: {  	[tilespmem:s16+$0x5410] =	vst v3;
	v2 =	vmul.f32 v2, v5;
	v3 =	vld [tilespmem:s16+$0x450]  }
0x16a: {  	v5 =	vld [tilespmem:s16+$0x2C50]  }
0x16b: {  	[tilespmem:s16+$0x5420] =	vst v2;
	v2 =	vld [tilespmem:s16+$0x460];
	_ =	sdelay $0x1  }
0x16c: {  	v1 =	vmul.f32 v1, v7  }
0x16d: {  	v4 =	vmul.f32 v6, v4  }
0x16e: {  	[tilespmem:s16+$0x5430] =	vst v1;
	v1 =	vmul.f32 v5, v3  }
0x16f: {  	p0 =	seq.s32 s2, $0xE;
	[tilespmem:s16+$0x5440] =	vst v4;
	v2 =	vmul.f32 v8, v2  }
0x170: {  	s15 =	sadd.s32 @!p0 $0x200, s7;
	[tilespmem:s16+$0x5450] =	vst v1  }
0x171: {  	s21 =	simm.s32 $0x280;
	[tilespmem:s16+$0x5460] =	vst v2;
	s16 =	sand.u32 @!p0 $0x3C00, s15  }
0x172: {  	[spmem:s4] =	stream.indirect.scatter.add.f32 [tilespmem:s8], [sflag:$0x9], $0x80, s21, s14, $0xb8;
	[tilespmem:$0x1A800] =	vst v63  }
0x173: {  	s15 =	sand.u32 @!p0 $0x200, s15;
	s16 =	sadd.s32 @!p0 s17, s16  }
0x174: {  	s15 =	sor.u32 @!p0 s15, s16  }
0x175: {  	s20 =	simm.s32 @!p0 $0x40000;
	s15 =	sshrl.u32 @!p0 s15, $0x3  }
0x176: {  	s21 =	simm.s32 @!p0 $0x0;
	s16 =	simm.s32 @!p0 $0x80;
	s15 =	sadd.s32 @!p0 s3, s15  }
0x177: {  	[tilespmem:s21], [sflag:$0x5] =	stream.strided.gather @!p0 [hbm4b:s15+s16], $0x100, s20, s16, $0x38;
	[tilespmem:$0x1A800] =	vst v63  }
0x178: {  	s15 =	simm.s32 @!p0 $0x5  }
0x179: {  	s5 =	sadd.s32 @!p0 s5, s23;
	_ =	swait.ge @!p0 [sflag:s15], $0x100  }
0x17a: {  	s5 =	sshrl.u32 @!p0 s5, $0x3;
	[sflag:s15] =	ssyncset.done @!p0 $0x0  }
0x17b: {  	s16 =	simm.s32 @!p0 $0x400;
	[sflag:s15] =	ssyncadd.s32 @!p0 $0xFFFFFF00;
	s15 =	simm.s32 @!p0 $0x28  }
0x17c: {  	[tilespmem:s16], [sflag:$0x1] =	stream.indirect.gather @!p0 [hbm4b:s0+s15], $0x80, s21, s15, $0xb8;
	[tilespmem:$0x1A800] =	vst v63  }
0x17d: {  	s5 =	sadd.s32 @!p0 s6, s5;
	s15 =	simm.s32 @!p0 $0x2C00  }
0x17e: {  	[tilespmem:s15], [sflag:$0x3] =	stream.linear.gather @!p0 [hbm4b:s5+s21], $0x1400, $0x38;
	[tilespmem:$0x1A800] =	vst v63  }
0x17f: {  	_ =	swait.ge [sflag:s31], $0x1400  }
0x180: {  	[sflag:s31] =	ssyncset.done $0x0  }
0x181: {  	[sflag:s31] =	ssyncadd.s32 $0xFFFFEC00  }
0x182: {  	_ =	swait.ge [sflag:s1], $0x1400  }
0x183: {  	[sflag:s1] =	ssyncset.done $0x0  }
0x184: {  	[sflag:s1] =	ssyncadd.s32 $0xFFFFEC00  }
0x185: {  	_ =	swait.ge [sflag:s9], $0x1400  }
0x186: {  	[sflag:s9] =	ssyncset.done $0x0  }
0x187: {  	s5 =	simm.s32 $0x0;
	[sflag:s9] =	ssyncadd.s32 $0xFFFFEC00  }
0x188: {  	v1 =	vld [tilespmem:s5+$0x1870]  }
0x189: {  	v2 =	vld [tilespmem:s5+$0x4070]  }
0x18a: {  	v3 =	vld [tilespmem:s5+$0x1800]  }
0x18b: {  	v4 =	vld [tilespmem:s5+$0x4000]  }
0x18c: {  	v5 =	vld [tilespmem:s5+$0x1810]  }
0x18d: {  	v6 =	vld [tilespmem:s5+$0x4010]  }
0x18e: {  	v7 =	vld [tilespmem:s5+$0x1820]  }
0x18f: {  	v8 =	vld [tilespmem:s5+$0x1830]  }
0x190: {  	v1 =	vmul.f32 v2, v1;
	v2 =	vld [tilespmem:s5+$0x4020]  }
0x191: {  	v9 =	vld [tilespmem:s5+$0x4030]  }
0x192: {  	v10 =	vld [tilespmem:s5+$0x4040];
	v3 =	vmul.f32 v4, v3  }
0x193: {  	[tilespmem:s5+$0x5470] =	vst v1;
	v1 =	vmul.f32 v6, v5;
	v6 =	vld [tilespmem:s5+$0x1840]  }
0x194: {  	v4 =	vld [tilespmem:s5+$0x4050];
	[tilespmem:s5+$0x5400] =	vst v3  }
0x195: {  	v3 =	vld [tilespmem:s5+$0x1850];
	[tilespmem:s5+$0x5410] =	vst v1;
	v1 =	vmul.f32 v2, v7  }
0x196: {  	v5 =	vld [tilespmem:s5+$0x4060];
	v7 =	vmul.f32 v9, v8  }
0x197: {  	s15 =	simm.s32 $0x80;
	[tilespmem:s5+$0x5420] =	vst v1;
	v1 =	vld [tilespmem:s5+$0x1860]  }
0x198: {  	s16 =	simm.s32 $0x400;
	v6 =	vmul.f32 v10, v6;
	v2 =	vld [tilespmem:s15+$0x1870];
	[tilespmem:s5+$0x5430] =	vst v7  }
.LBB2_11:
0x199: {  	p1 =	sne.s32 s16, $0x4E00;
	v7 =	vld [tilespmem:s15+$0x4070]  }
0x19a: {  	v8 =	vld [tilespmem:s15+$0x1800];
	[tilespmem:s5+$0x5440] =	vst v6;
	v3 =	vmul.f32 v4, v3  }
0x19b: {  	v4 =	vld [tilespmem:s15+$0x4000]  }
0x19c: {  	v6 =	vld [tilespmem:s15+$0x1810];
	[tilespmem:s5+$0x5450] =	vst v3;
	v1 =	vmul.f32 v5, v1  }
0x19d: {  	v3 =	vld [tilespmem:s15+$0x4010]  }
0x19e: {  	v5 =	vld [tilespmem:s15+$0x1820];
	v2 =	vmul.f32 v7, v2;
	[tilespmem:s5+$0x5460] =	vst v1;
	s5 =	smov.u32 s15  }
0x19f: {  	v1 =	vld [tilespmem:s5+$0x4020]  }
0x1a0: {  	v4 =	vmul.f32 v4, v8;
	v7 =	vld [tilespmem:s5+$0x1830];
	[tilespmem:s5+$0x5470] =	vst v2  }
0x1a1: {  	v2 =	vld [tilespmem:s5+$0x4030]  }
0x1a2: {  	[tilespmem:s5+$0x5400] =	vst v4;
	v3 =	vmul.f32 v3, v6;
	v6 =	vld [tilespmem:s5+$0x1840]  }
0x1a3: {  	v8 =	vld [tilespmem:s5+$0x4040]  }
.Ltmp6:
0x1a4: {  	[tilespmem:s5+$0x5410] =	vst v3;
	v1 =	vmul.f32 v1, v5;
	v3 =	vld [tilespmem:s5+$0x1850];
	(pc) =	sbr.rel @p1 .LBB2_11-.Ltmp6, $4  }
0x1a5: {  	v4 =	vld [tilespmem:s5+$0x4050]  }
0x1a6: {  	[tilespmem:s5+$0x5420] =	vst v1;
	v7 =	vmul.f32 v2, v7;
	v1 =	vld [tilespmem:s5+$0x1860]  }
0x1a7: {  	s15 =	sshra.s32 s16, $0x2;
	v5 =	vld [tilespmem:s5+$0x4060]  }
0x1a8: {  	s16 =	sadd.s32 $0x200, s16;
	v2 =	vld [tilespmem:s15+$0x1870];
	[tilespmem:s5+$0x5430] =	vst v7;
	v6 =	vmul.f32 v8, v6  }
0x1a9: {  	v7 =	vld [tilespmem:s15+$0x4070]  }
0x1aa: {  	v8 =	vld [tilespmem:s15+$0x1800];
	[tilespmem:s5+$0x5440] =	vst v6;
	v3 =	vmul.f32 v4, v3  }
0x1ab: {  	v57 =	vld [tilespmem:s15+$0x4000]  }
0x1ac: {  	v6 =	vld [tilespmem:s15+$0x1810];
	[tilespmem:s5+$0x5450] =	vst v3;
	v1 =	vmul.f32 v5, v1  }
0x1ad: {  	v3 =	vld [tilespmem:s15+$0x4010]  }
0x1ae: {  	v58 =	vld [tilespmem:s15+$0x1820];
	[tilespmem:s5+$0x5460] =	vst v1  }
0x1af: {  	v1 =	vmul.f32 v7, v2;
	v2 =	vld [tilespmem:s15+$0x4020]  }
0x1b0: {  	v59 =	vld [tilespmem:s15+$0x1830]  }
0x1b1: {  	v60 =	vld [tilespmem:s15+$0x1840]  }
0x1b2: {  	v61 =	vld [tilespmem:s15+$0x4040]  }
0x1b3: {  	v62 =	vld [tilespmem:s15+$0x4050]  }
0x1b4: {  	[tilespmem:s15+$0x5470] =	vst v1;
	v1 =	vld [tilespmem:s15+$0x4030];
	v3 =	vmul.f32 v3, v6  }
0x1b5: {  	v63 =	vld [tilespmem:s15+$0x4060];
	v2 =	vmul.f32 v2, v58  }
0x1b6: {  	[tilespmem:s15+$0x5410] =	vst v3;
	v3 =	vld [tilespmem:s15+$0x1850]  }
0x1b7: {  	[tilespmem:s15+$0x5420] =	vst v2;
	v2 =	vld [tilespmem:s15+$0x1860]  }
0x1b8: {  	v4 =	vmul.f32 v57, v8  }
0x1b9: {  	v1 =	vmul.f32 v1, v59  }
0x1ba: {  	[tilespmem:s15+$0x5400] =	vst v4;
	v4 =	vmul.f32 v61, v60  }
.Ltmp7:
0x1bb: {  	[tilespmem:s15+$0x5430] =	vst v1;
	v1 =	vmul.f32 v62, v3;
	(pc) =	sbr.rel @p0 .LBB2_14-.Ltmp7, $4  }
0x1bc: {  	[tilespmem:s15+$0x5440] =	vst v4;
	v2 =	vmul.f32 v63, v2  }
0x1bd: {  	[tilespmem:s15+$0x5450] =	vst v1  }
0x1be: {  	s21 =	simm.s32 $0x380;
	[tilespmem:s15+$0x5460] =	vst v2  }
0x1bf: {  	[spmem:s4] =	stream.indirect.scatter.add.f32 [tilespmem:s8], [sflag:$0x9], $0x80, s21, s14, $0xb8;
	[tilespmem:$0x1A800] =	vst v63  }
0x1c0: {  	s5 =	sadd.s32 $0x280, s7  }
0x1c1: {  	s7 =	sand.u32 $0x3C00, s5  }
.Ltmp8:
0x1c2: {  	s5 =	sand.u32 $0x280, s5;
	s7 =	sadd.s32 s17, s7;
	(pc) =	sbr.rel .LBB2_4-.Ltmp8, $4  }
0x1c3: {  	s5 =	sor.u32 s5, s7  }
0x1c4: {  	s5 =	sshrl.u32 s5, $0x3  }
0x1c5: {  	s2 =	sadd.s32 $0x1, s2;
	s5 =	sadd.s32 s3, s5  }
0x1c6: {  	[tilespmem:s12], [sflag:$0x6] =	stream.strided.gather [hbm4b:s5+s10], $0x100, s11, s10, $0x38;
	[tilespmem:$0x1A800] =	vst v63  }
.LBB2_15:
0x1c7: {  	_ =	sfence.sel $0x180000  }
0x1c8: {  	[bflag:$0x0] =	sbarrier.arrive $0xFFFF  }
0x1c9: {  	_ =	strace $0x90000047  }
0x1ca: {  	s0 =	stileid.u32;
	[bflag:$0x2] =	sbarrier.arrive $0xFFFF  }
0x1cb: {  	p0 =	sne.s32 s0, $0x0;
	s0 =	rddreg [dreg:$0x4]  }
0x1cc: {  	s0 =	sadd.s32 @!p0 $0x100000, s0  }
0x1cd: {  	[sflag:s0] =	ssyncadd.tile.s32 @!p0 $0x1;
	_ =	shalt  }
.Lfunc_end2:
_tile_overlayer_lowered:
.L_overlay_start_2:
0x1ce: {  	(tag) =	ssettag $0x2  }
0x1cf: {  	s0 =	rddreg [dreg:$0x0];
	s2 =	stileid.u32  }
0x1d0: {  	s1 =	rddreg [dreg:$0x1];
	p0 =	sne.s32 s2, $0x0  }
0x1d1: {  	s3 =	rddreg [dreg:$0x2];
	[bflag:$0x3] =	sbarrier.arrive $0xFFFF;
	s2 =	simm.s32 @!p0 $0x1C0A  }
0x1d2: {  	[timem:s3], [sflag:s2] =	dma.local @!p0 [hbm:s0], s1  }
0x1d3: {  	s0 =	simm.s32 @!p0 $0xA  }
0x1d4: {  	_ =	swait.ge @!p0 [sflag:s0], s1  }
0x1d5: {  	s1 =	ssub.s32 @!p0 $0x0, s1;
	[sflag:s0] =	ssyncset.done @!p0 $0x0  }
0x1d6: {  	[sflag:s0] =	ssyncadd.s32 @!p0 s1  }
0x1d7: {  	[bflag:$0x3] =	sbarrier.arrive $0xFFFF  }
0x1d8: {  	_ =	shalt  }

</sc_bundles>
